<compile_context>
chip_gen: v7x
topology: tpu7x:2x2x1
jax: 0.10.2.dev20260603
libtpu: 0.0.44.dev20260713+nightly
codegen_flags: <defaults>
</compile_context>

<pallas_src>
import functools

import jax
import jax.numpy as jnp
from jax import lax
from jax.experimental import pallas as pl
from jax.experimental.pallas import tpu as pltpu
from jax.experimental.pallas import tpu_sc as plsc

N = 100000
E = 3200000
H = 10
NRBF = 30
NMOL = 5000
NLAB = 11
CUTOFF = 5.0
MAXZ = 100
NINT = 3

HP = 16
NC, NS, L = 2, 16, 16
NW = NC * NS
NODE_PAD = 100352
NB = NODE_PAD // 2048
SPT = NODE_PAD // NS
E_PAD = 3276800
EPW = E_PAD // NW
EB = 1024
NBLK = EPW // EB
NG = EB // L
K = 2048
TROWS = 2056
SCALE = K / CUTOFF
MOL_PAD = 6144
MPT = MOL_PAD // NS

_mesh = plsc.VectorSubcoreMesh(core_axis_name="c", subcore_axis_name="s",
                               num_cores=NC, num_subcores=NS)
_sc_params = pltpu.CompilerParams(needs_layout_passes=False)


def _sp(x):
    return jax.nn.softplus(x) - jnp.log(2.0)


def _tables_body(w1_ref, b1_ref, w2_ref, b2_ref, out_ref):
    dgrid = lax.broadcasted_iota(jnp.int32, (TROWS, 1), 0).astype(jnp.float32) * (
        CUTOFF / K)
    offs = lax.broadcasted_iota(jnp.int32, (1, NRBF), 1).astype(jnp.float32) * (
        CUTOFF / (NRBF - 1))
    width = CUTOFF / (NRBF - 1)
    coeff = -0.5 / (width * width)
    fg = jnp.exp(coeff * (dgrid - offs) ** 2)
    rc = 0.5 * (jnp.cos(dgrid * (jnp.pi / CUTOFF)) + 1.0)
    rc = rc * (dgrid < CUTOFF).astype(jnp.float32)
    for t in range(NINT):
        pre = jnp.dot(fg, w1_ref[t], preferred_element_type=jnp.float32) + b1_ref[t]
        wf = jnp.dot(_sp(pre), w2_ref[t], preferred_element_type=jnp.float32) + b2_ref[t]
        out_ref[t] = wf * rc


def _build_tables(w1, b1, w2p, b2p):
    return pl.pallas_call(
        _tables_body,
        out_shape=jax.ShapeDtypeStruct((NINT, TROWS, HP), jnp.float32),
    )(w1, b1, w2p, b2p)


def _pack_pairs(xf, xf_ref):
    u16 = lax.bitcast_convert_type(
        xf.astype(jnp.bfloat16), jnp.uint16).astype(jnp.uint32)
    for p in range(H // 2):
        pk = u16[:, 2 * p] | (u16[:, 2 * p + 1] << 16)
        xf_ref[p, 0, 0] = lax.bitcast_convert_type(pk, jnp.float32)


def _x0_body(z_ref, emb_ref, w_ref, x_ref, xf_ref):
    zv = z_ref[0, 0]
    oh = (zv[:, None] == lax.broadcasted_iota(jnp.int32, (2048, 128), 1))
    x0 = jnp.dot(oh.astype(jnp.float32), emb_ref[...],
                 preferred_element_type=jnp.float32)
    xf = jnp.dot(x0, w_ref[...], preferred_element_type=jnp.float32)
    x_ref[...] = x0
    _pack_pairs(xf, xf_ref)


def _x0_xf0(z3d, embp, in2f0):
    return pl.pallas_call(
        _x0_body,
        grid=(NB,),
        in_specs=[
            pl.BlockSpec((1, 1, 2048), lambda i: (i, 0, 0)),
            pl.BlockSpec((128, HP), lambda i: (0, 0)),
            pl.BlockSpec((HP, HP), lambda i: (0, 0)),
        ],
        out_specs=[
            pl.BlockSpec((2048, HP), lambda i: (i, 0)),
            pl.BlockSpec((H // 2, 1, 1, 2048), lambda i: (0, i, 0, 0)),
        ],
        out_shape=[
            jax.ShapeDtypeStruct((NODE_PAD, HP), jnp.float32),
            jax.ShapeDtypeStruct((H // 2, NB, 1, 2048), jnp.float32),
        ],
    )(z3d, embp, in2f0)


def _prep_body(px_hbm, py_hbm, pz_hbm, ii_hbm, ij_hbm, u_hbm,
               ii_vs, ij_vs, pbufs, u_vs, sems):
    cid = lax.axis_index("c")
    sid = lax.axis_index("s")
    w = sid * NC + cid
    iota = lax.iota(jnp.int32, L)
    kf32 = jnp.float32(K)

    def fire(blk, b):
        ebase = w * EPW + blk * EB
        pltpu.sync_copy(ii_hbm.at[pl.ds(ebase, EB)], ii_vs[b])
        pltpu.sync_copy(ij_hbm.at[pl.ds(ebase, EB)], ij_vs[b])
        pix, piy, piz, pjx, pjy, pjz = pbufs[b]
        return [
            pltpu.async_copy(px_hbm.at[ii_vs[b]], pix, sems[b]),
            pltpu.async_copy(py_hbm.at[ii_vs[b]], piy, sems[b]),
            pltpu.async_copy(pz_hbm.at[ii_vs[b]], piz, sems[b]),
            pltpu.async_copy(px_hbm.at[ij_vs[b]], pjx, sems[b]),
            pltpu.async_copy(py_hbm.at[ij_vs[b]], pjy, sems[b]),
            pltpu.async_copy(pz_hbm.at[ij_vs[b]], pjz, sems[b]),
        ]

    def compute(blk, b):
        pix, piy, piz, pjx, pjy, pjz = pbufs[b]
        u_v = u_vs[b]

        def group(g, _):
            sl = pl.ds(g * L, L)
            dx = pjx[sl] - pix[sl]
            dy = pjy[sl] - piy[sl]
            dz = pjz[sl] - piz[sl]
            s = dx * dx + dy * dy + dz * dz + 1e-12
            bi = plsc.bitcast(s, jnp.int32)
            y = plsc.bitcast((bi >> 1) + 0x1FBD1DF5, jnp.float32)
            y = 0.5 * (y + s / y)
            y = 0.5 * (y + s / y)
            y = 0.5 * (y + s / y)
            u = jnp.minimum(y * SCALE, kf32)
            gid = w * EPW + blk * EB + g * L + iota
            u = jnp.where(gid < E, u, kf32)
            u_v[sl] = u
            return _

        lax.fori_loop(0, NG, group, None)
        pltpu.sync_copy(u_v, u_hbm.at[pl.ds(w * EPW + blk * EB, EB)])

    descs = {0: fire(0, 0)}

    def super_block(sb, _):
        for b in range(2):
            blk = sb * 2 + b
            for d in descs[b]:
                d.wait()
            if b == 0:
                descs[1] = fire(blk + 1, 1)
            else:
                descs[0] = fire(jnp.minimum(blk + 1, NBLK - 1), 0)
            compute(blk, b)
        return _

    lax.fori_loop(0, NBLK // 2, super_block, None)
    for d in descs[0]:
        d.wait()


@functools.partial(
    pl.kernel,
    out_type=jax.ShapeDtypeStruct((E_PAD,), jnp.float32),
    mesh=_mesh,
    scratch_types=(
        [pltpu.VMEM((EB,), jnp.int32)] * 4
        + [pltpu.VMEM((EB,), jnp.float32)] * 14
        + [pltpu.SemaphoreType.DMA] * 2
    ),
    compiler_params=_sc_params,
)
def _prep(px_hbm, py_hbm, pz_hbm, ii_hbm, ij_hbm, u_hbm,
          ii0, ii1, ij0, ij1,
          p0, p1, p2, p3, p4, p5, q0, q1, q2, q3, q4, q5, u0, u1,
          sem0, sem1):
    _prep_body(px_hbm, py_hbm, pz_hbm, ii_hbm, ij_hbm, u_hbm,
               [ii0, ii1], [ij0, ij1],
               [[p0, p1, p2, p3, p4, p5], [q0, q1, q2, q3, q4, q5]],
               [u0, u1], [sem0, sem1])


def _edge_body(u_hbm, ij_hbm, ii_hbm, xf_hbms, t_hbm, z_hbm, agg_hbm,
               t_v, ij_v, ii_v, u_v, ti_v, fr_v, xfj_v, msg_v, agg_shs,
               semg, sems):
    cid = lax.axis_index("c")
    sid = lax.axis_index("s")
    w = sid * NC + cid

    pltpu.sync_copy(t_hbm, t_v)
    for f in range(H):
        pltpu.sync_copy(z_hbm, agg_shs[f].at[pl.ds(sid * SPT, SPT)])
    plsc.subcore_barrier()

    def block(blk, _):
        ebase = w * EPW + blk * EB
        pltpu.sync_copy(ij_hbm.at[pl.ds(ebase, EB)], ij_v)
        pltpu.sync_copy(ii_hbm.at[pl.ds(ebase, EB)], ii_v)
        pltpu.sync_copy(u_hbm.at[pl.ds(ebase, EB)], u_v)

        def pre(g, _):
            sl = pl.ds(g * L, L)
            uv = u_v[sl]
            ki = jnp.minimum(uv.astype(jnp.int32), K - 1)
            fr_v[sl] = uv - ki.astype(jnp.float32)
            ti_v[sl] = ki * HP
            return _

        lax.fori_loop(0, NG, pre, None)

        gat = [None, None]
        sca = [None, None, None, None]
        gat[0] = pltpu.async_copy(xf_hbms[0].at[ij_v], xfj_v[0], semg[0])
        for p in range(H // 2):
            b = p % 2
            gat[b].wait()
            if p + 1 < H // 2:
                gat[1 - b] = pltpu.async_copy(
                    xf_hbms[p + 1].at[ij_v], xfj_v[1 - b], semg[1 - b])
            m0, m1 = 2 * (p % 2), 2 * (p % 2) + 1
            for mb in (m0, m1):
                if sca[mb] is not None:
                    sca[mb].wait()

            def group(g, _):
                sl = pl.ds(g * L, L)
                tb = ti_v[sl] + 2 * p
                fr = fr_v[sl]
                xi = plsc.bitcast(xfj_v[b][sl], jnp.int32)
                xe = plsc.bitcast(xi << 16, jnp.float32)
                xo = plsc.bitcast(xi & jnp.int32(-65536), jnp.float32)
                a0 = plsc.load_gather(t_v, [tb])
                b0 = plsc.load_gather(t_v, [tb + HP])
                a1 = plsc.load_gather(t_v, [tb + 1])
                b1 = plsc.load_gather(t_v, [tb + HP + 1])
                msg_v[m0][sl] = xe * (a0 + fr * (b0 - a0))
                msg_v[m1][sl] = xo * (a1 + fr * (b1 - a1))
                return _

            lax.fori_loop(0, NG, group, None)
            sca[m0] = pltpu.async_copy(
                msg_v[m0], agg_shs[2 * p].at[ii_v], sems[m0], add=True)
            sca[m1] = pltpu.async_copy(
                msg_v[m1], agg_shs[2 * p + 1].at[ii_v], sems[m1], add=True)
        for d in sca:
            if d is not None:
                d.wait()
        return _

    lax.fori_loop(0, NBLK, block, None)
    plsc.subcore_barrier()
    for f in range(H):
        pltpu.sync_copy(
            agg_shs[f].at[pl.ds(sid * SPT, SPT)],
            agg_hbm.at[pl.ds((cid * H + f) * NODE_PAD + sid * SPT, SPT)])


@functools.partial(
    pl.kernel,
    out_type=jax.ShapeDtypeStruct((NC * H * NODE_PAD,), jnp.float32),
    mesh=_mesh,
    scratch_types=[
        pltpu.VMEM((TROWS * HP,), jnp.float32),
        pltpu.VMEM((EB,), jnp.int32),
        pltpu.VMEM((EB,), jnp.int32),
        pltpu.VMEM((EB,), jnp.float32),
        pltpu.VMEM((EB,), jnp.int32),
        pltpu.VMEM((EB,), jnp.float32),
        pltpu.VMEM((EB,), jnp.float32),
        pltpu.VMEM((EB,), jnp.float32),
        pltpu.VMEM((EB,), jnp.float32),
        pltpu.VMEM((EB,), jnp.float32),
        pltpu.VMEM((EB,), jnp.float32),
        pltpu.VMEM((EB,), jnp.float32),
    ] + [pltpu.VMEM_SHARED((NODE_PAD,), jnp.float32)] * H + [
        pltpu.SemaphoreType.DMA,
        pltpu.SemaphoreType.DMA,
        pltpu.SemaphoreType.DMA,
        pltpu.SemaphoreType.DMA,
        pltpu.SemaphoreType.DMA,
        pltpu.SemaphoreType.DMA,
    ],
    compiler_params=_sc_params,
)
def _edge_pass(u_hbm, ij_hbm, ii_hbm, xf0, xf1, xf2, xf3, xf4,
               t_hbm, z_hbm, agg_hbm,
               t_v, ij_v, ii_v, u_v, ti_v, fr_v, xfj0, xfj1,
               msg0, msg1, msg2, msg3,
               a0, a1, a2, a3, a4, a5, a6, a7, a8, a9,
               semg0, semg1, sems0, sems1, sems2, sems3):
    _edge_body(u_hbm, ij_hbm, ii_hbm,
               [xf0, xf1, xf2, xf3, xf4],
               t_hbm, z_hbm, agg_hbm,
               t_v, ij_v, ii_v, u_v, ti_v, fr_v, [xfj0, xfj1],
               [msg0, msg1, msg2, msg3],
               [a0, a1, a2, a3, a4, a5, a6, a7, a8, a9],
               [semg0, semg1], [sems0, sems1, sems2, sems3])


def _node_body(nxt_w_ref, w1_ref, b1_ref, w2_ref, b2_ref, agg_ref, x_ref,
               xn_ref, xf_ref):
    cols = [agg_ref[f, 0, 0] + agg_ref[H + f, 0, 0] for f in range(H)]
    agg10 = jnp.stack(cols, axis=1)
    agg = jnp.concatenate(
        [agg10, jnp.zeros((2048, HP - H), jnp.float32)], axis=1)
    pre = jnp.dot(agg, w1_ref[...], preferred_element_type=jnp.float32) + b1_ref[...]
    v = jnp.dot(_sp(pre), w2_ref[...], preferred_element_type=jnp.float32) + b2_ref[...]
    xn = x_ref[...] + v
    xn_ref[...] = xn
    xf = jnp.dot(xn, nxt_w_ref[...], preferred_element_type=jnp.float32)
    _pack_pairs(xf, xf_ref)


def _node_pass(agg4, x, w1p, b1p, w2p, b2p, nxt_w):
    wspec = pl.BlockSpec((HP, HP), lambda i: (0, 0))
    bspec = pl.BlockSpec((HP,), lambda i: (0,))
    nspec = pl.BlockSpec((2048, HP), lambda i: (i, 0))
    return pl.pallas_call(
        _node_body,
        grid=(NB,),
        in_specs=[wspec, wspec, bspec, wspec, bspec,
                  pl.BlockSpec((2 * H, 1, 1, 2048), lambda i: (0, i, 0, 0)),
                  nspec],
        out_specs=[nspec,
                   pl.BlockSpec((H // 2, 1, 1, 2048), lambda i: (0, i, 0, 0))],
        out_shape=[jax.ShapeDtypeStruct((NODE_PAD, HP), jnp.float32),
                   jax.ShapeDtypeStruct((H // 2, NB, 1, 2048), jnp.float32)],
    )(nxt_w, w1p, b1p, w2p, b2p, agg4, x)


def _final_body(x_ref, xp_ref):
    i = pl.program_id(0)
    xn = x_ref[...]
    rowid = i * 2048 + lax.broadcasted_iota(jnp.int32, (2048, HP), 0)
    xn = jnp.where(rowid < N, xn, 0.0)
    for f in range(H):
        xp_ref[f, 0, 0] = xn[:, f]


def _final_planes(x):
    return pl.pallas_call(
        _final_body,
        grid=(NB,),
        in_specs=[pl.BlockSpec((2048, HP), lambda i: (i, 0))],
        out_specs=pl.BlockSpec((H, 1, 1, 2048), lambda i: (0, i, 0, 0)),
        out_shape=jax.ShapeDtypeStruct((H, NB, 1, 2048), jnp.float32),
    )(x)


def _readout_body(xp_hbm, b_hbm, z_hbm, one_hbm, mol_hbm,
                  b_v, x_v, one_v, mol_shs, sem):
    cid = lax.axis_index("c")
    sid = lax.axis_index("s")
    w = sid * NC + cid
    nsb = NODE_PAD // EB
    cnt = (nsb - 1 - w) // NW + 1
    for f in range(H + 1):
        pltpu.sync_copy(z_hbm, mol_shs[f].at[pl.ds(sid * MPT, MPT)])
    pltpu.sync_copy(one_hbm, one_v)
    plsc.subcore_barrier()

    def block(q, _):
        sb = w + q * NW
        pltpu.sync_copy(b_hbm.at[pl.ds(sb * EB, EB)], b_v)
        for f in range(H):
            pltpu.sync_copy(xp_hbm.at[pl.ds(f * NODE_PAD + sb * EB, EB)], x_v)
            pltpu.sync_copy(x_v, mol_shs[f].at[b_v], add=True)
        pltpu.sync_copy(one_v, mol_shs[H].at[b_v], add=True)
        return _

    lax.fori_loop(0, cnt, block, None)
    plsc.subcore_barrier()
    for f in range(H + 1):
        pltpu.sync_copy(
            mol_shs[f].at[pl.ds(sid * MPT, MPT)],
            mol_hbm.at[pl.ds((cid * (H + 1) + f) * MOL_PAD + sid * MPT, MPT)])


@functools.partial(
    pl.kernel,
    out_type=jax.ShapeDtypeStruct((NC * (H + 1) * MOL_PAD,), jnp.float32),
    mesh=_mesh,
    scratch_types=[
        pltpu.VMEM((EB,), jnp.int32),
        pltpu.VMEM((EB,), jnp.float32),
        pltpu.VMEM((EB,), jnp.float32),
    ] + [pltpu.VMEM_SHARED((MOL_PAD,), jnp.float32)] * (H + 1) + [
        pltpu.SemaphoreType.DMA,
    ],
    compiler_params=_sc_params,
)
def _readout(xp_hbm, b_hbm, z_hbm, one_hbm, mol_hbm, b_v, x_v, one_v,
             m0, m1, m2, m3, m4, m5, m6, m7, m8, m9, m10, sem):
    _readout_body(xp_hbm, b_hbm, z_hbm, one_hbm, mol_hbm, b_v, x_v, one_v,
                  [m0, m1, m2, m3, m4, m5, m6, m7, m8, m9, m10], sem)


def _head_body(molp_ref, w_ref, b_ref, out_ref):
    cols = [molp_ref[f] + molp_ref[H + 1 + f] for f in range(H + 1)]
    counts = jnp.maximum(cols[H], 1.0)[:, None]
    h10 = jnp.stack(cols[:H], axis=1) / counts
    out_ref[...] = jnp.dot(h10, w_ref[...],
                           preferred_element_type=jnp.float32) + b_ref[...]


def _head(molp, clf_w, clf_b):
    return pl.pallas_call(
        _head_body,
        out_shape=jax.ShapeDtypeStruct((MOL_PAD, NLAB), jnp.float32),
    )(molp, clf_w, clf_b)


def kernel(z, pos, batch, idx_i, idx_j, embedding, in2f_W, filt_W1, filt_b1,
           filt_W2, filt_b2, f2out_W1, f2out_b1, f2out_W2, f2out_b2, clf_W, clf_b):
    f32 = jnp.float32
    z3d = jnp.pad(z.astype(jnp.int32), (0, NODE_PAD - N)).reshape(-1, 1, 2048)
    posf = pos.astype(f32)
    px = jnp.pad(posf[:, 0], (0, NODE_PAD - N))
    py = jnp.pad(posf[:, 1], (0, NODE_PAD - N))
    pz = jnp.pad(posf[:, 2], (0, NODE_PAD - N))
    ii1 = jnp.pad(idx_i.astype(jnp.int32), (0, E_PAD - E))
    ij1 = jnp.pad(idx_j.astype(jnp.int32), (0, E_PAD - E))
    b1 = jnp.pad(batch.astype(jnp.int32), (0, NODE_PAD - N),
                 constant_values=NMOL)
    embp = jnp.pad(embedding.astype(f32), ((0, 128 - MAXZ), (0, HP - H)))
    in2fp = jnp.pad(in2f_W.astype(f32), ((0, 0), (0, HP - H), (0, HP - H)))
    fw2p = jnp.pad(filt_W2.astype(f32), ((0, 0), (0, 0), (0, HP - H)))
    fb2p = jnp.pad(filt_b2.astype(f32), ((0, 0), (0, HP - H)))
    ow1p = jnp.pad(f2out_W1.astype(f32), ((0, 0), (0, HP - H), (0, HP - H)))
    ob1p = jnp.pad(f2out_b1.astype(f32), ((0, 0), (0, HP - H)))
    ow2p = jnp.pad(f2out_W2.astype(f32), ((0, 0), (0, HP - H), (0, HP - H)))
    ob2p = jnp.pad(f2out_b2.astype(f32), ((0, 0), (0, HP - H)))
    zplane = jnp.zeros((SPT,), f32)
    zmol = jnp.zeros((MPT,), f32)
    ones = jnp.ones((EB,), f32)

    tables = _build_tables(filt_W1.astype(f32), filt_b1.astype(f32), fw2p, fb2p)
    tables2 = tables.reshape(NINT, TROWS * HP)
    x, xf4 = _x0_xf0(z3d, embp, in2fp[0])
    u = _prep(px, py, pz, ii1, ij1)
    nxt = jnp.roll(in2fp, -1, axis=0)

    niter = (jnp.float32(NINT) + jnp.min(posf) * 0.0).astype(jnp.int32)

    def step(t, carry):
        xc, xf4c = carry
        xfp = xf4c.reshape(H // 2, NODE_PAD)
        agg = _edge_pass(u, ij1, ii1, *[xfp[p] for p in range(H // 2)],
                         tables2[t], zplane)
        agg4 = agg.reshape(2 * H, NB, 1, 2048)
        xc, xf4c = _node_pass(agg4, xc, ow1p[t], ob1p[t], ow2p[t], ob2p[t],
                              nxt[t])
        return (xc, xf4c)

    x, _ = lax.fori_loop(0, niter, step, (x, xf4))
    xp = _final_planes(x).reshape(H * NODE_PAD)

    molp = _readout(xp, b1, zmol, ones)
    logits = _head(molp.reshape(NC * (H + 1), MOL_PAD), clf_W.astype(f32),
                   clf_b.astype(f32))
    return logits[:NMOL]

# --- scband reference (transcript-rebuilt; emitter-appended) ---
"""Pipeline reference for scband-sch-net-classify-22196390986145 (READ-ONLY COPY).

The authoritative reference and input builder live on the scoring server;
editing this copy changes nothing except your own understanding.
"""

import jax, jax.numpy as jnp
import numpy as np

N = 100000
E = 3200000
H = 10
NRBF = 30
NMOL = 5000
NLAB = 11
CUTOFF = 5.0
MAXZ = 100
NINT = 3


def shifted_softplus(x):
    return jax.nn.softplus(x) - jnp.log(2.0)


def setup_inputs(seed: int = 0):
    key = jax.random.key(seed)
    ks = jax.random.split(key, 18)
    s = 0.1
    inp = {}
    inp["z"] = jax.random.randint(ks[0], (N,), 0, MAXZ)
    inp["pos"] = jax.random.normal(ks[1], (N, 3), dtype=jnp.float32) * 3.0
    inp["batch"] = jnp.sort(jax.random.randint(ks[2], (N,), 0, NMOL))
    inp["idx_i"] = jax.random.randint(ks[3], (E,), 0, N)
    inp["idx_j"] = jax.random.randint(ks[4], (E,), 0, N)
    inp["embedding"] = jax.random.normal(ks[5], (MAXZ, H), dtype=jnp.float32) * s
    inp["in2f_W"] = jax.random.normal(ks[6], (NINT, H, H), dtype=jnp.float32) * s
    inp["filt_W1"] = jax.random.normal(ks[7], (NINT, NRBF, H), dtype=jnp.float32) * s
    inp["filt_b1"] = jnp.zeros((NINT, H), dtype=jnp.float32)
    inp["filt_W2"] = jax.random.normal(ks[8], (NINT, H, H), dtype=jnp.float32) * s
    inp["filt_b2"] = jnp.zeros((NINT, H), dtype=jnp.float32)
    inp["f2out_W1"] = jax.random.normal(ks[9], (NINT, H, H), dtype=jnp.float32) * s
    inp["f2out_b1"] = jnp.zeros((NINT, H), dtype=jnp.float32)
    inp["f2out_W2"] = jax.random.normal(ks[10], (NINT, H, H), dtype=jnp.float32) * s
    inp["f2out_b2"] = jnp.zeros((NINT, H), dtype=jnp.float32)
    inp["clf_W"] = jax.random.normal(ks[11], (H, NLAB), dtype=jnp.float32) * s
    inp["clf_b"] = jnp.zeros((NLAB,), dtype=jnp.float32)
    return inp


def reference(z, pos, batch, idx_i, idx_j, embedding, in2f_W, filt_W1, filt_b1, filt_W2, filt_b2, f2out_W1, f2out_b1, f2out_W2, f2out_b2, clf_W, clf_b):
    # atom embedding (gather)
    x = jnp.take(embedding, z, axis=0)
    # pairwise distances over edge list
    r_ij = pos[idx_j] - pos[idx_i]
    d_ij = jnp.sqrt(jnp.sum(r_ij * r_ij, axis=-1) + 1e-12)
    # GaussianRBF(n_rbf=30, cutoff=5.0)
    offsets = jnp.linspace(0.0, CUTOFF, NRBF)
    width = offsets[1] - offsets[0]
    coeff = -0.5 / (width * width)
    f_ij = jnp.exp(coeff * (d_ij[:, None] - offsets[None, :]) ** 2)
    # CosineCutoff
    rcut = 0.5 * (jnp.cos(d_ij * jnp.pi / CUTOFF) + 1.0) * (d_ij < CUTOFF).astype(jnp.float32)
    # 3 SchNet interaction blocks (cfconv message passing)
    for t in range(NINT):
        xf = x @ in2f_W[t]  # in2f (no bias)
        Wf = shifted_softplus(f_ij @ filt_W1[t] + filt_b1[t]) @ filt_W2[t] + filt_b2[t]
        Wf = Wf * rcut[:, None]
        msg = xf[idx_j] * Wf  # gather + elementwise filter
        agg = jax.ops.segment_sum(msg, idx_i, num_segments=N)  # scatter-add
        v = shifted_softplus(agg @ f2out_W1[t] + f2out_b1[t]) @ f2out_W2[t] + f2out_b2[t]
        x = x + v
    # scatter-mean readout per molecule
    counts = jax.ops.segment_sum(jnp.ones((N,), dtype=jnp.float32), batch, num_segments=NMOL)
    h = jax.ops.segment_sum(x, batch, num_segments=NMOL) / jnp.maximum(counts, 1.0)[:, None]
    # 11 per-label linear classifiers, concatenated
    logits = h @ clf_W + clf_b
    return logits

if __name__ == "__main__":
    import jax
    _d = setup_inputs()
    print(jax.jit(kernel)(*tuple(_d.values())))

</pallas_src>

<mosaic_0001>
#map = affine_map<(d0, d1) -> (0)>
module attributes {stable_mosaic.version = 14 : i64} {
  func.func @_readout(%arg0: i32, %arg1: i32, %arg2: memref<1003520xf32, #tpu.memory_space<hbm>>, %arg3: memref<100352xi32, #tpu.memory_space<hbm>>, %arg4: memref<384xf32, #tpu.memory_space<hbm>>, %arg5: memref<1024xf32, #tpu.memory_space<hbm>>, %arg6: memref<135168xf32, #tpu.memory_space<hbm>>, %arg7: memref<1024xi32, #tpu.memory_space<vmem>>, %arg8: memref<1024xf32, #tpu.memory_space<vmem>>, %arg9: memref<1024xf32, #tpu.memory_space<vmem>>, %arg10: memref<6144xf32, #tpu.memory_space<vmem_shared>>, %arg11: memref<6144xf32, #tpu.memory_space<vmem_shared>>, %arg12: memref<6144xf32, #tpu.memory_space<vmem_shared>>, %arg13: memref<6144xf32, #tpu.memory_space<vmem_shared>>, %arg14: memref<6144xf32, #tpu.memory_space<vmem_shared>>, %arg15: memref<6144xf32, #tpu.memory_space<vmem_shared>>, %arg16: memref<6144xf32, #tpu.memory_space<vmem_shared>>, %arg17: memref<6144xf32, #tpu.memory_space<vmem_shared>>, %arg18: memref<6144xf32, #tpu.memory_space<vmem_shared>>, %arg19: memref<6144xf32, #tpu.memory_space<vmem_shared>>, %arg20: memref<6144xf32, #tpu.memory_space<vmem_shared>>, %arg21: memref<!tpu.dma_semaphore, #tpu.memory_space<semaphore_mem>>) attributes {dimension_semantics = [#tpu.dimension_semantics<core_parallel>, #tpu.dimension_semantics<subcore_parallel>], iteration_bounds = array<i64: 2, 16>, scalar_prefetch = 0 : i64, scratch_operands = 15 : i64, tpu.core_type = #tpu.core_type<sc_vector_subcore>, window_params = [{transform_indices = #map}, {transform_indices = #map}, {transform_indices = #map}, {transform_indices = #map}, {transform_indices = #map}]} {
    %mul3A = arith.constant 2 : i32
    %mul3A_0 = arith.muli %arg1, %mul3A : i32
    %add3A = arith.addi %mul3A_0, %arg0 : i32
    %sub3A = arith.constant 97 : i32
    %sub3A_1 = arith.subi %sub3A, %add3A : i32
    %jit3A = arith.constant 32 : i32
    %div3A = arith.divsi %sub3A_1, %jit3A : i32
    %sign3A = arith.constant 0 : i32
    %sign3A_2 = arith.cmpi sgt, %sub3A_1, %sign3A : i32
    %sign3A_3 = arith.extui %sign3A_2 : i1 to i32
    %sign3A_4 = arith.constant 0 : i32
    %sign3A_5 = arith.cmpi slt, %sub3A_1, %sign3A_4 : i32
    %sign3A_6 = arith.extui %sign3A_5 : i1 to i32
    %sign3A_7 = arith.subi %sign3A_3, %sign3A_6 : i32
    %sign3A_8 = arith.constant 0 : i32
    %sign3A_9 = arith.cmpi sgt, %jit3A, %sign3A_8 : i32
    %sign3A_10 = arith.extui %sign3A_9 : i1 to i32
    %sign3A_11 = arith.constant 0 : i32
    %sign3A_12 = arith.cmpi slt, %jit3A, %sign3A_11 : i32
    %sign3A_13 = arith.extui %sign3A_12 : i1 to i32
    %sign3A_14 = arith.subi %sign3A_10, %sign3A_13 : i32
    %ne3A = arith.cmpi ne, %sign3A_7, %sign3A_14 : i32
    %rem3A = arith.remsi %sub3A_1, %jit3A : i32
    %ne3A_15 = arith.constant 0 : i32
    %ne3A_16 = arith.cmpi ne, %rem3A, %ne3A_15 : i32
    %and3A = arith.andi %ne3A, %ne3A_16 : i1
    %sub3A_17 = arith.constant 1 : i32
    %sub3A_18 = arith.subi %div3A, %sub3A_17 : i32
    %select_n3A = arith.select %and3A, %sub3A_18, %div3A : i32
    %add3A_19 = arith.constant 1 : i32
    %add3A_20 = arith.addi %select_n3A, %add3A_19 : i32
    %mul3A_21 = arith.constant 384 : i32
    %mul3A_22 = arith.muli %arg1, %mul3A_21 : i32
    "tpu.region"() ({
      %run_scoped3A = tpu.sem_alloc : memref<!tpu.dma_semaphore, #tpu.memory_space<semaphore_mem>>
      %dma_start3A = tpu.memref_slice %arg10[%mul3A_22] : memref<6144xf32, #tpu.memory_space<vmem_shared>> -> memref<384xf32, #tpu.memory_space<vmem_shared>>
      tpu.enqueue_dma source(%arg4 : memref<384xf32, #tpu.memory_space<hbm>>) target(%dma_start3A : memref<384xf32, #tpu.memory_space<vmem_shared>>) target_semaphore(%run_scoped3A : memref<!tpu.dma_semaphore, #tpu.memory_space<semaphore_mem>>)
      %dma_wait3A = tpu.memref_slice %arg10[%mul3A_22] : memref<6144xf32, #tpu.memory_space<vmem_shared>> -> memref<384xf32, #tpu.memory_space<vmem_shared>>
      tpu.wait_dma2 semaphore(%run_scoped3A : memref<!tpu.dma_semaphore, #tpu.memory_space<semaphore_mem>>) src(%arg4 : memref<384xf32, #tpu.memory_space<hbm>>) dst(%dma_wait3A : memref<384xf32, #tpu.memory_space<vmem_shared>>)
      tpu.yield
    }) : () -> ()
    %mul3A_23 = arith.constant 384 : i32
    %mul3A_24 = arith.muli %arg1, %mul3A_23 : i32
    "tpu.region"() ({
      %run_scoped3A = tpu.sem_alloc : memref<!tpu.dma_semaphore, #tpu.memory_space<semaphore_mem>>
      %dma_start3A = tpu.memref_slice %arg11[%mul3A_24] : memref<6144xf32, #tpu.memory_space<vmem_shared>> -> memref<384xf32, #tpu.memory_space<vmem_shared>>
      tpu.enqueue_dma source(%arg4 : memref<384xf32, #tpu.memory_space<hbm>>) target(%dma_start3A : memref<384xf32, #tpu.memory_space<vmem_shared>>) target_semaphore(%run_scoped3A : memref<!tpu.dma_semaphore, #tpu.memory_space<semaphore_mem>>)
      %dma_wait3A = tpu.memref_slice %arg11[%mul3A_24] : memref<6144xf32, #tpu.memory_space<vmem_shared>> -> memref<384xf32, #tpu.memory_space<vmem_shared>>
      tpu.wait_dma2 semaphore(%run_scoped3A : memref<!tpu.dma_semaphore, #tpu.memory_space<semaphore_mem>>) src(%arg4 : memref<384xf32, #tpu.memory_space<hbm>>) dst(%dma_wait3A : memref<384xf32, #tpu.memory_space<vmem_shared>>)
      tpu.yield
    }) : () -> ()
    %mul3A_25 = arith.constant 384 : i32
    %mul3A_26 = arith.muli %arg1, %mul3A_25 : i32
    "tpu.region"() ({
      %run_scoped3A = tpu.sem_alloc : memref<!tpu.dma_semaphore, #tpu.memory_space<semaphore_mem>>
      %dma_start3A = tpu.memref_slice %arg12[%mul3A_26] : memref<6144xf32, #tpu.memory_space<vmem_shared>> -> memref<384xf32, #tpu.memory_space<vmem_shared>>
      tpu.enqueue_dma source(%arg4 : memref<384xf32, #tpu.memory_space<hbm>>) target(%dma_start3A : memref<384xf32, #tpu.memory_space<vmem_shared>>) target_semaphore(%run_scoped3A : memref<!tpu.dma_semaphore, #tpu.memory_space<semaphore_mem>>)
      %dma_wait3A = tpu.memref_slice %arg12[%mul3A_26] : memref<6144xf32, #tpu.memory_space<vmem_shared>> -> memref<384xf32, #tpu.memory_space<vmem_shared>>
      tpu.wait_dma2 semaphore(%run_scoped3A : memref<!tpu.dma_semaphore, #tpu.memory_space<semaphore_mem>>) src(%arg4 : memref<384xf32, #tpu.memory_space<hbm>>) dst(%dma_wait3A : memref<384xf32, #tpu.memory_space<vmem_shared>>)
      tpu.yield
    }) : () -> ()
    %mul3A_27 = arith.constant 384 : i32
    %mul3A_28 = arith.muli %arg1, %mul3A_27 : i32
    "tpu.region"() ({
      %run_scoped3A = tpu.sem_alloc : memref<!tpu.dma_semaphore, #tpu.memory_space<semaphore_mem>>
      %dma_start3A = tpu.memref_slice %arg13[%mul3A_28] : memref<6144xf32, #tpu.memory_space<vmem_shared>> -> memref<384xf32, #tpu.memory_space<vmem_shared>>
      tpu.enqueue_dma source(%arg4 : memref<384xf32, #tpu.memory_space<hbm>>) target(%dma_start3A : memref<384xf32, #tpu.memory_space<vmem_shared>>) target_semaphore(%run_scoped3A : memref<!tpu.dma_semaphore, #tpu.memory_space<semaphore_mem>>)
      %dma_wait3A = tpu.memref_slice %arg13[%mul3A_28] : memref<6144xf32, #tpu.memory_space<vmem_shared>> -> memref<384xf32, #tpu.memory_space<vmem_shared>>
      tpu.wait_dma2 semaphore(%run_scoped3A : memref<!tpu.dma_semaphore, #tpu.memory_space<semaphore_mem>>) src(%arg4 : memref<384xf32, #tpu.memory_space<hbm>>) dst(%dma_wait3A : memref<384xf32, #tpu.memory_space<vmem_shared>>)
      tpu.yield
    }) : () -> ()
    %mul3A_29 = arith.constant 384 : i32
    %mul3A_30 = arith.muli %arg1, %mul3A_29 : i32
    "tpu.region"() ({
      %run_scoped3A = tpu.sem_alloc : memref<!tpu.dma_semaphore, #tpu.memory_space<semaphore_mem>>
      %dma_start3A = tpu.memref_slice %arg14[%mul3A_30] : memref<6144xf32, #tpu.memory_space<vmem_shared>> -> memref<384xf32, #tpu.memory_space<vmem_shared>>
      tpu.enqueue_dma source(%arg4 : memref<384xf32, #tpu.memory_space<hbm>>) target(%dma_start3A : memref<384xf32, #tpu.memory_space<vmem_shared>>) target_semaphore(%run_scoped3A : memref<!tpu.dma_semaphore, #tpu.memory_space<semaphore_mem>>)
      %dma_wait3A = tpu.memref_slice %arg14[%mul3A_30] : memref<6144xf32, #tpu.memory_space<vmem_shared>> -> memref<384xf32, #tpu.memory_space<vmem_shared>>
      tpu.wait_dma2 semaphore(%run_scoped3A : memref<!tpu.dma_semaphore, #tpu.memory_space<semaphore_mem>>) src(%arg4 : memref<384xf32, #tpu.memory_space<hbm>>) dst(%dma_wait3A : memref<384xf32, #tpu.memory_space<vmem_shared>>)
      tpu.yield
    }) : () -> ()
    %mul3A_31 = arith.constant 384 : i32
    %mul3A_32 = arith.muli %arg1, %mul3A_31 : i32
    "tpu.region"() ({
      %run_scoped3A = tpu.sem_alloc : memref<!tpu.dma_semaphore, #tpu.memory_space<semaphore_mem>>
      %dma_start3A = tpu.memref_slice %arg15[%mul3A_32] : memref<6144xf32, #tpu.memory_space<vmem_shared>> -> memref<384xf32, #tpu.memory_space<vmem_shared>>
      tpu.enqueue_dma source(%arg4 : memref<384xf32, #tpu.memory_space<hbm>>) target(%dma_start3A : memref<384xf32, #tpu.memory_space<vmem_shared>>) target_semaphore(%run_scoped3A : memref<!tpu.dma_semaphore, #tpu.memory_space<semaphore_mem>>)
      %dma_wait3A = tpu.memref_slice %arg15[%mul3A_32] : memref<6144xf32, #tpu.memory_space<vmem_shared>> -> memref<384xf32, #tpu.memory_space<vmem_shared>>
      tpu.wait_dma2 semaphore(%run_scoped3A : memref<!tpu.dma_semaphore, #tpu.memory_space<semaphore_mem>>) src(%arg4 : memref<384xf32, #tpu.memory_space<hbm>>) dst(%dma_wait3A : memref<384xf32, #tpu.memory_space<vmem_shared>>)
      tpu.yield
    }) : () -> ()
    %mul3A_33 = arith.constant 384 : i32
    %mul3A_34 = arith.muli %arg1, %mul3A_33 : i32
    "tpu.region"() ({
      %run_scoped3A = tpu.sem_alloc : memref<!tpu.dma_semaphore, #tpu.memory_space<semaphore_mem>>
      %dma_start3A = tpu.memref_slice %arg16[%mul3A_34] : memref<6144xf32, #tpu.memory_space<vmem_shared>> -> memref<384xf32, #tpu.memory_space<vmem_shared>>
      tpu.enqueue_dma source(%arg4 : memref<384xf32, #tpu.memory_space<hbm>>) target(%dma_start3A : memref<384xf32, #tpu.memory_space<vmem_shared>>) target_semaphore(%run_scoped3A : memref<!tpu.dma_semaphore, #tpu.memory_space<semaphore_mem>>)
      %dma_wait3A = tpu.memref_slice %arg16[%mul3A_34] : memref<6144xf32, #tpu.memory_space<vmem_shared>> -> memref<384xf32, #tpu.memory_space<vmem_shared>>
      tpu.wait_dma2 semaphore(%run_scoped3A : memref<!tpu.dma_semaphore, #tpu.memory_space<semaphore_mem>>) src(%arg4 : memref<384xf32, #tpu.memory_space<hbm>>) dst(%dma_wait3A : memref<384xf32, #tpu.memory_space<vmem_shared>>)
      tpu.yield
    }) : () -> ()
    %mul3A_35 = arith.constant 384 : i32
    %mul3A_36 = arith.muli %arg1, %mul3A_35 : i32
    "tpu.region"() ({
      %run_scoped3A = tpu.sem_alloc : memref<!tpu.dma_semaphore, #tpu.memory_space<semaphore_mem>>
      %dma_start3A = tpu.memref_slice %arg17[%mul3A_36] : memref<6144xf32, #tpu.memory_space<vmem_shared>> -> memref<384xf32, #tpu.memory_space<vmem_shared>>
      tpu.enqueue_dma source(%arg4 : memref<384xf32, #tpu.memory_space<hbm>>) target(%dma_start3A : memref<384xf32, #tpu.memory_space<vmem_shared>>) target_semaphore(%run_scoped3A : memref<!tpu.dma_semaphore, #tpu.memory_space<semaphore_mem>>)
      %dma_wait3A = tpu.memref_slice %arg17[%mul3A_36] : memref<6144xf32, #tpu.memory_space<vmem_shared>> -> memref<384xf32, #tpu.memory_space<vmem_shared>>
      tpu.wait_dma2 semaphore(%run_scoped3A : memref<!tpu.dma_semaphore, #tpu.memory_space<semaphore_mem>>) src(%arg4 : memref<384xf32, #tpu.memory_space<hbm>>) dst(%dma_wait3A : memref<384xf32, #tpu.memory_space<vmem_shared>>)
      tpu.yield
    }) : () -> ()
    %mul3A_37 = arith.constant 384 : i32
    %mul3A_38 = arith.muli %arg1, %mul3A_37 : i32
    "tpu.region"() ({
      %run_scoped3A = tpu.sem_alloc : memref<!tpu.dma_semaphore, #tpu.memory_space<semaphore_mem>>
      %dma_start3A = tpu.memref_slice %arg18[%mul3A_38] : memref<6144xf32, #tpu.memory_space<vmem_shared>> -> memref<384xf32, #tpu.memory_space<vmem_shared>>
      tpu.enqueue_dma source(%arg4 : memref<384xf32, #tpu.memory_space<hbm>>) target(%dma_start3A : memref<384xf32, #tpu.memory_space<vmem_shared>>) target_semaphore(%run_scoped3A : memref<!tpu.dma_semaphore, #tpu.memory_space<semaphore_mem>>)
      %dma_wait3A = tpu.memref_slice %arg18[%mul3A_38] : memref<6144xf32, #tpu.memory_space<vmem_shared>> -> memref<384xf32, #tpu.memory_space<vmem_shared>>
      tpu.wait_dma2 semaphore(%run_scoped3A : memref<!tpu.dma_semaphore, #tpu.memory_space<semaphore_mem>>) src(%arg4 : memref<384xf32, #tpu.memory_space<hbm>>) dst(%dma_wait3A : memref<384xf32, #tpu.memory_space<vmem_shared>>)
      tpu.yield
    }) : () -> ()
    %mul3A_39 = arith.constant 384 : i32
    %mul3A_40 = arith.muli %arg1, %mul3A_39 : i32
    "tpu.region"() ({
      %run_scoped3A = tpu.sem_alloc : memref<!tpu.dma_semaphore, #tpu.memory_space<semaphore_mem>>
      %dma_start3A = tpu.memref_slice %arg19[%mul3A_40] : memref<6144xf32, #tpu.memory_space<vmem_shared>> -> memref<384xf32, #tpu.memory_space<vmem_shared>>
      tpu.enqueue_dma source(%arg4 : memref<384xf32, #tpu.memory_space<hbm>>) target(%dma_start3A : memref<384xf32, #tpu.memory_space<vmem_shared>>) target_semaphore(%run_scoped3A : memref<!tpu.dma_semaphore, #tpu.memory_space<semaphore_mem>>)
      %dma_wait3A = tpu.memref_slice %arg19[%mul3A_40] : memref<6144xf32, #tpu.memory_space<vmem_shared>> -> memref<384xf32, #tpu.memory_space<vmem_shared>>
      tpu.wait_dma2 semaphore(%run_scoped3A : memref<!tpu.dma_semaphore, #tpu.memory_space<semaphore_mem>>) src(%arg4 : memref<384xf32, #tpu.memory_space<hbm>>) dst(%dma_wait3A : memref<384xf32, #tpu.memory_space<vmem_shared>>)
      tpu.yield
    }) : () -> ()
    %mul3A_41 = arith.constant 384 : i32
    %mul3A_42 = arith.muli %arg1, %mul3A_41 : i32
    "tpu.region"() ({
      %run_scoped3A = tpu.sem_alloc : memref<!tpu.dma_semaphore, #tpu.memory_space<semaphore_mem>>
      %dma_start3A = tpu.memref_slice %arg20[%mul3A_42] : memref<6144xf32, #tpu.memory_space<vmem_shared>> -> memref<384xf32, #tpu.memory_space<vmem_shared>>
      tpu.enqueue_dma source(%arg4 : memref<384xf32, #tpu.memory_space<hbm>>) target(%dma_start3A : memref<384xf32, #tpu.memory_space<vmem_shared>>) target_semaphore(%run_scoped3A : memref<!tpu.dma_semaphore, #tpu.memory_space<semaphore_mem>>)
      %dma_wait3A = tpu.memref_slice %arg20[%mul3A_42] : memref<6144xf32, #tpu.memory_space<vmem_shared>> -> memref<384xf32, #tpu.memory_space<vmem_shared>>
      tpu.wait_dma2 semaphore(%run_scoped3A : memref<!tpu.dma_semaphore, #tpu.memory_space<semaphore_mem>>) src(%arg4 : memref<384xf32, #tpu.memory_space<hbm>>) dst(%dma_wait3A : memref<384xf32, #tpu.memory_space<vmem_shared>>)
      tpu.yield
    }) : () -> ()
    "tpu.region"() ({
      %run_scoped3A = tpu.sem_alloc : memref<!tpu.dma_semaphore, #tpu.memory_space<semaphore_mem>>
      tpu.enqueue_dma source(%arg5 : memref<1024xf32, #tpu.memory_space<hbm>>) target(%arg9 : memref<1024xf32, #tpu.memory_space<vmem>>) target_semaphore(%run_scoped3A : memref<!tpu.dma_semaphore, #tpu.memory_space<semaphore_mem>>)
      tpu.wait_dma2 semaphore(%run_scoped3A : memref<!tpu.dma_semaphore, #tpu.memory_space<semaphore_mem>>) src(%arg5 : memref<1024xf32, #tpu.memory_space<hbm>>) dst(%arg9 : memref<1024xf32, #tpu.memory_space<vmem>>)
      tpu.yield
    }) : () -> ()
    %barrier3A = arith.constant 0 : index
    tpu.barrier barrier_id(%barrier3A)
    %while3A = arith.constant 0 : i32
    %while3A_43 = arith.subi %add3A_20, %while3A : i32
    %while3A_44 = arith.addi %while3A, %while3A_43 : i32
    %while3A_45 = arith.constant 1 : i32
    %while3A_46 = arith.divsi %while3A_43, %while3A_45 : i32
    %while3A_47 = arith.muli %while3A_46, %while3A_45 : i32
    %while3A_48 = arith.addi %while3A, %while3A_47 : i32
    %while3A_49 = arith.constant 1 : i32
    scf.for %while3A_173 = %while3A to %while3A_48 step %while3A_49  : i32 {
      %mul3A_174 = arith.constant 32 : i32
      %mul3A_175 = arith.muli %while3A_173, %mul3A_174 : i32
      %add3A_176 = arith.addi %add3A, %mul3A_175 : i32
      %mul3A_177 = arith.constant 1024 : i32
      %mul3A_178 = arith.muli %add3A_176, %mul3A_177 : i32
      "tpu.region"() ({
        %run_scoped3A = tpu.sem_alloc : memref<!tpu.dma_semaphore, #tpu.memory_space<semaphore_mem>>
        %dma_start3A = tpu.memref_slice %arg3[%mul3A_178] : memref<100352xi32, #tpu.memory_space<hbm>> -> memref<1024xi32, #tpu.memory_space<hbm>>
        %dma_start3A_219 = tpu.memref_slice %arg3[%mul3A_178] : memref<100352xi32, #tpu.memory_space<hbm>> -> memref<1024xi32, #tpu.memory_space<hbm>>
        tpu.enqueue_dma source(%dma_start3A_219 : memref<1024xi32, #tpu.memory_space<hbm>>) target(%arg7 : memref<1024xi32, #tpu.memory_space<vmem>>) target_semaphore(%run_scoped3A : memref<!tpu.dma_semaphore, #tpu.memory_space<semaphore_mem>>)
        %dma_wait3A = tpu.memref_slice %arg3[%mul3A_178] : memref<100352xi32, #tpu.memory_space<hbm>> -> memref<1024xi32, #tpu.memory_space<hbm>>
        %dma_wait3A_220 = tpu.memref_slice %arg3[%mul3A_178] : memref<100352xi32, #tpu.memory_space<hbm>> -> memref<1024xi32, #tpu.memory_space<hbm>>
        tpu.wait_dma2 semaphore(%run_scoped3A : memref<!tpu.dma_semaphore, #tpu.memory_space<semaphore_mem>>) src(%dma_wait3A_220 : memref<1024xi32, #tpu.memory_space<hbm>>) dst(%arg7 : memref<1024xi32, #tpu.memory_space<vmem>>)
        tpu.yield
      }) : () -> ()
      %mul3A_179 = arith.constant 1024 : i32
      %mul3A_180 = arith.muli %add3A_176, %mul3A_179 : i32
      %add3A_181 = arith.constant 0 : i32
      %add3A_182 = arith.addi %add3A_181, %mul3A_180 : i32
      "tpu.region"() ({
        %run_scoped3A = tpu.sem_alloc : memref<!tpu.dma_semaphore, #tpu.memory_space<semaphore_mem>>
        %dma_start3A = tpu.memref_slice %arg2[%add3A_182] : memref<1003520xf32, #tpu.memory_space<hbm>> -> memref<1024xf32, #tpu.memory_space<hbm>>
        %dma_start3A_219 = tpu.memref_slice %arg2[%add3A_182] : memref<1003520xf32, #tpu.memory_space<hbm>> -> memref<1024xf32, #tpu.memory_space<hbm>>
        tpu.enqueue_dma source(%dma_start3A_219 : memref<1024xf32, #tpu.memory_space<hbm>>) target(%arg8 : memref<1024xf32, #tpu.memory_space<vmem>>) target_semaphore(%run_scoped3A : memref<!tpu.dma_semaphore, #tpu.memory_space<semaphore_mem>>)
        %dma_wait3A = tpu.memref_slice %arg2[%add3A_182] : memref<1003520xf32, #tpu.memory_space<hbm>> -> memref<1024xf32, #tpu.memory_space<hbm>>
        %dma_wait3A_220 = tpu.memref_slice %arg2[%add3A_182] : memref<1003520xf32, #tpu.memory_space<hbm>> -> memref<1024xf32, #tpu.memory_space<hbm>>
        tpu.wait_dma2 semaphore(%run_scoped3A : memref<!tpu.dma_semaphore, #tpu.memory_space<semaphore_mem>>) src(%dma_wait3A_220 : memref<1024xf32, #tpu.memory_space<hbm>>) dst(%arg8 : memref<1024xf32, #tpu.memory_space<vmem>>)
        tpu.yield
      }) : () -> ()
      "tpu.region"() ({
        %run_scoped3A = tpu.sem_alloc : memref<!tpu.dma_semaphore, #tpu.memory_space<semaphore_mem>>
        %dma_start3A = arith.constant 0 : i32
        %dma_start3A_219 = tpu.memref_slice %arg10[%dma_start3A] : memref<6144xf32, #tpu.memory_space<vmem_shared>> -> memref<6144xf32, #tpu.memory_space<vmem_shared>>
        tpu.enqueue_indirect_dma source(%arg8 : memref<1024xf32, #tpu.memory_space<vmem>>) target(%dma_start3A_219 : memref<6144xf32, #tpu.memory_space<vmem_shared>>) offsets(%arg7 : memref<1024xi32, #tpu.memory_space<vmem>>) semaphore(%run_scoped3A : memref<!tpu.dma_semaphore, #tpu.memory_space<semaphore_mem>>) {add = true}
        %dma_wait3A = arith.constant 0 : i32
        %dma_wait3A_220 = tpu.memref_slice %arg10[%dma_wait3A] : memref<6144xf32, #tpu.memory_space<vmem_shared>> -> memref<6144xf32, #tpu.memory_space<vmem_shared>>
        tpu.wait_indirect_dma semaphore(%run_scoped3A : memref<!tpu.dma_semaphore, #tpu.memory_space<semaphore_mem>>) src(%arg8 : memref<1024xf32, #tpu.memory_space<vmem>>) dst(%dma_wait3A_220 : memref<6144xf32, #tpu.memory_space<vmem_shared>>)
        tpu.yield
      }) : () -> ()
      %mul3A_183 = arith.constant 1024 : i32
      %mul3A_184 = arith.muli %add3A_176, %mul3A_183 : i32
      %add3A_185 = arith.constant 100352 : i32
      %add3A_186 = arith.addi %add3A_185, %mul3A_184 : i32
      "tpu.region"() ({
        %run_scoped3A = tpu.sem_alloc : memref<!tpu.dma_semaphore, #tpu.memory_space<semaphore_mem>>
        %dma_start3A = tpu.memref_slice %arg2[%add3A_186] : memref<1003520xf32, #tpu.memory_space<hbm>> -> memref<1024xf32, #tpu.memory_space<hbm>>
        %dma_start3A_219 = tpu.memref_slice %arg2[%add3A_186] : memref<1003520xf32, #tpu.memory_space<hbm>> -> memref<1024xf32, #tpu.memory_space<hbm>>
        tpu.enqueue_dma source(%dma_start3A_219 : memref<1024xf32, #tpu.memory_space<hbm>>) target(%arg8 : memref<1024xf32, #tpu.memory_space<vmem>>) target_semaphore(%run_scoped3A : memref<!tpu.dma_semaphore, #tpu.memory_space<semaphore_mem>>)
        %dma_wait3A = tpu.memref_slice %arg2[%add3A_186] : memref<1003520xf32, #tpu.memory_space<hbm>> -> memref<1024xf32, #tpu.memory_space<hbm>>
        %dma_wait3A_220 = tpu.memref_slice %arg2[%add3A_186] : memref<1003520xf32, #tpu.memory_space<hbm>> -> memref<1024xf32, #tpu.memory_space<hbm>>
        tpu.wait_dma2 semaphore(%run_scoped3A : memref<!tpu.dma_semaphore, #tpu.memory_space<semaphore_mem>>) src(%dma_wait3A_220 : memref<1024xf32, #tpu.memory_space<hbm>>) dst(%arg8 : memref<1024xf32, #tpu.memory_space<vmem>>)
        tpu.yield
      }) : () -> ()
      "tpu.region"() ({
        %run_scoped3A = tpu.sem_alloc : memref<!tpu.dma_semaphore, #tpu.memory_space<semaphore_mem>>
        %dma_start3A = arith.constant 0 : i32
        %dma_start3A_219 = tpu.memref_slice %arg11[%dma_start3A] : memref<6144xf32, #tpu.memory_space<vmem_shared>> -> memref<6144xf32, #tpu.memory_space<vmem_shared>>
        tpu.enqueue_indirect_dma source(%arg8 : memref<1024xf32, #tpu.memory_space<vmem>>) target(%dma_start3A_219 : memref<6144xf32, #tpu.memory_space<vmem_shared>>) offsets(%arg7 : memref<1024xi32, #tpu.memory_space<vmem>>) semaphore(%run_scoped3A : memref<!tpu.dma_semaphore, #tpu.memory_space<semaphore_mem>>) {add = true}
        %dma_wait3A = arith.constant 0 : i32
        %dma_wait3A_220 = tpu.memref_slice %arg11[%dma_wait3A] : memref<6144xf32, #tpu.memory_space<vmem_shared>> -> memref<6144xf32, #tpu.memory_space<vmem_shared>>
        tpu.wait_indirect_dma semaphore(%run_scoped3A : memref<!tpu.dma_semaphore, #tpu.memory_space<semaphore_mem>>) src(%arg8 : memref<1024xf32, #tpu.memory_space<vmem>>) dst(%dma_wait3A_220 : memref<6144xf32, #tpu.memory_space<vmem_shared>>)
        tpu.yield
      }) : () -> ()
      %mul3A_187 = arith.constant 1024 : i32
      %mul3A_188 = arith.muli %add3A_176, %mul3A_187 : i32
      %add3A_189 = arith.constant 200704 : i32
      %add3A_190 = arith.addi %add3A_189, %mul3A_188 : i32
      "tpu.region"() ({
        %run_scoped3A = tpu.sem_alloc : memref<!tpu.dma_semaphore, #tpu.memory_space<semaphore_mem>>
        %dma_start3A = tpu.memref_slice %arg2[%add3A_190] : memref<1003520xf32, #tpu.memory_space<hbm>> -> memref<1024xf32, #tpu.memory_space<hbm>>
        %dma_start3A_219 = tpu.memref_slice %arg2[%add3A_190] : memref<1003520xf32, #tpu.memory_space<hbm>> -> memref<1024xf32, #tpu.memory_space<hbm>>
        tpu.enqueue_dma source(%dma_start3A_219 : memref<1024xf32, #tpu.memory_space<hbm>>) target(%arg8 : memref<1024xf32, #tpu.memory_space<vmem>>) target_semaphore(%run_scoped3A : memref<!tpu.dma_semaphore, #tpu.memory_space<semaphore_mem>>)
        %dma_wait3A = tpu.memref_slice %arg2[%add3A_190] : memref<1003520xf32, #tpu.memory_space<hbm>> -> memref<1024xf32, #tpu.memory_space<hbm>>
        %dma_wait3A_220 = tpu.memref_slice %arg2[%add3A_190] : memref<1003520xf32, #tpu.memory_space<hbm>> -> memref<1024xf32, #tpu.memory_space<hbm>>
        tpu.wait_dma2 semaphore(%run_scoped3A : memref<!tpu.dma_semaphore, #tpu.memory_space<semaphore_mem>>) src(%dma_wait3A_220 : memref<1024xf32, #tpu.memory_space<hbm>>) dst(%arg8 : memref<1024xf32, #tpu.memory_space<vmem>>)
        tpu.yield
      }) : () -> ()
      "tpu.region"() ({
        %run_scoped3A = tpu.sem_alloc : memref<!tpu.dma_semaphore, #tpu.memory_space<semaphore_mem>>
        %dma_start3A = arith.constant 0 : i32
        %dma_start3A_219 = tpu.memref_slice %arg12[%dma_start3A] : memref<6144xf32, #tpu.memory_space<vmem_shared>> -> memref<6144xf32, #tpu.memory_space<vmem_shared>>
        tpu.enqueue_indirect_dma source(%arg8 : memref<1024xf32, #tpu.memory_space<vmem>>) target(%dma_start3A_219 : memref<6144xf32, #tpu.memory_space<vmem_shared>>) offsets(%arg7 : memref<1024xi32, #tpu.memory_space<vmem>>) semaphore(%run_scoped3A : memref<!tpu.dma_semaphore, #tpu.memory_space<semaphore_mem>>) {add = true}
        %dma_wait3A = arith.constant 0 : i32
        %dma_wait3A_220 = tpu.memref_slice %arg12[%dma_wait3A] : memref<6144xf32, #tpu.memory_space<vmem_shared>> -> memref<6144xf32, #tpu.memory_space<vmem_shared>>
        tpu.wait_indirect_dma semaphore(%run_scoped3A : memref<!tpu.dma_semaphore, #tpu.memory_space<semaphore_mem>>) src(%arg8 : memref<1024xf32, #tpu.memory_space<vmem>>) dst(%dma_wait3A_220 : memref<6144xf32, #tpu.memory_space<vmem_shared>>)
        tpu.yield
      }) : () -> ()
      %mul3A_191 = arith.constant 1024 : i32
      %mul3A_192 = arith.muli %add3A_176, %mul3A_191 : i32
      %add3A_193 = arith.constant 301056 : i32
      %add3A_194 = arith.addi %add3A_193, %mul3A_192 : i32
      "tpu.region"() ({
        %run_scoped3A = tpu.sem_alloc : memref<!tpu.dma_semaphore, #tpu.memory_space<semaphore_mem>>
        %dma_start3A = tpu.memref_slice %arg2[%add3A_194] : memref<1003520xf32, #tpu.memory_space<hbm>> -> memref<1024xf32, #tpu.memory_space<hbm>>
        %dma_start3A_219 = tpu.memref_slice %arg2[%add3A_194] : memref<1003520xf32, #tpu.memory_space<hbm>> -> memref<1024xf32, #tpu.memory_space<hbm>>
        tpu.enqueue_dma source(%dma_start3A_219 : memref<1024xf32, #tpu.memory_space<hbm>>) target(%arg8 : memref<1024xf32, #tpu.memory_space<vmem>>) target_semaphore(%run_scoped3A : memref<!tpu.dma_semaphore, #tpu.memory_space<semaphore_mem>>)
        %dma_wait3A = tpu.memref_slice %arg2[%add3A_194] : memref<1003520xf32, #tpu.memory_space<hbm>> -> memref<1024xf32, #tpu.memory_space<hbm>>
        %dma_wait3A_220 = tpu.memref_slice %arg2[%add3A_194] : memref<1003520xf32, #tpu.memory_space<hbm>> -> memref<1024xf32, #tpu.memory_space<hbm>>
        tpu.wait_dma2 semaphore(%run_scoped3A : memref<!tpu.dma_semaphore, #tpu.memory_space<semaphore_mem>>) src(%dma_wait3A_220 : memref<1024xf32, #tpu.memory_space<hbm>>) dst(%arg8 : memref<1024xf32, #tpu.memory_space<vmem>>)
        tpu.yield
      }) : () -> ()
      "tpu.region"() ({
        %run_scoped3A = tpu.sem_alloc : memref<!tpu.dma_semaphore, #tpu.memory_space<semaphore_mem>>
        %dma_start3A = arith.constant 0 : i32
        %dma_start3A_219 = tpu.memref_slice %arg13[%dma_start3A] : memref<6144xf32, #tpu.memory_space<vmem_shared>> -> memref<6144xf32, #tpu.memory_space<vmem_shared>>
        tpu.enqueue_indirect_dma source(%arg8 : memref<1024xf32, #tpu.memory_space<vmem>>) target(%dma_start3A_219 : memref<6144xf32, #tpu.memory_space<vmem_shared>>) offsets(%arg7 : memref<1024xi32, #tpu.memory_space<vmem>>) semaphore(%run_scoped3A : memref<!tpu.dma_semaphore, #tpu.memory_space<semaphore_mem>>) {add = true}
        %dma_wait3A = arith.constant 0 : i32
        %dma_wait3A_220 = tpu.memref_slice %arg13[%dma_wait3A] : memref<6144xf32, #tpu.memory_space<vmem_shared>> -> memref<6144xf32, #tpu.memory_space<vmem_shared>>
        tpu.wait_indirect_dma semaphore(%run_scoped3A : memref<!tpu.dma_semaphore, #tpu.memory_space<semaphore_mem>>) src(%arg8 : memref<1024xf32, #tpu.memory_space<vmem>>) dst(%dma_wait3A_220 : memref<6144xf32, #tpu.memory_space<vmem_shared>>)
        tpu.yield
      }) : () -> ()
      %mul3A_195 = arith.constant 1024 : i32
      %mul3A_196 = arith.muli %add3A_176, %mul3A_195 : i32
      %add3A_197 = arith.constant 401408 : i32
      %add3A_198 = arith.addi %add3A_197, %mul3A_196 : i32
      "tpu.region"() ({
        %run_scoped3A = tpu.sem_alloc : memref<!tpu.dma_semaphore, #tpu.memory_space<semaphore_mem>>
        %dma_start3A = tpu.memref_slice %arg2[%add3A_198] : memref<1003520xf32, #tpu.memory_space<hbm>> -> memref<1024xf32, #tpu.memory_space<hbm>>
        %dma_start3A_219 = tpu.memref_slice %arg2[%add3A_198] : memref<1003520xf32, #tpu.memory_space<hbm>> -> memref<1024xf32, #tpu.memory_space<hbm>>
        tpu.enqueue_dma source(%dma_start3A_219 : memref<1024xf32, #tpu.memory_space<hbm>>) target(%arg8 : memref<1024xf32, #tpu.memory_space<vmem>>) target_semaphore(%run_scoped3A : memref<!tpu.dma_semaphore, #tpu.memory_space<semaphore_mem>>)
        %dma_wait3A = tpu.memref_slice %arg2[%add3A_198] : memref<1003520xf32, #tpu.memory_space<hbm>> -> memref<1024xf32, #tpu.memory_space<hbm>>
        %dma_wait3A_220 = tpu.memref_slice %arg2[%add3A_198] : memref<1003520xf32, #tpu.memory_space<hbm>> -> memref<1024xf32, #tpu.memory_space<hbm>>
        tpu.wait_dma2 semaphore(%run_scoped3A : memref<!tpu.dma_semaphore, #tpu.memory_space<semaphore_mem>>) src(%dma_wait3A_220 : memref<1024xf32, #tpu.memory_space<hbm>>) dst(%arg8 : memref<1024xf32, #tpu.memory_space<vmem>>)
        tpu.yield
      }) : () -> ()
      "tpu.region"() ({
        %run_scoped3A = tpu.sem_alloc : memref<!tpu.dma_semaphore, #tpu.memory_space<semaphore_mem>>
        %dma_start3A = arith.constant 0 : i32
        %dma_start3A_219 = tpu.memref_slice %arg14[%dma_start3A] : memref<6144xf32, #tpu.memory_space<vmem_shared>> -> memref<6144xf32, #tpu.memory_space<vmem_shared>>
        tpu.enqueue_indirect_dma source(%arg8 : memref<1024xf32, #tpu.memory_space<vmem>>) target(%dma_start3A_219 : memref<6144xf32, #tpu.memory_space<vmem_shared>>) offsets(%arg7 : memref<1024xi32, #tpu.memory_space<vmem>>) semaphore(%run_scoped3A : memref<!tpu.dma_semaphore, #tpu.memory_space<semaphore_mem>>) {add = true}
        %dma_wait3A = arith.constant 0 : i32
        %dma_wait3A_220 = tpu.memref_slice %arg14[%dma_wait3A] : memref<6144xf32, #tpu.memory_space<vmem_shared>> -> memref<6144xf32, #tpu.memory_space<vmem_shared>>
        tpu.wait_indirect_dma semaphore(%run_scoped3A : memref<!tpu.dma_semaphore, #tpu.memory_space<semaphore_mem>>) src(%arg8 : memref<1024xf32, #tpu.memory_space<vmem>>) dst(%dma_wait3A_220 : memref<6144xf32, #tpu.memory_space<vmem_shared>>)
        tpu.yield
      }) : () -> ()
      %mul3A_199 = arith.constant 1024 : i32
      %mul3A_200 = arith.muli %add3A_176, %mul3A_199 : i32
      %add3A_201 = arith.constant 501760 : i32
      %add3A_202 = arith.addi %add3A_201, %mul3A_200 : i32
      "tpu.region"() ({
        %run_scoped3A = tpu.sem_alloc : memref<!tpu.dma_semaphore, #tpu.memory_space<semaphore_mem>>
        %dma_start3A = tpu.memref_slice %arg2[%add3A_202] : memref<1003520xf32, #tpu.memory_space<hbm>> -> memref<1024xf32, #tpu.memory_space<hbm>>
        %dma_start3A_219 = tpu.memref_slice %arg2[%add3A_202] : memref<1003520xf32, #tpu.memory_space<hbm>> -> memref<1024xf32, #tpu.memory_space<hbm>>
        tpu.enqueue_dma source(%dma_start3A_219 : memref<1024xf32, #tpu.memory_space<hbm>>) target(%arg8 : memref<1024xf32, #tpu.memory_space<vmem>>) target_semaphore(%run_scoped3A : memref<!tpu.dma_semaphore, #tpu.memory_space<semaphore_mem>>)
        %dma_wait3A = tpu.memref_slice %arg2[%add3A_202] : memref<1003520xf32, #tpu.memory_space<hbm>> -> memref<1024xf32, #tpu.memory_space<hbm>>
        %dma_wait3A_220 = tpu.memref_slice %arg2[%add3A_202] : memref<1003520xf32, #tpu.memory_space<hbm>> -> memref<1024xf32, #tpu.memory_space<hbm>>
        tpu.wait_dma2 semaphore(%run_scoped3A : memref<!tpu.dma_semaphore, #tpu.memory_space<semaphore_mem>>) src(%dma_wait3A_220 : memref<1024xf32, #tpu.memory_space<hbm>>) dst(%arg8 : memref<1024xf32, #tpu.memory_space<vmem>>)
        tpu.yield
      }) : () -> ()
      "tpu.region"() ({
        %run_scoped3A = tpu.sem_alloc : memref<!tpu.dma_semaphore, #tpu.memory_space<semaphore_mem>>
        %dma_start3A = arith.constant 0 : i32
        %dma_start3A_219 = tpu.memref_slice %arg15[%dma_start3A] : memref<6144xf32, #tpu.memory_space<vmem_shared>> -> memref<6144xf32, #tpu.memory_space<vmem_shared>>
        tpu.enqueue_indirect_dma source(%arg8 : memref<1024xf32, #tpu.memory_space<vmem>>) target(%dma_start3A_219 : memref<6144xf32, #tpu.memory_space<vmem_shared>>) offsets(%arg7 : memref<1024xi32, #tpu.memory_space<vmem>>) semaphore(%run_scoped3A : memref<!tpu.dma_semaphore, #tpu.memory_space<semaphore_mem>>) {add = true}
        %dma_wait3A = arith.constant 0 : i32
        %dma_wait3A_220 = tpu.memref_slice %arg15[%dma_wait3A] : memref<6144xf32, #tpu.memory_space<vmem_shared>> -> memref<6144xf32, #tpu.memory_space<vmem_shared>>
        tpu.wait_indirect_dma semaphore(%run_scoped3A : memref<!tpu.dma_semaphore, #tpu.memory_space<semaphore_mem>>) src(%arg8 : memref<1024xf32, #tpu.memory_space<vmem>>) dst(%dma_wait3A_220 : memref<6144xf32, #tpu.memory_space<vmem_shared>>)
        tpu.yield
      }) : () -> ()
      %mul3A_203 = arith.constant 1024 : i32
      %mul3A_204 = arith.muli %add3A_176, %mul3A_203 : i32
      %add3A_205 = arith.constant 602112 : i32
      %add3A_206 = arith.addi %add3A_205, %mul3A_204 : i32
      "tpu.region"() ({
        %run_scoped3A = tpu.sem_alloc : memref<!tpu.dma_semaphore, #tpu.memory_space<semaphore_mem>>
        %dma_start3A = tpu.memref_slice %arg2[%add3A_206] : memref<1003520xf32, #tpu.memory_space<hbm>> -> memref<1024xf32, #tpu.memory_space<hbm>>
        %dma_start3A_219 = tpu.memref_slice %arg2[%add3A_206] : memref<1003520xf32, #tpu.memory_space<hbm>> -> memref<1024xf32, #tpu.memory_space<hbm>>
        tpu.enqueue_dma source(%dma_start3A_219 : memref<1024xf32, #tpu.memory_space<hbm>>) target(%arg8 : memref<1024xf32, #tpu.memory_space<vmem>>) target_semaphore(%run_scoped3A : memref<!tpu.dma_semaphore, #tpu.memory_space<semaphore_mem>>)
        %dma_wait3A = tpu.memref_slice %arg2[%add3A_206] : memref<1003520xf32, #tpu.memory_space<hbm>> -> memref<1024xf32, #tpu.memory_space<hbm>>
        %dma_wait3A_220 = tpu.memref_slice %arg2[%add3A_206] : memref<1003520xf32, #tpu.memory_space<hbm>> -> memref<1024xf32, #tpu.memory_space<hbm>>
        tpu.wait_dma2 semaphore(%run_scoped3A : memref<!tpu.dma_semaphore, #tpu.memory_space<semaphore_mem>>) src(%dma_wait3A_220 : memref<1024xf32, #tpu.memory_space<hbm>>) dst(%arg8 : memref<1024xf32, #tpu.memory_space<vmem>>)
        tpu.yield
      }) : () -> ()
      "tpu.region"() ({
        %run_scoped3A = tpu.sem_alloc : memref<!tpu.dma_semaphore, #tpu.memory_space<semaphore_mem>>
        %dma_start3A = arith.constant 0 : i32
        %dma_start3A_219 = tpu.memref_slice %arg16[%dma_start3A] : memref<6144xf32, #tpu.memory_space<vmem_shared>> -> memref<6144xf32, #tpu.memory_space<vmem_shared>>
        tpu.enqueue_indirect_dma source(%arg8 : memref<1024xf32, #tpu.memory_space<vmem>>) target(%dma_start3A_219 : memref<6144xf32, #tpu.memory_space<vmem_shared>>) offsets(%arg7 : memref<1024xi32, #tpu.memory_space<vmem>>) semaphore(%run_scoped3A : memref<!tpu.dma_semaphore, #tpu.memory_space<semaphore_mem>>) {add = true}
        %dma_wait3A = arith.constant 0 : i32
        %dma_wait3A_220 = tpu.memref_slice %arg16[%dma_wait3A] : memref<6144xf32, #tpu.memory_space<vmem_shared>> -> memref<6144xf32, #tpu.memory_space<vmem_shared>>
        tpu.wait_indirect_dma semaphore(%run_scoped3A : memref<!tpu.dma_semaphore, #tpu.memory_space<semaphore_mem>>) src(%arg8 : memref<1024xf32, #tpu.memory_space<vmem>>) dst(%dma_wait3A_220 : memref<6144xf32, #tpu.memory_space<vmem_shared>>)
        tpu.yield
      }) : () -> ()
      %mul3A_207 = arith.constant 1024 : i32
      %mul3A_208 = arith.muli %add3A_176, %mul3A_207 : i32
      %add3A_209 = arith.constant 702464 : i32
      %add3A_210 = arith.addi %add3A_209, %mul3A_208 : i32
      "tpu.region"() ({
        %run_scoped3A = tpu.sem_alloc : memref<!tpu.dma_semaphore, #tpu.memory_space<semaphore_mem>>
        %dma_start3A = tpu.memref_slice %arg2[%add3A_210] : memref<1003520xf32, #tpu.memory_space<hbm>> -> memref<1024xf32, #tpu.memory_space<hbm>>
        %dma_start3A_219 = tpu.memref_slice %arg2[%add3A_210] : memref<1003520xf32, #tpu.memory_space<hbm>> -> memref<1024xf32, #tpu.memory_space<hbm>>
        tpu.enqueue_dma source(%dma_start3A_219 : memref<1024xf32, #tpu.memory_space<hbm>>) target(%arg8 : memref<1024xf32, #tpu.memory_space<vmem>>) target_semaphore(%run_scoped3A : memref<!tpu.dma_semaphore, #tpu.memory_space<semaphore_mem>>)
        %dma_wait3A = tpu.memref_slice %arg2[%add3A_210] : memref<1003520xf32, #tpu.memory_space<hbm>> -> memref<1024xf32, #tpu.memory_space<hbm>>
        %dma_wait3A_220 = tpu.memref_slice %arg2[%add3A_210] : memref<1003520xf32, #tpu.memory_space<hbm>> -> memref<1024xf32, #tpu.memory_space<hbm>>
        tpu.wait_dma2 semaphore(%run_scoped3A : memref<!tpu.dma_semaphore, #tpu.memory_space<semaphore_mem>>) src(%dma_wait3A_220 : memref<1024xf32, #tpu.memory_space<hbm>>) dst(%arg8 : memref<1024xf32, #tpu.memory_space<vmem>>)
        tpu.yield
      }) : () -> ()
      "tpu.region"() ({
        %run_scoped3A = tpu.sem_alloc : memref<!tpu.dma_semaphore, #tpu.memory_space<semaphore_mem>>
        %dma_start3A = arith.constant 0 : i32
        %dma_start3A_219 = tpu.memref_slice %arg17[%dma_start3A] : memref<6144xf32, #tpu.memory_space<vmem_shared>> -> memref<6144xf32, #tpu.memory_space<vmem_shared>>
        tpu.enqueue_indirect_dma source(%arg8 : memref<1024xf32, #tpu.memory_space<vmem>>) target(%dma_start3A_219 : memref<6144xf32, #tpu.memory_space<vmem_shared>>) offsets(%arg7 : memref<1024xi32, #tpu.memory_space<vmem>>) semaphore(%run_scoped3A : memref<!tpu.dma_semaphore, #tpu.memory_space<semaphore_mem>>) {add = true}
        %dma_wait3A = arith.constant 0 : i32
        %dma_wait3A_220 = tpu.memref_slice %arg17[%dma_wait3A] : memref<6144xf32, #tpu.memory_space<vmem_shared>> -> memref<6144xf32, #tpu.memory_space<vmem_shared>>
        tpu.wait_indirect_dma semaphore(%run_scoped3A : memref<!tpu.dma_semaphore, #tpu.memory_space<semaphore_mem>>) src(%arg8 : memref<1024xf32, #tpu.memory_space<vmem>>) dst(%dma_wait3A_220 : memref<6144xf32, #tpu.memory_space<vmem_shared>>)
        tpu.yield
      }) : () -> ()
      %mul3A_211 = arith.constant 1024 : i32
      %mul3A_212 = arith.muli %add3A_176, %mul3A_211 : i32
      %add3A_213 = arith.constant 802816 : i32
      %add3A_214 = arith.addi %add3A_213, %mul3A_212 : i32
      "tpu.region"() ({
        %run_scoped3A = tpu.sem_alloc : memref<!tpu.dma_semaphore, #tpu.memory_space<semaphore_mem>>
        %dma_start3A = tpu.memref_slice %arg2[%add3A_214] : memref<1003520xf32, #tpu.memory_space<hbm>> -> memref<1024xf32, #tpu.memory_space<hbm>>
        %dma_start3A_219 = tpu.memref_slice %arg2[%add3A_214] : memref<1003520xf32, #tpu.memory_space<hbm>> -> memref<1024xf32, #tpu.memory_space<hbm>>
        tpu.enqueue_dma source(%dma_start3A_219 : memref<1024xf32, #tpu.memory_space<hbm>>) target(%arg8 : memref<1024xf32, #tpu.memory_space<vmem>>) target_semaphore(%run_scoped3A : memref<!tpu.dma_semaphore, #tpu.memory_space<semaphore_mem>>)
        %dma_wait3A = tpu.memref_slice %arg2[%add3A_214] : memref<1003520xf32, #tpu.memory_space<hbm>> -> memref<1024xf32, #tpu.memory_space<hbm>>
        %dma_wait3A_220 = tpu.memref_slice %arg2[%add3A_214] : memref<1003520xf32, #tpu.memory_space<hbm>> -> memref<1024xf32, #tpu.memory_space<hbm>>
        tpu.wait_dma2 semaphore(%run_scoped3A : memref<!tpu.dma_semaphore, #tpu.memory_space<semaphore_mem>>) src(%dma_wait3A_220 : memref<1024xf32, #tpu.memory_space<hbm>>) dst(%arg8 : memref<1024xf32, #tpu.memory_space<vmem>>)
        tpu.yield
      }) : () -> ()
      "tpu.region"() ({
        %run_scoped3A = tpu.sem_alloc : memref<!tpu.dma_semaphore, #tpu.memory_space<semaphore_mem>>
        %dma_start3A = arith.constant 0 : i32
        %dma_start3A_219 = tpu.memref_slice %arg18[%dma_start3A] : memref<6144xf32, #tpu.memory_space<vmem_shared>> -> memref<6144xf32, #tpu.memory_space<vmem_shared>>
        tpu.enqueue_indirect_dma source(%arg8 : memref<1024xf32, #tpu.memory_space<vmem>>) target(%dma_start3A_219 : memref<6144xf32, #tpu.memory_space<vmem_shared>>) offsets(%arg7 : memref<1024xi32, #tpu.memory_space<vmem>>) semaphore(%run_scoped3A : memref<!tpu.dma_semaphore, #tpu.memory_space<semaphore_mem>>) {add = true}
        %dma_wait3A = arith.constant 0 : i32
        %dma_wait3A_220 = tpu.memref_slice %arg18[%dma_wait3A] : memref<6144xf32, #tpu.memory_space<vmem_shared>> -> memref<6144xf32, #tpu.memory_space<vmem_shared>>
        tpu.wait_indirect_dma semaphore(%run_scoped3A : memref<!tpu.dma_semaphore, #tpu.memory_space<semaphore_mem>>) src(%arg8 : memref<1024xf32, #tpu.memory_space<vmem>>) dst(%dma_wait3A_220 : memref<6144xf32, #tpu.memory_space<vmem_shared>>)
        tpu.yield
      }) : () -> ()
      %mul3A_215 = arith.constant 1024 : i32
      %mul3A_216 = arith.muli %add3A_176, %mul3A_215 : i32
      %add3A_217 = arith.constant 903168 : i32
      %add3A_218 = arith.addi %add3A_217, %mul3A_216 : i32
      "tpu.region"() ({
        %run_scoped3A = tpu.sem_alloc : memref<!tpu.dma_semaphore, #tpu.memory_space<semaphore_mem>>
        %dma_start3A = tpu.memref_slice %arg2[%add3A_218] : memref<1003520xf32, #tpu.memory_space<hbm>> -> memref<1024xf32, #tpu.memory_space<hbm>>
        %dma_start3A_219 = tpu.memref_slice %arg2[%add3A_218] : memref<1003520xf32, #tpu.memory_space<hbm>> -> memref<1024xf32, #tpu.memory_space<hbm>>
        tpu.enqueue_dma source(%dma_start3A_219 : memref<1024xf32, #tpu.memory_space<hbm>>) target(%arg8 : memref<1024xf32, #tpu.memory_space<vmem>>) target_semaphore(%run_scoped3A : memref<!tpu.dma_semaphore, #tpu.memory_space<semaphore_mem>>)
        %dma_wait3A = tpu.memref_slice %arg2[%add3A_218] : memref<1003520xf32, #tpu.memory_space<hbm>> -> memref<1024xf32, #tpu.memory_space<hbm>>
        %dma_wait3A_220 = tpu.memref_slice %arg2[%add3A_218] : memref<1003520xf32, #tpu.memory_space<hbm>> -> memref<1024xf32, #tpu.memory_space<hbm>>
        tpu.wait_dma2 semaphore(%run_scoped3A : memref<!tpu.dma_semaphore, #tpu.memory_space<semaphore_mem>>) src(%dma_wait3A_220 : memref<1024xf32, #tpu.memory_space<hbm>>) dst(%arg8 : memref<1024xf32, #tpu.memory_space<vmem>>)
        tpu.yield
      }) : () -> ()
      "tpu.region"() ({
        %run_scoped3A = tpu.sem_alloc : memref<!tpu.dma_semaphore, #tpu.memory_space<semaphore_mem>>
        %dma_start3A = arith.constant 0 : i32
        %dma_start3A_219 = tpu.memref_slice %arg19[%dma_start3A] : memref<6144xf32, #tpu.memory_space<vmem_shared>> -> memref<6144xf32, #tpu.memory_space<vmem_shared>>
        tpu.enqueue_indirect_dma source(%arg8 : memref<1024xf32, #tpu.memory_space<vmem>>) target(%dma_start3A_219 : memref<6144xf32, #tpu.memory_space<vmem_shared>>) offsets(%arg7 : memref<1024xi32, #tpu.memory_space<vmem>>) semaphore(%run_scoped3A : memref<!tpu.dma_semaphore, #tpu.memory_space<semaphore_mem>>) {add = true}
        %dma_wait3A = arith.constant 0 : i32
        %dma_wait3A_220 = tpu.memref_slice %arg19[%dma_wait3A] : memref<6144xf32, #tpu.memory_space<vmem_shared>> -> memref<6144xf32, #tpu.memory_space<vmem_shared>>
        tpu.wait_indirect_dma semaphore(%run_scoped3A : memref<!tpu.dma_semaphore, #tpu.memory_space<semaphore_mem>>) src(%arg8 : memref<1024xf32, #tpu.memory_space<vmem>>) dst(%dma_wait3A_220 : memref<6144xf32, #tpu.memory_space<vmem_shared>>)
        tpu.yield
      }) : () -> ()
      "tpu.region"() ({
        %run_scoped3A = tpu.sem_alloc : memref<!tpu.dma_semaphore, #tpu.memory_space<semaphore_mem>>
        %dma_start3A = arith.constant 0 : i32
        %dma_start3A_219 = tpu.memref_slice %arg20[%dma_start3A] : memref<6144xf32, #tpu.memory_space<vmem_shared>> -> memref<6144xf32, #tpu.memory_space<vmem_shared>>
        tpu.enqueue_indirect_dma source(%arg9 : memref<1024xf32, #tpu.memory_space<vmem>>) target(%dma_start3A_219 : memref<6144xf32, #tpu.memory_space<vmem_shared>>) offsets(%arg7 : memref<1024xi32, #tpu.memory_space<vmem>>) semaphore(%run_scoped3A : memref<!tpu.dma_semaphore, #tpu.memory_space<semaphore_mem>>) {add = true}
        %dma_wait3A = arith.constant 0 : i32
        %dma_wait3A_220 = tpu.memref_slice %arg20[%dma_wait3A] : memref<6144xf32, #tpu.memory_space<vmem_shared>> -> memref<6144xf32, #tpu.memory_space<vmem_shared>>
        tpu.wait_indirect_dma semaphore(%run_scoped3A : memref<!tpu.dma_semaphore, #tpu.memory_space<semaphore_mem>>) src(%arg9 : memref<1024xf32, #tpu.memory_space<vmem>>) dst(%dma_wait3A_220 : memref<6144xf32, #tpu.memory_space<vmem_shared>>)
        tpu.yield
      }) : () -> ()
    }
    %while3A_50 = arith.constant 1 : i32
    scf.for %while3A_173 = %while3A_48 to %while3A_44 step %while3A_50  : i32 {
      %mul3A_174 = arith.constant 32 : i32
      %mul3A_175 = arith.muli %while3A_173, %mul3A_174 : i32
      %add3A_176 = arith.addi %add3A, %mul3A_175 : i32
      %mul3A_177 = arith.constant 1024 : i32
      %mul3A_178 = arith.muli %add3A_176, %mul3A_177 : i32
      "tpu.region"() ({
        %run_scoped3A = tpu.sem_alloc : memref<!tpu.dma_semaphore, #tpu.memory_space<semaphore_mem>>
        %dma_start3A = tpu.memref_slice %arg3[%mul3A_178] : memref<100352xi32, #tpu.memory_space<hbm>> -> memref<1024xi32, #tpu.memory_space<hbm>>
        %dma_start3A_219 = tpu.memref_slice %arg3[%mul3A_178] : memref<100352xi32, #tpu.memory_space<hbm>> -> memref<1024xi32, #tpu.memory_space<hbm>>
        tpu.enqueue_dma source(%dma_start3A_219 : memref<1024xi32, #tpu.memory_space<hbm>>) target(%arg7 : memref<1024xi32, #tpu.memory_space<vmem>>) target_semaphore(%run_scoped3A : memref<!tpu.dma_semaphore, #tpu.memory_space<semaphore_mem>>)
        %dma_wait3A = tpu.memref_slice %arg3[%mul3A_178] : memref<100352xi32, #tpu.memory_space<hbm>> -> memref<1024xi32, #tpu.memory_space<hbm>>
        %dma_wait3A_220 = tpu.memref_slice %arg3[%mul3A_178] : memref<100352xi32, #tpu.memory_space<hbm>> -> memref<1024xi32, #tpu.memory_space<hbm>>
        tpu.wait_dma2 semaphore(%run_scoped3A : memref<!tpu.dma_semaphore, #tpu.memory_space<semaphore_mem>>) src(%dma_wait3A_220 : memref<1024xi32, #tpu.memory_space<hbm>>) dst(%arg7 : memref<1024xi32, #tpu.memory_space<vmem>>)
        tpu.yield
      }) : () -> ()
      %mul3A_179 = arith.constant 1024 : i32
      %mul3A_180 = arith.muli %add3A_176, %mul3A_179 : i32
      %add3A_181 = arith.constant 0 : i32
      %add3A_182 = arith.addi %add3A_181, %mul3A_180 : i32
      "tpu.region"() ({
        %run_scoped3A = tpu.sem_alloc : memref<!tpu.dma_semaphore, #tpu.memory_space<semaphore_mem>>
        %dma_start3A = tpu.memref_slice %arg2[%add3A_182] : memref<1003520xf32, #tpu.memory_space<hbm>> -> memref<1024xf32, #tpu.memory_space<hbm>>
        %dma_start3A_219 = tpu.memref_slice %arg2[%add3A_182] : memref<1003520xf32, #tpu.memory_space<hbm>> -> memref<1024xf32, #tpu.memory_space<hbm>>
        tpu.enqueue_dma source(%dma_start3A_219 : memref<1024xf32, #tpu.memory_space<hbm>>) target(%arg8 : memref<1024xf32, #tpu.memory_space<vmem>>) target_semaphore(%run_scoped3A : memref<!tpu.dma_semaphore, #tpu.memory_space<semaphore_mem>>)
        %dma_wait3A = tpu.memref_slice %arg2[%add3A_182] : memref<1003520xf32, #tpu.memory_space<hbm>> -> memref<1024xf32, #tpu.memory_space<hbm>>
        %dma_wait3A_220 = tpu.memref_slice %arg2[%add3A_182] : memref<1003520xf32, #tpu.memory_space<hbm>> -> memref<1024xf32, #tpu.memory_space<hbm>>
        tpu.wait_dma2 semaphore(%run_scoped3A : memref<!tpu.dma_semaphore, #tpu.memory_space<semaphore_mem>>) src(%dma_wait3A_220 : memref<1024xf32, #tpu.memory_space<hbm>>) dst(%arg8 : memref<1024xf32, #tpu.memory_space<vmem>>)
        tpu.yield
      }) : () -> ()
      "tpu.region"() ({
        %run_scoped3A = tpu.sem_alloc : memref<!tpu.dma_semaphore, #tpu.memory_space<semaphore_mem>>
        %dma_start3A = arith.constant 0 : i32
        %dma_start3A_219 = tpu.memref_slice %arg10[%dma_start3A] : memref<6144xf32, #tpu.memory_space<vmem_shared>> -> memref<6144xf32, #tpu.memory_space<vmem_shared>>
        tpu.enqueue_indirect_dma source(%arg8 : memref<1024xf32, #tpu.memory_space<vmem>>) target(%dma_start3A_219 : memref<6144xf32, #tpu.memory_space<vmem_shared>>) offsets(%arg7 : memref<1024xi32, #tpu.memory_space<vmem>>) semaphore(%run_scoped3A : memref<!tpu.dma_semaphore, #tpu.memory_space<semaphore_mem>>) {add = true}
        %dma_wait3A = arith.constant 0 : i32
        %dma_wait3A_220 = tpu.memref_slice %arg10[%dma_wait3A] : memref<6144xf32, #tpu.memory_space<vmem_shared>> -> memref<6144xf32, #tpu.memory_space<vmem_shared>>
        tpu.wait_indirect_dma semaphore(%run_scoped3A : memref<!tpu.dma_semaphore, #tpu.memory_space<semaphore_mem>>) src(%arg8 : memref<1024xf32, #tpu.memory_space<vmem>>) dst(%dma_wait3A_220 : memref<6144xf32, #tpu.memory_space<vmem_shared>>)
        tpu.yield
      }) : () -> ()
      %mul3A_183 = arith.constant 1024 : i32
      %mul3A_184 = arith.muli %add3A_176, %mul3A_183 : i32
      %add3A_185 = arith.constant 100352 : i32
      %add3A_186 = arith.addi %add3A_185, %mul3A_184 : i32
      "tpu.region"() ({
        %run_scoped3A = tpu.sem_alloc : memref<!tpu.dma_semaphore, #tpu.memory_space<semaphore_mem>>
        %dma_start3A = tpu.memref_slice %arg2[%add3A_186] : memref<1003520xf32, #tpu.memory_space<hbm>> -> memref<1024xf32, #tpu.memory_space<hbm>>
        %dma_start3A_219 = tpu.memref_slice %arg2[%add3A_186] : memref<1003520xf32, #tpu.memory_space<hbm>> -> memref<1024xf32, #tpu.memory_space<hbm>>
        tpu.enqueue_dma source(%dma_start3A_219 : memref<1024xf32, #tpu.memory_space<hbm>>) target(%arg8 : memref<1024xf32, #tpu.memory_space<vmem>>) target_semaphore(%run_scoped3A : memref<!tpu.dma_semaphore, #tpu.memory_space<semaphore_mem>>)
        %dma_wait3A = tpu.memref_slice %arg2[%add3A_186] : memref<1003520xf32, #tpu.memory_space<hbm>> -> memref<1024xf32, #tpu.memory_space<hbm>>
        %dma_wait3A_220 = tpu.memref_slice %arg2[%add3A_186] : memref<1003520xf32, #tpu.memory_space<hbm>> -> memref<1024xf32, #tpu.memory_space<hbm>>
        tpu.wait_dma2 semaphore(%run_scoped3A : memref<!tpu.dma_semaphore, #tpu.memory_space<semaphore_mem>>) src(%dma_wait3A_220 : memref<1024xf32, #tpu.memory_space<hbm>>) dst(%arg8 : memref<1024xf32, #tpu.memory_space<vmem>>)
        tpu.yield
      }) : () -> ()
      "tpu.region"() ({
        %run_scoped3A = tpu.sem_alloc : memref<!tpu.dma_semaphore, #tpu.memory_space<semaphore_mem>>
        %dma_start3A = arith.constant 0 : i32
        %dma_start3A_219 = tpu.memref_slice %arg11[%dma_start3A] : memref<6144xf32, #tpu.memory_space<vmem_shared>> -> memref<6144xf32, #tpu.memory_space<vmem_shared>>
        tpu.enqueue_indirect_dma source(%arg8 : memref<1024xf32, #tpu.memory_space<vmem>>) target(%dma_start3A_219 : memref<6144xf32, #tpu.memory_space<vmem_shared>>) offsets(%arg7 : memref<1024xi32, #tpu.memory_space<vmem>>) semaphore(%run_scoped3A : memref<!tpu.dma_semaphore, #tpu.memory_space<semaphore_mem>>) {add = true}
        %dma_wait3A = arith.constant 0 : i32
        %dma_wait3A_220 = tpu.memref_slice %arg11[%dma_wait3A] : memref<6144xf32, #tpu.memory_space<vmem_shared>> -> memref<6144xf32, #tpu.memory_space<vmem_shared>>
        tpu.wait_indirect_dma semaphore(%run_scoped3A : memref<!tpu.dma_semaphore, #tpu.memory_space<semaphore_mem>>) src(%arg8 : memref<1024xf32, #tpu.memory_space<vmem>>) dst(%dma_wait3A_220 : memref<6144xf32, #tpu.memory_space<vmem_shared>>)
        tpu.yield
      }) : () -> ()
      %mul3A_187 = arith.constant 1024 : i32
      %mul3A_188 = arith.muli %add3A_176, %mul3A_187 : i32
      %add3A_189 = arith.constant 200704 : i32
      %add3A_190 = arith.addi %add3A_189, %mul3A_188 : i32
      "tpu.region"() ({
        %run_scoped3A = tpu.sem_alloc : memref<!tpu.dma_semaphore, #tpu.memory_space<semaphore_mem>>
        %dma_start3A = tpu.memref_slice %arg2[%add3A_190] : memref<1003520xf32, #tpu.memory_space<hbm>> -> memref<1024xf32, #tpu.memory_space<hbm>>
        %dma_start3A_219 = tpu.memref_slice %arg2[%add3A_190] : memref<1003520xf32, #tpu.memory_space<hbm>> -> memref<1024xf32, #tpu.memory_space<hbm>>
        tpu.enqueue_dma source(%dma_start3A_219 : memref<1024xf32, #tpu.memory_space<hbm>>) target(%arg8 : memref<1024xf32, #tpu.memory_space<vmem>>) target_semaphore(%run_scoped3A : memref<!tpu.dma_semaphore, #tpu.memory_space<semaphore_mem>>)
        %dma_wait3A = tpu.memref_slice %arg2[%add3A_190] : memref<1003520xf32, #tpu.memory_space<hbm>> -> memref<1024xf32, #tpu.memory_space<hbm>>
        %dma_wait3A_220 = tpu.memref_slice %arg2[%add3A_190] : memref<1003520xf32, #tpu.memory_space<hbm>> -> memref<1024xf32, #tpu.memory_space<hbm>>
        tpu.wait_dma2 semaphore(%run_scoped3A : memref<!tpu.dma_semaphore, #tpu.memory_space<semaphore_mem>>) src(%dma_wait3A_220 : memref<1024xf32, #tpu.memory_space<hbm>>) dst(%arg8 : memref<1024xf32, #tpu.memory_space<vmem>>)
        tpu.yield
      }) : () -> ()
      "tpu.region"() ({
        %run_scoped3A = tpu.sem_alloc : memref<!tpu.dma_semaphore, #tpu.memory_space<semaphore_mem>>
        %dma_start3A = arith.constant 0 : i32
        %dma_start3A_219 = tpu.memref_slice %arg12[%dma_start3A] : memref<6144xf32, #tpu.memory_space<vmem_shared>> -> memref<6144xf32, #tpu.memory_space<vmem_shared>>
        tpu.enqueue_indirect_dma source(%arg8 : memref<1024xf32, #tpu.memory_space<vmem>>) target(%dma_start3A_219 : memref<6144xf32, #tpu.memory_space<vmem_shared>>) offsets(%arg7 : memref<1024xi32, #tpu.memory_space<vmem>>) semaphore(%run_scoped3A : memref<!tpu.dma_semaphore, #tpu.memory_space<semaphore_mem>>) {add = true}
        %dma_wait3A = arith.constant 0 : i32
        %dma_wait3A_220 = tpu.memref_slice %arg12[%dma_wait3A] : memref<6144xf32, #tpu.memory_space<vmem_shared>> -> memref<6144xf32, #tpu.memory_space<vmem_shared>>
        tpu.wait_indirect_dma semaphore(%run_scoped3A : memref<!tpu.dma_semaphore, #tpu.memory_space<semaphore_mem>>) src(%arg8 : memref<1024xf32, #tpu.memory_space<vmem>>) dst(%dma_wait3A_220 : memref<6144xf32, #tpu.memory_space<vmem_shared>>)
        tpu.yield
      }) : () -> ()
      %mul3A_191 = arith.constant 1024 : i32
      %mul3A_192 = arith.muli %add3A_176, %mul3A_191 : i32
      %add3A_193 = arith.constant 301056 : i32
      %add3A_194 = arith.addi %add3A_193, %mul3A_192 : i32
      "tpu.region"() ({
        %run_scoped3A = tpu.sem_alloc : memref<!tpu.dma_semaphore, #tpu.memory_space<semaphore_mem>>
        %dma_start3A = tpu.memref_slice %arg2[%add3A_194] : memref<1003520xf32, #tpu.memory_space<hbm>> -> memref<1024xf32, #tpu.memory_space<hbm>>
        %dma_start3A_219 = tpu.memref_slice %arg2[%add3A_194] : memref<1003520xf32, #tpu.memory_space<hbm>> -> memref<1024xf32, #tpu.memory_space<hbm>>
        tpu.enqueue_dma source(%dma_start3A_219 : memref<1024xf32, #tpu.memory_space<hbm>>) target(%arg8 : memref<1024xf32, #tpu.memory_space<vmem>>) target_semaphore(%run_scoped3A : memref<!tpu.dma_semaphore, #tpu.memory_space<semaphore_mem>>)
        %dma_wait3A = tpu.memref_slice %arg2[%add3A_194] : memref<1003520xf32, #tpu.memory_space<hbm>> -> memref<1024xf32, #tpu.memory_space<hbm>>
        %dma_wait3A_220 = tpu.memref_slice %arg2[%add3A_194] : memref<1003520xf32, #tpu.memory_space<hbm>> -> memref<1024xf32, #tpu.memory_space<hbm>>
        tpu.wait_dma2 semaphore(%run_scoped3A : memref<!tpu.dma_semaphore, #tpu.memory_space<semaphore_mem>>) src(%dma_wait3A_220 : memref<1024xf32, #tpu.memory_space<hbm>>) dst(%arg8 : memref<1024xf32, #tpu.memory_space<vmem>>)
        tpu.yield
      }) : () -> ()
      "tpu.region"() ({
        %run_scoped3A = tpu.sem_alloc : memref<!tpu.dma_semaphore, #tpu.memory_space<semaphore_mem>>
        %dma_start3A = arith.constant 0 : i32
        %dma_start3A_219 = tpu.memref_slice %arg13[%dma_start3A] : memref<6144xf32, #tpu.memory_space<vmem_shared>> -> memref<6144xf32, #tpu.memory_space<vmem_shared>>
        tpu.enqueue_indirect_dma source(%arg8 : memref<1024xf32, #tpu.memory_space<vmem>>) target(%dma_start3A_219 : memref<6144xf32, #tpu.memory_space<vmem_shared>>) offsets(%arg7 : memref<1024xi32, #tpu.memory_space<vmem>>) semaphore(%run_scoped3A : memref<!tpu.dma_semaphore, #tpu.memory_space<semaphore_mem>>) {add = true}
        %dma_wait3A = arith.constant 0 : i32
        %dma_wait3A_220 = tpu.memref_slice %arg13[%dma_wait3A] : memref<6144xf32, #tpu.memory_space<vmem_shared>> -> memref<6144xf32, #tpu.memory_space<vmem_shared>>
        tpu.wait_indirect_dma semaphore(%run_scoped3A : memref<!tpu.dma_semaphore, #tpu.memory_space<semaphore_mem>>) src(%arg8 : memref<1024xf32, #tpu.memory_space<vmem>>) dst(%dma_wait3A_220 : memref<6144xf32, #tpu.memory_space<vmem_shared>>)
        tpu.yield
      }) : () -> ()
      %mul3A_195 = arith.constant 1024 : i32
      %mul3A_196 = arith.muli %add3A_176, %mul3A_195 : i32
      %add3A_197 = arith.constant 401408 : i32
      %add3A_198 = arith.addi %add3A_197, %mul3A_196 : i32
      "tpu.region"() ({
        %run_scoped3A = tpu.sem_alloc : memref<!tpu.dma_semaphore, #tpu.memory_space<semaphore_mem>>
        %dma_start3A = tpu.memref_slice %arg2[%add3A_198] : memref<1003520xf32, #tpu.memory_space<hbm>> -> memref<1024xf32, #tpu.memory_space<hbm>>
        %dma_start3A_219 = tpu.memref_slice %arg2[%add3A_198] : memref<1003520xf32, #tpu.memory_space<hbm>> -> memref<1024xf32, #tpu.memory_space<hbm>>
        tpu.enqueue_dma source(%dma_start3A_219 : memref<1024xf32, #tpu.memory_space<hbm>>) target(%arg8 : memref<1024xf32, #tpu.memory_space<vmem>>) target_semaphore(%run_scoped3A : memref<!tpu.dma_semaphore, #tpu.memory_space<semaphore_mem>>)
        %dma_wait3A = tpu.memref_slice %arg2[%add3A_198] : memref<1003520xf32, #tpu.memory_space<hbm>> -> memref<1024xf32, #tpu.memory_space<hbm>>
        %dma_wait3A_220 = tpu.memref_slice %arg2[%add3A_198] : memref<1003520xf32, #tpu.memory_space<hbm>> -> memref<1024xf32, #tpu.memory_space<hbm>>
        tpu.wait_dma2 semaphore(%run_scoped3A : memref<!tpu.dma_semaphore, #tpu.memory_space<semaphore_mem>>) src(%dma_wait3A_220 : memref<1024xf32, #tpu.memory_space<hbm>>) dst(%arg8 : memref<1024xf32, #tpu.memory_space<vmem>>)
        tpu.yield
      }) : () -> ()
      "tpu.region"() ({
        %run_scoped3A = tpu.sem_alloc : memref<!tpu.dma_semaphore, #tpu.memory_space<semaphore_mem>>
        %dma_start3A = arith.constant 0 : i32
        %dma_start3A_219 = tpu.memref_slice %arg14[%dma_start3A] : memref<6144xf32, #tpu.memory_space<vmem_shared>> -> memref<6144xf32, #tpu.memory_space<vmem_shared>>
        tpu.enqueue_indirect_dma source(%arg8 : memref<1024xf32, #tpu.memory_space<vmem>>) target(%dma_start3A_219 : memref<6144xf32, #tpu.memory_space<vmem_shared>>) offsets(%arg7 : memref<1024xi32, #tpu.memory_space<vmem>>) semaphore(%run_scoped3A : memref<!tpu.dma_semaphore, #tpu.memory_space<semaphore_mem>>) {add = true}
        %dma_wait3A = arith.constant 0 : i32
        %dma_wait3A_220 = tpu.memref_slice %arg14[%dma_wait3A] : memref<6144xf32, #tpu.memory_space<vmem_shared>> -> memref<6144xf32, #tpu.memory_space<vmem_shared>>
        tpu.wait_indirect_dma semaphore(%run_scoped3A : memref<!tpu.dma_semaphore, #tpu.memory_space<semaphore_mem>>) src(%arg8 : memref<1024xf32, #tpu.memory_space<vmem>>) dst(%dma_wait3A_220 : memref<6144xf32, #tpu.memory_space<vmem_shared>>)
        tpu.yield
      }) : () -> ()
      %mul3A_199 = arith.constant 1024 : i32
      %mul3A_200 = arith.muli %add3A_176, %mul3A_199 : i32
      %add3A_201 = arith.constant 501760 : i32
      %add3A_202 = arith.addi %add3A_201, %mul3A_200 : i32
      "tpu.region"() ({
        %run_scoped3A = tpu.sem_alloc : memref<!tpu.dma_semaphore, #tpu.memory_space<semaphore_mem>>
        %dma_start3A = tpu.memref_slice %arg2[%add3A_202] : memref<1003520xf32, #tpu.memory_space<hbm>> -> memref<1024xf32, #tpu.memory_space<hbm>>
        %dma_start3A_219 = tpu.memref_slice %arg2[%add3A_202] : memref<1003520xf32, #tpu.memory_space<hbm>> -> memref<1024xf32, #tpu.memory_space<hbm>>
        tpu.enqueue_dma source(%dma_start3A_219 : memref<1024xf32, #tpu.memory_space<hbm>>) target(%arg8 : memref<1024xf32, #tpu.memory_space<vmem>>) target_semaphore(%run_scoped3A : memref<!tpu.dma_semaphore, #tpu.memory_space<semaphore_mem>>)
        %dma_wait3A = tpu.memref_slice %arg2[%add3A_202] : memref<1003520xf32, #tpu.memory_space<hbm>> -> memref<1024xf32, #tpu.memory_space<hbm>>
        %dma_wait3A_220 = tpu.memref_slice %arg2[%add3A_202] : memref<1003520xf32, #tpu.memory_space<hbm>> -> memref<1024xf32, #tpu.memory_space<hbm>>
        tpu.wait_dma2 semaphore(%run_scoped3A : memref<!tpu.dma_semaphore, #tpu.memory_space<semaphore_mem>>) src(%dma_wait3A_220 : memref<1024xf32, #tpu.memory_space<hbm>>) dst(%arg8 : memref<1024xf32, #tpu.memory_space<vmem>>)
        tpu.yield
      }) : () -> ()
      "tpu.region"() ({
        %run_scoped3A = tpu.sem_alloc : memref<!tpu.dma_semaphore, #tpu.memory_space<semaphore_mem>>
        %dma_start3A = arith.constant 0 : i32
        %dma_start3A_219 = tpu.memref_slice %arg15[%dma_start3A] : memref<6144xf32, #tpu.memory_space<vmem_shared>> -> memref<6144xf32, #tpu.memory_space<vmem_shared>>
        tpu.enqueue_indirect_dma source(%arg8 : memref<1024xf32, #tpu.memory_space<vmem>>) target(%dma_start3A_219 : memref<6144xf32, #tpu.memory_space<vmem_shared>>) offsets(%arg7 : memref<1024xi32, #tpu.memory_space<vmem>>) semaphore(%run_scoped3A : memref<!tpu.dma_semaphore, #tpu.memory_space<semaphore_mem>>) {add = true}
        %dma_wait3A = arith.constant 0 : i32
        %dma_wait3A_220 = tpu.memref_slice %arg15[%dma_wait3A] : memref<6144xf32, #tpu.memory_space<vmem_shared>> -> memref<6144xf32, #tpu.memory_space<vmem_shared>>
        tpu.wait_indirect_dma semaphore(%run_scoped3A : memref<!tpu.dma_semaphore, #tpu.memory_space<semaphore_mem>>) src(%arg8 : memref<1024xf32, #tpu.memory_space<vmem>>) dst(%dma_wait3A_220 : memref<6144xf32, #tpu.memory_space<vmem_shared>>)
        tpu.yield
      }) : () -> ()
      %mul3A_203 = arith.constant 1024 : i32
      %mul3A_204 = arith.muli %add3A_176, %mul3A_203 : i32
      %add3A_205 = arith.constant 602112 : i32
      %add3A_206 = arith.addi %add3A_205, %mul3A_204 : i32
      "tpu.region"() ({
        %run_scoped3A = tpu.sem_alloc : memref<!tpu.dma_semaphore, #tpu.memory_space<semaphore_mem>>
        %dma_start3A = tpu.memref_slice %arg2[%add3A_206] : memref<1003520xf32, #tpu.memory_space<hbm>> -> memref<1024xf32, #tpu.memory_space<hbm>>
        %dma_start3A_219 = tpu.memref_slice %arg2[%add3A_206] : memref<1003520xf32, #tpu.memory_space<hbm>> -> memref<1024xf32, #tpu.memory_space<hbm>>
        tpu.enqueue_dma source(%dma_start3A_219 : memref<1024xf32, #tpu.memory_space<hbm>>) target(%arg8 : memref<1024xf32, #tpu.memory_space<vmem>>) target_semaphore(%run_scoped3A : memref<!tpu.dma_semaphore, #tpu.memory_space<semaphore_mem>>)
        %dma_wait3A = tpu.memref_slice %arg2[%add3A_206] : memref<1003520xf32, #tpu.memory_space<hbm>> -> memref<1024xf32, #tpu.memory_space<hbm>>
        %dma_wait3A_220 = tpu.memref_slice %arg2[%add3A_206] : memref<1003520xf32, #tpu.memory_space<hbm>> -> memref<1024xf32, #tpu.memory_space<hbm>>
        tpu.wait_dma2 semaphore(%run_scoped3A : memref<!tpu.dma_semaphore, #tpu.memory_space<semaphore_mem>>) src(%dma_wait3A_220 : memref<1024xf32, #tpu.memory_space<hbm>>) dst(%arg8 : memref<1024xf32, #tpu.memory_space<vmem>>)
        tpu.yield
      }) : () -> ()
      "tpu.region"() ({
        %run_scoped3A = tpu.sem_alloc : memref<!tpu.dma_semaphore, #tpu.memory_space<semaphore_mem>>
        %dma_start3A = arith.constant 0 : i32
        %dma_start3A_219 = tpu.memref_slice %arg16[%dma_start3A] : memref<6144xf32, #tpu.memory_space<vmem_shared>> -> memref<6144xf32, #tpu.memory_space<vmem_shared>>
        tpu.enqueue_indirect_dma source(%arg8 : memref<1024xf32, #tpu.memory_space<vmem>>) target(%dma_start3A_219 : memref<6144xf32, #tpu.memory_space<vmem_shared>>) offsets(%arg7 : memref<1024xi32, #tpu.memory_space<vmem>>) semaphore(%run_scoped3A : memref<!tpu.dma_semaphore, #tpu.memory_space<semaphore_mem>>) {add = true}
        %dma_wait3A = arith.constant 0 : i32
        %dma_wait3A_220 = tpu.memref_slice %arg16[%dma_wait3A] : memref<6144xf32, #tpu.memory_space<vmem_shared>> -> memref<6144xf32, #tpu.memory_space<vmem_shared>>
        tpu.wait_indirect_dma semaphore(%run_scoped3A : memref<!tpu.dma_semaphore, #tpu.memory_space<semaphore_mem>>) src(%arg8 : memref<1024xf32, #tpu.memory_space<vmem>>) dst(%dma_wait3A_220 : memref<6144xf32, #tpu.memory_space<vmem_shared>>)
        tpu.yield
      }) : () -> ()
      %mul3A_207 = arith.constant 1024 : i32
      %mul3A_208 = arith.muli %add3A_176, %mul3A_207 : i32
      %add3A_209 = arith.constant 702464 : i32
      %add3A_210 = arith.addi %add3A_209, %mul3A_208 : i32
      "tpu.region"() ({
        %run_scoped3A = tpu.sem_alloc : memref<!tpu.dma_semaphore, #tpu.memory_space<semaphore_mem>>
        %dma_start3A = tpu.memref_slice %arg2[%add3A_210] : memref<1003520xf32, #tpu.memory_space<hbm>> -> memref<1024xf32, #tpu.memory_space<hbm>>
        %dma_start3A_219 = tpu.memref_slice %arg2[%add3A_210] : memref<1003520xf32, #tpu.memory_space<hbm>> -> memref<1024xf32, #tpu.memory_space<hbm>>
        tpu.enqueue_dma source(%dma_start3A_219 : memref<1024xf32, #tpu.memory_space<hbm>>) target(%arg8 : memref<1024xf32, #tpu.memory_space<vmem>>) target_semaphore(%run_scoped3A : memref<!tpu.dma_semaphore, #tpu.memory_space<semaphore_mem>>)
        %dma_wait3A = tpu.memref_slice %arg2[%add3A_210] : memref<1003520xf32, #tpu.memory_space<hbm>> -> memref<1024xf32, #tpu.memory_space<hbm>>
        %dma_wait3A_220 = tpu.memref_slice %arg2[%add3A_210] : memref<1003520xf32, #tpu.memory_space<hbm>> -> memref<1024xf32, #tpu.memory_space<hbm>>
        tpu.wait_dma2 semaphore(%run_scoped3A : memref<!tpu.dma_semaphore, #tpu.memory_space<semaphore_mem>>) src(%dma_wait3A_220 : memref<1024xf32, #tpu.memory_space<hbm>>) dst(%arg8 : memref<1024xf32, #tpu.memory_space<vmem>>)
        tpu.yield
      }) : () -> ()
      "tpu.region"() ({
        %run_scoped3A = tpu.sem_alloc : memref<!tpu.dma_semaphore, #tpu.memory_space<semaphore_mem>>
        %dma_start3A = arith.constant 0 : i32
        %dma_start3A_219 = tpu.memref_slice %arg17[%dma_start3A] : memref<6144xf32, #tpu.memory_space<vmem_shared>> -> memref<6144xf32, #tpu.memory_space<vmem_shared>>
        tpu.enqueue_indirect_dma source(%arg8 : memref<1024xf32, #tpu.memory_space<vmem>>) target(%dma_start3A_219 : memref<6144xf32, #tpu.memory_space<vmem_shared>>) offsets(%arg7 : memref<1024xi32, #tpu.memory_space<vmem>>) semaphore(%run_scoped3A : memref<!tpu.dma_semaphore, #tpu.memory_space<semaphore_mem>>) {add = true}
        %dma_wait3A = arith.constant 0 : i32
        %dma_wait3A_220 = tpu.memref_slice %arg17[%dma_wait3A] : memref<6144xf32, #tpu.memory_space<vmem_shared>> -> memref<6144xf32, #tpu.memory_space<vmem_shared>>
        tpu.wait_indirect_dma semaphore(%run_scoped3A : memref<!tpu.dma_semaphore, #tpu.memory_space<semaphore_mem>>) src(%arg8 : memref<1024xf32, #tpu.memory_space<vmem>>) dst(%dma_wait3A_220 : memref<6144xf32, #tpu.memory_space<vmem_shared>>)
        tpu.yield
      }) : () -> ()
      %mul3A_211 = arith.constant 1024 : i32
      %mul3A_212 = arith.muli %add3A_176, %mul3A_211 : i32
      %add3A_213 = arith.constant 802816 : i32
      %add3A_214 = arith.addi %add3A_213, %mul3A_212 : i32
      "tpu.region"() ({
        %run_scoped3A = tpu.sem_alloc : memref<!tpu.dma_semaphore, #tpu.memory_space<semaphore_mem>>
        %dma_start3A = tpu.memref_slice %arg2[%add3A_214] : memref<1003520xf32, #tpu.memory_space<hbm>> -> memref<1024xf32, #tpu.memory_space<hbm>>
        %dma_start3A_219 = tpu.memref_slice %arg2[%add3A_214] : memref<1003520xf32, #tpu.memory_space<hbm>> -> memref<1024xf32, #tpu.memory_space<hbm>>
        tpu.enqueue_dma source(%dma_start3A_219 : memref<1024xf32, #tpu.memory_space<hbm>>) target(%arg8 : memref<1024xf32, #tpu.memory_space<vmem>>) target_semaphore(%run_scoped3A : memref<!tpu.dma_semaphore, #tpu.memory_space<semaphore_mem>>)
        %dma_wait3A = tpu.memref_slice %arg2[%add3A_214] : memref<1003520xf32, #tpu.memory_space<hbm>> -> memref<1024xf32, #tpu.memory_space<hbm>>
        %dma_wait3A_220 = tpu.memref_slice %arg2[%add3A_214] : memref<1003520xf32, #tpu.memory_space<hbm>> -> memref<1024xf32, #tpu.memory_space<hbm>>
        tpu.wait_dma2 semaphore(%run_scoped3A : memref<!tpu.dma_semaphore, #tpu.memory_space<semaphore_mem>>) src(%dma_wait3A_220 : memref<1024xf32, #tpu.memory_space<hbm>>) dst(%arg8 : memref<1024xf32, #tpu.memory_space<vmem>>)
        tpu.yield
      }) : () -> ()
      "tpu.region"() ({
        %run_scoped3A = tpu.sem_alloc : memref<!tpu.dma_semaphore, #tpu.memory_space<semaphore_mem>>
        %dma_start3A = arith.constant 0 : i32
        %dma_start3A_219 = tpu.memref_slice %arg18[%dma_start3A] : memref<6144xf32, #tpu.memory_space<vmem_shared>> -> memref<6144xf32, #tpu.memory_space<vmem_shared>>
        tpu.enqueue_indirect_dma source(%arg8 : memref<1024xf32, #tpu.memory_space<vmem>>) target(%dma_start3A_219 : memref<6144xf32, #tpu.memory_space<vmem_shared>>) offsets(%arg7 : memref<1024xi32, #tpu.memory_space<vmem>>) semaphore(%run_scoped3A : memref<!tpu.dma_semaphore, #tpu.memory_space<semaphore_mem>>) {add = true}
        %dma_wait3A = arith.constant 0 : i32
        %dma_wait3A_220 = tpu.memref_slice %arg18[%dma_wait3A] : memref<6144xf32, #tpu.memory_space<vmem_shared>> -> memref<6144xf32, #tpu.memory_space<vmem_shared>>
        tpu.wait_indirect_dma semaphore(%run_scoped3A : memref<!tpu.dma_semaphore, #tpu.memory_space<semaphore_mem>>) src(%arg8 : memref<1024xf32, #tpu.memory_space<vmem>>) dst(%dma_wait3A_220 : memref<6144xf32, #tpu.memory_space<vmem_shared>>)
        tpu.yield
      }) : () -> ()
      %mul3A_215 = arith.constant 1024 : i32
      %mul3A_216 = arith.muli %add3A_176, %mul3A_215 : i32
      %add3A_217 = arith.constant 903168 : i32
      %add3A_218 = arith.addi %add3A_217, %mul3A_216 : i32
      "tpu.region"() ({
        %run_scoped3A = tpu.sem_alloc : memref<!tpu.dma_semaphore, #tpu.memory_space<semaphore_mem>>
        %dma_start3A = tpu.memref_slice %arg2[%add3A_218] : memref<1003520xf32, #tpu.memory_space<hbm>> -> memref<1024xf32, #tpu.memory_space<hbm>>
        %dma_start3A_219 = tpu.memref_slice %arg2[%add3A_218] : memref<1003520xf32, #tpu.memory_space<hbm>> -> memref<1024xf32, #tpu.memory_space<hbm>>
        tpu.enqueue_dma source(%dma_start3A_219 : memref<1024xf32, #tpu.memory_space<hbm>>) target(%arg8 : memref<1024xf32, #tpu.memory_space<vmem>>) target_semaphore(%run_scoped3A : memref<!tpu.dma_semaphore, #tpu.memory_space<semaphore_mem>>)
        %dma_wait3A = tpu.memref_slice %arg2[%add3A_218] : memref<1003520xf32, #tpu.memory_space<hbm>> -> memref<1024xf32, #tpu.memory_space<hbm>>
        %dma_wait3A_220 = tpu.memref_slice %arg2[%add3A_218] : memref<1003520xf32, #tpu.memory_space<hbm>> -> memref<1024xf32, #tpu.memory_space<hbm>>
        tpu.wait_dma2 semaphore(%run_scoped3A : memref<!tpu.dma_semaphore, #tpu.memory_space<semaphore_mem>>) src(%dma_wait3A_220 : memref<1024xf32, #tpu.memory_space<hbm>>) dst(%arg8 : memref<1024xf32, #tpu.memory_space<vmem>>)
        tpu.yield
      }) : () -> ()
      "tpu.region"() ({
        %run_scoped3A = tpu.sem_alloc : memref<!tpu.dma_semaphore, #tpu.memory_space<semaphore_mem>>
        %dma_start3A = arith.constant 0 : i32
        %dma_start3A_219 = tpu.memref_slice %arg19[%dma_start3A] : memref<6144xf32, #tpu.memory_space<vmem_shared>> -> memref<6144xf32, #tpu.memory_space<vmem_shared>>
        tpu.enqueue_indirect_dma source(%arg8 : memref<1024xf32, #tpu.memory_space<vmem>>) target(%dma_start3A_219 : memref<6144xf32, #tpu.memory_space<vmem_shared>>) offsets(%arg7 : memref<1024xi32, #tpu.memory_space<vmem>>) semaphore(%run_scoped3A : memref<!tpu.dma_semaphore, #tpu.memory_space<semaphore_mem>>) {add = true}
        %dma_wait3A = arith.constant 0 : i32
        %dma_wait3A_220 = tpu.memref_slice %arg19[%dma_wait3A] : memref<6144xf32, #tpu.memory_space<vmem_shared>> -> memref<6144xf32, #tpu.memory_space<vmem_shared>>
        tpu.wait_indirect_dma semaphore(%run_scoped3A : memref<!tpu.dma_semaphore, #tpu.memory_space<semaphore_mem>>) src(%arg8 : memref<1024xf32, #tpu.memory_space<vmem>>) dst(%dma_wait3A_220 : memref<6144xf32, #tpu.memory_space<vmem_shared>>)
        tpu.yield
      }) : () -> ()
      "tpu.region"() ({
        %run_scoped3A = tpu.sem_alloc : memref<!tpu.dma_semaphore, #tpu.memory_space<semaphore_mem>>
        %dma_start3A = arith.constant 0 : i32
        %dma_start3A_219 = tpu.memref_slice %arg20[%dma_start3A] : memref<6144xf32, #tpu.memory_space<vmem_shared>> -> memref<6144xf32, #tpu.memory_space<vmem_shared>>
        tpu.enqueue_indirect_dma source(%arg9 : memref<1024xf32, #tpu.memory_space<vmem>>) target(%dma_start3A_219 : memref<6144xf32, #tpu.memory_space<vmem_shared>>) offsets(%arg7 : memref<1024xi32, #tpu.memory_space<vmem>>) semaphore(%run_scoped3A : memref<!tpu.dma_semaphore, #tpu.memory_space<semaphore_mem>>) {add = true}
        %dma_wait3A = arith.constant 0 : i32
        %dma_wait3A_220 = tpu.memref_slice %arg20[%dma_wait3A] : memref<6144xf32, #tpu.memory_space<vmem_shared>> -> memref<6144xf32, #tpu.memory_space<vmem_shared>>
        tpu.wait_indirect_dma semaphore(%run_scoped3A : memref<!tpu.dma_semaphore, #tpu.memory_space<semaphore_mem>>) src(%arg9 : memref<1024xf32, #tpu.memory_space<vmem>>) dst(%dma_wait3A_220 : memref<6144xf32, #tpu.memory_space<vmem_shared>>)
        tpu.yield
      }) : () -> ()
    }
    %barrier3A_51 = arith.constant 0 : index
    tpu.barrier barrier_id(%barrier3A_51)
    %mul3A_52 = arith.constant 384 : i32
    %mul3A_53 = arith.muli %arg1, %mul3A_52 : i32
    %mul3A_54 = arith.constant 11 : i32
    %mul3A_55 = arith.muli %arg0, %mul3A_54 : i32
    %add3A_56 = arith.constant 0 : i32
    %add3A_57 = arith.addi %mul3A_55, %add3A_56 : i32
    %mul3A_58 = arith.constant 6144 : i32
    %mul3A_59 = arith.muli %add3A_57, %mul3A_58 : i32
    %mul3A_60 = arith.constant 384 : i32
    %mul3A_61 = arith.muli %arg1, %mul3A_60 : i32
    %add3A_62 = arith.addi %mul3A_59, %mul3A_61 : i32
    "tpu.region"() ({
      %run_scoped3A = tpu.sem_alloc : memref<!tpu.dma_semaphore, #tpu.memory_space<semaphore_mem>>
      %dma_start3A = tpu.memref_slice %arg6[%add3A_62] : memref<135168xf32, #tpu.memory_space<hbm>> -> memref<384xf32, #tpu.memory_space<hbm>>
      %dma_start3A_173 = tpu.memref_slice %arg10[%mul3A_53] : memref<6144xf32, #tpu.memory_space<vmem_shared>> -> memref<384xf32, #tpu.memory_space<vmem_shared>>
      tpu.enqueue_dma source(%dma_start3A_173 : memref<384xf32, #tpu.memory_space<vmem_shared>>) target(%dma_start3A : memref<384xf32, #tpu.memory_space<hbm>>) target_semaphore(%run_scoped3A : memref<!tpu.dma_semaphore, #tpu.memory_space<semaphore_mem>>)
      %dma_wait3A = tpu.memref_slice %arg6[%add3A_62] : memref<135168xf32, #tpu.memory_space<hbm>> -> memref<384xf32, #tpu.memory_space<hbm>>
      %dma_wait3A_174 = tpu.memref_slice %arg10[%mul3A_53] : memref<6144xf32, #tpu.memory_space<vmem_shared>> -> memref<384xf32, #tpu.memory_space<vmem_shared>>
      tpu.wait_dma2 semaphore(%run_scoped3A : memref<!tpu.dma_semaphore, #tpu.memory_space<semaphore_mem>>) src(%dma_wait3A_174 : memref<384xf32, #tpu.memory_space<vmem_shared>>) dst(%dma_wait3A : memref<384xf32, #tpu.memory_space<hbm>>)
      tpu.yield
    }) : () -> ()
    %mul3A_63 = arith.constant 384 : i32
    %mul3A_64 = arith.muli %arg1, %mul3A_63 : i32
    %mul3A_65 = arith.constant 11 : i32
    %mul3A_66 = arith.muli %arg0, %mul3A_65 : i32
    %add3A_67 = arith.constant 1 : i32
    %add3A_68 = arith.addi %mul3A_66, %add3A_67 : i32
    %mul3A_69 = arith.constant 6144 : i32
    %mul3A_70 = arith.muli %add3A_68, %mul3A_69 : i32
    %mul3A_71 = arith.constant 384 : i32
    %mul3A_72 = arith.muli %arg1, %mul3A_71 : i32
    %add3A_73 = arith.addi %mul3A_70, %mul3A_72 : i32
    "tpu.region"() ({
      %run_scoped3A = tpu.sem_alloc : memref<!tpu.dma_semaphore, #tpu.memory_space<semaphore_mem>>
      %dma_start3A = tpu.memref_slice %arg6[%add3A_73] : memref<135168xf32, #tpu.memory_space<hbm>> -> memref<384xf32, #tpu.memory_space<hbm>>
      %dma_start3A_173 = tpu.memref_slice %arg11[%mul3A_64] : memref<6144xf32, #tpu.memory_space<vmem_shared>> -> memref<384xf32, #tpu.memory_space<vmem_shared>>
      tpu.enqueue_dma source(%dma_start3A_173 : memref<384xf32, #tpu.memory_space<vmem_shared>>) target(%dma_start3A : memref<384xf32, #tpu.memory_space<hbm>>) target_semaphore(%run_scoped3A : memref<!tpu.dma_semaphore, #tpu.memory_space<semaphore_mem>>)
      %dma_wait3A = tpu.memref_slice %arg6[%add3A_73] : memref<135168xf32, #tpu.memory_space<hbm>> -> memref<384xf32, #tpu.memory_space<hbm>>
      %dma_wait3A_174 = tpu.memref_slice %arg11[%mul3A_64] : memref<6144xf32, #tpu.memory_space<vmem_shared>> -> memref<384xf32, #tpu.memory_space<vmem_shared>>
      tpu.wait_dma2 semaphore(%run_scoped3A : memref<!tpu.dma_semaphore, #tpu.memory_space<semaphore_mem>>) src(%dma_wait3A_174 : memref<384xf32, #tpu.memory_space<vmem_shared>>) dst(%dma_wait3A : memref<384xf32, #tpu.memory_space<hbm>>)
      tpu.yield
    }) : () -> ()
    %mul3A_74 = arith.constant 384 : i32
    %mul3A_75 = arith.muli %arg1, %mul3A_74 : i32
    %mul3A_76 = arith.constant 11 : i32
    %mul3A_77 = arith.muli %arg0, %mul3A_76 : i32
    %add3A_78 = arith.constant 2 : i32
    %add3A_79 = arith.addi %mul3A_77, %add3A_78 : i32
    %mul3A_80 = arith.constant 6144 : i32
    %mul3A_81 = arith.muli %add3A_79, %mul3A_80 : i32
    %mul3A_82 = arith.constant 384 : i32
    %mul3A_83 = arith.muli %arg1, %mul3A_82 : i32
    %add3A_84 = arith.addi %mul3A_81, %mul3A_83 : i32
    "tpu.region"() ({
      %run_scoped3A = tpu.sem_alloc : memref<!tpu.dma_semaphore, #tpu.memory_space<semaphore_mem>>
      %dma_start3A = tpu.memref_slice %arg6[%add3A_84] : memref<135168xf32, #tpu.memory_space<hbm>> -> memref<384xf32, #tpu.memory_space<hbm>>
      %dma_start3A_173 = tpu.memref_slice %arg12[%mul3A_75] : memref<6144xf32, #tpu.memory_space<vmem_shared>> -> memref<384xf32, #tpu.memory_space<vmem_shared>>
      tpu.enqueue_dma source(%dma_start3A_173 : memref<384xf32, #tpu.memory_space<vmem_shared>>) target(%dma_start3A : memref<384xf32, #tpu.memory_space<hbm>>) target_semaphore(%run_scoped3A : memref<!tpu.dma_semaphore, #tpu.memory_space<semaphore_mem>>)
      %dma_wait3A = tpu.memref_slice %arg6[%add3A_84] : memref<135168xf32, #tpu.memory_space<hbm>> -> memref<384xf32, #tpu.memory_space<hbm>>
      %dma_wait3A_174 = tpu.memref_slice %arg12[%mul3A_75] : memref<6144xf32, #tpu.memory_space<vmem_shared>> -> memref<384xf32, #tpu.memory_space<vmem_shared>>
      tpu.wait_dma2 semaphore(%run_scoped3A : memref<!tpu.dma_semaphore, #tpu.memory_space<semaphore_mem>>) src(%dma_wait3A_174 : memref<384xf32, #tpu.memory_space<vmem_shared>>) dst(%dma_wait3A : memref<384xf32, #tpu.memory_space<hbm>>)
      tpu.yield
    }) : () -> ()
    %mul3A_85 = arith.constant 384 : i32
    %mul3A_86 = arith.muli %arg1, %mul3A_85 : i32
    %mul3A_87 = arith.constant 11 : i32
    %mul3A_88 = arith.muli %arg0, %mul3A_87 : i32
    %add3A_89 = arith.constant 3 : i32
    %add3A_90 = arith.addi %mul3A_88, %add3A_89 : i32
    %mul3A_91 = arith.constant 6144 : i32
    %mul3A_92 = arith.muli %add3A_90, %mul3A_91 : i32
    %mul3A_93 = arith.constant 384 : i32
    %mul3A_94 = arith.muli %arg1, %mul3A_93 : i32
    %add3A_95 = arith.addi %mul3A_92, %mul3A_94 : i32
    "tpu.region"() ({
      %run_scoped3A = tpu.sem_alloc : memref<!tpu.dma_semaphore, #tpu.memory_space<semaphore_mem>>
      %dma_start3A = tpu.memref_slice %arg6[%add3A_95] : memref<135168xf32, #tpu.memory_space<hbm>> -> memref<384xf32, #tpu.memory_space<hbm>>
      %dma_start3A_173 = tpu.memref_slice %arg13[%mul3A_86] : memref<6144xf32, #tpu.memory_space<vmem_shared>> -> memref<384xf32, #tpu.memory_space<vmem_shared>>
      tpu.enqueue_dma source(%dma_start3A_173 : memref<384xf32, #tpu.memory_space<vmem_shared>>) target(%dma_start3A : memref<384xf32, #tpu.memory_space<hbm>>) target_semaphore(%run_scoped3A : memref<!tpu.dma_semaphore, #tpu.memory_space<semaphore_mem>>)
      %dma_wait3A = tpu.memref_slice %arg6[%add3A_95] : memref<135168xf32, #tpu.memory_space<hbm>> -> memref<384xf32, #tpu.memory_space<hbm>>
      %dma_wait3A_174 = tpu.memref_slice %arg13[%mul3A_86] : memref<6144xf32, #tpu.memory_space<vmem_shared>> -> memref<384xf32, #tpu.memory_space<vmem_shared>>
      tpu.wait_dma2 semaphore(%run_scoped3A : memref<!tpu.dma_semaphore, #tpu.memory_space<semaphore_mem>>) src(%dma_wait3A_174 : memref<384xf32, #tpu.memory_space<vmem_shared>>) dst(%dma_wait3A : memref<384xf32, #tpu.memory_space<hbm>>)
      tpu.yield
    }) : () -> ()
    %mul3A_96 = arith.constant 384 : i32
    %mul3A_97 = arith.muli %arg1, %mul3A_96 : i32
    %mul3A_98 = arith.constant 11 : i32
    %mul3A_99 = arith.muli %arg0, %mul3A_98 : i32
    %add3A_100 = arith.constant 4 : i32
    %add3A_101 = arith.addi %mul3A_99, %add3A_100 : i32
    %mul3A_102 = arith.constant 6144 : i32
    %mul3A_103 = arith.muli %add3A_101, %mul3A_102 : i32
    %mul3A_104 = arith.constant 384 : i32
    %mul3A_105 = arith.muli %arg1, %mul3A_104 : i32
    %add3A_106 = arith.addi %mul3A_103, %mul3A_105 : i32
    "tpu.region"() ({
      %run_scoped3A = tpu.sem_alloc : memref<!tpu.dma_semaphore, #tpu.memory_space<semaphore_mem>>
      %dma_start3A = tpu.memref_slice %arg6[%add3A_106] : memref<135168xf32, #tpu.memory_space<hbm>> -> memref<384xf32, #tpu.memory_space<hbm>>
      %dma_start3A_173 = tpu.memref_slice %arg14[%mul3A_97] : memref<6144xf32, #tpu.memory_space<vmem_shared>> -> memref<384xf32, #tpu.memory_space<vmem_shared>>
      tpu.enqueue_dma source(%dma_start3A_173 : memref<384xf32, #tpu.memory_space<vmem_shared>>) target(%dma_start3A : memref<384xf32, #tpu.memory_space<hbm>>) target_semaphore(%run_scoped3A : memref<!tpu.dma_semaphore, #tpu.memory_space<semaphore_mem>>)
      %dma_wait3A = tpu.memref_slice %arg6[%add3A_106] : memref<135168xf32, #tpu.memory_space<hbm>> -> memref<384xf32, #tpu.memory_space<hbm>>
      %dma_wait3A_174 = tpu.memref_slice %arg14[%mul3A_97] : memref<6144xf32, #tpu.memory_space<vmem_shared>> -> memref<384xf32, #tpu.memory_space<vmem_shared>>
      tpu.wait_dma2 semaphore(%run_scoped3A : memref<!tpu.dma_semaphore, #tpu.memory_space<semaphore_mem>>) src(%dma_wait3A_174 : memref<384xf32, #tpu.memory_space<vmem_shared>>) dst(%dma_wait3A : memref<384xf32, #tpu.memory_space<hbm>>)
      tpu.yield
    }) : () -> ()
    %mul3A_107 = arith.constant 384 : i32
    %mul3A_108 = arith.muli %arg1, %mul3A_107 : i32
    %mul3A_109 = arith.constant 11 : i32
    %mul3A_110 = arith.muli %arg0, %mul3A_109 : i32
    %add3A_111 = arith.constant 5 : i32
    %add3A_112 = arith.addi %mul3A_110, %add3A_111 : i32
    %mul3A_113 = arith.constant 6144 : i32
    %mul3A_114 = arith.muli %add3A_112, %mul3A_113 : i32
    %mul3A_115 = arith.constant 384 : i32
    %mul3A_116 = arith.muli %arg1, %mul3A_115 : i32
    %add3A_117 = arith.addi %mul3A_114, %mul3A_116 : i32
    "tpu.region"() ({
      %run_scoped3A = tpu.sem_alloc : memref<!tpu.dma_semaphore, #tpu.memory_space<semaphore_mem>>
      %dma_start3A = tpu.memref_slice %arg6[%add3A_117] : memref<135168xf32, #tpu.memory_space<hbm>> -> memref<384xf32, #tpu.memory_space<hbm>>
      %dma_start3A_173 = tpu.memref_slice %arg15[%mul3A_108] : memref<6144xf32, #tpu.memory_space<vmem_shared>> -> memref<384xf32, #tpu.memory_space<vmem_shared>>
      tpu.enqueue_dma source(%dma_start3A_173 : memref<384xf32, #tpu.memory_space<vmem_shared>>) target(%dma_start3A : memref<384xf32, #tpu.memory_space<hbm>>) target_semaphore(%run_scoped3A : memref<!tpu.dma_semaphore, #tpu.memory_space<semaphore_mem>>)
      %dma_wait3A = tpu.memref_slice %arg6[%add3A_117] : memref<135168xf32, #tpu.memory_space<hbm>> -> memref<384xf32, #tpu.memory_space<hbm>>
      %dma_wait3A_174 = tpu.memref_slice %arg15[%mul3A_108] : memref<6144xf32, #tpu.memory_space<vmem_shared>> -> memref<384xf32, #tpu.memory_space<vmem_shared>>
      tpu.wait_dma2 semaphore(%run_scoped3A : memref<!tpu.dma_semaphore, #tpu.memory_space<semaphore_mem>>) src(%dma_wait3A_174 : memref<384xf32, #tpu.memory_space<vmem_shared>>) dst(%dma_wait3A : memref<384xf32, #tpu.memory_space<hbm>>)
      tpu.yield
    }) : () -> ()
    %mul3A_118 = arith.constant 384 : i32
    %mul3A_119 = arith.muli %arg1, %mul3A_118 : i32
    %mul3A_120 = arith.constant 11 : i32
    %mul3A_121 = arith.muli %arg0, %mul3A_120 : i32
    %add3A_122 = arith.constant 6 : i32
    %add3A_123 = arith.addi %mul3A_121, %add3A_122 : i32
    %mul3A_124 = arith.constant 6144 : i32
    %mul3A_125 = arith.muli %add3A_123, %mul3A_124 : i32
    %mul3A_126 = arith.constant 384 : i32
    %mul3A_127 = arith.muli %arg1, %mul3A_126 : i32
    %add3A_128 = arith.addi %mul3A_125, %mul3A_127 : i32
    "tpu.region"() ({
      %run_scoped3A = tpu.sem_alloc : memref<!tpu.dma_semaphore, #tpu.memory_space<semaphore_mem>>
      %dma_start3A = tpu.memref_slice %arg6[%add3A_128] : memref<135168xf32, #tpu.memory_space<hbm>> -> memref<384xf32, #tpu.memory_space<hbm>>
      %dma_start3A_173 = tpu.memref_slice %arg16[%mul3A_119] : memref<6144xf32, #tpu.memory_space<vmem_shared>> -> memref<384xf32, #tpu.memory_space<vmem_shared>>
      tpu.enqueue_dma source(%dma_start3A_173 : memref<384xf32, #tpu.memory_space<vmem_shared>>) target(%dma_start3A : memref<384xf32, #tpu.memory_space<hbm>>) target_semaphore(%run_scoped3A : memref<!tpu.dma_semaphore, #tpu.memory_space<semaphore_mem>>)
      %dma_wait3A = tpu.memref_slice %arg6[%add3A_128] : memref<135168xf32, #tpu.memory_space<hbm>> -> memref<384xf32, #tpu.memory_space<hbm>>
      %dma_wait3A_174 = tpu.memref_slice %arg16[%mul3A_119] : memref<6144xf32, #tpu.memory_space<vmem_shared>> -> memref<384xf32, #tpu.memory_space<vmem_shared>>
      tpu.wait_dma2 semaphore(%run_scoped3A : memref<!tpu.dma_semaphore, #tpu.memory_space<semaphore_mem>>) src(%dma_wait3A_174 : memref<384xf32, #tpu.memory_space<vmem_shared>>) dst(%dma_wait3A : memref<384xf32, #tpu.memory_space<hbm>>)
      tpu.yield
    }) : () -> ()
    %mul3A_129 = arith.constant 384 : i32
    %mul3A_130 = arith.muli %arg1, %mul3A_129 : i32
    %mul3A_131 = arith.constant 11 : i32
    %mul3A_132 = arith.muli %arg0, %mul3A_131 : i32
    %add3A_133 = arith.constant 7 : i32
    %add3A_134 = arith.addi %mul3A_132, %add3A_133 : i32
    %mul3A_135 = arith.constant 6144 : i32
    %mul3A_136 = arith.muli %add3A_134, %mul3A_135 : i32
    %mul3A_137 = arith.constant 384 : i32
    %mul3A_138 = arith.muli %arg1, %mul3A_137 : i32
    %add3A_139 = arith.addi %mul3A_136, %mul3A_138 : i32
    "tpu.region"() ({
      %run_scoped3A = tpu.sem_alloc : memref<!tpu.dma_semaphore, #tpu.memory_space<semaphore_mem>>
      %dma_start3A = tpu.memref_slice %arg6[%add3A_139] : memref<135168xf32, #tpu.memory_space<hbm>> -> memref<384xf32, #tpu.memory_space<hbm>>
      %dma_start3A_173 = tpu.memref_slice %arg17[%mul3A_130] : memref<6144xf32, #tpu.memory_space<vmem_shared>> -> memref<384xf32, #tpu.memory_space<vmem_shared>>
      tpu.enqueue_dma source(%dma_start3A_173 : memref<384xf32, #tpu.memory_space<vmem_shared>>) target(%dma_start3A : memref<384xf32, #tpu.memory_space<hbm>>) target_semaphore(%run_scoped3A : memref<!tpu.dma_semaphore, #tpu.memory_space<semaphore_mem>>)
      %dma_wait3A = tpu.memref_slice %arg6[%add3A_139] : memref<135168xf32, #tpu.memory_space<hbm>> -> memref<384xf32, #tpu.memory_space<hbm>>
      %dma_wait3A_174 = tpu.memref_slice %arg17[%mul3A_130] : memref<6144xf32, #tpu.memory_space<vmem_shared>> -> memref<384xf32, #tpu.memory_space<vmem_shared>>
      tpu.wait_dma2 semaphore(%run_scoped3A : memref<!tpu.dma_semaphore, #tpu.memory_space<semaphore_mem>>) src(%dma_wait3A_174 : memref<384xf32, #tpu.memory_space<vmem_shared>>) dst(%dma_wait3A : memref<384xf32, #tpu.memory_space<hbm>>)
      tpu.yield
    }) : () -> ()
    %mul3A_140 = arith.constant 384 : i32
    %mul3A_141 = arith.muli %arg1, %mul3A_140 : i32
    %mul3A_142 = arith.constant 11 : i32
    %mul3A_143 = arith.muli %arg0, %mul3A_142 : i32
    %add3A_144 = arith.constant 8 : i32
    %add3A_145 = arith.addi %mul3A_143, %add3A_144 : i32
    %mul3A_146 = arith.constant 6144 : i32
    %mul3A_147 = arith.muli %add3A_145, %mul3A_146 : i32
    %mul3A_148 = arith.constant 384 : i32
    %mul3A_149 = arith.muli %arg1, %mul3A_148 : i32
    %add3A_150 = arith.addi %mul3A_147, %mul3A_149 : i32
    "tpu.region"() ({
      %run_scoped3A = tpu.sem_alloc : memref<!tpu.dma_semaphore, #tpu.memory_space<semaphore_mem>>
      %dma_start3A = tpu.memref_slice %arg6[%add3A_150] : memref<135168xf32, #tpu.memory_space<hbm>> -> memref<384xf32, #tpu.memory_space<hbm>>
      %dma_start3A_173 = tpu.memref_slice %arg18[%mul3A_141] : memref<6144xf32, #tpu.memory_space<vmem_shared>> -> memref<384xf32, #tpu.memory_space<vmem_shared>>
      tpu.enqueue_dma source(%dma_start3A_173 : memref<384xf32, #tpu.memory_space<vmem_shared>>) target(%dma_start3A : memref<384xf32, #tpu.memory_space<hbm>>) target_semaphore(%run_scoped3A : memref<!tpu.dma_semaphore, #tpu.memory_space<semaphore_mem>>)
      %dma_wait3A = tpu.memref_slice %arg6[%add3A_150] : memref<135168xf32, #tpu.memory_space<hbm>> -> memref<384xf32, #tpu.memory_space<hbm>>
      %dma_wait3A_174 = tpu.memref_slice %arg18[%mul3A_141] : memref<6144xf32, #tpu.memory_space<vmem_shared>> -> memref<384xf32, #tpu.memory_space<vmem_shared>>
      tpu.wait_dma2 semaphore(%run_scoped3A : memref<!tpu.dma_semaphore, #tpu.memory_space<semaphore_mem>>) src(%dma_wait3A_174 : memref<384xf32, #tpu.memory_space<vmem_shared>>) dst(%dma_wait3A : memref<384xf32, #tpu.memory_space<hbm>>)
      tpu.yield
    }) : () -> ()
    %mul3A_151 = arith.constant 384 : i32
    %mul3A_152 = arith.muli %arg1, %mul3A_151 : i32
    %mul3A_153 = arith.constant 11 : i32
    %mul3A_154 = arith.muli %arg0, %mul3A_153 : i32
    %add3A_155 = arith.constant 9 : i32
    %add3A_156 = arith.addi %mul3A_154, %add3A_155 : i32
    %mul3A_157 = arith.constant 6144 : i32
    %mul3A_158 = arith.muli %add3A_156, %mul3A_157 : i32
    %mul3A_159 = arith.constant 384 : i32
    %mul3A_160 = arith.muli %arg1, %mul3A_159 : i32
    %add3A_161 = arith.addi %mul3A_158, %mul3A_160 : i32
    "tpu.region"() ({
      %run_scoped3A = tpu.sem_alloc : memref<!tpu.dma_semaphore, #tpu.memory_space<semaphore_mem>>
      %dma_start3A = tpu.memref_slice %arg6[%add3A_161] : memref<135168xf32, #tpu.memory_space<hbm>> -> memref<384xf32, #tpu.memory_space<hbm>>
      %dma_start3A_173 = tpu.memref_slice %arg19[%mul3A_152] : memref<6144xf32, #tpu.memory_space<vmem_shared>> -> memref<384xf32, #tpu.memory_space<vmem_shared>>
      tpu.enqueue_dma source(%dma_start3A_173 : memref<384xf32, #tpu.memory_space<vmem_shared>>) target(%dma_start3A : memref<384xf32, #tpu.memory_space<hbm>>) target_semaphore(%run_scoped3A : memref<!tpu.dma_semaphore, #tpu.memory_space<semaphore_mem>>)
      %dma_wait3A = tpu.memref_slice %arg6[%add3A_161] : memref<135168xf32, #tpu.memory_space<hbm>> -> memref<384xf32, #tpu.memory_space<hbm>>
      %dma_wait3A_174 = tpu.memref_slice %arg19[%mul3A_152] : memref<6144xf32, #tpu.memory_space<vmem_shared>> -> memref<384xf32, #tpu.memory_space<vmem_shared>>
      tpu.wait_dma2 semaphore(%run_scoped3A : memref<!tpu.dma_semaphore, #tpu.memory_space<semaphore_mem>>) src(%dma_wait3A_174 : memref<384xf32, #tpu.memory_space<vmem_shared>>) dst(%dma_wait3A : memref<384xf32, #tpu.memory_space<hbm>>)
      tpu.yield
    }) : () -> ()
    %mul3A_162 = arith.constant 384 : i32
    %mul3A_163 = arith.muli %arg1, %mul3A_162 : i32
    %mul3A_164 = arith.constant 11 : i32
    %mul3A_165 = arith.muli %arg0, %mul3A_164 : i32
    %add3A_166 = arith.constant 10 : i32
    %add3A_167 = arith.addi %mul3A_165, %add3A_166 : i32
    %mul3A_168 = arith.constant 6144 : i32
    %mul3A_169 = arith.muli %add3A_167, %mul3A_168 : i32
    %mul3A_170 = arith.constant 384 : i32
    %mul3A_171 = arith.muli %arg1, %mul3A_170 : i32
    %add3A_172 = arith.addi %mul3A_169, %mul3A_171 : i32
    "tpu.region"() ({
      %run_scoped3A = tpu.sem_alloc : memref<!tpu.dma_semaphore, #tpu.memory_space<semaphore_mem>>
      %dma_start3A = tpu.memref_slice %arg6[%add3A_172] : memref<135168xf32, #tpu.memory_space<hbm>> -> memref<384xf32, #tpu.memory_space<hbm>>
      %dma_start3A_173 = tpu.memref_slice %arg20[%mul3A_163] : memref<6144xf32, #tpu.memory_space<vmem_shared>> -> memref<384xf32, #tpu.memory_space<vmem_shared>>
      tpu.enqueue_dma source(%dma_start3A_173 : memref<384xf32, #tpu.memory_space<vmem_shared>>) target(%dma_start3A : memref<384xf32, #tpu.memory_space<hbm>>) target_semaphore(%run_scoped3A : memref<!tpu.dma_semaphore, #tpu.memory_space<semaphore_mem>>)
      %dma_wait3A = tpu.memref_slice %arg6[%add3A_172] : memref<135168xf32, #tpu.memory_space<hbm>> -> memref<384xf32, #tpu.memory_space<hbm>>
      %dma_wait3A_174 = tpu.memref_slice %arg20[%mul3A_163] : memref<6144xf32, #tpu.memory_space<vmem_shared>> -> memref<384xf32, #tpu.memory_space<vmem_shared>>
      tpu.wait_dma2 semaphore(%run_scoped3A : memref<!tpu.dma_semaphore, #tpu.memory_space<semaphore_mem>>) src(%dma_wait3A_174 : memref<384xf32, #tpu.memory_space<vmem_shared>>) dst(%dma_wait3A : memref<384xf32, #tpu.memory_space<hbm>>)
      tpu.yield
    }) : () -> ()
    return
  }
}

#map = affine_map<(d0, d1) -> (0)>
module attributes {stable_mosaic.version = 14 : i64} {
  func.func @_prep(%arg0: i32, %arg1: i32, %arg2: memref<100352xf32, #tpu.memory_space<hbm>>, %arg3: memref<100352xf32, #tpu.memory_space<hbm>>, %arg4: memref<100352xf32, #tpu.memory_space<hbm>>, %arg5: memref<3276800xi32, #tpu.memory_space<hbm>>, %arg6: memref<3276800xi32, #tpu.memory_space<hbm>>, %arg7: memref<3276800xf32, #tpu.memory_space<hbm>>, %arg8: memref<1024xi32, #tpu.memory_space<vmem>>, %arg9: memref<1024xi32, #tpu.memory_space<vmem>>, %arg10: memref<1024xi32, #tpu.memory_space<vmem>>, %arg11: memref<1024xi32, #tpu.memory_space<vmem>>, %arg12: memref<1024xf32, #tpu.memory_space<vmem>>, %arg13: memref<1024xf32, #tpu.memory_space<vmem>>, %arg14: memref<1024xf32, #tpu.memory_space<vmem>>, %arg15: memref<1024xf32, #tpu.memory_space<vmem>>, %arg16: memref<1024xf32, #tpu.memory_space<vmem>>, %arg17: memref<1024xf32, #tpu.memory_space<vmem>>, %arg18: memref<1024xf32, #tpu.memory_space<vmem>>, %arg19: memref<1024xf32, #tpu.memory_space<vmem>>, %arg20: memref<1024xf32, #tpu.memory_space<vmem>>, %arg21: memref<1024xf32, #tpu.memory_space<vmem>>, %arg22: memref<1024xf32, #tpu.memory_space<vmem>>, %arg23: memref<1024xf32, #tpu.memory_space<vmem>>, %arg24: memref<1024xf32, #tpu.memory_space<vmem>>, %arg25: memref<1024xf32, #tpu.memory_space<vmem>>, %arg26: memref<!tpu.dma_semaphore, #tpu.memory_space<semaphore_mem>>, %arg27: memref<!tpu.dma_semaphore, #tpu.memory_space<semaphore_mem>>) attributes {dimension_semantics = [#tpu.dimension_semantics<core_parallel>, #tpu.dimension_semantics<subcore_parallel>], iteration_bounds = array<i64: 2, 16>, scalar_prefetch = 0 : i64, scratch_operands = 20 : i64, tpu.core_type = #tpu.core_type<sc_vector_subcore>, window_params = [{transform_indices = #map}, {transform_indices = #map}, {transform_indices = #map}, {transform_indices = #map}, {transform_indices = #map}, {transform_indices = #map}]} {
    %mul3A = arith.constant 2 : i32
    %mul3A_0 = arith.muli %arg1, %mul3A : i32
    %add3A = arith.addi %mul3A_0, %arg0 : i32
    %iota3A = tpu.iota {dimensions = array<i32: 0>} : vector<16xi32>
    %mul3A_1 = arith.constant 102400 : i32
    %mul3A_2 = arith.muli %add3A, %mul3A_1 : i32
    %add3A_3 = arith.constant 0 : i32
    %add3A_4 = arith.addi %mul3A_2, %add3A_3 : i32
    "tpu.region"() ({
      %run_scoped3A = tpu.sem_alloc : memref<!tpu.dma_semaphore, #tpu.memory_space<semaphore_mem>>
      %dma_start3A_32 = tpu.memref_slice %arg5[%add3A_4] : memref<3276800xi32, #tpu.memory_space<hbm>> -> memref<1024xi32, #tpu.memory_space<hbm>>
      %dma_start3A_33 = tpu.memref_slice %arg5[%add3A_4] : memref<3276800xi32, #tpu.memory_space<hbm>> -> memref<1024xi32, #tpu.memory_space<hbm>>
      tpu.enqueue_dma source(%dma_start3A_33 : memref<1024xi32, #tpu.memory_space<hbm>>) target(%arg8 : memref<1024xi32, #tpu.memory_space<vmem>>) target_semaphore(%run_scoped3A : memref<!tpu.dma_semaphore, #tpu.memory_space<semaphore_mem>>)
      %dma_wait3A_34 = tpu.memref_slice %arg5[%add3A_4] : memref<3276800xi32, #tpu.memory_space<hbm>> -> memref<1024xi32, #tpu.memory_space<hbm>>
      %dma_wait3A_35 = tpu.memref_slice %arg5[%add3A_4] : memref<3276800xi32, #tpu.memory_space<hbm>> -> memref<1024xi32, #tpu.memory_space<hbm>>
      tpu.wait_dma2 semaphore(%run_scoped3A : memref<!tpu.dma_semaphore, #tpu.memory_space<semaphore_mem>>) src(%dma_wait3A_35 : memref<1024xi32, #tpu.memory_space<hbm>>) dst(%arg8 : memref<1024xi32, #tpu.memory_space<vmem>>)
      tpu.yield
    }) : () -> ()
    "tpu.region"() ({
      %run_scoped3A = tpu.sem_alloc : memref<!tpu.dma_semaphore, #tpu.memory_space<semaphore_mem>>
      %dma_start3A_32 = tpu.memref_slice %arg6[%add3A_4] : memref<3276800xi32, #tpu.memory_space<hbm>> -> memref<1024xi32, #tpu.memory_space<hbm>>
      %dma_start3A_33 = tpu.memref_slice %arg6[%add3A_4] : memref<3276800xi32, #tpu.memory_space<hbm>> -> memref<1024xi32, #tpu.memory_space<hbm>>
      tpu.enqueue_dma source(%dma_start3A_33 : memref<1024xi32, #tpu.memory_space<hbm>>) target(%arg10 : memref<1024xi32, #tpu.memory_space<vmem>>) target_semaphore(%run_scoped3A : memref<!tpu.dma_semaphore, #tpu.memory_space<semaphore_mem>>)
      %dma_wait3A_34 = tpu.memref_slice %arg6[%add3A_4] : memref<3276800xi32, #tpu.memory_space<hbm>> -> memref<1024xi32, #tpu.memory_space<hbm>>
      %dma_wait3A_35 = tpu.memref_slice %arg6[%add3A_4] : memref<3276800xi32, #tpu.memory_space<hbm>> -> memref<1024xi32, #tpu.memory_space<hbm>>
      tpu.wait_dma2 semaphore(%run_scoped3A : memref<!tpu.dma_semaphore, #tpu.memory_space<semaphore_mem>>) src(%dma_wait3A_35 : memref<1024xi32, #tpu.memory_space<hbm>>) dst(%arg10 : memref<1024xi32, #tpu.memory_space<vmem>>)
      tpu.yield
    }) : () -> ()
    %dma_start3A = arith.constant 0 : i32
    %dma_start3A_5 = tpu.memref_slice %arg2[%dma_start3A] : memref<100352xf32, #tpu.memory_space<hbm>> -> memref<100352xf32, #tpu.memory_space<hbm>>
    tpu.enqueue_indirect_dma source(%dma_start3A_5 : memref<100352xf32, #tpu.memory_space<hbm>>) target(%arg12 : memref<1024xf32, #tpu.memory_space<vmem>>) offsets(%arg8 : memref<1024xi32, #tpu.memory_space<vmem>>) semaphore(%arg26 : memref<!tpu.dma_semaphore, #tpu.memory_space<semaphore_mem>>)
    %dma_start3A_6 = arith.constant 0 : i32
    %dma_start3A_7 = tpu.memref_slice %arg3[%dma_start3A_6] : memref<100352xf32, #tpu.memory_space<hbm>> -> memref<100352xf32, #tpu.memory_space<hbm>>
    tpu.enqueue_indirect_dma source(%dma_start3A_7 : memref<100352xf32, #tpu.memory_space<hbm>>) target(%arg13 : memref<1024xf32, #tpu.memory_space<vmem>>) offsets(%arg8 : memref<1024xi32, #tpu.memory_space<vmem>>) semaphore(%arg26 : memref<!tpu.dma_semaphore, #tpu.memory_space<semaphore_mem>>)
    %dma_start3A_8 = arith.constant 0 : i32
    %dma_start3A_9 = tpu.memref_slice %arg4[%dma_start3A_8] : memref<100352xf32, #tpu.memory_space<hbm>> -> memref<100352xf32, #tpu.memory_space<hbm>>
    tpu.enqueue_indirect_dma source(%dma_start3A_9 : memref<100352xf32, #tpu.memory_space<hbm>>) target(%arg14 : memref<1024xf32, #tpu.memory_space<vmem>>) offsets(%arg8 : memref<1024xi32, #tpu.memory_space<vmem>>) semaphore(%arg26 : memref<!tpu.dma_semaphore, #tpu.memory_space<semaphore_mem>>)
    %dma_start3A_10 = arith.constant 0 : i32
    %dma_start3A_11 = tpu.memref_slice %arg2[%dma_start3A_10] : memref<100352xf32, #tpu.memory_space<hbm>> -> memref<100352xf32, #tpu.memory_space<hbm>>
    tpu.enqueue_indirect_dma source(%dma_start3A_11 : memref<100352xf32, #tpu.memory_space<hbm>>) target(%arg15 : memref<1024xf32, #tpu.memory_space<vmem>>) offsets(%arg10 : memref<1024xi32, #tpu.memory_space<vmem>>) semaphore(%arg26 : memref<!tpu.dma_semaphore, #tpu.memory_space<semaphore_mem>>)
    %dma_start3A_12 = arith.constant 0 : i32
    %dma_start3A_13 = tpu.memref_slice %arg3[%dma_start3A_12] : memref<100352xf32, #tpu.memory_space<hbm>> -> memref<100352xf32, #tpu.memory_space<hbm>>
    tpu.enqueue_indirect_dma source(%dma_start3A_13 : memref<100352xf32, #tpu.memory_space<hbm>>) target(%arg16 : memref<1024xf32, #tpu.memory_space<vmem>>) offsets(%arg10 : memref<1024xi32, #tpu.memory_space<vmem>>) semaphore(%arg26 : memref<!tpu.dma_semaphore, #tpu.memory_space<semaphore_mem>>)
    %dma_start3A_14 = arith.constant 0 : i32
    %dma_start3A_15 = tpu.memref_slice %arg4[%dma_start3A_14] : memref<100352xf32, #tpu.memory_space<hbm>> -> memref<100352xf32, #tpu.memory_space<hbm>>
    tpu.enqueue_indirect_dma source(%dma_start3A_15 : memref<100352xf32, #tpu.memory_space<hbm>>) target(%arg17 : memref<1024xf32, #tpu.memory_space<vmem>>) offsets(%arg10 : memref<1024xi32, #tpu.memory_space<vmem>>) semaphore(%arg26 : memref<!tpu.dma_semaphore, #tpu.memory_space<semaphore_mem>>)
    %scan3A = arith.constant 2.048000e+03 : f32
    %scan3A_16 = arith.constant 0 : i32
    %scan3A_17 = arith.constant 50 : i32
    %scan3A_18 = arith.addi %scan3A_16, %scan3A_17 : i32
    %scan3A_19 = arith.constant 1 : i32
    scf.for %scan3A_32 = %scan3A_16 to %scan3A_18 step %scan3A_19  : i32 {
      %mul3A_33 = arith.constant 2 : i32
      %mul3A_34 = arith.muli %scan3A_32, %mul3A_33 : i32
      %add3A_35 = arith.constant 0 : i32
      %add3A_36 = arith.addi %mul3A_34, %add3A_35 : i32
      %dma_wait3A_37 = arith.constant 0 : i32
      %dma_wait3A_38 = tpu.memref_slice %arg2[%dma_wait3A_37] : memref<100352xf32, #tpu.memory_space<hbm>> -> memref<100352xf32, #tpu.memory_space<hbm>>
      tpu.wait_indirect_dma semaphore(%arg26 : memref<!tpu.dma_semaphore, #tpu.memory_space<semaphore_mem>>) src(%dma_wait3A_38 : memref<100352xf32, #tpu.memory_space<hbm>>) dst(%arg12 : memref<1024xf32, #tpu.memory_space<vmem>>)
      %dma_wait3A_39 = arith.constant 0 : i32
      %dma_wait3A_40 = tpu.memref_slice %arg3[%dma_wait3A_39] : memref<100352xf32, #tpu.memory_space<hbm>> -> memref<100352xf32, #tpu.memory_space<hbm>>
      tpu.wait_indirect_dma semaphore(%arg26 : memref<!tpu.dma_semaphore, #tpu.memory_space<semaphore_mem>>) src(%dma_wait3A_40 : memref<100352xf32, #tpu.memory_space<hbm>>) dst(%arg13 : memref<1024xf32, #tpu.memory_space<vmem>>)
      %dma_wait3A_41 = arith.constant 0 : i32
      %dma_wait3A_42 = tpu.memref_slice %arg4[%dma_wait3A_41] : memref<100352xf32, #tpu.memory_space<hbm>> -> memref<100352xf32, #tpu.memory_space<hbm>>
      tpu.wait_indirect_dma semaphore(%arg26 : memref<!tpu.dma_semaphore, #tpu.memory_space<semaphore_mem>>) src(%dma_wait3A_42 : memref<100352xf32, #tpu.memory_space<hbm>>) dst(%arg14 : memref<1024xf32, #tpu.memory_space<vmem>>)
      %dma_wait3A_43 = arith.constant 0 : i32
      %dma_wait3A_44 = tpu.memref_slice %arg2[%dma_wait3A_43] : memref<100352xf32, #tpu.memory_space<hbm>> -> memref<100352xf32, #tpu.memory_space<hbm>>
      tpu.wait_indirect_dma semaphore(%arg26 : memref<!tpu.dma_semaphore, #tpu.memory_space<semaphore_mem>>) src(%dma_wait3A_44 : memref<100352xf32, #tpu.memory_space<hbm>>) dst(%arg15 : memref<1024xf32, #tpu.memory_space<vmem>>)
      %dma_wait3A_45 = arith.constant 0 : i32
      %dma_wait3A_46 = tpu.memref_slice %arg3[%dma_wait3A_45] : memref<100352xf32, #tpu.memory_space<hbm>> -> memref<100352xf32, #tpu.memory_space<hbm>>
      tpu.wait_indirect_dma semaphore(%arg26 : memref<!tpu.dma_semaphore, #tpu.memory_space<semaphore_mem>>) src(%dma_wait3A_46 : memref<100352xf32, #tpu.memory_space<hbm>>) dst(%arg16 : memref<1024xf32, #tpu.memory_space<vmem>>)
      %dma_wait3A_47 = arith.constant 0 : i32
      %dma_wait3A_48 = tpu.memref_slice %arg4[%dma_wait3A_47] : memref<100352xf32, #tpu.memory_space<hbm>> -> memref<100352xf32, #tpu.memory_space<hbm>>
      tpu.wait_indirect_dma semaphore(%arg26 : memref<!tpu.dma_semaphore, #tpu.memory_space<semaphore_mem>>) src(%dma_wait3A_48 : memref<100352xf32, #tpu.memory_space<hbm>>) dst(%arg17 : memref<1024xf32, #tpu.memory_space<vmem>>)
      %add3A_49 = arith.constant 1 : i32
      %add3A_50 = arith.addi %add3A_36, %add3A_49 : i32
      %mul3A_51 = arith.constant 102400 : i32
      %mul3A_52 = arith.muli %add3A, %mul3A_51 : i32
      %mul3A_53 = arith.constant 1024 : i32
      %mul3A_54 = arith.muli %add3A_50, %mul3A_53 : i32
      %add3A_55 = arith.addi %mul3A_52, %mul3A_54 : i32
      "tpu.region"() ({
        %run_scoped3A = tpu.sem_alloc : memref<!tpu.dma_semaphore, #tpu.memory_space<semaphore_mem>>
        %dma_start3A_124 = tpu.memref_slice %arg5[%add3A_55] : memref<3276800xi32, #tpu.memory_space<hbm>> -> memref<1024xi32, #tpu.memory_space<hbm>>
        %dma_start3A_125 = tpu.memref_slice %arg5[%add3A_55] : memref<3276800xi32, #tpu.memory_space<hbm>> -> memref<1024xi32, #tpu.memory_space<hbm>>
        tpu.enqueue_dma source(%dma_start3A_125 : memref<1024xi32, #tpu.memory_space<hbm>>) target(%arg9 : memref<1024xi32, #tpu.memory_space<vmem>>) target_semaphore(%run_scoped3A : memref<!tpu.dma_semaphore, #tpu.memory_space<semaphore_mem>>)
        %dma_wait3A_126 = tpu.memref_slice %arg5[%add3A_55] : memref<3276800xi32, #tpu.memory_space<hbm>> -> memref<1024xi32, #tpu.memory_space<hbm>>
        %dma_wait3A_127 = tpu.memref_slice %arg5[%add3A_55] : memref<3276800xi32, #tpu.memory_space<hbm>> -> memref<1024xi32, #tpu.memory_space<hbm>>
        tpu.wait_dma2 semaphore(%run_scoped3A : memref<!tpu.dma_semaphore, #tpu.memory_space<semaphore_mem>>) src(%dma_wait3A_127 : memref<1024xi32, #tpu.memory_space<hbm>>) dst(%arg9 : memref<1024xi32, #tpu.memory_space<vmem>>)
        tpu.yield
      }) : () -> ()
      "tpu.region"() ({
        %run_scoped3A = tpu.sem_alloc : memref<!tpu.dma_semaphore, #tpu.memory_space<semaphore_mem>>
        %dma_start3A_124 = tpu.memref_slice %arg6[%add3A_55] : memref<3276800xi32, #tpu.memory_space<hbm>> -> memref<1024xi32, #tpu.memory_space<hbm>>
        %dma_start3A_125 = tpu.memref_slice %arg6[%add3A_55] : memref<3276800xi32, #tpu.memory_space<hbm>> -> memref<1024xi32, #tpu.memory_space<hbm>>
        tpu.enqueue_dma source(%dma_start3A_125 : memref<1024xi32, #tpu.memory_space<hbm>>) target(%arg11 : memref<1024xi32, #tpu.memory_space<vmem>>) target_semaphore(%run_scoped3A : memref<!tpu.dma_semaphore, #tpu.memory_space<semaphore_mem>>)
        %dma_wait3A_126 = tpu.memref_slice %arg6[%add3A_55] : memref<3276800xi32, #tpu.memory_space<hbm>> -> memref<1024xi32, #tpu.memory_space<hbm>>
        %dma_wait3A_127 = tpu.memref_slice %arg6[%add3A_55] : memref<3276800xi32, #tpu.memory_space<hbm>> -> memref<1024xi32, #tpu.memory_space<hbm>>
        tpu.wait_dma2 semaphore(%run_scoped3A : memref<!tpu.dma_semaphore, #tpu.memory_space<semaphore_mem>>) src(%dma_wait3A_127 : memref<1024xi32, #tpu.memory_space<hbm>>) dst(%arg11 : memref<1024xi32, #tpu.memory_space<vmem>>)
        tpu.yield
      }) : () -> ()
      %dma_start3A_56 = arith.constant 0 : i32
      %dma_start3A_57 = tpu.memref_slice %arg2[%dma_start3A_56] : memref<100352xf32, #tpu.memory_space<hbm>> -> memref<100352xf32, #tpu.memory_space<hbm>>
      tpu.enqueue_indirect_dma source(%dma_start3A_57 : memref<100352xf32, #tpu.memory_space<hbm>>) target(%arg18 : memref<1024xf32, #tpu.memory_space<vmem>>) offsets(%arg9 : memref<1024xi32, #tpu.memory_space<vmem>>) semaphore(%arg27 : memref<!tpu.dma_semaphore, #tpu.memory_space<semaphore_mem>>)
      %dma_start3A_58 = arith.constant 0 : i32
      %dma_start3A_59 = tpu.memref_slice %arg3[%dma_start3A_58] : memref<100352xf32, #tpu.memory_space<hbm>> -> memref<100352xf32, #tpu.memory_space<hbm>>
      tpu.enqueue_indirect_dma source(%dma_start3A_59 : memref<100352xf32, #tpu.memory_space<hbm>>) target(%arg19 : memref<1024xf32, #tpu.memory_space<vmem>>) offsets(%arg9 : memref<1024xi32, #tpu.memory_space<vmem>>) semaphore(%arg27 : memref<!tpu.dma_semaphore, #tpu.memory_space<semaphore_mem>>)
      %dma_start3A_60 = arith.constant 0 : i32
      %dma_start3A_61 = tpu.memref_slice %arg4[%dma_start3A_60] : memref<100352xf32, #tpu.memory_space<hbm>> -> memref<100352xf32, #tpu.memory_space<hbm>>
      tpu.enqueue_indirect_dma source(%dma_start3A_61 : memref<100352xf32, #tpu.memory_space<hbm>>) target(%arg20 : memref<1024xf32, #tpu.memory_space<vmem>>) offsets(%arg9 : memref<1024xi32, #tpu.memory_space<vmem>>) semaphore(%arg27 : memref<!tpu.dma_semaphore, #tpu.memory_space<semaphore_mem>>)
      %dma_start3A_62 = arith.constant 0 : i32
      %dma_start3A_63 = tpu.memref_slice %arg2[%dma_start3A_62] : memref<100352xf32, #tpu.memory_space<hbm>> -> memref<100352xf32, #tpu.memory_space<hbm>>
      tpu.enqueue_indirect_dma source(%dma_start3A_63 : memref<100352xf32, #tpu.memory_space<hbm>>) target(%arg21 : memref<1024xf32, #tpu.memory_space<vmem>>) offsets(%arg11 : memref<1024xi32, #tpu.memory_space<vmem>>) semaphore(%arg27 : memref<!tpu.dma_semaphore, #tpu.memory_space<semaphore_mem>>)
      %dma_start3A_64 = arith.constant 0 : i32
      %dma_start3A_65 = tpu.memref_slice %arg3[%dma_start3A_64] : memref<100352xf32, #tpu.memory_space<hbm>> -> memref<100352xf32, #tpu.memory_space<hbm>>
      tpu.enqueue_indirect_dma source(%dma_start3A_65 : memref<100352xf32, #tpu.memory_space<hbm>>) target(%arg22 : memref<1024xf32, #tpu.memory_space<vmem>>) offsets(%arg11 : memref<1024xi32, #tpu.memory_space<vmem>>) semaphore(%arg27 : memref<!tpu.dma_semaphore, #tpu.memory_space<semaphore_mem>>)
      %dma_start3A_66 = arith.constant 0 : i32
      %dma_start3A_67 = tpu.memref_slice %arg4[%dma_start3A_66] : memref<100352xf32, #tpu.memory_space<hbm>> -> memref<100352xf32, #tpu.memory_space<hbm>>
      tpu.enqueue_indirect_dma source(%dma_start3A_67 : memref<100352xf32, #tpu.memory_space<hbm>>) target(%arg23 : memref<1024xf32, #tpu.memory_space<vmem>>) offsets(%arg11 : memref<1024xi32, #tpu.memory_space<vmem>>) semaphore(%arg27 : memref<!tpu.dma_semaphore, #tpu.memory_space<semaphore_mem>>)
      %scan3A_68 = arith.constant 0 : i32
      %scan3A_69 = arith.constant 64 : i32
      %scan3A_70 = arith.addi %scan3A_68, %scan3A_69 : i32
      %scan3A_71 = arith.constant 1 : i32
      scf.for %scan3A_124 = %scan3A_68 to %scan3A_70 step %scan3A_71  : i32 {
        %mul3A_125 = arith.constant 16 : i32
        %mul3A_126 = arith.muli %scan3A_124, %mul3A_125 : i32
        %get3A = arith.index_cast %mul3A_126 : i32 to index
        %get3A_127 = tpu.vector_load %arg15[%get3A] {strides = array<i32>} : memref<1024xf32, #tpu.memory_space<vmem>>, vector<16xf32>,
        %get3A_128 = arith.index_cast %mul3A_126 : i32 to index
        %get3A_129 = tpu.vector_load %arg12[%get3A_128] {strides = array<i32>} : memref<1024xf32, #tpu.memory_space<vmem>>, vector<16xf32>,
        %sub3A = arith.subf %get3A_127, %get3A_129 : vector<16xf32>
        %get3A_130 = arith.index_cast %mul3A_126 : i32 to index
        %get3A_131 = tpu.vector_load %arg16[%get3A_130] {strides = array<i32>} : memref<1024xf32, #tpu.memory_space<vmem>>, vector<16xf32>,
        %get3A_132 = arith.index_cast %mul3A_126 : i32 to index
        %get3A_133 = tpu.vector_load %arg13[%get3A_132] {strides = array<i32>} : memref<1024xf32, #tpu.memory_space<vmem>>, vector<16xf32>,
        %sub3A_134 = arith.subf %get3A_131, %get3A_133 : vector<16xf32>
        %get3A_135 = arith.index_cast %mul3A_126 : i32 to index
        %get3A_136 = tpu.vector_load %arg17[%get3A_135] {strides = array<i32>} : memref<1024xf32, #tpu.memory_space<vmem>>, vector<16xf32>,
        %get3A_137 = arith.index_cast %mul3A_126 : i32 to index
        %get3A_138 = tpu.vector_load %arg14[%get3A_137] {strides = array<i32>} : memref<1024xf32, #tpu.memory_space<vmem>>, vector<16xf32>,
        %sub3A_139 = arith.subf %get3A_136, %get3A_138 : vector<16xf32>
        %mul3A_140 = arith.mulf %sub3A, %sub3A : vector<16xf32>
        %mul3A_141 = arith.mulf %sub3A_134, %sub3A_134 : vector<16xf32>
        %add3A_142 = arith.addf %mul3A_140, %mul3A_141 : vector<16xf32>
        %mul3A_143 = arith.mulf %sub3A_139, %sub3A_139 : vector<16xf32>
        %add3A_144 = arith.addf %add3A_142, %mul3A_143 : vector<16xf32>
        %add3A_145 = arith.constant 9.99999996E-13 : f32
        %add3A_146 = vector.broadcast %add3A_145 : f32 to vector<16xf32>
        %add3A_147 = arith.addf %add3A_144, %add3A_146 : vector<16xf32>
        %bitcast3A = vector.bitcast %add3A_147 : vector<16xf32> to vector<16xi32>
        %shift_right_arithmetic3A = arith.constant 1 : i32
        %shift_right_arithmetic3A_148 = vector.broadcast %shift_right_arithmetic3A : i32 to vector<16xi32>
        %shift_right_arithmetic3A_149 = arith.shrsi %bitcast3A, %shift_right_arithmetic3A_148 : vector<16xi32>
        %add3A_150 = arith.constant 532487669 : i32
        %add3A_151 = vector.broadcast %add3A_150 : i32 to vector<16xi32>
        %add3A_152 = arith.addi %shift_right_arithmetic3A_149, %add3A_151 : vector<16xi32>
        %bitcast3A_153 = vector.bitcast %add3A_152 : vector<16xi32> to vector<16xf32>
        %div3A = arith.divf %add3A_147, %bitcast3A_153 : vector<16xf32>
        %add3A_154 = arith.addf %bitcast3A_153, %div3A : vector<16xf32>
        %mul3A_155 = arith.constant 5.000000e-01 : f32
        %mul3A_156 = vector.broadcast %mul3A_155 : f32 to vector<16xf32>
        %mul3A_157 = arith.mulf %mul3A_156, %add3A_154 : vector<16xf32>
        %div3A_158 = arith.divf %add3A_147, %mul3A_157 : vector<16xf32>
        %add3A_159 = arith.addf %mul3A_157, %div3A_158 : vector<16xf32>
        %mul3A_160 = arith.constant 5.000000e-01 : f32
        %mul3A_161 = vector.broadcast %mul3A_160 : f32 to vector<16xf32>
        %mul3A_162 = arith.mulf %mul3A_161, %add3A_159 : vector<16xf32>
        %div3A_163 = arith.divf %add3A_147, %mul3A_162 : vector<16xf32>
        %add3A_164 = arith.addf %mul3A_162, %div3A_163 : vector<16xf32>
        %mul3A_165 = arith.constant 5.000000e-01 : f32
        %mul3A_166 = vector.broadcast %mul3A_165 : f32 to vector<16xf32>
        %mul3A_167 = arith.mulf %mul3A_166, %add3A_164 : vector<16xf32>
        %mul3A_168 = arith.constant 4.096000e+02 : f32
        %mul3A_169 = vector.broadcast %mul3A_168 : f32 to vector<16xf32>
        %mul3A_170 = arith.mulf %mul3A_167, %mul3A_169 : vector<16xf32>
        %min3A_171 = vector.broadcast %scan3A : f32 to vector<16xf32>
        %min3A_172 = arith.minimumf %mul3A_170, %min3A_171 : vector<16xf32>
        %mul3A_173 = arith.constant 102400 : i32
        %mul3A_174 = arith.muli %add3A, %mul3A_173 : i32
        %mul3A_175 = arith.constant 1024 : i32
        %mul3A_176 = arith.muli %add3A_36, %mul3A_175 : i32
        %add3A_177 = arith.addi %mul3A_174, %mul3A_176 : i32
        %mul3A_178 = arith.constant 16 : i32
        %mul3A_179 = arith.muli %scan3A_124, %mul3A_178 : i32
        %add3A_180 = arith.addi %add3A_177, %mul3A_179 : i32
        %add3A_181 = vector.broadcast %add3A_180 : i32 to vector<16xi32>
        %add3A_182 = arith.addi %add3A_181, %iota3A : vector<16xi32>
        %lt3A = arith.constant 3200000 : i32
        %lt3A_183 = vector.broadcast %lt3A : i32 to vector<16xi32>
        %lt3A_184 = arith.cmpi slt, %add3A_182, %lt3A_183 : vector<16xi32>
        %broadcast_in_dim3A = vector.broadcast %scan3A : f32 to vector<16xf32>
        %select_n3A = arith.select %lt3A_184, %min3A_172, %broadcast_in_dim3A : vector<16xi1>, vector<16xf32>
        %swap3A = arith.index_cast %mul3A_126 : i32 to index
        %swap3A_185 = tpu.vector_load %arg24[%swap3A] {strides = array<i32>} : memref<1024xf32, #tpu.memory_space<vmem>>, vector<16xf32>,
        tpu.vector_store %arg24[%swap3A], %select_n3A {strides = array<i32>} : memref<1024xf32, #tpu.memory_space<vmem>>, vector<16xf32>,
      }
      %scan3A_72 = arith.constant 64 : i32
      %mul3A_73 = arith.constant 102400 : i32
      %mul3A_74 = arith.muli %add3A, %mul3A_73 : i32
      %mul3A_75 = arith.constant 1024 : i32
      %mul3A_76 = arith.muli %add3A_36, %mul3A_75 : i32
      %add3A_77 = arith.addi %mul3A_74, %mul3A_76 : i32
      "tpu.region"() ({
        %run_scoped3A = tpu.sem_alloc : memref<!tpu.dma_semaphore, #tpu.memory_space<semaphore_mem>>
        %dma_start3A_124 = tpu.memref_slice %arg7[%add3A_77] : memref<3276800xf32, #tpu.memory_space<hbm>> -> memref<1024xf32, #tpu.memory_space<hbm>>
        %dma_start3A_125 = tpu.memref_slice %arg7[%add3A_77] : memref<3276800xf32, #tpu.memory_space<hbm>> -> memref<1024xf32, #tpu.memory_space<hbm>>
        tpu.enqueue_dma source(%arg24 : memref<1024xf32, #tpu.memory_space<vmem>>) target(%dma_start3A_125 : memref<1024xf32, #tpu.memory_space<hbm>>) target_semaphore(%run_scoped3A : memref<!tpu.dma_semaphore, #tpu.memory_space<semaphore_mem>>)
        %dma_wait3A_126 = tpu.memref_slice %arg7[%add3A_77] : memref<3276800xf32, #tpu.memory_space<hbm>> -> memref<1024xf32, #tpu.memory_space<hbm>>
        %dma_wait3A_127 = tpu.memref_slice %arg7[%add3A_77] : memref<3276800xf32, #tpu.memory_space<hbm>> -> memref<1024xf32, #tpu.memory_space<hbm>>
        tpu.wait_dma2 semaphore(%run_scoped3A : memref<!tpu.dma_semaphore, #tpu.memory_space<semaphore_mem>>) src(%arg24 : memref<1024xf32, #tpu.memory_space<vmem>>) dst(%dma_wait3A_127 : memref<1024xf32, #tpu.memory_space<hbm>>)
        tpu.yield
      }) : () -> ()
      %mul3A_78 = arith.constant 2 : i32
      %mul3A_79 = arith.muli %scan3A_32, %mul3A_78 : i32
      %add3A_80 = arith.constant 1 : i32
      %add3A_81 = arith.addi %mul3A_79, %add3A_80 : i32
      %dma_wait3A_82 = arith.constant 0 : i32
      %dma_wait3A_83 = tpu.memref_slice %arg2[%dma_wait3A_82] : memref<100352xf32, #tpu.memory_space<hbm>> -> memref<100352xf32, #tpu.memory_space<hbm>>
      tpu.wait_indirect_dma semaphore(%arg27 : memref<!tpu.dma_semaphore, #tpu.memory_space<semaphore_mem>>) src(%dma_wait3A_83 : memref<100352xf32, #tpu.memory_space<hbm>>) dst(%arg18 : memref<1024xf32, #tpu.memory_space<vmem>>)
      %dma_wait3A_84 = arith.constant 0 : i32
      %dma_wait3A_85 = tpu.memref_slice %arg3[%dma_wait3A_84] : memref<100352xf32, #tpu.memory_space<hbm>> -> memref<100352xf32, #tpu.memory_space<hbm>>
      tpu.wait_indirect_dma semaphore(%arg27 : memref<!tpu.dma_semaphore, #tpu.memory_space<semaphore_mem>>) src(%dma_wait3A_85 : memref<100352xf32, #tpu.memory_space<hbm>>) dst(%arg19 : memref<1024xf32, #tpu.memory_space<vmem>>)
      %dma_wait3A_86 = arith.constant 0 : i32
      %dma_wait3A_87 = tpu.memref_slice %arg4[%dma_wait3A_86] : memref<100352xf32, #tpu.memory_space<hbm>> -> memref<100352xf32, #tpu.memory_space<hbm>>
      tpu.wait_indirect_dma semaphore(%arg27 : memref<!tpu.dma_semaphore, #tpu.memory_space<semaphore_mem>>) src(%dma_wait3A_87 : memref<100352xf32, #tpu.memory_space<hbm>>) dst(%arg20 : memref<1024xf32, #tpu.memory_space<vmem>>)
      %dma_wait3A_88 = arith.constant 0 : i32
      %dma_wait3A_89 = tpu.memref_slice %arg2[%dma_wait3A_88] : memref<100352xf32, #tpu.memory_space<hbm>> -> memref<100352xf32, #tpu.memory_space<hbm>>
      tpu.wait_indirect_dma semaphore(%arg27 : memref<!tpu.dma_semaphore, #tpu.memory_space<semaphore_mem>>) src(%dma_wait3A_89 : memref<100352xf32, #tpu.memory_space<hbm>>) dst(%arg21 : memref<1024xf32, #tpu.memory_space<vmem>>)
      %dma_wait3A_90 = arith.constant 0 : i32
      %dma_wait3A_91 = tpu.memref_slice %arg3[%dma_wait3A_90] : memref<100352xf32, #tpu.memory_space<hbm>> -> memref<100352xf32, #tpu.memory_space<hbm>>
      tpu.wait_indirect_dma semaphore(%arg27 : memref<!tpu.dma_semaphore, #tpu.memory_space<semaphore_mem>>) src(%dma_wait3A_91 : memref<100352xf32, #tpu.memory_space<hbm>>) dst(%arg22 : memref<1024xf32, #tpu.memory_space<vmem>>)
      %dma_wait3A_92 = arith.constant 0 : i32
      %dma_wait3A_93 = tpu.memref_slice %arg4[%dma_wait3A_92] : memref<100352xf32, #tpu.memory_space<hbm>> -> memref<100352xf32, #tpu.memory_space<hbm>>
      tpu.wait_indirect_dma semaphore(%arg27 : memref<!tpu.dma_semaphore, #tpu.memory_space<semaphore_mem>>) src(%dma_wait3A_93 : memref<100352xf32, #tpu.memory_space<hbm>>) dst(%arg23 : memref<1024xf32, #tpu.memory_space<vmem>>)
      %add3A_94 = arith.constant 1 : i32
      %add3A_95 = arith.addi %add3A_81, %add3A_94 : i32
      %min3A = arith.constant 99 : i32
      %min3A_96 = arith.minsi %add3A_95, %min3A : i32
      %mul3A_97 = arith.constant 102400 : i32
      %mul3A_98 = arith.muli %add3A, %mul3A_97 : i32
      %mul3A_99 = arith.constant 1024 : i32
      %mul3A_100 = arith.muli %min3A_96, %mul3A_99 : i32
      %add3A_101 = arith.addi %mul3A_98, %mul3A_100 : i32
      "tpu.region"() ({
        %run_scoped3A = tpu.sem_alloc : memref<!tpu.dma_semaphore, #tpu.memory_space<semaphore_mem>>
        %dma_start3A_124 = tpu.memref_slice %arg5[%add3A_101] : memref<3276800xi32, #tpu.memory_space<hbm>> -> memref<1024xi32, #tpu.memory_space<hbm>>
        %dma_start3A_125 = tpu.memref_slice %arg5[%add3A_101] : memref<3276800xi32, #tpu.memory_space<hbm>> -> memref<1024xi32, #tpu.memory_space<hbm>>
        tpu.enqueue_dma source(%dma_start3A_125 : memref<1024xi32, #tpu.memory_space<hbm>>) target(%arg8 : memref<1024xi32, #tpu.memory_space<vmem>>) target_semaphore(%run_scoped3A : memref<!tpu.dma_semaphore, #tpu.memory_space<semaphore_mem>>)
        %dma_wait3A_126 = tpu.memref_slice %arg5[%add3A_101] : memref<3276800xi32, #tpu.memory_space<hbm>> -> memref<1024xi32, #tpu.memory_space<hbm>>
        %dma_wait3A_127 = tpu.memref_slice %arg5[%add3A_101] : memref<3276800xi32, #tpu.memory_space<hbm>> -> memref<1024xi32, #tpu.memory_space<hbm>>
        tpu.wait_dma2 semaphore(%run_scoped3A : memref<!tpu.dma_semaphore, #tpu.memory_space<semaphore_mem>>) src(%dma_wait3A_127 : memref<1024xi32, #tpu.memory_space<hbm>>) dst(%arg8 : memref<1024xi32, #tpu.memory_space<vmem>>)
        tpu.yield
      }) : () -> ()
      "tpu.region"() ({
        %run_scoped3A = tpu.sem_alloc : memref<!tpu.dma_semaphore, #tpu.memory_space<semaphore_mem>>
        %dma_start3A_124 = tpu.memref_slice %arg6[%add3A_101] : memref<3276800xi32, #tpu.memory_space<hbm>> -> memref<1024xi32, #tpu.memory_space<hbm>>
        %dma_start3A_125 = tpu.memref_slice %arg6[%add3A_101] : memref<3276800xi32, #tpu.memory_space<hbm>> -> memref<1024xi32, #tpu.memory_space<hbm>>
        tpu.enqueue_dma source(%dma_start3A_125 : memref<1024xi32, #tpu.memory_space<hbm>>) target(%arg10 : memref<1024xi32, #tpu.memory_space<vmem>>) target_semaphore(%run_scoped3A : memref<!tpu.dma_semaphore, #tpu.memory_space<semaphore_mem>>)
        %dma_wait3A_126 = tpu.memref_slice %arg6[%add3A_101] : memref<3276800xi32, #tpu.memory_space<hbm>> -> memref<1024xi32, #tpu.memory_space<hbm>>
        %dma_wait3A_127 = tpu.memref_slice %arg6[%add3A_101] : memref<3276800xi32, #tpu.memory_space<hbm>> -> memref<1024xi32, #tpu.memory_space<hbm>>
        tpu.wait_dma2 semaphore(%run_scoped3A : memref<!tpu.dma_semaphore, #tpu.memory_space<semaphore_mem>>) src(%dma_wait3A_127 : memref<1024xi32, #tpu.memory_space<hbm>>) dst(%arg10 : memref<1024xi32, #tpu.memory_space<vmem>>)
        tpu.yield
      }) : () -> ()
      %dma_start3A_102 = arith.constant 0 : i32
      %dma_start3A_103 = tpu.memref_slice %arg2[%dma_start3A_102] : memref<100352xf32, #tpu.memory_space<hbm>> -> memref<100352xf32, #tpu.memory_space<hbm>>
      tpu.enqueue_indirect_dma source(%dma_start3A_103 : memref<100352xf32, #tpu.memory_space<hbm>>) target(%arg12 : memref<1024xf32, #tpu.memory_space<vmem>>) offsets(%arg8 : memref<1024xi32, #tpu.memory_space<vmem>>) semaphore(%arg26 : memref<!tpu.dma_semaphore, #tpu.memory_space<semaphore_mem>>)
      %dma_start3A_104 = arith.constant 0 : i32
      %dma_start3A_105 = tpu.memref_slice %arg3[%dma_start3A_104] : memref<100352xf32, #tpu.memory_space<hbm>> -> memref<100352xf32, #tpu.memory_space<hbm>>
      tpu.enqueue_indirect_dma source(%dma_start3A_105 : memref<100352xf32, #tpu.memory_space<hbm>>) target(%arg13 : memref<1024xf32, #tpu.memory_space<vmem>>) offsets(%arg8 : memref<1024xi32, #tpu.memory_space<vmem>>) semaphore(%arg26 : memref<!tpu.dma_semaphore, #tpu.memory_space<semaphore_mem>>)
      %dma_start3A_106 = arith.constant 0 : i32
      %dma_start3A_107 = tpu.memref_slice %arg4[%dma_start3A_106] : memref<100352xf32, #tpu.memory_space<hbm>> -> memref<100352xf32, #tpu.memory_space<hbm>>
      tpu.enqueue_indirect_dma source(%dma_start3A_107 : memref<100352xf32, #tpu.memory_space<hbm>>) target(%arg14 : memref<1024xf32, #tpu.memory_space<vmem>>) offsets(%arg8 : memref<1024xi32, #tpu.memory_space<vmem>>) semaphore(%arg26 : memref<!tpu.dma_semaphore, #tpu.memory_space<semaphore_mem>>)
      %dma_start3A_108 = arith.constant 0 : i32
      %dma_start3A_109 = tpu.memref_slice %arg2[%dma_start3A_108] : memref<100352xf32, #tpu.memory_space<hbm>> -> memref<100352xf32, #tpu.memory_space<hbm>>
      tpu.enqueue_indirect_dma source(%dma_start3A_109 : memref<100352xf32, #tpu.memory_space<hbm>>) target(%arg15 : memref<1024xf32, #tpu.memory_space<vmem>>) offsets(%arg10 : memref<1024xi32, #tpu.memory_space<vmem>>) semaphore(%arg26 : memref<!tpu.dma_semaphore, #tpu.memory_space<semaphore_mem>>)
      %dma_start3A_110 = arith.constant 0 : i32
      %dma_start3A_111 = tpu.memref_slice %arg3[%dma_start3A_110] : memref<100352xf32, #tpu.memory_space<hbm>> -> memref<100352xf32, #tpu.memory_space<hbm>>
      tpu.enqueue_indirect_dma source(%dma_start3A_111 : memref<100352xf32, #tpu.memory_space<hbm>>) target(%arg16 : memref<1024xf32, #tpu.memory_space<vmem>>) offsets(%arg10 : memref<1024xi32, #tpu.memory_space<vmem>>) semaphore(%arg26 : memref<!tpu.dma_semaphore, #tpu.memory_space<semaphore_mem>>)
      %dma_start3A_112 = arith.constant 0 : i32
      %dma_start3A_113 = tpu.memref_slice %arg4[%dma_start3A_112] : memref<100352xf32, #tpu.memory_space<hbm>> -> memref<100352xf32, #tpu.memory_space<hbm>>
      tpu.enqueue_indirect_dma source(%dma_start3A_113 : memref<100352xf32, #tpu.memory_space<hbm>>) target(%arg17 : memref<1024xf32, #tpu.memory_space<vmem>>) offsets(%arg10 : memref<1024xi32, #tpu.memory_space<vmem>>) semaphore(%arg26 : memref<!tpu.dma_semaphore, #tpu.memory_space<semaphore_mem>>)
      %scan3A_114 = arith.constant 0 : i32
      %scan3A_115 = arith.constant 64 : i32
      %scan3A_116 = arith.addi %scan3A_114, %scan3A_115 : i32
      %scan3A_117 = arith.constant 1 : i32
      scf.for %scan3A_124 = %scan3A_114 to %scan3A_116 step %scan3A_117  : i32 {
        %mul3A_125 = arith.constant 16 : i32
        %mul3A_126 = arith.muli %scan3A_124, %mul3A_125 : i32
        %get3A = arith.index_cast %mul3A_126 : i32 to index
        %get3A_127 = tpu.vector_load %arg21[%get3A] {strides = array<i32>} : memref<1024xf32, #tpu.memory_space<vmem>>, vector<16xf32>,
        %get3A_128 = arith.index_cast %mul3A_126 : i32 to index
        %get3A_129 = tpu.vector_load %arg18[%get3A_128] {strides = array<i32>} : memref<1024xf32, #tpu.memory_space<vmem>>, vector<16xf32>,
        %sub3A = arith.subf %get3A_127, %get3A_129 : vector<16xf32>
        %get3A_130 = arith.index_cast %mul3A_126 : i32 to index
        %get3A_131 = tpu.vector_load %arg22[%get3A_130] {strides = array<i32>} : memref<1024xf32, #tpu.memory_space<vmem>>, vector<16xf32>,
        %get3A_132 = arith.index_cast %mul3A_126 : i32 to index
        %get3A_133 = tpu.vector_load %arg19[%get3A_132] {strides = array<i32>} : memref<1024xf32, #tpu.memory_space<vmem>>, vector<16xf32>,
        %sub3A_134 = arith.subf %get3A_131, %get3A_133 : vector<16xf32>
        %get3A_135 = arith.index_cast %mul3A_126 : i32 to index
        %get3A_136 = tpu.vector_load %arg23[%get3A_135] {strides = array<i32>} : memref<1024xf32, #tpu.memory_space<vmem>>, vector<16xf32>,
        %get3A_137 = arith.index_cast %mul3A_126 : i32 to index
        %get3A_138 = tpu.vector_load %arg20[%get3A_137] {strides = array<i32>} : memref<1024xf32, #tpu.memory_space<vmem>>, vector<16xf32>,
        %sub3A_139 = arith.subf %get3A_136, %get3A_138 : vector<16xf32>
        %mul3A_140 = arith.mulf %sub3A, %sub3A : vector<16xf32>
        %mul3A_141 = arith.mulf %sub3A_134, %sub3A_134 : vector<16xf32>
        %add3A_142 = arith.addf %mul3A_140, %mul3A_141 : vector<16xf32>
        %mul3A_143 = arith.mulf %sub3A_139, %sub3A_139 : vector<16xf32>
        %add3A_144 = arith.addf %add3A_142, %mul3A_143 : vector<16xf32>
        %add3A_145 = arith.constant 9.99999996E-13 : f32
        %add3A_146 = vector.broadcast %add3A_145 : f32 to vector<16xf32>
        %add3A_147 = arith.addf %add3A_144, %add3A_146 : vector<16xf32>
        %bitcast3A = vector.bitcast %add3A_147 : vector<16xf32> to vector<16xi32>
        %shift_right_arithmetic3A = arith.constant 1 : i32
        %shift_right_arithmetic3A_148 = vector.broadcast %shift_right_arithmetic3A : i32 to vector<16xi32>
        %shift_right_arithmetic3A_149 = arith.shrsi %bitcast3A, %shift_right_arithmetic3A_148 : vector<16xi32>
        %add3A_150 = arith.constant 532487669 : i32
        %add3A_151 = vector.broadcast %add3A_150 : i32 to vector<16xi32>
        %add3A_152 = arith.addi %shift_right_arithmetic3A_149, %add3A_151 : vector<16xi32>
        %bitcast3A_153 = vector.bitcast %add3A_152 : vector<16xi32> to vector<16xf32>
        %div3A = arith.divf %add3A_147, %bitcast3A_153 : vector<16xf32>
        %add3A_154 = arith.addf %bitcast3A_153, %div3A : vector<16xf32>
        %mul3A_155 = arith.constant 5.000000e-01 : f32
        %mul3A_156 = vector.broadcast %mul3A_155 : f32 to vector<16xf32>
        %mul3A_157 = arith.mulf %mul3A_156, %add3A_154 : vector<16xf32>
        %div3A_158 = arith.divf %add3A_147, %mul3A_157 : vector<16xf32>
        %add3A_159 = arith.addf %mul3A_157, %div3A_158 : vector<16xf32>
        %mul3A_160 = arith.constant 5.000000e-01 : f32
        %mul3A_161 = vector.broadcast %mul3A_160 : f32 to vector<16xf32>
        %mul3A_162 = arith.mulf %mul3A_161, %add3A_159 : vector<16xf32>
        %div3A_163 = arith.divf %add3A_147, %mul3A_162 : vector<16xf32>
        %add3A_164 = arith.addf %mul3A_162, %div3A_163 : vector<16xf32>
        %mul3A_165 = arith.constant 5.000000e-01 : f32
        %mul3A_166 = vector.broadcast %mul3A_165 : f32 to vector<16xf32>
        %mul3A_167 = arith.mulf %mul3A_166, %add3A_164 : vector<16xf32>
        %mul3A_168 = arith.constant 4.096000e+02 : f32
        %mul3A_169 = vector.broadcast %mul3A_168 : f32 to vector<16xf32>
        %mul3A_170 = arith.mulf %mul3A_167, %mul3A_169 : vector<16xf32>
        %min3A_171 = vector.broadcast %scan3A : f32 to vector<16xf32>
        %min3A_172 = arith.minimumf %mul3A_170, %min3A_171 : vector<16xf32>
        %mul3A_173 = arith.constant 102400 : i32
        %mul3A_174 = arith.muli %add3A, %mul3A_173 : i32
        %mul3A_175 = arith.constant 1024 : i32
        %mul3A_176 = arith.muli %add3A_81, %mul3A_175 : i32
        %add3A_177 = arith.addi %mul3A_174, %mul3A_176 : i32
        %mul3A_178 = arith.constant 16 : i32
        %mul3A_179 = arith.muli %scan3A_124, %mul3A_178 : i32
        %add3A_180 = arith.addi %add3A_177, %mul3A_179 : i32
        %add3A_181 = vector.broadcast %add3A_180 : i32 to vector<16xi32>
        %add3A_182 = arith.addi %add3A_181, %iota3A : vector<16xi32>
        %lt3A = arith.constant 3200000 : i32
        %lt3A_183 = vector.broadcast %lt3A : i32 to vector<16xi32>
        %lt3A_184 = arith.cmpi slt, %add3A_182, %lt3A_183 : vector<16xi32>
        %broadcast_in_dim3A = vector.broadcast %scan3A : f32 to vector<16xf32>
        %select_n3A = arith.select %lt3A_184, %min3A_172, %broadcast_in_dim3A : vector<16xi1>, vector<16xf32>
        %swap3A = arith.index_cast %mul3A_126 : i32 to index
        %swap3A_185 = tpu.vector_load %arg25[%swap3A] {strides = array<i32>} : memref<1024xf32, #tpu.memory_space<vmem>>, vector<16xf32>,
        tpu.vector_store %arg25[%swap3A], %select_n3A {strides = array<i32>} : memref<1024xf32, #tpu.memory_space<vmem>>, vector<16xf32>,
      }
      %scan3A_118 = arith.constant 64 : i32
      %mul3A_119 = arith.constant 102400 : i32
      %mul3A_120 = arith.muli %add3A, %mul3A_119 : i32
      %mul3A_121 = arith.constant 1024 : i32
      %mul3A_122 = arith.muli %add3A_81, %mul3A_121 : i32
      %add3A_123 = arith.addi %mul3A_120, %mul3A_122 : i32
      "tpu.region"() ({
        %run_scoped3A = tpu.sem_alloc : memref<!tpu.dma_semaphore, #tpu.memory_space<semaphore_mem>>
        %dma_start3A_124 = tpu.memref_slice %arg7[%add3A_123] : memref<3276800xf32, #tpu.memory_space<hbm>> -> memref<1024xf32, #tpu.memory_space<hbm>>
        %dma_start3A_125 = tpu.memref_slice %arg7[%add3A_123] : memref<3276800xf32, #tpu.memory_space<hbm>> -> memref<1024xf32, #tpu.memory_space<hbm>>
        tpu.enqueue_dma source(%arg25 : memref<1024xf32, #tpu.memory_space<vmem>>) target(%dma_start3A_125 : memref<1024xf32, #tpu.memory_space<hbm>>) target_semaphore(%run_scoped3A : memref<!tpu.dma_semaphore, #tpu.memory_space<semaphore_mem>>)
        %dma_wait3A_126 = tpu.memref_slice %arg7[%add3A_123] : memref<3276800xf32, #tpu.memory_space<hbm>> -> memref<1024xf32, #tpu.memory_space<hbm>>
        %dma_wait3A_127 = tpu.memref_slice %arg7[%add3A_123] : memref<3276800xf32, #tpu.memory_space<hbm>> -> memref<1024xf32, #tpu.memory_space<hbm>>
        tpu.wait_dma2 semaphore(%run_scoped3A : memref<!tpu.dma_semaphore, #tpu.memory_space<semaphore_mem>>) src(%arg25 : memref<1024xf32, #tpu.memory_space<vmem>>) dst(%dma_wait3A_127 : memref<1024xf32, #tpu.memory_space<hbm>>)
        tpu.yield
      }) : () -> ()
    }
    %scan3A_20 = arith.constant 50 : i32
    %dma_wait3A = arith.constant 0 : i32
    %dma_wait3A_21 = tpu.memref_slice %arg2[%dma_wait3A] : memref<100352xf32, #tpu.memory_space<hbm>> -> memref<100352xf32, #tpu.memory_space<hbm>>
    tpu.wait_indirect_dma semaphore(%arg26 : memref<!tpu.dma_semaphore, #tpu.memory_space<semaphore_mem>>) src(%dma_wait3A_21 : memref<100352xf32, #tpu.memory_space<hbm>>) dst(%arg12 : memref<1024xf32, #tpu.memory_space<vmem>>)
    %dma_wait3A_22 = arith.constant 0 : i32
    %dma_wait3A_23 = tpu.memref_slice %arg3[%dma_wait3A_22] : memref<100352xf32, #tpu.memory_space<hbm>> -> memref<100352xf32, #tpu.memory_space<hbm>>
    tpu.wait_indirect_dma semaphore(%arg26 : memref<!tpu.dma_semaphore, #tpu.memory_space<semaphore_mem>>) src(%dma_wait3A_23 : memref<100352xf32, #tpu.memory_space<hbm>>) dst(%arg13 : memref<1024xf32, #tpu.memory_space<vmem>>)
    %dma_wait3A_24 = arith.constant 0 : i32
    %dma_wait3A_25 = tpu.memref_slice %arg4[%dma_wait3A_24] : memref<100352xf32, #tpu.memory_space<hbm>> -> memref<100352xf32, #tpu.memory_space<hbm>>
    tpu.wait_indirect_dma semaphore(%arg26 : memref<!tpu.dma_semaphore, #tpu.memory_space<semaphore_mem>>) src(%dma_wait3A_25 : memref<100352xf32, #tpu.memory_space<hbm>>) dst(%arg14 : memref<1024xf32, #tpu.memory_space<vmem>>)
    %dma_wait3A_26 = arith.constant 0 : i32
    %dma_wait3A_27 = tpu.memref_slice %arg2[%dma_wait3A_26] : memref<100352xf32, #tpu.memory_space<hbm>> -> memref<100352xf32, #tpu.memory_space<hbm>>
    tpu.wait_indirect_dma semaphore(%arg26 : memref<!tpu.dma_semaphore, #tpu.memory_space<semaphore_mem>>) src(%dma_wait3A_27 : memref<100352xf32, #tpu.memory_space<hbm>>) dst(%arg15 : memref<1024xf32, #tpu.memory_space<vmem>>)
    %dma_wait3A_28 = arith.constant 0 : i32
    %dma_wait3A_29 = tpu.memref_slice %arg3[%dma_wait3A_28] : memref<100352xf32, #tpu.memory_space<hbm>> -> memref<100352xf32, #tpu.memory_space<hbm>>
    tpu.wait_indirect_dma semaphore(%arg26 : memref<!tpu.dma_semaphore, #tpu.memory_space<semaphore_mem>>) src(%dma_wait3A_29 : memref<100352xf32, #tpu.memory_space<hbm>>) dst(%arg16 : memref<1024xf32, #tpu.memory_space<vmem>>)
    %dma_wait3A_30 = arith.constant 0 : i32
    %dma_wait3A_31 = tpu.memref_slice %arg4[%dma_wait3A_30] : memref<100352xf32, #tpu.memory_space<hbm>> -> memref<100352xf32, #tpu.memory_space<hbm>>
    tpu.wait_indirect_dma semaphore(%arg26 : memref<!tpu.dma_semaphore, #tpu.memory_space<semaphore_mem>>) src(%dma_wait3A_31 : memref<100352xf32, #tpu.memory_space<hbm>>) dst(%arg17 : memref<1024xf32, #tpu.memory_space<vmem>>)
    return
  }
}

#map = affine_map<(d0, d1) -> (0)>
module attributes {stable_mosaic.version = 14 : i64} {
  func.func @_edge_pass(%arg0: i32, %arg1: i32, %arg2: memref<3276800xf32, #tpu.memory_space<hbm>>, %arg3: memref<3276800xi32, #tpu.memory_space<hbm>>, %arg4: memref<3276800xi32, #tpu.memory_space<hbm>>, %arg5: memref<100352xf32, #tpu.memory_space<hbm>>, %arg6: memref<100352xf32, #tpu.memory_space<hbm>>, %arg7: memref<100352xf32, #tpu.memory_space<hbm>>, %arg8: memref<100352xf32, #tpu.memory_space<hbm>>, %arg9: memref<100352xf32, #tpu.memory_space<hbm>>, %arg10: memref<32896xf32, #tpu.memory_space<hbm>>, %arg11: memref<6272xf32, #tpu.memory_space<hbm>>, %arg12: memref<2007040xf32, #tpu.memory_space<hbm>>, %arg13: memref<32896xf32, #tpu.memory_space<vmem>>, %arg14: memref<1024xi32, #tpu.memory_space<vmem>>, %arg15: memref<1024xi32, #tpu.memory_space<vmem>>, %arg16: memref<1024xf32, #tpu.memory_space<vmem>>, %arg17: memref<1024xi32, #tpu.memory_space<vmem>>, %arg18: memref<1024xf32, #tpu.memory_space<vmem>>, %arg19: memref<1024xf32, #tpu.memory_space<vmem>>, %arg20: memref<1024xf32, #tpu.memory_space<vmem>>, %arg21: memref<1024xf32, #tpu.memory_space<vmem>>, %arg22: memref<1024xf32, #tpu.memory_space<vmem>>, %arg23: memref<1024xf32, #tpu.memory_space<vmem>>, %arg24: memref<1024xf32, #tpu.memory_space<vmem>>, %arg25: memref<100352xf32, #tpu.memory_space<vmem_shared>>, %arg26: memref<100352xf32, #tpu.memory_space<vmem_shared>>, %arg27: memref<100352xf32, #tpu.memory_space<vmem_shared>>, %arg28: memref<100352xf32, #tpu.memory_space<vmem_shared>>, %arg29: memref<100352xf32, #tpu.memory_space<vmem_shared>>, %arg30: memref<100352xf32, #tpu.memory_space<vmem_shared>>, %arg31: memref<100352xf32, #tpu.memory_space<vmem_shared>>, %arg32: memref<100352xf32, #tpu.memory_space<vmem_shared>>, %arg33: memref<100352xf32, #tpu.memory_space<vmem_shared>>, %arg34: memref<100352xf32, #tpu.memory_space<vmem_shared>>, %arg35: memref<!tpu.dma_semaphore, #tpu.memory_space<semaphore_mem>>, %arg36: memref<!tpu.dma_semaphore, #tpu.memory_space<semaphore_mem>>, %arg37: memref<!tpu.dma_semaphore, #tpu.memory_space<semaphore_mem>>, %arg38: memref<!tpu.dma_semaphore, #tpu.memory_space<semaphore_mem>>, %arg39: memref<!tpu.dma_semaphore, #tpu.memory_space<semaphore_mem>>, %arg40: memref<!tpu.dma_semaphore, #tpu.memory_space<semaphore_mem>>) attributes {dimension_semantics = [#tpu.dimension_semantics<core_parallel>, #tpu.dimension_semantics<subcore_parallel>], iteration_bounds = array<i64: 2, 16>, scalar_prefetch = 0 : i64, scratch_operands = 28 : i64, tpu.core_type = #tpu.core_type<sc_vector_subcore>, window_params = [{transform_indices = #map}, {transform_indices = #map}, {transform_indices = #map}, {transform_indices = #map}, {transform_indices = #map}, {transform_indices = #map}, {transform_indices = #map}, {transform_indices = #map}, {transform_indices = #map}, {transform_indices = #map}, {transform_indices = #map}]} {
    %mul3A = arith.constant 2 : i32
    %mul3A_0 = arith.muli %arg1, %mul3A : i32
    %add3A = arith.addi %mul3A_0, %arg0 : i32
    "tpu.region"() ({
      %run_scoped3A = tpu.sem_alloc : memref<!tpu.dma_semaphore, #tpu.memory_space<semaphore_mem>>
      tpu.enqueue_dma source(%arg10 : memref<32896xf32, #tpu.memory_space<hbm>>) target(%arg13 : memref<32896xf32, #tpu.memory_space<vmem>>) target_semaphore(%run_scoped3A : memref<!tpu.dma_semaphore, #tpu.memory_space<semaphore_mem>>)
      tpu.wait_dma2 semaphore(%run_scoped3A : memref<!tpu.dma_semaphore, #tpu.memory_space<semaphore_mem>>) src(%arg10 : memref<32896xf32, #tpu.memory_space<hbm>>) dst(%arg13 : memref<32896xf32, #tpu.memory_space<vmem>>)
      tpu.yield
    }) : () -> ()
    %mul3A_1 = arith.constant 6272 : i32
    %mul3A_2 = arith.muli %arg1, %mul3A_1 : i32
    "tpu.region"() ({
      %run_scoped3A = tpu.sem_alloc : memref<!tpu.dma_semaphore, #tpu.memory_space<semaphore_mem>>
      %dma_start3A = tpu.memref_slice %arg25[%mul3A_2] : memref<100352xf32, #tpu.memory_space<vmem_shared>> -> memref<6272xf32, #tpu.memory_space<vmem_shared>>
      tpu.enqueue_dma source(%arg11 : memref<6272xf32, #tpu.memory_space<hbm>>) target(%dma_start3A : memref<6272xf32, #tpu.memory_space<vmem_shared>>) target_semaphore(%run_scoped3A : memref<!tpu.dma_semaphore, #tpu.memory_space<semaphore_mem>>)
      %dma_wait3A = tpu.memref_slice %arg25[%mul3A_2] : memref<100352xf32, #tpu.memory_space<vmem_shared>> -> memref<6272xf32, #tpu.memory_space<vmem_shared>>
      tpu.wait_dma2 semaphore(%run_scoped3A : memref<!tpu.dma_semaphore, #tpu.memory_space<semaphore_mem>>) src(%arg11 : memref<6272xf32, #tpu.memory_space<hbm>>) dst(%dma_wait3A : memref<6272xf32, #tpu.memory_space<vmem_shared>>)
      tpu.yield
    }) : () -> ()
    %mul3A_3 = arith.constant 6272 : i32
    %mul3A_4 = arith.muli %arg1, %mul3A_3 : i32
    "tpu.region"() ({
      %run_scoped3A = tpu.sem_alloc : memref<!tpu.dma_semaphore, #tpu.memory_space<semaphore_mem>>
      %dma_start3A = tpu.memref_slice %arg26[%mul3A_4] : memref<100352xf32, #tpu.memory_space<vmem_shared>> -> memref<6272xf32, #tpu.memory_space<vmem_shared>>
      tpu.enqueue_dma source(%arg11 : memref<6272xf32, #tpu.memory_space<hbm>>) target(%dma_start3A : memref<6272xf32, #tpu.memory_space<vmem_shared>>) target_semaphore(%run_scoped3A : memref<!tpu.dma_semaphore, #tpu.memory_space<semaphore_mem>>)
      %dma_wait3A = tpu.memref_slice %arg26[%mul3A_4] : memref<100352xf32, #tpu.memory_space<vmem_shared>> -> memref<6272xf32, #tpu.memory_space<vmem_shared>>
      tpu.wait_dma2 semaphore(%run_scoped3A : memref<!tpu.dma_semaphore, #tpu.memory_space<semaphore_mem>>) src(%arg11 : memref<6272xf32, #tpu.memory_space<hbm>>) dst(%dma_wait3A : memref<6272xf32, #tpu.memory_space<vmem_shared>>)
      tpu.yield
    }) : () -> ()
    %mul3A_5 = arith.constant 6272 : i32
    %mul3A_6 = arith.muli %arg1, %mul3A_5 : i32
    "tpu.region"() ({
      %run_scoped3A = tpu.sem_alloc : memref<!tpu.dma_semaphore, #tpu.memory_space<semaphore_mem>>
      %dma_start3A = tpu.memref_slice %arg27[%mul3A_6] : memref<100352xf32, #tpu.memory_space<vmem_shared>> -> memref<6272xf32, #tpu.memory_space<vmem_shared>>
      tpu.enqueue_dma source(%arg11 : memref<6272xf32, #tpu.memory_space<hbm>>) target(%dma_start3A : memref<6272xf32, #tpu.memory_space<vmem_shared>>) target_semaphore(%run_scoped3A : memref<!tpu.dma_semaphore, #tpu.memory_space<semaphore_mem>>)
      %dma_wait3A = tpu.memref_slice %arg27[%mul3A_6] : memref<100352xf32, #tpu.memory_space<vmem_shared>> -> memref<6272xf32, #tpu.memory_space<vmem_shared>>
      tpu.wait_dma2 semaphore(%run_scoped3A : memref<!tpu.dma_semaphore, #tpu.memory_space<semaphore_mem>>) src(%arg11 : memref<6272xf32, #tpu.memory_space<hbm>>) dst(%dma_wait3A : memref<6272xf32, #tpu.memory_space<vmem_shared>>)
      tpu.yield
    }) : () -> ()
    %mul3A_7 = arith.constant 6272 : i32
    %mul3A_8 = arith.muli %arg1, %mul3A_7 : i32
    "tpu.region"() ({
      %run_scoped3A = tpu.sem_alloc : memref<!tpu.dma_semaphore, #tpu.memory_space<semaphore_mem>>
      %dma_start3A = tpu.memref_slice %arg28[%mul3A_8] : memref<100352xf32, #tpu.memory_space<vmem_shared>> -> memref<6272xf32, #tpu.memory_space<vmem_shared>>
      tpu.enqueue_dma source(%arg11 : memref<6272xf32, #tpu.memory_space<hbm>>) target(%dma_start3A : memref<6272xf32, #tpu.memory_space<vmem_shared>>) target_semaphore(%run_scoped3A : memref<!tpu.dma_semaphore, #tpu.memory_space<semaphore_mem>>)
      %dma_wait3A = tpu.memref_slice %arg28[%mul3A_8] : memref<100352xf32, #tpu.memory_space<vmem_shared>> -> memref<6272xf32, #tpu.memory_space<vmem_shared>>
      tpu.wait_dma2 semaphore(%run_scoped3A : memref<!tpu.dma_semaphore, #tpu.memory_space<semaphore_mem>>) src(%arg11 : memref<6272xf32, #tpu.memory_space<hbm>>) dst(%dma_wait3A : memref<6272xf32, #tpu.memory_space<vmem_shared>>)
      tpu.yield
    }) : () -> ()
    %mul3A_9 = arith.constant 6272 : i32
    %mul3A_10 = arith.muli %arg1, %mul3A_9 : i32
    "tpu.region"() ({
      %run_scoped3A = tpu.sem_alloc : memref<!tpu.dma_semaphore, #tpu.memory_space<semaphore_mem>>
      %dma_start3A = tpu.memref_slice %arg29[%mul3A_10] : memref<100352xf32, #tpu.memory_space<vmem_shared>> -> memref<6272xf32, #tpu.memory_space<vmem_shared>>
      tpu.enqueue_dma source(%arg11 : memref<6272xf32, #tpu.memory_space<hbm>>) target(%dma_start3A : memref<6272xf32, #tpu.memory_space<vmem_shared>>) target_semaphore(%run_scoped3A : memref<!tpu.dma_semaphore, #tpu.memory_space<semaphore_mem>>)
      %dma_wait3A = tpu.memref_slice %arg29[%mul3A_10] : memref<100352xf32, #tpu.memory_space<vmem_shared>> -> memref<6272xf32, #tpu.memory_space<vmem_shared>>
      tpu.wait_dma2 semaphore(%run_scoped3A : memref<!tpu.dma_semaphore, #tpu.memory_space<semaphore_mem>>) src(%arg11 : memref<6272xf32, #tpu.memory_space<hbm>>) dst(%dma_wait3A : memref<6272xf32, #tpu.memory_space<vmem_shared>>)
      tpu.yield
    }) : () -> ()
    %mul3A_11 = arith.constant 6272 : i32
    %mul3A_12 = arith.muli %arg1, %mul3A_11 : i32
    "tpu.region"() ({
      %run_scoped3A = tpu.sem_alloc : memref<!tpu.dma_semaphore, #tpu.memory_space<semaphore_mem>>
      %dma_start3A = tpu.memref_slice %arg30[%mul3A_12] : memref<100352xf32, #tpu.memory_space<vmem_shared>> -> memref<6272xf32, #tpu.memory_space<vmem_shared>>
      tpu.enqueue_dma source(%arg11 : memref<6272xf32, #tpu.memory_space<hbm>>) target(%dma_start3A : memref<6272xf32, #tpu.memory_space<vmem_shared>>) target_semaphore(%run_scoped3A : memref<!tpu.dma_semaphore, #tpu.memory_space<semaphore_mem>>)
      %dma_wait3A = tpu.memref_slice %arg30[%mul3A_12] : memref<100352xf32, #tpu.memory_space<vmem_shared>> -> memref<6272xf32, #tpu.memory_space<vmem_shared>>
      tpu.wait_dma2 semaphore(%run_scoped3A : memref<!tpu.dma_semaphore, #tpu.memory_space<semaphore_mem>>) src(%arg11 : memref<6272xf32, #tpu.memory_space<hbm>>) dst(%dma_wait3A : memref<6272xf32, #tpu.memory_space<vmem_shared>>)
      tpu.yield
    }) : () -> ()
    %mul3A_13 = arith.constant 6272 : i32
    %mul3A_14 = arith.muli %arg1, %mul3A_13 : i32
    "tpu.region"() ({
      %run_scoped3A = tpu.sem_alloc : memref<!tpu.dma_semaphore, #tpu.memory_space<semaphore_mem>>
      %dma_start3A = tpu.memref_slice %arg31[%mul3A_14] : memref<100352xf32, #tpu.memory_space<vmem_shared>> -> memref<6272xf32, #tpu.memory_space<vmem_shared>>
      tpu.enqueue_dma source(%arg11 : memref<6272xf32, #tpu.memory_space<hbm>>) target(%dma_start3A : memref<6272xf32, #tpu.memory_space<vmem_shared>>) target_semaphore(%run_scoped3A : memref<!tpu.dma_semaphore, #tpu.memory_space<semaphore_mem>>)
      %dma_wait3A = tpu.memref_slice %arg31[%mul3A_14] : memref<100352xf32, #tpu.memory_space<vmem_shared>> -> memref<6272xf32, #tpu.memory_space<vmem_shared>>
      tpu.wait_dma2 semaphore(%run_scoped3A : memref<!tpu.dma_semaphore, #tpu.memory_space<semaphore_mem>>) src(%arg11 : memref<6272xf32, #tpu.memory_space<hbm>>) dst(%dma_wait3A : memref<6272xf32, #tpu.memory_space<vmem_shared>>)
      tpu.yield
    }) : () -> ()
    %mul3A_15 = arith.constant 6272 : i32
    %mul3A_16 = arith.muli %arg1, %mul3A_15 : i32
    "tpu.region"() ({
      %run_scoped3A = tpu.sem_alloc : memref<!tpu.dma_semaphore, #tpu.memory_space<semaphore_mem>>
      %dma_start3A = tpu.memref_slice %arg32[%mul3A_16] : memref<100352xf32, #tpu.memory_space<vmem_shared>> -> memref<6272xf32, #tpu.memory_space<vmem_shared>>
      tpu.enqueue_dma source(%arg11 : memref<6272xf32, #tpu.memory_space<hbm>>) target(%dma_start3A : memref<6272xf32, #tpu.memory_space<vmem_shared>>) target_semaphore(%run_scoped3A : memref<!tpu.dma_semaphore, #tpu.memory_space<semaphore_mem>>)
      %dma_wait3A = tpu.memref_slice %arg32[%mul3A_16] : memref<100352xf32, #tpu.memory_space<vmem_shared>> -> memref<6272xf32, #tpu.memory_space<vmem_shared>>
      tpu.wait_dma2 semaphore(%run_scoped3A : memref<!tpu.dma_semaphore, #tpu.memory_space<semaphore_mem>>) src(%arg11 : memref<6272xf32, #tpu.memory_space<hbm>>) dst(%dma_wait3A : memref<6272xf32, #tpu.memory_space<vmem_shared>>)
      tpu.yield
    }) : () -> ()
    %mul3A_17 = arith.constant 6272 : i32
    %mul3A_18 = arith.muli %arg1, %mul3A_17 : i32
    "tpu.region"() ({
      %run_scoped3A = tpu.sem_alloc : memref<!tpu.dma_semaphore, #tpu.memory_space<semaphore_mem>>
      %dma_start3A = tpu.memref_slice %arg33[%mul3A_18] : memref<100352xf32, #tpu.memory_space<vmem_shared>> -> memref<6272xf32, #tpu.memory_space<vmem_shared>>
      tpu.enqueue_dma source(%arg11 : memref<6272xf32, #tpu.memory_space<hbm>>) target(%dma_start3A : memref<6272xf32, #tpu.memory_space<vmem_shared>>) target_semaphore(%run_scoped3A : memref<!tpu.dma_semaphore, #tpu.memory_space<semaphore_mem>>)
      %dma_wait3A = tpu.memref_slice %arg33[%mul3A_18] : memref<100352xf32, #tpu.memory_space<vmem_shared>> -> memref<6272xf32, #tpu.memory_space<vmem_shared>>
      tpu.wait_dma2 semaphore(%run_scoped3A : memref<!tpu.dma_semaphore, #tpu.memory_space<semaphore_mem>>) src(%arg11 : memref<6272xf32, #tpu.memory_space<hbm>>) dst(%dma_wait3A : memref<6272xf32, #tpu.memory_space<vmem_shared>>)
      tpu.yield
    }) : () -> ()
    %mul3A_19 = arith.constant 6272 : i32
    %mul3A_20 = arith.muli %arg1, %mul3A_19 : i32
    "tpu.region"() ({
      %run_scoped3A = tpu.sem_alloc : memref<!tpu.dma_semaphore, #tpu.memory_space<semaphore_mem>>
      %dma_start3A = tpu.memref_slice %arg34[%mul3A_20] : memref<100352xf32, #tpu.memory_space<vmem_shared>> -> memref<6272xf32, #tpu.memory_space<vmem_shared>>
      tpu.enqueue_dma source(%arg11 : memref<6272xf32, #tpu.memory_space<hbm>>) target(%dma_start3A : memref<6272xf32, #tpu.memory_space<vmem_shared>>) target_semaphore(%run_scoped3A : memref<!tpu.dma_semaphore, #tpu.memory_space<semaphore_mem>>)
      %dma_wait3A = tpu.memref_slice %arg34[%mul3A_20] : memref<100352xf32, #tpu.memory_space<vmem_shared>> -> memref<6272xf32, #tpu.memory_space<vmem_shared>>
      tpu.wait_dma2 semaphore(%run_scoped3A : memref<!tpu.dma_semaphore, #tpu.memory_space<semaphore_mem>>) src(%arg11 : memref<6272xf32, #tpu.memory_space<hbm>>) dst(%dma_wait3A : memref<6272xf32, #tpu.memory_space<vmem_shared>>)
      tpu.yield
    }) : () -> ()
    %barrier3A = arith.constant 0 : index
    tpu.barrier barrier_id(%barrier3A)
    %scan3A = arith.constant 0 : i32
    %scan3A_21 = arith.constant 100 : i32
    %scan3A_22 = arith.addi %scan3A, %scan3A_21 : i32
    %scan3A_23 = arith.constant 1 : i32
    scf.for %scan3A_136 = %scan3A to %scan3A_22 step %scan3A_23  : i32 {
      %mul3A_137 = arith.constant 102400 : i32
      %mul3A_138 = arith.muli %add3A, %mul3A_137 : i32
      %mul3A_139 = arith.constant 1024 : i32
      %mul3A_140 = arith.muli %scan3A_136, %mul3A_139 : i32
      %add3A_141 = arith.addi %mul3A_138, %mul3A_140 : i32
      "tpu.region"() ({
        %run_scoped3A = tpu.sem_alloc : memref<!tpu.dma_semaphore, #tpu.memory_space<semaphore_mem>>
        %dma_start3A_230 = tpu.memref_slice %arg3[%add3A_141] : memref<3276800xi32, #tpu.memory_space<hbm>> -> memref<1024xi32, #tpu.memory_space<hbm>>
        %dma_start3A_231 = tpu.memref_slice %arg3[%add3A_141] : memref<3276800xi32, #tpu.memory_space<hbm>> -> memref<1024xi32, #tpu.memory_space<hbm>>
        tpu.enqueue_dma source(%dma_start3A_231 : memref<1024xi32, #tpu.memory_space<hbm>>) target(%arg14 : memref<1024xi32, #tpu.memory_space<vmem>>) target_semaphore(%run_scoped3A : memref<!tpu.dma_semaphore, #tpu.memory_space<semaphore_mem>>)
        %dma_wait3A_232 = tpu.memref_slice %arg3[%add3A_141] : memref<3276800xi32, #tpu.memory_space<hbm>> -> memref<1024xi32, #tpu.memory_space<hbm>>
        %dma_wait3A_233 = tpu.memref_slice %arg3[%add3A_141] : memref<3276800xi32, #tpu.memory_space<hbm>> -> memref<1024xi32, #tpu.memory_space<hbm>>
        tpu.wait_dma2 semaphore(%run_scoped3A : memref<!tpu.dma_semaphore, #tpu.memory_space<semaphore_mem>>) src(%dma_wait3A_233 : memref<1024xi32, #tpu.memory_space<hbm>>) dst(%arg14 : memref<1024xi32, #tpu.memory_space<vmem>>)
        tpu.yield
      }) : () -> ()
      "tpu.region"() ({
        %run_scoped3A = tpu.sem_alloc : memref<!tpu.dma_semaphore, #tpu.memory_space<semaphore_mem>>
        %dma_start3A_230 = tpu.memref_slice %arg4[%add3A_141] : memref<3276800xi32, #tpu.memory_space<hbm>> -> memref<1024xi32, #tpu.memory_space<hbm>>
        %dma_start3A_231 = tpu.memref_slice %arg4[%add3A_141] : memref<3276800xi32, #tpu.memory_space<hbm>> -> memref<1024xi32, #tpu.memory_space<hbm>>
        tpu.enqueue_dma source(%dma_start3A_231 : memref<1024xi32, #tpu.memory_space<hbm>>) target(%arg15 : memref<1024xi32, #tpu.memory_space<vmem>>) target_semaphore(%run_scoped3A : memref<!tpu.dma_semaphore, #tpu.memory_space<semaphore_mem>>)
        %dma_wait3A_232 = tpu.memref_slice %arg4[%add3A_141] : memref<3276800xi32, #tpu.memory_space<hbm>> -> memref<1024xi32, #tpu.memory_space<hbm>>
        %dma_wait3A_233 = tpu.memref_slice %arg4[%add3A_141] : memref<3276800xi32, #tpu.memory_space<hbm>> -> memref<1024xi32, #tpu.memory_space<hbm>>
        tpu.wait_dma2 semaphore(%run_scoped3A : memref<!tpu.dma_semaphore, #tpu.memory_space<semaphore_mem>>) src(%dma_wait3A_233 : memref<1024xi32, #tpu.memory_space<hbm>>) dst(%arg15 : memref<1024xi32, #tpu.memory_space<vmem>>)
        tpu.yield
      }) : () -> ()
      "tpu.region"() ({
        %run_scoped3A = tpu.sem_alloc : memref<!tpu.dma_semaphore, #tpu.memory_space<semaphore_mem>>
        %dma_start3A_230 = tpu.memref_slice %arg2[%add3A_141] : memref<3276800xf32, #tpu.memory_space<hbm>> -> memref<1024xf32, #tpu.memory_space<hbm>>
        %dma_start3A_231 = tpu.memref_slice %arg2[%add3A_141] : memref<3276800xf32, #tpu.memory_space<hbm>> -> memref<1024xf32, #tpu.memory_space<hbm>>
        tpu.enqueue_dma source(%dma_start3A_231 : memref<1024xf32, #tpu.memory_space<hbm>>) target(%arg16 : memref<1024xf32, #tpu.memory_space<vmem>>) target_semaphore(%run_scoped3A : memref<!tpu.dma_semaphore, #tpu.memory_space<semaphore_mem>>)
        %dma_wait3A_232 = tpu.memref_slice %arg2[%add3A_141] : memref<3276800xf32, #tpu.memory_space<hbm>> -> memref<1024xf32, #tpu.memory_space<hbm>>
        %dma_wait3A_233 = tpu.memref_slice %arg2[%add3A_141] : memref<3276800xf32, #tpu.memory_space<hbm>> -> memref<1024xf32, #tpu.memory_space<hbm>>
        tpu.wait_dma2 semaphore(%run_scoped3A : memref<!tpu.dma_semaphore, #tpu.memory_space<semaphore_mem>>) src(%dma_wait3A_233 : memref<1024xf32, #tpu.memory_space<hbm>>) dst(%arg16 : memref<1024xf32, #tpu.memory_space<vmem>>)
        tpu.yield
      }) : () -> ()
      %scan3A_142 = arith.constant 0 : i32
      %scan3A_143 = arith.constant 64 : i32
      %scan3A_144 = arith.addi %scan3A_142, %scan3A_143 : i32
      %scan3A_145 = arith.constant 1 : i32
      scf.for %scan3A_230 = %scan3A_142 to %scan3A_144 step %scan3A_145  : i32 {
        %mul3A_231 = arith.constant 16 : i32
        %mul3A_232 = arith.muli %scan3A_230, %mul3A_231 : i32
        %get3A = arith.index_cast %mul3A_232 : i32 to index
        %get3A_233 = tpu.vector_load %arg16[%get3A] {strides = array<i32>} : memref<1024xf32, #tpu.memory_space<vmem>>, vector<16xf32>,
        %convert_element_type3A = arith.fptosi %get3A_233 : vector<16xf32> to vector<16xi32>
        %min3A = arith.constant 2047 : i32
        %min3A_234 = vector.broadcast %min3A : i32 to vector<16xi32>
        %min3A_235 = arith.minsi %convert_element_type3A, %min3A_234 : vector<16xi32>
        %convert_element_type3A_236 = arith.sitofp %min3A_235 : vector<16xi32> to vector<16xf32>
        %sub3A = arith.subf %get3A_233, %convert_element_type3A_236 : vector<16xf32>
        %swap3A = arith.index_cast %mul3A_232 : i32 to index
        %swap3A_237 = tpu.vector_load %arg18[%swap3A] {strides = array<i32>} : memref<1024xf32, #tpu.memory_space<vmem>>, vector<16xf32>,
        tpu.vector_store %arg18[%swap3A], %sub3A {strides = array<i32>} : memref<1024xf32, #tpu.memory_space<vmem>>, vector<16xf32>,
        %mul3A_238 = arith.constant 16 : i32
        %mul3A_239 = vector.broadcast %mul3A_238 : i32 to vector<16xi32>
        %mul3A_240 = arith.muli %min3A_235, %mul3A_239 : vector<16xi32>
        %swap3A_241 = arith.index_cast %mul3A_232 : i32 to index
        %swap3A_242 = tpu.vector_load %arg17[%swap3A_241] {strides = array<i32>} : memref<1024xi32, #tpu.memory_space<vmem>>, vector<16xi32>,
        tpu.vector_store %arg17[%swap3A_241], %mul3A_240 {strides = array<i32>} : memref<1024xi32, #tpu.memory_space<vmem>>, vector<16xi32>,
      }
      %scan3A_146 = arith.constant 64 : i32
      %dma_start3A = arith.constant 0 : i32
      %dma_start3A_147 = tpu.memref_slice %arg5[%dma_start3A] : memref<100352xf32, #tpu.memory_space<hbm>> -> memref<100352xf32, #tpu.memory_space<hbm>>
      tpu.enqueue_indirect_dma source(%dma_start3A_147 : memref<100352xf32, #tpu.memory_space<hbm>>) target(%arg19 : memref<1024xf32, #tpu.memory_space<vmem>>) offsets(%arg14 : memref<1024xi32, #tpu.memory_space<vmem>>) semaphore(%arg35 : memref<!tpu.dma_semaphore, #tpu.memory_space<semaphore_mem>>)
      %dma_wait3A = arith.constant 0 : i32
      %dma_wait3A_148 = tpu.memref_slice %arg5[%dma_wait3A] : memref<100352xf32, #tpu.memory_space<hbm>> -> memref<100352xf32, #tpu.memory_space<hbm>>
      tpu.wait_indirect_dma semaphore(%arg35 : memref<!tpu.dma_semaphore, #tpu.memory_space<semaphore_mem>>) src(%dma_wait3A_148 : memref<100352xf32, #tpu.memory_space<hbm>>) dst(%arg19 : memref<1024xf32, #tpu.memory_space<vmem>>)
      %dma_start3A_149 = arith.constant 0 : i32
      %dma_start3A_150 = tpu.memref_slice %arg6[%dma_start3A_149] : memref<100352xf32, #tpu.memory_space<hbm>> -> memref<100352xf32, #tpu.memory_space<hbm>>
      tpu.enqueue_indirect_dma source(%dma_start3A_150 : memref<100352xf32, #tpu.memory_space<hbm>>) target(%arg20 : memref<1024xf32, #tpu.memory_space<vmem>>) offsets(%arg14 : memref<1024xi32, #tpu.memory_space<vmem>>) semaphore(%arg36 : memref<!tpu.dma_semaphore, #tpu.memory_space<semaphore_mem>>)
      %scan3A_151 = arith.constant 0 : i32
      %scan3A_152 = arith.constant 64 : i32
      %scan3A_153 = arith.addi %scan3A_151, %scan3A_152 : i32
      %scan3A_154 = arith.constant 1 : i32
      scf.for %scan3A_230 = %scan3A_151 to %scan3A_153 step %scan3A_154  : i32 {
        %mul3A_231 = arith.constant 16 : i32
        %mul3A_232 = arith.muli %scan3A_230, %mul3A_231 : i32
        %get3A = arith.index_cast %mul3A_232 : i32 to index
        %get3A_233 = tpu.vector_load %arg17[%get3A] {strides = array<i32>} : memref<1024xi32, #tpu.memory_space<vmem>>, vector<16xi32>,
        %add3A_234 = arith.constant 0 : i32
        %add3A_235 = vector.broadcast %add3A_234 : i32 to vector<16xi32>
        %add3A_236 = arith.addi %get3A_233, %add3A_235 : vector<16xi32>
        %get3A_237 = arith.index_cast %mul3A_232 : i32 to index
        %get3A_238 = tpu.vector_load %arg18[%get3A_237] {strides = array<i32>} : memref<1024xf32, #tpu.memory_space<vmem>>, vector<16xf32>,
        %get3A_239 = arith.index_cast %mul3A_232 : i32 to index
        %get3A_240 = tpu.vector_load %arg19[%get3A_239] {strides = array<i32>} : memref<1024xf32, #tpu.memory_space<vmem>>, vector<16xf32>,
        %bitcast3A = vector.bitcast %get3A_240 : vector<16xf32> to vector<16xi32>
        %shift_left3A = arith.constant 16 : i32
        %shift_left3A_241 = vector.broadcast %shift_left3A : i32 to vector<16xi32>
        %shift_left3A_242 = arith.shli %bitcast3A, %shift_left3A_241 : vector<16xi32>
        %bitcast3A_243 = vector.bitcast %shift_left3A_242 : vector<16xi32> to vector<16xf32>
        %and3A = arith.constant -65536 : i32
        %and3A_244 = vector.broadcast %and3A : i32 to vector<16xi32>
        %and3A_245 = arith.andi %bitcast3A, %and3A_244 : vector<16xi32>
        %bitcast3A_246 = vector.bitcast %and3A_245 : vector<16xi32> to vector<16xf32>
        %gather3A = tpu.vector_load_idx %arg13[%add3A_236] : memref<32896xf32, #tpu.memory_space<vmem>>[vector<16xi32>], vector<16xf32>,
        %add3A_247 = arith.constant 16 : i32
        %add3A_248 = vector.broadcast %add3A_247 : i32 to vector<16xi32>
        %add3A_249 = arith.addi %add3A_236, %add3A_248 : vector<16xi32>
        %gather3A_250 = tpu.vector_load_idx %arg13[%add3A_249] : memref<32896xf32, #tpu.memory_space<vmem>>[vector<16xi32>], vector<16xf32>,
        %add3A_251 = arith.constant 1 : i32
        %add3A_252 = vector.broadcast %add3A_251 : i32 to vector<16xi32>
        %add3A_253 = arith.addi %add3A_236, %add3A_252 : vector<16xi32>
        %gather3A_254 = tpu.vector_load_idx %arg13[%add3A_253] : memref<32896xf32, #tpu.memory_space<vmem>>[vector<16xi32>], vector<16xf32>,
        %add3A_255 = arith.constant 16 : i32
        %add3A_256 = vector.broadcast %add3A_255 : i32 to vector<16xi32>
        %add3A_257 = arith.addi %add3A_236, %add3A_256 : vector<16xi32>
        %add3A_258 = arith.constant 1 : i32
        %add3A_259 = vector.broadcast %add3A_258 : i32 to vector<16xi32>
        %add3A_260 = arith.addi %add3A_257, %add3A_259 : vector<16xi32>
        %gather3A_261 = tpu.vector_load_idx %arg13[%add3A_260] : memref<32896xf32, #tpu.memory_space<vmem>>[vector<16xi32>], vector<16xf32>,
        %sub3A = arith.subf %gather3A_250, %gather3A : vector<16xf32>
        %mul3A_262 = arith.mulf %get3A_238, %sub3A : vector<16xf32>
        %add3A_263 = arith.addf %gather3A, %mul3A_262 : vector<16xf32>
        %mul3A_264 = arith.mulf %bitcast3A_243, %add3A_263 : vector<16xf32>
        %swap3A = arith.index_cast %mul3A_232 : i32 to index
        %swap3A_265 = tpu.vector_load %arg21[%swap3A] {strides = array<i32>} : memref<1024xf32, #tpu.memory_space<vmem>>, vector<16xf32>,
        tpu.vector_store %arg21[%swap3A], %mul3A_264 {strides = array<i32>} : memref<1024xf32, #tpu.memory_space<vmem>>, vector<16xf32>,
        %sub3A_266 = arith.subf %gather3A_261, %gather3A_254 : vector<16xf32>
        %mul3A_267 = arith.mulf %get3A_238, %sub3A_266 : vector<16xf32>
        %add3A_268 = arith.addf %gather3A_254, %mul3A_267 : vector<16xf32>
        %mul3A_269 = arith.mulf %bitcast3A_246, %add3A_268 : vector<16xf32>
        %swap3A_270 = arith.index_cast %mul3A_232 : i32 to index
        %swap3A_271 = tpu.vector_load %arg22[%swap3A_270] {strides = array<i32>} : memref<1024xf32, #tpu.memory_space<vmem>>, vector<16xf32>,
        tpu.vector_store %arg22[%swap3A_270], %mul3A_269 {strides = array<i32>} : memref<1024xf32, #tpu.memory_space<vmem>>, vector<16xf32>,
      }
      %scan3A_155 = arith.constant 64 : i32
      %dma_start3A_156 = arith.constant 0 : i32
      %dma_start3A_157 = tpu.memref_slice %arg25[%dma_start3A_156] : memref<100352xf32, #tpu.memory_space<vmem_shared>> -> memref<100352xf32, #tpu.memory_space<vmem_shared>>
      tpu.enqueue_indirect_dma source(%arg21 : memref<1024xf32, #tpu.memory_space<vmem>>) target(%dma_start3A_157 : memref<100352xf32, #tpu.memory_space<vmem_shared>>) offsets(%arg15 : memref<1024xi32, #tpu.memory_space<vmem>>) semaphore(%arg37 : memref<!tpu.dma_semaphore, #tpu.memory_space<semaphore_mem>>) {add = true}
      %dma_start3A_158 = arith.constant 0 : i32
      %dma_start3A_159 = tpu.memref_slice %arg26[%dma_start3A_158] : memref<100352xf32, #tpu.memory_space<vmem_shared>> -> memref<100352xf32, #tpu.memory_space<vmem_shared>>
      tpu.enqueue_indirect_dma source(%arg22 : memref<1024xf32, #tpu.memory_space<vmem>>) target(%dma_start3A_159 : memref<100352xf32, #tpu.memory_space<vmem_shared>>) offsets(%arg15 : memref<1024xi32, #tpu.memory_space<vmem>>) semaphore(%arg38 : memref<!tpu.dma_semaphore, #tpu.memory_space<semaphore_mem>>) {add = true}
      %dma_wait3A_160 = arith.constant 0 : i32
      %dma_wait3A_161 = tpu.memref_slice %arg6[%dma_wait3A_160] : memref<100352xf32, #tpu.memory_space<hbm>> -> memref<100352xf32, #tpu.memory_space<hbm>>
      tpu.wait_indirect_dma semaphore(%arg36 : memref<!tpu.dma_semaphore, #tpu.memory_space<semaphore_mem>>) src(%dma_wait3A_161 : memref<100352xf32, #tpu.memory_space<hbm>>) dst(%arg20 : memref<1024xf32, #tpu.memory_space<vmem>>)
      %dma_start3A_162 = arith.constant 0 : i32
      %dma_start3A_163 = tpu.memref_slice %arg7[%dma_start3A_162] : memref<100352xf32, #tpu.memory_space<hbm>> -> memref<100352xf32, #tpu.memory_space<hbm>>
      tpu.enqueue_indirect_dma source(%dma_start3A_163 : memref<100352xf32, #tpu.memory_space<hbm>>) target(%arg19 : memref<1024xf32, #tpu.memory_space<vmem>>) offsets(%arg14 : memref<1024xi32, #tpu.memory_space<vmem>>) semaphore(%arg35 : memref<!tpu.dma_semaphore, #tpu.memory_space<semaphore_mem>>)
      %scan3A_164 = arith.constant 0 : i32
      %scan3A_165 = arith.constant 64 : i32
      %scan3A_166 = arith.addi %scan3A_164, %scan3A_165 : i32
      %scan3A_167 = arith.constant 1 : i32
      scf.for %scan3A_230 = %scan3A_164 to %scan3A_166 step %scan3A_167  : i32 {
        %mul3A_231 = arith.constant 16 : i32
        %mul3A_232 = arith.muli %scan3A_230, %mul3A_231 : i32
        %get3A = arith.index_cast %mul3A_232 : i32 to index
        %get3A_233 = tpu.vector_load %arg17[%get3A] {strides = array<i32>} : memref<1024xi32, #tpu.memory_space<vmem>>, vector<16xi32>,
        %add3A_234 = arith.constant 2 : i32
        %add3A_235 = vector.broadcast %add3A_234 : i32 to vector<16xi32>
        %add3A_236 = arith.addi %get3A_233, %add3A_235 : vector<16xi32>
        %get3A_237 = arith.index_cast %mul3A_232 : i32 to index
        %get3A_238 = tpu.vector_load %arg18[%get3A_237] {strides = array<i32>} : memref<1024xf32, #tpu.memory_space<vmem>>, vector<16xf32>,
        %get3A_239 = arith.index_cast %mul3A_232 : i32 to index
        %get3A_240 = tpu.vector_load %arg20[%get3A_239] {strides = array<i32>} : memref<1024xf32, #tpu.memory_space<vmem>>, vector<16xf32>,
        %bitcast3A = vector.bitcast %get3A_240 : vector<16xf32> to vector<16xi32>
        %shift_left3A = arith.constant 16 : i32
        %shift_left3A_241 = vector.broadcast %shift_left3A : i32 to vector<16xi32>
        %shift_left3A_242 = arith.shli %bitcast3A, %shift_left3A_241 : vector<16xi32>
        %bitcast3A_243 = vector.bitcast %shift_left3A_242 : vector<16xi32> to vector<16xf32>
        %and3A = arith.constant -65536 : i32
        %and3A_244 = vector.broadcast %and3A : i32 to vector<16xi32>
        %and3A_245 = arith.andi %bitcast3A, %and3A_244 : vector<16xi32>
        %bitcast3A_246 = vector.bitcast %and3A_245 : vector<16xi32> to vector<16xf32>
        %gather3A = tpu.vector_load_idx %arg13[%add3A_236] : memref<32896xf32, #tpu.memory_space<vmem>>[vector<16xi32>], vector<16xf32>,
        %add3A_247 = arith.constant 16 : i32
        %add3A_248 = vector.broadcast %add3A_247 : i32 to vector<16xi32>
        %add3A_249 = arith.addi %add3A_236, %add3A_248 : vector<16xi32>
        %gather3A_250 = tpu.vector_load_idx %arg13[%add3A_249] : memref<32896xf32, #tpu.memory_space<vmem>>[vector<16xi32>], vector<16xf32>,
        %add3A_251 = arith.constant 1 : i32
        %add3A_252 = vector.broadcast %add3A_251 : i32 to vector<16xi32>
        %add3A_253 = arith.addi %add3A_236, %add3A_252 : vector<16xi32>
        %gather3A_254 = tpu.vector_load_idx %arg13[%add3A_253] : memref<32896xf32, #tpu.memory_space<vmem>>[vector<16xi32>], vector<16xf32>,
        %add3A_255 = arith.constant 16 : i32
        %add3A_256 = vector.broadcast %add3A_255 : i32 to vector<16xi32>
        %add3A_257 = arith.addi %add3A_236, %add3A_256 : vector<16xi32>
        %add3A_258 = arith.constant 1 : i32
        %add3A_259 = vector.broadcast %add3A_258 : i32 to vector<16xi32>
        %add3A_260 = arith.addi %add3A_257, %add3A_259 : vector<16xi32>
        %gather3A_261 = tpu.vector_load_idx %arg13[%add3A_260] : memref<32896xf32, #tpu.memory_space<vmem>>[vector<16xi32>], vector<16xf32>,
        %sub3A = arith.subf %gather3A_250, %gather3A : vector<16xf32>
        %mul3A_262 = arith.mulf %get3A_238, %sub3A : vector<16xf32>
        %add3A_263 = arith.addf %gather3A, %mul3A_262 : vector<16xf32>
        %mul3A_264 = arith.mulf %bitcast3A_243, %add3A_263 : vector<16xf32>
        %swap3A = arith.index_cast %mul3A_232 : i32 to index
        %swap3A_265 = tpu.vector_load %arg23[%swap3A] {strides = array<i32>} : memref<1024xf32, #tpu.memory_space<vmem>>, vector<16xf32>,
        tpu.vector_store %arg23[%swap3A], %mul3A_264 {strides = array<i32>} : memref<1024xf32, #tpu.memory_space<vmem>>, vector<16xf32>,
        %sub3A_266 = arith.subf %gather3A_261, %gather3A_254 : vector<16xf32>
        %mul3A_267 = arith.mulf %get3A_238, %sub3A_266 : vector<16xf32>
        %add3A_268 = arith.addf %gather3A_254, %mul3A_267 : vector<16xf32>
        %mul3A_269 = arith.mulf %bitcast3A_246, %add3A_268 : vector<16xf32>
        %swap3A_270 = arith.index_cast %mul3A_232 : i32 to index
        %swap3A_271 = tpu.vector_load %arg24[%swap3A_270] {strides = array<i32>} : memref<1024xf32, #tpu.memory_space<vmem>>, vector<16xf32>,
        tpu.vector_store %arg24[%swap3A_270], %mul3A_269 {strides = array<i32>} : memref<1024xf32, #tpu.memory_space<vmem>>, vector<16xf32>,
      }
      %scan3A_168 = arith.constant 64 : i32
      %dma_start3A_169 = arith.constant 0 : i32
      %dma_start3A_170 = tpu.memref_slice %arg27[%dma_start3A_169] : memref<100352xf32, #tpu.memory_space<vmem_shared>> -> memref<100352xf32, #tpu.memory_space<vmem_shared>>
      tpu.enqueue_indirect_dma source(%arg23 : memref<1024xf32, #tpu.memory_space<vmem>>) target(%dma_start3A_170 : memref<100352xf32, #tpu.memory_space<vmem_shared>>) offsets(%arg15 : memref<1024xi32, #tpu.memory_space<vmem>>) semaphore(%arg39 : memref<!tpu.dma_semaphore, #tpu.memory_space<semaphore_mem>>) {add = true}
      %dma_start3A_171 = arith.constant 0 : i32
      %dma_start3A_172 = tpu.memref_slice %arg28[%dma_start3A_171] : memref<100352xf32, #tpu.memory_space<vmem_shared>> -> memref<100352xf32, #tpu.memory_space<vmem_shared>>
      tpu.enqueue_indirect_dma source(%arg24 : memref<1024xf32, #tpu.memory_space<vmem>>) target(%dma_start3A_172 : memref<100352xf32, #tpu.memory_space<vmem_shared>>) offsets(%arg15 : memref<1024xi32, #tpu.memory_space<vmem>>) semaphore(%arg40 : memref<!tpu.dma_semaphore, #tpu.memory_space<semaphore_mem>>) {add = true}
      %dma_wait3A_173 = arith.constant 0 : i32
      %dma_wait3A_174 = tpu.memref_slice %arg7[%dma_wait3A_173] : memref<100352xf32, #tpu.memory_space<hbm>> -> memref<100352xf32, #tpu.memory_space<hbm>>
      tpu.wait_indirect_dma semaphore(%arg35 : memref<!tpu.dma_semaphore, #tpu.memory_space<semaphore_mem>>) src(%dma_wait3A_174 : memref<100352xf32, #tpu.memory_space<hbm>>) dst(%arg19 : memref<1024xf32, #tpu.memory_space<vmem>>)
      %dma_start3A_175 = arith.constant 0 : i32
      %dma_start3A_176 = tpu.memref_slice %arg8[%dma_start3A_175] : memref<100352xf32, #tpu.memory_space<hbm>> -> memref<100352xf32, #tpu.memory_space<hbm>>
      tpu.enqueue_indirect_dma source(%dma_start3A_176 : memref<100352xf32, #tpu.memory_space<hbm>>) target(%arg20 : memref<1024xf32, #tpu.memory_space<vmem>>) offsets(%arg14 : memref<1024xi32, #tpu.memory_space<vmem>>) semaphore(%arg36 : memref<!tpu.dma_semaphore, #tpu.memory_space<semaphore_mem>>)
      %dma_wait3A_177 = arith.constant 0 : i32
      %dma_wait3A_178 = tpu.memref_slice %arg25[%dma_wait3A_177] : memref<100352xf32, #tpu.memory_space<vmem_shared>> -> memref<100352xf32, #tpu.memory_space<vmem_shared>>
      tpu.wait_indirect_dma semaphore(%arg37 : memref<!tpu.dma_semaphore, #tpu.memory_space<semaphore_mem>>) src(%arg21 : memref<1024xf32, #tpu.memory_space<vmem>>) dst(%dma_wait3A_178 : memref<100352xf32, #tpu.memory_space<vmem_shared>>)
      %dma_wait3A_179 = arith.constant 0 : i32
      %dma_wait3A_180 = tpu.memref_slice %arg26[%dma_wait3A_179] : memref<100352xf32, #tpu.memory_space<vmem_shared>> -> memref<100352xf32, #tpu.memory_space<vmem_shared>>
      tpu.wait_indirect_dma semaphore(%arg38 : memref<!tpu.dma_semaphore, #tpu.memory_space<semaphore_mem>>) src(%arg22 : memref<1024xf32, #tpu.memory_space<vmem>>) dst(%dma_wait3A_180 : memref<100352xf32, #tpu.memory_space<vmem_shared>>)
      %scan3A_181 = arith.constant 0 : i32
      %scan3A_182 = arith.constant 64 : i32
      %scan3A_183 = arith.addi %scan3A_181, %scan3A_182 : i32
      %scan3A_184 = arith.constant 1 : i32
      scf.for %scan3A_230 = %scan3A_181 to %scan3A_183 step %scan3A_184  : i32 {
        %mul3A_231 = arith.constant 16 : i32
        %mul3A_232 = arith.muli %scan3A_230, %mul3A_231 : i32
        %get3A = arith.index_cast %mul3A_232 : i32 to index
        %get3A_233 = tpu.vector_load %arg17[%get3A] {strides = array<i32>} : memref<1024xi32, #tpu.memory_space<vmem>>, vector<16xi32>,
        %add3A_234 = arith.constant 4 : i32
        %add3A_235 = vector.broadcast %add3A_234 : i32 to vector<16xi32>
        %add3A_236 = arith.addi %get3A_233, %add3A_235 : vector<16xi32>
        %get3A_237 = arith.index_cast %mul3A_232 : i32 to index
        %get3A_238 = tpu.vector_load %arg18[%get3A_237] {strides = array<i32>} : memref<1024xf32, #tpu.memory_space<vmem>>, vector<16xf32>,
        %get3A_239 = arith.index_cast %mul3A_232 : i32 to index
        %get3A_240 = tpu.vector_load %arg19[%get3A_239] {strides = array<i32>} : memref<1024xf32, #tpu.memory_space<vmem>>, vector<16xf32>,
        %bitcast3A = vector.bitcast %get3A_240 : vector<16xf32> to vector<16xi32>
        %shift_left3A = arith.constant 16 : i32
        %shift_left3A_241 = vector.broadcast %shift_left3A : i32 to vector<16xi32>
        %shift_left3A_242 = arith.shli %bitcast3A, %shift_left3A_241 : vector<16xi32>
        %bitcast3A_243 = vector.bitcast %shift_left3A_242 : vector<16xi32> to vector<16xf32>
        %and3A = arith.constant -65536 : i32
        %and3A_244 = vector.broadcast %and3A : i32 to vector<16xi32>
        %and3A_245 = arith.andi %bitcast3A, %and3A_244 : vector<16xi32>
        %bitcast3A_246 = vector.bitcast %and3A_245 : vector<16xi32> to vector<16xf32>
        %gather3A = tpu.vector_load_idx %arg13[%add3A_236] : memref<32896xf32, #tpu.memory_space<vmem>>[vector<16xi32>], vector<16xf32>,
        %add3A_247 = arith.constant 16 : i32
        %add3A_248 = vector.broadcast %add3A_247 : i32 to vector<16xi32>
        %add3A_249 = arith.addi %add3A_236, %add3A_248 : vector<16xi32>
        %gather3A_250 = tpu.vector_load_idx %arg13[%add3A_249] : memref<32896xf32, #tpu.memory_space<vmem>>[vector<16xi32>], vector<16xf32>,
        %add3A_251 = arith.constant 1 : i32
        %add3A_252 = vector.broadcast %add3A_251 : i32 to vector<16xi32>
        %add3A_253 = arith.addi %add3A_236, %add3A_252 : vector<16xi32>
        %gather3A_254 = tpu.vector_load_idx %arg13[%add3A_253] : memref<32896xf32, #tpu.memory_space<vmem>>[vector<16xi32>], vector<16xf32>,
        %add3A_255 = arith.constant 16 : i32
        %add3A_256 = vector.broadcast %add3A_255 : i32 to vector<16xi32>
        %add3A_257 = arith.addi %add3A_236, %add3A_256 : vector<16xi32>
        %add3A_258 = arith.constant 1 : i32
        %add3A_259 = vector.broadcast %add3A_258 : i32 to vector<16xi32>
        %add3A_260 = arith.addi %add3A_257, %add3A_259 : vector<16xi32>
        %gather3A_261 = tpu.vector_load_idx %arg13[%add3A_260] : memref<32896xf32, #tpu.memory_space<vmem>>[vector<16xi32>], vector<16xf32>,
        %sub3A = arith.subf %gather3A_250, %gather3A : vector<16xf32>
        %mul3A_262 = arith.mulf %get3A_238, %sub3A : vector<16xf32>
        %add3A_263 = arith.addf %gather3A, %mul3A_262 : vector<16xf32>
        %mul3A_264 = arith.mulf %bitcast3A_243, %add3A_263 : vector<16xf32>
        %swap3A = arith.index_cast %mul3A_232 : i32 to index
        %swap3A_265 = tpu.vector_load %arg21[%swap3A] {strides = array<i32>} : memref<1024xf32, #tpu.memory_space<vmem>>, vector<16xf32>,
        tpu.vector_store %arg21[%swap3A], %mul3A_264 {strides = array<i32>} : memref<1024xf32, #tpu.memory_space<vmem>>, vector<16xf32>,
        %sub3A_266 = arith.subf %gather3A_261, %gather3A_254 : vector<16xf32>
        %mul3A_267 = arith.mulf %get3A_238, %sub3A_266 : vector<16xf32>
        %add3A_268 = arith.addf %gather3A_254, %mul3A_267 : vector<16xf32>
        %mul3A_269 = arith.mulf %bitcast3A_246, %add3A_268 : vector<16xf32>
        %swap3A_270 = arith.index_cast %mul3A_232 : i32 to index
        %swap3A_271 = tpu.vector_load %arg22[%swap3A_270] {strides = array<i32>} : memref<1024xf32, #tpu.memory_space<vmem>>, vector<16xf32>,
        tpu.vector_store %arg22[%swap3A_270], %mul3A_269 {strides = array<i32>} : memref<1024xf32, #tpu.memory_space<vmem>>, vector<16xf32>,
      }
      %scan3A_185 = arith.constant 64 : i32
      %dma_start3A_186 = arith.constant 0 : i32
      %dma_start3A_187 = tpu.memref_slice %arg29[%dma_start3A_186] : memref<100352xf32, #tpu.memory_space<vmem_shared>> -> memref<100352xf32, #tpu.memory_space<vmem_shared>>
      tpu.enqueue_indirect_dma source(%arg21 : memref<1024xf32, #tpu.memory_space<vmem>>) target(%dma_start3A_187 : memref<100352xf32, #tpu.memory_space<vmem_shared>>) offsets(%arg15 : memref<1024xi32, #tpu.memory_space<vmem>>) semaphore(%arg37 : memref<!tpu.dma_semaphore, #tpu.memory_space<semaphore_mem>>) {add = true}
      %dma_start3A_188 = arith.constant 0 : i32
      %dma_start3A_189 = tpu.memref_slice %arg30[%dma_start3A_188] : memref<100352xf32, #tpu.memory_space<vmem_shared>> -> memref<100352xf32, #tpu.memory_space<vmem_shared>>
      tpu.enqueue_indirect_dma source(%arg22 : memref<1024xf32, #tpu.memory_space<vmem>>) target(%dma_start3A_189 : memref<100352xf32, #tpu.memory_space<vmem_shared>>) offsets(%arg15 : memref<1024xi32, #tpu.memory_space<vmem>>) semaphore(%arg38 : memref<!tpu.dma_semaphore, #tpu.memory_space<semaphore_mem>>) {add = true}
      %dma_wait3A_190 = arith.constant 0 : i32
      %dma_wait3A_191 = tpu.memref_slice %arg8[%dma_wait3A_190] : memref<100352xf32, #tpu.memory_space<hbm>> -> memref<100352xf32, #tpu.memory_space<hbm>>
      tpu.wait_indirect_dma semaphore(%arg36 : memref<!tpu.dma_semaphore, #tpu.memory_space<semaphore_mem>>) src(%dma_wait3A_191 : memref<100352xf32, #tpu.memory_space<hbm>>) dst(%arg20 : memref<1024xf32, #tpu.memory_space<vmem>>)
      %dma_start3A_192 = arith.constant 0 : i32
      %dma_start3A_193 = tpu.memref_slice %arg9[%dma_start3A_192] : memref<100352xf32, #tpu.memory_space<hbm>> -> memref<100352xf32, #tpu.memory_space<hbm>>
      tpu.enqueue_indirect_dma source(%dma_start3A_193 : memref<100352xf32, #tpu.memory_space<hbm>>) target(%arg19 : memref<1024xf32, #tpu.memory_space<vmem>>) offsets(%arg14 : memref<1024xi32, #tpu.memory_space<vmem>>) semaphore(%arg35 : memref<!tpu.dma_semaphore, #tpu.memory_space<semaphore_mem>>)
      %dma_wait3A_194 = arith.constant 0 : i32
      %dma_wait3A_195 = tpu.memref_slice %arg27[%dma_wait3A_194] : memref<100352xf32, #tpu.memory_space<vmem_shared>> -> memref<100352xf32, #tpu.memory_space<vmem_shared>>
      tpu.wait_indirect_dma semaphore(%arg39 : memref<!tpu.dma_semaphore, #tpu.memory_space<semaphore_mem>>) src(%arg23 : memref<1024xf32, #tpu.memory_space<vmem>>) dst(%dma_wait3A_195 : memref<100352xf32, #tpu.memory_space<vmem_shared>>)
      %dma_wait3A_196 = arith.constant 0 : i32
      %dma_wait3A_197 = tpu.memref_slice %arg28[%dma_wait3A_196] : memref<100352xf32, #tpu.memory_space<vmem_shared>> -> memref<100352xf32, #tpu.memory_space<vmem_shared>>
      tpu.wait_indirect_dma semaphore(%arg40 : memref<!tpu.dma_semaphore, #tpu.memory_space<semaphore_mem>>) src(%arg24 : memref<1024xf32, #tpu.memory_space<vmem>>) dst(%dma_wait3A_197 : memref<100352xf32, #tpu.memory_space<vmem_shared>>)
      %scan3A_198 = arith.constant 0 : i32
      %scan3A_199 = arith.constant 64 : i32
      %scan3A_200 = arith.addi %scan3A_198, %scan3A_199 : i32
      %scan3A_201 = arith.constant 1 : i32
      scf.for %scan3A_230 = %scan3A_198 to %scan3A_200 step %scan3A_201  : i32 {
        %mul3A_231 = arith.constant 16 : i32
        %mul3A_232 = arith.muli %scan3A_230, %mul3A_231 : i32
        %get3A = arith.index_cast %mul3A_232 : i32 to index
        %get3A_233 = tpu.vector_load %arg17[%get3A] {strides = array<i32>} : memref<1024xi32, #tpu.memory_space<vmem>>, vector<16xi32>,
        %add3A_234 = arith.constant 6 : i32
        %add3A_235 = vector.broadcast %add3A_234 : i32 to vector<16xi32>
        %add3A_236 = arith.addi %get3A_233, %add3A_235 : vector<16xi32>
        %get3A_237 = arith.index_cast %mul3A_232 : i32 to index
        %get3A_238 = tpu.vector_load %arg18[%get3A_237] {strides = array<i32>} : memref<1024xf32, #tpu.memory_space<vmem>>, vector<16xf32>,
        %get3A_239 = arith.index_cast %mul3A_232 : i32 to index
        %get3A_240 = tpu.vector_load %arg20[%get3A_239] {strides = array<i32>} : memref<1024xf32, #tpu.memory_space<vmem>>, vector<16xf32>,
        %bitcast3A = vector.bitcast %get3A_240 : vector<16xf32> to vector<16xi32>
        %shift_left3A = arith.constant 16 : i32
        %shift_left3A_241 = vector.broadcast %shift_left3A : i32 to vector<16xi32>
        %shift_left3A_242 = arith.shli %bitcast3A, %shift_left3A_241 : vector<16xi32>
        %bitcast3A_243 = vector.bitcast %shift_left3A_242 : vector<16xi32> to vector<16xf32>
        %and3A = arith.constant -65536 : i32
        %and3A_244 = vector.broadcast %and3A : i32 to vector<16xi32>
        %and3A_245 = arith.andi %bitcast3A, %and3A_244 : vector<16xi32>
        %bitcast3A_246 = vector.bitcast %and3A_245 : vector<16xi32> to vector<16xf32>
        %gather3A = tpu.vector_load_idx %arg13[%add3A_236] : memref<32896xf32, #tpu.memory_space<vmem>>[vector<16xi32>], vector<16xf32>,
        %add3A_247 = arith.constant 16 : i32
        %add3A_248 = vector.broadcast %add3A_247 : i32 to vector<16xi32>
        %add3A_249 = arith.addi %add3A_236, %add3A_248 : vector<16xi32>
        %gather3A_250 = tpu.vector_load_idx %arg13[%add3A_249] : memref<32896xf32, #tpu.memory_space<vmem>>[vector<16xi32>], vector<16xf32>,
        %add3A_251 = arith.constant 1 : i32
        %add3A_252 = vector.broadcast %add3A_251 : i32 to vector<16xi32>
        %add3A_253 = arith.addi %add3A_236, %add3A_252 : vector<16xi32>
        %gather3A_254 = tpu.vector_load_idx %arg13[%add3A_253] : memref<32896xf32, #tpu.memory_space<vmem>>[vector<16xi32>], vector<16xf32>,
        %add3A_255 = arith.constant 16 : i32
        %add3A_256 = vector.broadcast %add3A_255 : i32 to vector<16xi32>
        %add3A_257 = arith.addi %add3A_236, %add3A_256 : vector<16xi32>
        %add3A_258 = arith.constant 1 : i32
        %add3A_259 = vector.broadcast %add3A_258 : i32 to vector<16xi32>
        %add3A_260 = arith.addi %add3A_257, %add3A_259 : vector<16xi32>
        %gather3A_261 = tpu.vector_load_idx %arg13[%add3A_260] : memref<32896xf32, #tpu.memory_space<vmem>>[vector<16xi32>], vector<16xf32>,
        %sub3A = arith.subf %gather3A_250, %gather3A : vector<16xf32>
        %mul3A_262 = arith.mulf %get3A_238, %sub3A : vector<16xf32>
        %add3A_263 = arith.addf %gather3A, %mul3A_262 : vector<16xf32>
        %mul3A_264 = arith.mulf %bitcast3A_243, %add3A_263 : vector<16xf32>
        %swap3A = arith.index_cast %mul3A_232 : i32 to index
        %swap3A_265 = tpu.vector_load %arg23[%swap3A] {strides = array<i32>} : memref<1024xf32, #tpu.memory_space<vmem>>, vector<16xf32>,
        tpu.vector_store %arg23[%swap3A], %mul3A_264 {strides = array<i32>} : memref<1024xf32, #tpu.memory_space<vmem>>, vector<16xf32>,
        %sub3A_266 = arith.subf %gather3A_261, %gather3A_254 : vector<16xf32>
        %mul3A_267 = arith.mulf %get3A_238, %sub3A_266 : vector<16xf32>
        %add3A_268 = arith.addf %gather3A_254, %mul3A_267 : vector<16xf32>
        %mul3A_269 = arith.mulf %bitcast3A_246, %add3A_268 : vector<16xf32>
        %swap3A_270 = arith.index_cast %mul3A_232 : i32 to index
        %swap3A_271 = tpu.vector_load %arg24[%swap3A_270] {strides = array<i32>} : memref<1024xf32, #tpu.memory_space<vmem>>, vector<16xf32>,
        tpu.vector_store %arg24[%swap3A_270], %mul3A_269 {strides = array<i32>} : memref<1024xf32, #tpu.memory_space<vmem>>, vector<16xf32>,
      }
      %scan3A_202 = arith.constant 64 : i32
      %dma_start3A_203 = arith.constant 0 : i32
      %dma_start3A_204 = tpu.memref_slice %arg31[%dma_start3A_203] : memref<100352xf32, #tpu.memory_space<vmem_shared>> -> memref<100352xf32, #tpu.memory_space<vmem_shared>>
      tpu.enqueue_indirect_dma source(%arg23 : memref<1024xf32, #tpu.memory_space<vmem>>) target(%dma_start3A_204 : memref<100352xf32, #tpu.memory_space<vmem_shared>>) offsets(%arg15 : memref<1024xi32, #tpu.memory_space<vmem>>) semaphore(%arg39 : memref<!tpu.dma_semaphore, #tpu.memory_space<semaphore_mem>>) {add = true}
      %dma_start3A_205 = arith.constant 0 : i32
      %dma_start3A_206 = tpu.memref_slice %arg32[%dma_start3A_205] : memref<100352xf32, #tpu.memory_space<vmem_shared>> -> memref<100352xf32, #tpu.memory_space<vmem_shared>>
      tpu.enqueue_indirect_dma source(%arg24 : memref<1024xf32, #tpu.memory_space<vmem>>) target(%dma_start3A_206 : memref<100352xf32, #tpu.memory_space<vmem_shared>>) offsets(%arg15 : memref<1024xi32, #tpu.memory_space<vmem>>) semaphore(%arg40 : memref<!tpu.dma_semaphore, #tpu.memory_space<semaphore_mem>>) {add = true}
      %dma_wait3A_207 = arith.constant 0 : i32
      %dma_wait3A_208 = tpu.memref_slice %arg9[%dma_wait3A_207] : memref<100352xf32, #tpu.memory_space<hbm>> -> memref<100352xf32, #tpu.memory_space<hbm>>
      tpu.wait_indirect_dma semaphore(%arg35 : memref<!tpu.dma_semaphore, #tpu.memory_space<semaphore_mem>>) src(%dma_wait3A_208 : memref<100352xf32, #tpu.memory_space<hbm>>) dst(%arg19 : memref<1024xf32, #tpu.memory_space<vmem>>)
      %dma_wait3A_209 = arith.constant 0 : i32
      %dma_wait3A_210 = tpu.memref_slice %arg29[%dma_wait3A_209] : memref<100352xf32, #tpu.memory_space<vmem_shared>> -> memref<100352xf32, #tpu.memory_space<vmem_shared>>
      tpu.wait_indirect_dma semaphore(%arg37 : memref<!tpu.dma_semaphore, #tpu.memory_space<semaphore_mem>>) src(%arg21 : memref<1024xf32, #tpu.memory_space<vmem>>) dst(%dma_wait3A_210 : memref<100352xf32, #tpu.memory_space<vmem_shared>>)
      %dma_wait3A_211 = arith.constant 0 : i32
      %dma_wait3A_212 = tpu.memref_slice %arg30[%dma_wait3A_211] : memref<100352xf32, #tpu.memory_space<vmem_shared>> -> memref<100352xf32, #tpu.memory_space<vmem_shared>>
      tpu.wait_indirect_dma semaphore(%arg38 : memref<!tpu.dma_semaphore, #tpu.memory_space<semaphore_mem>>) src(%arg22 : memref<1024xf32, #tpu.memory_space<vmem>>) dst(%dma_wait3A_212 : memref<100352xf32, #tpu.memory_space<vmem_shared>>)
      %scan3A_213 = arith.constant 0 : i32
      %scan3A_214 = arith.constant 64 : i32
      %scan3A_215 = arith.addi %scan3A_213, %scan3A_214 : i32
      %scan3A_216 = arith.constant 1 : i32
      scf.for %scan3A_230 = %scan3A_213 to %scan3A_215 step %scan3A_216  : i32 {
        %mul3A_231 = arith.constant 16 : i32
        %mul3A_232 = arith.muli %scan3A_230, %mul3A_231 : i32
        %get3A = arith.index_cast %mul3A_232 : i32 to index
        %get3A_233 = tpu.vector_load %arg17[%get3A] {strides = array<i32>} : memref<1024xi32, #tpu.memory_space<vmem>>, vector<16xi32>,
        %add3A_234 = arith.constant 8 : i32
        %add3A_235 = vector.broadcast %add3A_234 : i32 to vector<16xi32>
        %add3A_236 = arith.addi %get3A_233, %add3A_235 : vector<16xi32>
        %get3A_237 = arith.index_cast %mul3A_232 : i32 to index
        %get3A_238 = tpu.vector_load %arg18[%get3A_237] {strides = array<i32>} : memref<1024xf32, #tpu.memory_space<vmem>>, vector<16xf32>,
        %get3A_239 = arith.index_cast %mul3A_232 : i32 to index
        %get3A_240 = tpu.vector_load %arg19[%get3A_239] {strides = array<i32>} : memref<1024xf32, #tpu.memory_space<vmem>>, vector<16xf32>,
        %bitcast3A = vector.bitcast %get3A_240 : vector<16xf32> to vector<16xi32>
        %shift_left3A = arith.constant 16 : i32
        %shift_left3A_241 = vector.broadcast %shift_left3A : i32 to vector<16xi32>
        %shift_left3A_242 = arith.shli %bitcast3A, %shift_left3A_241 : vector<16xi32>
        %bitcast3A_243 = vector.bitcast %shift_left3A_242 : vector<16xi32> to vector<16xf32>
        %and3A = arith.constant -65536 : i32
        %and3A_244 = vector.broadcast %and3A : i32 to vector<16xi32>
        %and3A_245 = arith.andi %bitcast3A, %and3A_244 : vector<16xi32>
        %bitcast3A_246 = vector.bitcast %and3A_245 : vector<16xi32> to vector<16xf32>
        %gather3A = tpu.vector_load_idx %arg13[%add3A_236] : memref<32896xf32, #tpu.memory_space<vmem>>[vector<16xi32>], vector<16xf32>,
        %add3A_247 = arith.constant 16 : i32
        %add3A_248 = vector.broadcast %add3A_247 : i32 to vector<16xi32>
        %add3A_249 = arith.addi %add3A_236, %add3A_248 : vector<16xi32>
        %gather3A_250 = tpu.vector_load_idx %arg13[%add3A_249] : memref<32896xf32, #tpu.memory_space<vmem>>[vector<16xi32>], vector<16xf32>,
        %add3A_251 = arith.constant 1 : i32
        %add3A_252 = vector.broadcast %add3A_251 : i32 to vector<16xi32>
        %add3A_253 = arith.addi %add3A_236, %add3A_252 : vector<16xi32>
        %gather3A_254 = tpu.vector_load_idx %arg13[%add3A_253] : memref<32896xf32, #tpu.memory_space<vmem>>[vector<16xi32>], vector<16xf32>,
        %add3A_255 = arith.constant 16 : i32
        %add3A_256 = vector.broadcast %add3A_255 : i32 to vector<16xi32>
        %add3A_257 = arith.addi %add3A_236, %add3A_256 : vector<16xi32>
        %add3A_258 = arith.constant 1 : i32
        %add3A_259 = vector.broadcast %add3A_258 : i32 to vector<16xi32>
        %add3A_260 = arith.addi %add3A_257, %add3A_259 : vector<16xi32>
        %gather3A_261 = tpu.vector_load_idx %arg13[%add3A_260] : memref<32896xf32, #tpu.memory_space<vmem>>[vector<16xi32>], vector<16xf32>,
        %sub3A = arith.subf %gather3A_250, %gather3A : vector<16xf32>
        %mul3A_262 = arith.mulf %get3A_238, %sub3A : vector<16xf32>
        %add3A_263 = arith.addf %gather3A, %mul3A_262 : vector<16xf32>
        %mul3A_264 = arith.mulf %bitcast3A_243, %add3A_263 : vector<16xf32>
        %swap3A = arith.index_cast %mul3A_232 : i32 to index
        %swap3A_265 = tpu.vector_load %arg21[%swap3A] {strides = array<i32>} : memref<1024xf32, #tpu.memory_space<vmem>>, vector<16xf32>,
        tpu.vector_store %arg21[%swap3A], %mul3A_264 {strides = array<i32>} : memref<1024xf32, #tpu.memory_space<vmem>>, vector<16xf32>,
        %sub3A_266 = arith.subf %gather3A_261, %gather3A_254 : vector<16xf32>
        %mul3A_267 = arith.mulf %get3A_238, %sub3A_266 : vector<16xf32>
        %add3A_268 = arith.addf %gather3A_254, %mul3A_267 : vector<16xf32>
        %mul3A_269 = arith.mulf %bitcast3A_246, %add3A_268 : vector<16xf32>
        %swap3A_270 = arith.index_cast %mul3A_232 : i32 to index
        %swap3A_271 = tpu.vector_load %arg22[%swap3A_270] {strides = array<i32>} : memref<1024xf32, #tpu.memory_space<vmem>>, vector<16xf32>,
        tpu.vector_store %arg22[%swap3A_270], %mul3A_269 {strides = array<i32>} : memref<1024xf32, #tpu.memory_space<vmem>>, vector<16xf32>,
      }
      %scan3A_217 = arith.constant 64 : i32
      %dma_start3A_218 = arith.constant 0 : i32
      %dma_start3A_219 = tpu.memref_slice %arg33[%dma_start3A_218] : memref<100352xf32, #tpu.memory_space<vmem_shared>> -> memref<100352xf32, #tpu.memory_space<vmem_shared>>
      tpu.enqueue_indirect_dma source(%arg21 : memref<1024xf32, #tpu.memory_space<vmem>>) target(%dma_start3A_219 : memref<100352xf32, #tpu.memory_space<vmem_shared>>) offsets(%arg15 : memref<1024xi32, #tpu.memory_space<vmem>>) semaphore(%arg37 : memref<!tpu.dma_semaphore, #tpu.memory_space<semaphore_mem>>) {add = true}
      %dma_start3A_220 = arith.constant 0 : i32
      %dma_start3A_221 = tpu.memref_slice %arg34[%dma_start3A_220] : memref<100352xf32, #tpu.memory_space<vmem_shared>> -> memref<100352xf32, #tpu.memory_space<vmem_shared>>
      tpu.enqueue_indirect_dma source(%arg22 : memref<1024xf32, #tpu.memory_space<vmem>>) target(%dma_start3A_221 : memref<100352xf32, #tpu.memory_space<vmem_shared>>) offsets(%arg15 : memref<1024xi32, #tpu.memory_space<vmem>>) semaphore(%arg38 : memref<!tpu.dma_semaphore, #tpu.memory_space<semaphore_mem>>) {add = true}
      %dma_wait3A_222 = arith.constant 0 : i32
      %dma_wait3A_223 = tpu.memref_slice %arg33[%dma_wait3A_222] : memref<100352xf32, #tpu.memory_space<vmem_shared>> -> memref<100352xf32, #tpu.memory_space<vmem_shared>>
      tpu.wait_indirect_dma semaphore(%arg37 : memref<!tpu.dma_semaphore, #tpu.memory_space<semaphore_mem>>) src(%arg21 : memref<1024xf32, #tpu.memory_space<vmem>>) dst(%dma_wait3A_223 : memref<100352xf32, #tpu.memory_space<vmem_shared>>)
      %dma_wait3A_224 = arith.constant 0 : i32
      %dma_wait3A_225 = tpu.memref_slice %arg34[%dma_wait3A_224] : memref<100352xf32, #tpu.memory_space<vmem_shared>> -> memref<100352xf32, #tpu.memory_space<vmem_shared>>
      tpu.wait_indirect_dma semaphore(%arg38 : memref<!tpu.dma_semaphore, #tpu.memory_space<semaphore_mem>>) src(%arg22 : memref<1024xf32, #tpu.memory_space<vmem>>) dst(%dma_wait3A_225 : memref<100352xf32, #tpu.memory_space<vmem_shared>>)
      %dma_wait3A_226 = arith.constant 0 : i32
      %dma_wait3A_227 = tpu.memref_slice %arg31[%dma_wait3A_226] : memref<100352xf32, #tpu.memory_space<vmem_shared>> -> memref<100352xf32, #tpu.memory_space<vmem_shared>>
      tpu.wait_indirect_dma semaphore(%arg39 : memref<!tpu.dma_semaphore, #tpu.memory_space<semaphore_mem>>) src(%arg23 : memref<1024xf32, #tpu.memory_space<vmem>>) dst(%dma_wait3A_227 : memref<100352xf32, #tpu.memory_space<vmem_shared>>)
      %dma_wait3A_228 = arith.constant 0 : i32
      %dma_wait3A_229 = tpu.memref_slice %arg32[%dma_wait3A_228] : memref<100352xf32, #tpu.memory_space<vmem_shared>> -> memref<100352xf32, #tpu.memory_space<vmem_shared>>
      tpu.wait_indirect_dma semaphore(%arg40 : memref<!tpu.dma_semaphore, #tpu.memory_space<semaphore_mem>>) src(%arg24 : memref<1024xf32, #tpu.memory_space<vmem>>) dst(%dma_wait3A_229 : memref<100352xf32, #tpu.memory_space<vmem_shared>>)
    }
    %scan3A_24 = arith.constant 100 : i32
    %barrier3A_25 = arith.constant 0 : index
    tpu.barrier barrier_id(%barrier3A_25)
    %mul3A_26 = arith.constant 6272 : i32
    %mul3A_27 = arith.muli %arg1, %mul3A_26 : i32
    %mul3A_28 = arith.constant 10 : i32
    %mul3A_29 = arith.muli %arg0, %mul3A_28 : i32
    %add3A_30 = arith.constant 0 : i32
    %add3A_31 = arith.addi %mul3A_29, %add3A_30 : i32
    %mul3A_32 = arith.constant 100352 : i32
    %mul3A_33 = arith.muli %add3A_31, %mul3A_32 : i32
    %mul3A_34 = arith.constant 6272 : i32
    %mul3A_35 = arith.muli %arg1, %mul3A_34 : i32
    %add3A_36 = arith.addi %mul3A_33, %mul3A_35 : i32
    "tpu.region"() ({
      %run_scoped3A = tpu.sem_alloc : memref<!tpu.dma_semaphore, #tpu.memory_space<semaphore_mem>>
      %dma_start3A = tpu.memref_slice %arg12[%add3A_36] : memref<2007040xf32, #tpu.memory_space<hbm>> -> memref<6272xf32, #tpu.memory_space<hbm>>
      %dma_start3A_136 = tpu.memref_slice %arg25[%mul3A_27] : memref<100352xf32, #tpu.memory_space<vmem_shared>> -> memref<6272xf32, #tpu.memory_space<vmem_shared>>
      tpu.enqueue_dma source(%dma_start3A_136 : memref<6272xf32, #tpu.memory_space<vmem_shared>>) target(%dma_start3A : memref<6272xf32, #tpu.memory_space<hbm>>) target_semaphore(%run_scoped3A : memref<!tpu.dma_semaphore, #tpu.memory_space<semaphore_mem>>)
      %dma_wait3A = tpu.memref_slice %arg12[%add3A_36] : memref<2007040xf32, #tpu.memory_space<hbm>> -> memref<6272xf32, #tpu.memory_space<hbm>>
      %dma_wait3A_137 = tpu.memref_slice %arg25[%mul3A_27] : memref<100352xf32, #tpu.memory_space<vmem_shared>> -> memref<6272xf32, #tpu.memory_space<vmem_shared>>
      tpu.wait_dma2 semaphore(%run_scoped3A : memref<!tpu.dma_semaphore, #tpu.memory_space<semaphore_mem>>) src(%dma_wait3A_137 : memref<6272xf32, #tpu.memory_space<vmem_shared>>) dst(%dma_wait3A : memref<6272xf32, #tpu.memory_space<hbm>>)
      tpu.yield
    }) : () -> ()
    %mul3A_37 = arith.constant 6272 : i32
    %mul3A_38 = arith.muli %arg1, %mul3A_37 : i32
    %mul3A_39 = arith.constant 10 : i32
    %mul3A_40 = arith.muli %arg0, %mul3A_39 : i32
    %add3A_41 = arith.constant 1 : i32
    %add3A_42 = arith.addi %mul3A_40, %add3A_41 : i32
    %mul3A_43 = arith.constant 100352 : i32
    %mul3A_44 = arith.muli %add3A_42, %mul3A_43 : i32
    %mul3A_45 = arith.constant 6272 : i32
    %mul3A_46 = arith.muli %arg1, %mul3A_45 : i32
    %add3A_47 = arith.addi %mul3A_44, %mul3A_46 : i32
    "tpu.region"() ({
      %run_scoped3A = tpu.sem_alloc : memref<!tpu.dma_semaphore, #tpu.memory_space<semaphore_mem>>
      %dma_start3A = tpu.memref_slice %arg12[%add3A_47] : memref<2007040xf32, #tpu.memory_space<hbm>> -> memref<6272xf32, #tpu.memory_space<hbm>>
      %dma_start3A_136 = tpu.memref_slice %arg26[%mul3A_38] : memref<100352xf32, #tpu.memory_space<vmem_shared>> -> memref<6272xf32, #tpu.memory_space<vmem_shared>>
      tpu.enqueue_dma source(%dma_start3A_136 : memref<6272xf32, #tpu.memory_space<vmem_shared>>) target(%dma_start3A : memref<6272xf32, #tpu.memory_space<hbm>>) target_semaphore(%run_scoped3A : memref<!tpu.dma_semaphore, #tpu.memory_space<semaphore_mem>>)
      %dma_wait3A = tpu.memref_slice %arg12[%add3A_47] : memref<2007040xf32, #tpu.memory_space<hbm>> -> memref<6272xf32, #tpu.memory_space<hbm>>
      %dma_wait3A_137 = tpu.memref_slice %arg26[%mul3A_38] : memref<100352xf32, #tpu.memory_space<vmem_shared>> -> memref<6272xf32, #tpu.memory_space<vmem_shared>>
      tpu.wait_dma2 semaphore(%run_scoped3A : memref<!tpu.dma_semaphore, #tpu.memory_space<semaphore_mem>>) src(%dma_wait3A_137 : memref<6272xf32, #tpu.memory_space<vmem_shared>>) dst(%dma_wait3A : memref<6272xf32, #tpu.memory_space<hbm>>)
      tpu.yield
    }) : () -> ()
    %mul3A_48 = arith.constant 6272 : i32
    %mul3A_49 = arith.muli %arg1, %mul3A_48 : i32
    %mul3A_50 = arith.constant 10 : i32
    %mul3A_51 = arith.muli %arg0, %mul3A_50 : i32
    %add3A_52 = arith.constant 2 : i32
    %add3A_53 = arith.addi %mul3A_51, %add3A_52 : i32
    %mul3A_54 = arith.constant 100352 : i32
    %mul3A_55 = arith.muli %add3A_53, %mul3A_54 : i32
    %mul3A_56 = arith.constant 6272 : i32
    %mul3A_57 = arith.muli %arg1, %mul3A_56 : i32
    %add3A_58 = arith.addi %mul3A_55, %mul3A_57 : i32
    "tpu.region"() ({
      %run_scoped3A = tpu.sem_alloc : memref<!tpu.dma_semaphore, #tpu.memory_space<semaphore_mem>>
      %dma_start3A = tpu.memref_slice %arg12[%add3A_58] : memref<2007040xf32, #tpu.memory_space<hbm>> -> memref<6272xf32, #tpu.memory_space<hbm>>
      %dma_start3A_136 = tpu.memref_slice %arg27[%mul3A_49] : memref<100352xf32, #tpu.memory_space<vmem_shared>> -> memref<6272xf32, #tpu.memory_space<vmem_shared>>
      tpu.enqueue_dma source(%dma_start3A_136 : memref<6272xf32, #tpu.memory_space<vmem_shared>>) target(%dma_start3A : memref<6272xf32, #tpu.memory_space<hbm>>) target_semaphore(%run_scoped3A : memref<!tpu.dma_semaphore, #tpu.memory_space<semaphore_mem>>)
      %dma_wait3A = tpu.memref_slice %arg12[%add3A_58] : memref<2007040xf32, #tpu.memory_space<hbm>> -> memref<6272xf32, #tpu.memory_space<hbm>>
      %dma_wait3A_137 = tpu.memref_slice %arg27[%mul3A_49] : memref<100352xf32, #tpu.memory_space<vmem_shared>> -> memref<6272xf32, #tpu.memory_space<vmem_shared>>
      tpu.wait_dma2 semaphore(%run_scoped3A : memref<!tpu.dma_semaphore, #tpu.memory_space<semaphore_mem>>) src(%dma_wait3A_137 : memref<6272xf32, #tpu.memory_space<vmem_shared>>) dst(%dma_wait3A : memref<6272xf32, #tpu.memory_space<hbm>>)
      tpu.yield
    }) : () -> ()
    %mul3A_59 = arith.constant 6272 : i32
    %mul3A_60 = arith.muli %arg1, %mul3A_59 : i32
    %mul3A_61 = arith.constant 10 : i32
    %mul3A_62 = arith.muli %arg0, %mul3A_61 : i32
    %add3A_63 = arith.constant 3 : i32
    %add3A_64 = arith.addi %mul3A_62, %add3A_63 : i32
    %mul3A_65 = arith.constant 100352 : i32
    %mul3A_66 = arith.muli %add3A_64, %mul3A_65 : i32
    %mul3A_67 = arith.constant 6272 : i32
    %mul3A_68 = arith.muli %arg1, %mul3A_67 : i32
    %add3A_69 = arith.addi %mul3A_66, %mul3A_68 : i32
    "tpu.region"() ({
      %run_scoped3A = tpu.sem_alloc : memref<!tpu.dma_semaphore, #tpu.memory_space<semaphore_mem>>
      %dma_start3A = tpu.memref_slice %arg12[%add3A_69] : memref<2007040xf32, #tpu.memory_space<hbm>> -> memref<6272xf32, #tpu.memory_space<hbm>>
      %dma_start3A_136 = tpu.memref_slice %arg28[%mul3A_60] : memref<100352xf32, #tpu.memory_space<vmem_shared>> -> memref<6272xf32, #tpu.memory_space<vmem_shared>>
      tpu.enqueue_dma source(%dma_start3A_136 : memref<6272xf32, #tpu.memory_space<vmem_shared>>) target(%dma_start3A : memref<6272xf32, #tpu.memory_space<hbm>>) target_semaphore(%run_scoped3A : memref<!tpu.dma_semaphore, #tpu.memory_space<semaphore_mem>>)
      %dma_wait3A = tpu.memref_slice %arg12[%add3A_69] : memref<2007040xf32, #tpu.memory_space<hbm>> -> memref<6272xf32, #tpu.memory_space<hbm>>
      %dma_wait3A_137 = tpu.memref_slice %arg28[%mul3A_60] : memref<100352xf32, #tpu.memory_space<vmem_shared>> -> memref<6272xf32, #tpu.memory_space<vmem_shared>>
      tpu.wait_dma2 semaphore(%run_scoped3A : memref<!tpu.dma_semaphore, #tpu.memory_space<semaphore_mem>>) src(%dma_wait3A_137 : memref<6272xf32, #tpu.memory_space<vmem_shared>>) dst(%dma_wait3A : memref<6272xf32, #tpu.memory_space<hbm>>)
      tpu.yield
    }) : () -> ()
    %mul3A_70 = arith.constant 6272 : i32
    %mul3A_71 = arith.muli %arg1, %mul3A_70 : i32
    %mul3A_72 = arith.constant 10 : i32
    %mul3A_73 = arith.muli %arg0, %mul3A_72 : i32
    %add3A_74 = arith.constant 4 : i32
    %add3A_75 = arith.addi %mul3A_73, %add3A_74 : i32
    %mul3A_76 = arith.constant 100352 : i32
    %mul3A_77 = arith.muli %add3A_75, %mul3A_76 : i32
    %mul3A_78 = arith.constant 6272 : i32
    %mul3A_79 = arith.muli %arg1, %mul3A_78 : i32
    %add3A_80 = arith.addi %mul3A_77, %mul3A_79 : i32
    "tpu.region"() ({
      %run_scoped3A = tpu.sem_alloc : memref<!tpu.dma_semaphore, #tpu.memory_space<semaphore_mem>>
      %dma_start3A = tpu.memref_slice %arg12[%add3A_80] : memref<2007040xf32, #tpu.memory_space<hbm>> -> memref<6272xf32, #tpu.memory_space<hbm>>
      %dma_start3A_136 = tpu.memref_slice %arg29[%mul3A_71] : memref<100352xf32, #tpu.memory_space<vmem_shared>> -> memref<6272xf32, #tpu.memory_space<vmem_shared>>
      tpu.enqueue_dma source(%dma_start3A_136 : memref<6272xf32, #tpu.memory_space<vmem_shared>>) target(%dma_start3A : memref<6272xf32, #tpu.memory_space<hbm>>) target_semaphore(%run_scoped3A : memref<!tpu.dma_semaphore, #tpu.memory_space<semaphore_mem>>)
      %dma_wait3A = tpu.memref_slice %arg12[%add3A_80] : memref<2007040xf32, #tpu.memory_space<hbm>> -> memref<6272xf32, #tpu.memory_space<hbm>>
      %dma_wait3A_137 = tpu.memref_slice %arg29[%mul3A_71] : memref<100352xf32, #tpu.memory_space<vmem_shared>> -> memref<6272xf32, #tpu.memory_space<vmem_shared>>
      tpu.wait_dma2 semaphore(%run_scoped3A : memref<!tpu.dma_semaphore, #tpu.memory_space<semaphore_mem>>) src(%dma_wait3A_137 : memref<6272xf32, #tpu.memory_space<vmem_shared>>) dst(%dma_wait3A : memref<6272xf32, #tpu.memory_space<hbm>>)
      tpu.yield
    }) : () -> ()
    %mul3A_81 = arith.constant 6272 : i32
    %mul3A_82 = arith.muli %arg1, %mul3A_81 : i32
    %mul3A_83 = arith.constant 10 : i32
    %mul3A_84 = arith.muli %arg0, %mul3A_83 : i32
    %add3A_85 = arith.constant 5 : i32
    %add3A_86 = arith.addi %mul3A_84, %add3A_85 : i32
    %mul3A_87 = arith.constant 100352 : i32
    %mul3A_88 = arith.muli %add3A_86, %mul3A_87 : i32
    %mul3A_89 = arith.constant 6272 : i32
    %mul3A_90 = arith.muli %arg1, %mul3A_89 : i32
    %add3A_91 = arith.addi %mul3A_88, %mul3A_90 : i32
    "tpu.region"() ({
      %run_scoped3A = tpu.sem_alloc : memref<!tpu.dma_semaphore, #tpu.memory_space<semaphore_mem>>
      %dma_start3A = tpu.memref_slice %arg12[%add3A_91] : memref<2007040xf32, #tpu.memory_space<hbm>> -> memref<6272xf32, #tpu.memory_space<hbm>>
      %dma_start3A_136 = tpu.memref_slice %arg30[%mul3A_82] : memref<100352xf32, #tpu.memory_space<vmem_shared>> -> memref<6272xf32, #tpu.memory_space<vmem_shared>>
      tpu.enqueue_dma source(%dma_start3A_136 : memref<6272xf32, #tpu.memory_space<vmem_shared>>) target(%dma_start3A : memref<6272xf32, #tpu.memory_space<hbm>>) target_semaphore(%run_scoped3A : memref<!tpu.dma_semaphore, #tpu.memory_space<semaphore_mem>>)
      %dma_wait3A = tpu.memref_slice %arg12[%add3A_91] : memref<2007040xf32, #tpu.memory_space<hbm>> -> memref<6272xf32, #tpu.memory_space<hbm>>
      %dma_wait3A_137 = tpu.memref_slice %arg30[%mul3A_82] : memref<100352xf32, #tpu.memory_space<vmem_shared>> -> memref<6272xf32, #tpu.memory_space<vmem_shared>>
      tpu.wait_dma2 semaphore(%run_scoped3A : memref<!tpu.dma_semaphore, #tpu.memory_space<semaphore_mem>>) src(%dma_wait3A_137 : memref<6272xf32, #tpu.memory_space<vmem_shared>>) dst(%dma_wait3A : memref<6272xf32, #tpu.memory_space<hbm>>)
      tpu.yield
    }) : () -> ()
    %mul3A_92 = arith.constant 6272 : i32
    %mul3A_93 = arith.muli %arg1, %mul3A_92 : i32
    %mul3A_94 = arith.constant 10 : i32
    %mul3A_95 = arith.muli %arg0, %mul3A_94 : i32
    %add3A_96 = arith.constant 6 : i32
    %add3A_97 = arith.addi %mul3A_95, %add3A_96 : i32
    %mul3A_98 = arith.constant 100352 : i32
    %mul3A_99 = arith.muli %add3A_97, %mul3A_98 : i32
    %mul3A_100 = arith.constant 6272 : i32
    %mul3A_101 = arith.muli %arg1, %mul3A_100 : i32
    %add3A_102 = arith.addi %mul3A_99, %mul3A_101 : i32
    "tpu.region"() ({
      %run_scoped3A = tpu.sem_alloc : memref<!tpu.dma_semaphore, #tpu.memory_space<semaphore_mem>>
      %dma_start3A = tpu.memref_slice %arg12[%add3A_102] : memref<2007040xf32, #tpu.memory_space<hbm>> -> memref<6272xf32, #tpu.memory_space<hbm>>
      %dma_start3A_136 = tpu.memref_slice %arg31[%mul3A_93] : memref<100352xf32, #tpu.memory_space<vmem_shared>> -> memref<6272xf32, #tpu.memory_space<vmem_shared>>
      tpu.enqueue_dma source(%dma_start3A_136 : memref<6272xf32, #tpu.memory_space<vmem_shared>>) target(%dma_start3A : memref<6272xf32, #tpu.memory_space<hbm>>) target_semaphore(%run_scoped3A : memref<!tpu.dma_semaphore, #tpu.memory_space<semaphore_mem>>)
      %dma_wait3A = tpu.memref_slice %arg12[%add3A_102] : memref<2007040xf32, #tpu.memory_space<hbm>> -> memref<6272xf32, #tpu.memory_space<hbm>>
      %dma_wait3A_137 = tpu.memref_slice %arg31[%mul3A_93] : memref<100352xf32, #tpu.memory_space<vmem_shared>> -> memref<6272xf32, #tpu.memory_space<vmem_shared>>
      tpu.wait_dma2 semaphore(%run_scoped3A : memref<!tpu.dma_semaphore, #tpu.memory_space<semaphore_mem>>) src(%dma_wait3A_137 : memref<6272xf32, #tpu.memory_space<vmem_shared>>) dst(%dma_wait3A : memref<6272xf32, #tpu.memory_space<hbm>>)
      tpu.yield
    }) : () -> ()
    %mul3A_103 = arith.constant 6272 : i32
    %mul3A_104 = arith.muli %arg1, %mul3A_103 : i32
    %mul3A_105 = arith.constant 10 : i32
    %mul3A_106 = arith.muli %arg0, %mul3A_105 : i32
    %add3A_107 = arith.constant 7 : i32
    %add3A_108 = arith.addi %mul3A_106, %add3A_107 : i32
    %mul3A_109 = arith.constant 100352 : i32
    %mul3A_110 = arith.muli %add3A_108, %mul3A_109 : i32
    %mul3A_111 = arith.constant 6272 : i32
    %mul3A_112 = arith.muli %arg1, %mul3A_111 : i32
    %add3A_113 = arith.addi %mul3A_110, %mul3A_112 : i32
    "tpu.region"() ({
      %run_scoped3A = tpu.sem_alloc : memref<!tpu.dma_semaphore, #tpu.memory_space<semaphore_mem>>
      %dma_start3A = tpu.memref_slice %arg12[%add3A_113] : memref<2007040xf32, #tpu.memory_space<hbm>> -> memref<6272xf32, #tpu.memory_space<hbm>>
      %dma_start3A_136 = tpu.memref_slice %arg32[%mul3A_104] : memref<100352xf32, #tpu.memory_space<vmem_shared>> -> memref<6272xf32, #tpu.memory_space<vmem_shared>>
      tpu.enqueue_dma source(%dma_start3A_136 : memref<6272xf32, #tpu.memory_space<vmem_shared>>) target(%dma_start3A : memref<6272xf32, #tpu.memory_space<hbm>>) target_semaphore(%run_scoped3A : memref<!tpu.dma_semaphore, #tpu.memory_space<semaphore_mem>>)
      %dma_wait3A = tpu.memref_slice %arg12[%add3A_113] : memref<2007040xf32, #tpu.memory_space<hbm>> -> memref<6272xf32, #tpu.memory_space<hbm>>
      %dma_wait3A_137 = tpu.memref_slice %arg32[%mul3A_104] : memref<100352xf32, #tpu.memory_space<vmem_shared>> -> memref<6272xf32, #tpu.memory_space<vmem_shared>>
      tpu.wait_dma2 semaphore(%run_scoped3A : memref<!tpu.dma_semaphore, #tpu.memory_space<semaphore_mem>>) src(%dma_wait3A_137 : memref<6272xf32, #tpu.memory_space<vmem_shared>>) dst(%dma_wait3A : memref<6272xf32, #tpu.memory_space<hbm>>)
      tpu.yield
    }) : () -> ()
    %mul3A_114 = arith.constant 6272 : i32
    %mul3A_115 = arith.muli %arg1, %mul3A_114 : i32
    %mul3A_116 = arith.constant 10 : i32
    %mul3A_117 = arith.muli %arg0, %mul3A_116 : i32
    %add3A_118 = arith.constant 8 : i32
    %add3A_119 = arith.addi %mul3A_117, %add3A_118 : i32
    %mul3A_120 = arith.constant 100352 : i32
    %mul3A_121 = arith.muli %add3A_119, %mul3A_120 : i32
    %mul3A_122 = arith.constant 6272 : i32
    %mul3A_123 = arith.muli %arg1, %mul3A_122 : i32
    %add3A_124 = arith.addi %mul3A_121, %mul3A_123 : i32
    "tpu.region"() ({
      %run_scoped3A = tpu.sem_alloc : memref<!tpu.dma_semaphore, #tpu.memory_space<semaphore_mem>>
      %dma_start3A = tpu.memref_slice %arg12[%add3A_124] : memref<2007040xf32, #tpu.memory_space<hbm>> -> memref<6272xf32, #tpu.memory_space<hbm>>
      %dma_start3A_136 = tpu.memref_slice %arg33[%mul3A_115] : memref<100352xf32, #tpu.memory_space<vmem_shared>> -> memref<6272xf32, #tpu.memory_space<vmem_shared>>
      tpu.enqueue_dma source(%dma_start3A_136 : memref<6272xf32, #tpu.memory_space<vmem_shared>>) target(%dma_start3A : memref<6272xf32, #tpu.memory_space<hbm>>) target_semaphore(%run_scoped3A : memref<!tpu.dma_semaphore, #tpu.memory_space<semaphore_mem>>)
      %dma_wait3A = tpu.memref_slice %arg12[%add3A_124] : memref<2007040xf32, #tpu.memory_space<hbm>> -> memref<6272xf32, #tpu.memory_space<hbm>>
      %dma_wait3A_137 = tpu.memref_slice %arg33[%mul3A_115] : memref<100352xf32, #tpu.memory_space<vmem_shared>> -> memref<6272xf32, #tpu.memory_space<vmem_shared>>
      tpu.wait_dma2 semaphore(%run_scoped3A : memref<!tpu.dma_semaphore, #tpu.memory_space<semaphore_mem>>) src(%dma_wait3A_137 : memref<6272xf32, #tpu.memory_space<vmem_shared>>) dst(%dma_wait3A : memref<6272xf32, #tpu.memory_space<hbm>>)
      tpu.yield
    }) : () -> ()
    %mul3A_125 = arith.constant 6272 : i32
    %mul3A_126 = arith.muli %arg1, %mul3A_125 : i32
    %mul3A_127 = arith.constant 10 : i32
    %mul3A_128 = arith.muli %arg0, %mul3A_127 : i32
    %add3A_129 = arith.constant 9 : i32
    %add3A_130 = arith.addi %mul3A_128, %add3A_129 : i32
    %mul3A_131 = arith.constant 100352 : i32
    %mul3A_132 = arith.muli %add3A_130, %mul3A_131 : i32
    %mul3A_133 = arith.constant 6272 : i32
    %mul3A_134 = arith.muli %arg1, %mul3A_133 : i32
    %add3A_135 = arith.addi %mul3A_132, %mul3A_134 : i32
    "tpu.region"() ({
      %run_scoped3A = tpu.sem_alloc : memref<!tpu.dma_semaphore, #tpu.memory_space<semaphore_mem>>
      %dma_start3A = tpu.memref_slice %arg12[%add3A_135] : memref<2007040xf32, #tpu.memory_space<hbm>> -> memref<6272xf32, #tpu.memory_space<hbm>>
      %dma_start3A_136 = tpu.memref_slice %arg34[%mul3A_126] : memref<100352xf32, #tpu.memory_space<vmem_shared>> -> memref<6272xf32, #tpu.memory_space<vmem_shared>>
      tpu.enqueue_dma source(%dma_start3A_136 : memref<6272xf32, #tpu.memory_space<vmem_shared>>) target(%dma_start3A : memref<6272xf32, #tpu.memory_space<hbm>>) target_semaphore(%run_scoped3A : memref<!tpu.dma_semaphore, #tpu.memory_space<semaphore_mem>>)
      %dma_wait3A = tpu.memref_slice %arg12[%add3A_135] : memref<2007040xf32, #tpu.memory_space<hbm>> -> memref<6272xf32, #tpu.memory_space<hbm>>
      %dma_wait3A_137 = tpu.memref_slice %arg34[%mul3A_126] : memref<100352xf32, #tpu.memory_space<vmem_shared>> -> memref<6272xf32, #tpu.memory_space<vmem_shared>>
      tpu.wait_dma2 semaphore(%run_scoped3A : memref<!tpu.dma_semaphore, #tpu.memory_space<semaphore_mem>>) src(%dma_wait3A_137 : memref<6272xf32, #tpu.memory_space<vmem_shared>>) dst(%dma_wait3A : memref<6272xf32, #tpu.memory_space<hbm>>)
      tpu.yield
    }) : () -> ()
    return
  }
}

module attributes {stable_mosaic.version = 14 : i64} {
  func.func @_tables_body(%arg0: memref<3x30x10xf32, #tpu.memory_space<vmem>>, %arg1: memref<3x10xf32, #tpu.memory_space<vmem>>, %arg2: memref<3x10x16xf32, #tpu.memory_space<vmem>>, %arg3: memref<3x16xf32, #tpu.memory_space<vmem>>, %arg4: memref<3x2056x16xf32, #tpu.memory_space<vmem>>) attributes {dimension_semantics = [], scalar_prefetch = 0 : i64, scratch_operands = 0 : i64, tpu.core_type = #tpu.core_type<tc>} {
    %iota3A = tpu.iota {dimensions = array<i32: 0>} : vector<2056x1xi32>
    %convert_element_type3A = arith.sitofp %iota3A : vector<2056x1xi32> to vector<2056x1xf32>
    %mul3A = arith.constant 0.00244140625 : f32
    %mul3A_0 = vector.broadcast %mul3A : f32 to vector<2056x1xf32>
    %mul3A_1 = arith.mulf %convert_element_type3A, %mul3A_0 : vector<2056x1xf32>
    %iota3A_2 = tpu.iota {dimensions = array<i32: 1>} : vector<1x30xi32>
    %convert_element_type3A_3 = arith.sitofp %iota3A_2 : vector<1x30xi32> to vector<1x30xf32>
    %mul3A_4 = arith.constant 0.172413796 : f32
    %mul3A_5 = vector.broadcast %mul3A_4 : f32 to vector<1x30xf32>
    %mul3A_6 = arith.mulf %convert_element_type3A_3, %mul3A_5 : vector<1x30xf32>
    %sub3A = vector.broadcast %mul3A_1 : vector<2056x1xf32> to vector<2056x30xf32>
    %sub3A_7 = vector.broadcast %mul3A_6 : vector<1x30xf32> to vector<2056x30xf32>
    %sub3A_8 = arith.subf %sub3A, %sub3A_7 : vector<2056x30xf32>
    %integer_pow3A = arith.mulf %sub3A_8, %sub3A_8 : vector<2056x30xf32>
    %mul3A_9 = arith.constant -1.682000e+01 : f32
    %mul3A_10 = vector.broadcast %mul3A_9 : f32 to vector<2056x30xf32>
    %mul3A_11 = arith.mulf %mul3A_10, %integer_pow3A : vector<2056x30xf32>
    %exp3A = math.exp %mul3A_11 : vector<2056x30xf32>
    %mul3A_12 = arith.constant 0.628318548 : f32
    %mul3A_13 = vector.broadcast %mul3A_12 : f32 to vector<2056x1xf32>
    %mul3A_14 = arith.mulf %mul3A_1, %mul3A_13 : vector<2056x1xf32>
    %cos3A = math.cos %mul3A_14 : vector<2056x1xf32>
    %add3A = arith.constant 1.000000e+00 : f32
    %add3A_15 = vector.broadcast %add3A : f32 to vector<2056x1xf32>
    %add3A_16 = arith.addf %cos3A, %add3A_15 : vector<2056x1xf32>
    %mul3A_17 = arith.constant 5.000000e-01 : f32
    %mul3A_18 = vector.broadcast %mul3A_17 : f32 to vector<2056x1xf32>
    %mul3A_19 = arith.mulf %mul3A_18, %add3A_16 : vector<2056x1xf32>
    %lt3A = arith.constant 5.000000e+00 : f32
    %lt3A_20 = vector.broadcast %lt3A : f32 to vector<2056x1xf32>
    %lt3A_21 = arith.cmpf olt, %mul3A_1, %lt3A_20 : vector<2056x1xf32>
    %convert_element_type3A_22 = arith.extui %lt3A_21 : vector<2056x1xi1> to vector<2056x1xi32>
    %convert_element_type3A_23 = arith.sitofp %convert_element_type3A_22 : vector<2056x1xi32> to vector<2056x1xf32>
    %mul3A_24 = arith.mulf %mul3A_19, %convert_element_type3A_23 : vector<2056x1xf32>
    %get3A = arith.constant 0 : index
    %get3A_25 = arith.constant 0 : index
    %get3A_26 = arith.constant 0 : index
    %get3A_27 = vector.load %arg0[%get3A, %get3A_25, %get3A_26] : memref<3x30x10xf32, #tpu.memory_space<vmem>>, vector<1x30x10xf32>
    %get3A_28 = vector.shape_cast %get3A_27 : vector<1x30x10xf32> to vector<30x10xf32>
    %dot_general3A = arith.constant dense<0.000000e+00> : vector<2056x10xf32>
    %dot_general3A_29 = tpu.matmul %exp3A, %get3A_28, %dot_general3A {dimension_numbers = #tpu.dot_dimension_numbers<[1], [0], [0], [1], [0, 0, 1, 1], [], []>, transpose_lhs_hint = false} : vector<2056x30xf32>, vector<30x10xf32>, vector<2056x10xf32> -> vector<2056x10xf32>
    %get3A_30 = arith.constant 0 : index
    %get3A_31 = arith.constant 0 : index
    %get3A_32 = vector.load %arg1[%get3A_30, %get3A_31] : memref<3x10xf32, #tpu.memory_space<vmem>>, vector<1x10xf32>
    %get3A_33 = vector.shape_cast %get3A_32 : vector<1x10xf32> to vector<10xf32>
    %broadcast_in_dim3A = vector.shape_cast %get3A_33 : vector<10xf32> to vector<1x10xf32>
    %add3A_34 = vector.broadcast %broadcast_in_dim3A : vector<1x10xf32> to vector<2056x10xf32>
    %add3A_35 = arith.addf %dot_general3A_29, %add3A_34 : vector<2056x10xf32>
    %custom_jvp_call3A = arith.constant 0.000000e+00 : f32
    %max3A = vector.broadcast %custom_jvp_call3A : f32 to vector<2056x10xf32>
    %max3A_36 = arith.maximumf %add3A_35, %max3A : vector<2056x10xf32>
    %sub3A_37 = vector.broadcast %custom_jvp_call3A : f32 to vector<2056x10xf32>
    %sub3A_38 = arith.subf %add3A_35, %sub3A_37 : vector<2056x10xf32>
    %ne3A = arith.cmpf one, %sub3A_38, %sub3A_38 : vector<2056x10xf32>
    %add3A_39 = vector.broadcast %custom_jvp_call3A : f32 to vector<2056x10xf32>
    %add3A_40 = arith.addf %add3A_35, %add3A_39 : vector<2056x10xf32>
    %abs3A = math.absf %sub3A_38 : vector<2056x10xf32>
    %neg3A = arith.constant 0.000000e+00 : f32
    %neg3A_41 = vector.broadcast %neg3A : f32 to vector<2056x10xf32>
    %neg3A_42 = arith.subf %neg3A_41, %abs3A : vector<2056x10xf32>
    %exp3A_43 = math.exp %neg3A_42 : vector<2056x10xf32>
    %log1p3A = math.log1p %exp3A_43 : vector<2056x10xf32>
    %add3A_44 = arith.addf %max3A_36, %log1p3A : vector<2056x10xf32>
    %select_n3A = arith.select %ne3A, %add3A_40, %add3A_44 : vector<2056x10xi1>, vector<2056x10xf32>
    %log3A = arith.constant 2.000000e+00 : f32
    %log3A_45 = math.log %log3A : f32
    %sub3A_46 = vector.broadcast %log3A_45 : f32 to vector<2056x10xf32>
    %sub3A_47 = arith.subf %select_n3A, %sub3A_46 : vector<2056x10xf32>
    %get3A_48 = arith.constant 0 : index
    %get3A_49 = arith.constant 0 : index
    %get3A_50 = arith.constant 0 : index
    %get3A_51 = vector.load %arg2[%get3A_48, %get3A_49, %get3A_50] : memref<3x10x16xf32, #tpu.memory_space<vmem>>, vector<1x10x16xf32>
    %get3A_52 = vector.shape_cast %get3A_51 : vector<1x10x16xf32> to vector<10x16xf32>
    %dot_general3A_53 = arith.constant dense<0.000000e+00> : vector<2056x16xf32>
    %dot_general3A_54 = tpu.matmul %sub3A_47, %get3A_52, %dot_general3A_53 {dimension_numbers = #tpu.dot_dimension_numbers<[1], [0], [0], [1], [0, 0, 1, 1], [], []>, transpose_lhs_hint = false} : vector<2056x10xf32>, vector<10x16xf32>, vector<2056x16xf32> -> vector<2056x16xf32>
    %get3A_55 = arith.constant 0 : index
    %get3A_56 = arith.constant 0 : index
    %get3A_57 = vector.load %arg3[%get3A_55, %get3A_56] : memref<3x16xf32, #tpu.memory_space<vmem>>, vector<1x16xf32>
    %get3A_58 = vector.shape_cast %get3A_57 : vector<1x16xf32> to vector<16xf32>
    %broadcast_in_dim3A_59 = vector.shape_cast %get3A_58 : vector<16xf32> to vector<1x16xf32>
    %add3A_60 = vector.broadcast %broadcast_in_dim3A_59 : vector<1x16xf32> to vector<2056x16xf32>
    %add3A_61 = arith.addf %dot_general3A_54, %add3A_60 : vector<2056x16xf32>
    %mul3A_62 = vector.broadcast %mul3A_24 : vector<2056x1xf32> to vector<2056x16xf32>
    %mul3A_63 = arith.mulf %add3A_61, %mul3A_62 : vector<2056x16xf32>
    %swap3A = arith.constant 0 : index
    %swap3A_64 = arith.constant 0 : index
    %swap3A_65 = arith.constant 0 : index
    %swap3A_66 = vector.load %arg4[%swap3A, %swap3A_64, %swap3A_65] : memref<3x2056x16xf32, #tpu.memory_space<vmem>>, vector<1x2056x16xf32>
    %swap3A_67 = vector.shape_cast %swap3A_66 : vector<1x2056x16xf32> to vector<2056x16xf32>
    %swap3A_68 = vector.shape_cast %mul3A_63 : vector<2056x16xf32> to vector<1x2056x16xf32>
    tpu.vector_store %arg4[%swap3A, %swap3A_64, %swap3A_65], %swap3A_68 {strides = array<i32>} : memref<3x2056x16xf32, #tpu.memory_space<vmem>>, vector<1x2056x16xf32>,
    %get3A_69 = arith.constant 1 : index
    %get3A_70 = arith.constant 0 : index
    %get3A_71 = arith.constant 0 : index
    %get3A_72 = vector.load %arg0[%get3A_69, %get3A_70, %get3A_71] : memref<3x30x10xf32, #tpu.memory_space<vmem>>, vector<1x30x10xf32>
    %get3A_73 = vector.shape_cast %get3A_72 : vector<1x30x10xf32> to vector<30x10xf32>
    %dot_general3A_74 = arith.constant dense<0.000000e+00> : vector<2056x10xf32>
    %dot_general3A_75 = tpu.matmul %exp3A, %get3A_73, %dot_general3A_74 {dimension_numbers = #tpu.dot_dimension_numbers<[1], [0], [0], [1], [0, 0, 1, 1], [], []>, transpose_lhs_hint = false} : vector<2056x30xf32>, vector<30x10xf32>, vector<2056x10xf32> -> vector<2056x10xf32>
    %get3A_76 = arith.constant 1 : index
    %get3A_77 = arith.constant 0 : index
    %get3A_78 = vector.load %arg1[%get3A_76, %get3A_77] : memref<3x10xf32, #tpu.memory_space<vmem>>, vector<1x10xf32>
    %get3A_79 = vector.shape_cast %get3A_78 : vector<1x10xf32> to vector<10xf32>
    %broadcast_in_dim3A_80 = vector.shape_cast %get3A_79 : vector<10xf32> to vector<1x10xf32>
    %add3A_81 = vector.broadcast %broadcast_in_dim3A_80 : vector<1x10xf32> to vector<2056x10xf32>
    %add3A_82 = arith.addf %dot_general3A_75, %add3A_81 : vector<2056x10xf32>
    %custom_jvp_call3A_83 = arith.constant 0.000000e+00 : f32
    %max3A_84 = vector.broadcast %custom_jvp_call3A_83 : f32 to vector<2056x10xf32>
    %max3A_85 = arith.maximumf %add3A_82, %max3A_84 : vector<2056x10xf32>
    %sub3A_86 = vector.broadcast %custom_jvp_call3A_83 : f32 to vector<2056x10xf32>
    %sub3A_87 = arith.subf %add3A_82, %sub3A_86 : vector<2056x10xf32>
    %ne3A_88 = arith.cmpf one, %sub3A_87, %sub3A_87 : vector<2056x10xf32>
    %add3A_89 = vector.broadcast %custom_jvp_call3A_83 : f32 to vector<2056x10xf32>
    %add3A_90 = arith.addf %add3A_82, %add3A_89 : vector<2056x10xf32>
    %abs3A_91 = math.absf %sub3A_87 : vector<2056x10xf32>
    %neg3A_92 = arith.constant 0.000000e+00 : f32
    %neg3A_93 = vector.broadcast %neg3A_92 : f32 to vector<2056x10xf32>
    %neg3A_94 = arith.subf %neg3A_93, %abs3A_91 : vector<2056x10xf32>
    %exp3A_95 = math.exp %neg3A_94 : vector<2056x10xf32>
    %log1p3A_96 = math.log1p %exp3A_95 : vector<2056x10xf32>
    %add3A_97 = arith.addf %max3A_85, %log1p3A_96 : vector<2056x10xf32>
    %select_n3A_98 = arith.select %ne3A_88, %add3A_90, %add3A_97 : vector<2056x10xi1>, vector<2056x10xf32>
    %log3A_99 = arith.constant 2.000000e+00 : f32
    %log3A_100 = math.log %log3A_99 : f32
    %sub3A_101 = vector.broadcast %log3A_100 : f32 to vector<2056x10xf32>
    %sub3A_102 = arith.subf %select_n3A_98, %sub3A_101 : vector<2056x10xf32>
    %get3A_103 = arith.constant 1 : index
    %get3A_104 = arith.constant 0 : index
    %get3A_105 = arith.constant 0 : index
    %get3A_106 = vector.load %arg2[%get3A_103, %get3A_104, %get3A_105] : memref<3x10x16xf32, #tpu.memory_space<vmem>>, vector<1x10x16xf32>
    %get3A_107 = vector.shape_cast %get3A_106 : vector<1x10x16xf32> to vector<10x16xf32>
    %dot_general3A_108 = arith.constant dense<0.000000e+00> : vector<2056x16xf32>
    %dot_general3A_109 = tpu.matmul %sub3A_102, %get3A_107, %dot_general3A_108 {dimension_numbers = #tpu.dot_dimension_numbers<[1], [0], [0], [1], [0, 0, 1, 1], [], []>, transpose_lhs_hint = false} : vector<2056x10xf32>, vector<10x16xf32>, vector<2056x16xf32> -> vector<2056x16xf32>
    %get3A_110 = arith.constant 1 : index
    %get3A_111 = arith.constant 0 : index
    %get3A_112 = vector.load %arg3[%get3A_110, %get3A_111] : memref<3x16xf32, #tpu.memory_space<vmem>>, vector<1x16xf32>
    %get3A_113 = vector.shape_cast %get3A_112 : vector<1x16xf32> to vector<16xf32>
    %broadcast_in_dim3A_114 = vector.shape_cast %get3A_113 : vector<16xf32> to vector<1x16xf32>
    %add3A_115 = vector.broadcast %broadcast_in_dim3A_114 : vector<1x16xf32> to vector<2056x16xf32>
    %add3A_116 = arith.addf %dot_general3A_109, %add3A_115 : vector<2056x16xf32>
    %mul3A_117 = vector.broadcast %mul3A_24 : vector<2056x1xf32> to vector<2056x16xf32>
    %mul3A_118 = arith.mulf %add3A_116, %mul3A_117 : vector<2056x16xf32>
    %swap3A_119 = arith.constant 1 : index
    %swap3A_120 = arith.constant 0 : index
    %swap3A_121 = arith.constant 0 : index
    %swap3A_122 = vector.load %arg4[%swap3A_119, %swap3A_120, %swap3A_121] : memref<3x2056x16xf32, #tpu.memory_space<vmem>>, vector<1x2056x16xf32>
    %swap3A_123 = vector.shape_cast %swap3A_122 : vector<1x2056x16xf32> to vector<2056x16xf32>
    %swap3A_124 = vector.shape_cast %mul3A_118 : vector<2056x16xf32> to vector<1x2056x16xf32>
    tpu.vector_store %arg4[%swap3A_119, %swap3A_120, %swap3A_121], %swap3A_124 {strides = array<i32>} : memref<3x2056x16xf32, #tpu.memory_space<vmem>>, vector<1x2056x16xf32>,
    %get3A_125 = arith.constant 2 : index
    %get3A_126 = arith.constant 0 : index
    %get3A_127 = arith.constant 0 : index
    %get3A_128 = vector.load %arg0[%get3A_125, %get3A_126, %get3A_127] : memref<3x30x10xf32, #tpu.memory_space<vmem>>, vector<1x30x10xf32>
    %get3A_129 = vector.shape_cast %get3A_128 : vector<1x30x10xf32> to vector<30x10xf32>
    %dot_general3A_130 = arith.constant dense<0.000000e+00> : vector<2056x10xf32>
    %dot_general3A_131 = tpu.matmul %exp3A, %get3A_129, %dot_general3A_130 {dimension_numbers = #tpu.dot_dimension_numbers<[1], [0], [0], [1], [0, 0, 1, 1], [], []>, transpose_lhs_hint = false} : vector<2056x30xf32>, vector<30x10xf32>, vector<2056x10xf32> -> vector<2056x10xf32>
    %get3A_132 = arith.constant 2 : index
    %get3A_133 = arith.constant 0 : index
    %get3A_134 = vector.load %arg1[%get3A_132, %get3A_133] : memref<3x10xf32, #tpu.memory_space<vmem>>, vector<1x10xf32>
    %get3A_135 = vector.shape_cast %get3A_134 : vector<1x10xf32> to vector<10xf32>
    %broadcast_in_dim3A_136 = vector.shape_cast %get3A_135 : vector<10xf32> to vector<1x10xf32>
    %add3A_137 = vector.broadcast %broadcast_in_dim3A_136 : vector<1x10xf32> to vector<2056x10xf32>
    %add3A_138 = arith.addf %dot_general3A_131, %add3A_137 : vector<2056x10xf32>
    %custom_jvp_call3A_139 = arith.constant 0.000000e+00 : f32
    %max3A_140 = vector.broadcast %custom_jvp_call3A_139 : f32 to vector<2056x10xf32>
    %max3A_141 = arith.maximumf %add3A_138, %max3A_140 : vector<2056x10xf32>
    %sub3A_142 = vector.broadcast %custom_jvp_call3A_139 : f32 to vector<2056x10xf32>
    %sub3A_143 = arith.subf %add3A_138, %sub3A_142 : vector<2056x10xf32>
    %ne3A_144 = arith.cmpf one, %sub3A_143, %sub3A_143 : vector<2056x10xf32>
    %add3A_145 = vector.broadcast %custom_jvp_call3A_139 : f32 to vector<2056x10xf32>
    %add3A_146 = arith.addf %add3A_138, %add3A_145 : vector<2056x10xf32>
    %abs3A_147 = math.absf %sub3A_143 : vector<2056x10xf32>
    %neg3A_148 = arith.constant 0.000000e+00 : f32
    %neg3A_149 = vector.broadcast %neg3A_148 : f32 to vector<2056x10xf32>
    %neg3A_150 = arith.subf %neg3A_149, %abs3A_147 : vector<2056x10xf32>
    %exp3A_151 = math.exp %neg3A_150 : vector<2056x10xf32>
    %log1p3A_152 = math.log1p %exp3A_151 : vector<2056x10xf32>
    %add3A_153 = arith.addf %max3A_141, %log1p3A_152 : vector<2056x10xf32>
    %select_n3A_154 = arith.select %ne3A_144, %add3A_146, %add3A_153 : vector<2056x10xi1>, vector<2056x10xf32>
    %log3A_155 = arith.constant 2.000000e+00 : f32
    %log3A_156 = math.log %log3A_155 : f32
    %sub3A_157 = vector.broadcast %log3A_156 : f32 to vector<2056x10xf32>
    %sub3A_158 = arith.subf %select_n3A_154, %sub3A_157 : vector<2056x10xf32>
    %get3A_159 = arith.constant 2 : index
    %get3A_160 = arith.constant 0 : index
    %get3A_161 = arith.constant 0 : index
    %get3A_162 = vector.load %arg2[%get3A_159, %get3A_160, %get3A_161] : memref<3x10x16xf32, #tpu.memory_space<vmem>>, vector<1x10x16xf32>
    %get3A_163 = vector.shape_cast %get3A_162 : vector<1x10x16xf32> to vector<10x16xf32>
    %dot_general3A_164 = arith.constant dense<0.000000e+00> : vector<2056x16xf32>
    %dot_general3A_165 = tpu.matmul %sub3A_158, %get3A_163, %dot_general3A_164 {dimension_numbers = #tpu.dot_dimension_numbers<[1], [0], [0], [1], [0, 0, 1, 1], [], []>, transpose_lhs_hint = false} : vector<2056x10xf32>, vector<10x16xf32>, vector<2056x16xf32> -> vector<2056x16xf32>
    %get3A_166 = arith.constant 2 : index
    %get3A_167 = arith.constant 0 : index
    %get3A_168 = vector.load %arg3[%get3A_166, %get3A_167] : memref<3x16xf32, #tpu.memory_space<vmem>>, vector<1x16xf32>
    %get3A_169 = vector.shape_cast %get3A_168 : vector<1x16xf32> to vector<16xf32>
    %broadcast_in_dim3A_170 = vector.shape_cast %get3A_169 : vector<16xf32> to vector<1x16xf32>
    %add3A_171 = vector.broadcast %broadcast_in_dim3A_170 : vector<1x16xf32> to vector<2056x16xf32>
    %add3A_172 = arith.addf %dot_general3A_165, %add3A_171 : vector<2056x16xf32>
    %mul3A_173 = vector.broadcast %mul3A_24 : vector<2056x1xf32> to vector<2056x16xf32>
    %mul3A_174 = arith.mulf %add3A_172, %mul3A_173 : vector<2056x16xf32>
    %swap3A_175 = arith.constant 2 : index
    %swap3A_176 = arith.constant 0 : index
    %swap3A_177 = arith.constant 0 : index
    %swap3A_178 = vector.load %arg4[%swap3A_175, %swap3A_176, %swap3A_177] : memref<3x2056x16xf32, #tpu.memory_space<vmem>>, vector<1x2056x16xf32>
    %swap3A_179 = vector.shape_cast %swap3A_178 : vector<1x2056x16xf32> to vector<2056x16xf32>
    %swap3A_180 = vector.shape_cast %mul3A_174 : vector<2056x16xf32> to vector<1x2056x16xf32>
    tpu.vector_store %arg4[%swap3A_175, %swap3A_176, %swap3A_177], %swap3A_180 {strides = array<i32>} : memref<3x2056x16xf32, #tpu.memory_space<vmem>>, vector<1x2056x16xf32>,
    return
  }
}

module attributes {stable_mosaic.version = 14 : i64} {
  func.func @_x0_body(%arg0: i32, %arg1: memref<1x1x2048xi32, #tpu.memory_space<vmem>>, %arg2: memref<128x16xf32, #tpu.memory_space<vmem>>, %arg3: memref<16x16xf32, #tpu.memory_space<vmem>>, %arg4: memref<2048x16xf32, #tpu.memory_space<vmem>>, %arg5: memref<5x1x1x2048xf32, #tpu.memory_space<vmem>>) attributes {dimension_semantics = [#tpu.dimension_semantics<arbitrary>], iteration_bounds = array<i64: 49>, scalar_prefetch = 0 : i64, scratch_operands = 0 : i64, tpu.core_type = #tpu.core_type<tc>, window_params = [{transform_indices = @transform_0, window_bounds = array<i64: 1, 1, 2048>}, {pipeline_mode = #tpu.pipeline_mode<synchronous>, transform_indices = @transform_1, window_bounds = array<i64: 128, 16>}, {pipeline_mode = #tpu.pipeline_mode<synchronous>, transform_indices = @transform_2, window_bounds = array<i64: 16, 16>}, {transform_indices = @transform_3, window_bounds = array<i64: 2048, 16>}, {transform_indices = @transform_4, window_bounds = array<i64: 5, 1, 1, 2048>}]} {
    %get3A = arith.constant 0 : index
    %get3A_0 = arith.constant 0 : index
    %get3A_1 = arith.constant 0 : index
    %get3A_2 = vector.load %arg1[%get3A, %get3A_0, %get3A_1] : memref<1x1x2048xi32, #tpu.memory_space<vmem>>, vector<1x1x2048xi32>
    %get3A_3 = vector.shape_cast %get3A_2 : vector<1x1x2048xi32> to vector<2048xi32>
    %broadcast_in_dim3A = vector.shape_cast %get3A_3 : vector<2048xi32> to vector<2048x1xi32>
    %iota3A = tpu.iota {dimensions = array<i32: 1>} : vector<2048x128xi32>
    %eq3A = vector.broadcast %broadcast_in_dim3A : vector<2048x1xi32> to vector<2048x128xi32>
    %eq3A_4 = arith.cmpi eq, %eq3A, %iota3A : vector<2048x128xi32>
    %convert_element_type3A = arith.extui %eq3A_4 : vector<2048x128xi1> to vector<2048x128xi32>
    %convert_element_type3A_5 = arith.sitofp %convert_element_type3A : vector<2048x128xi32> to vector<2048x128xf32>
    %get3A_6 = arith.constant 0 : index
    %get3A_7 = arith.constant 0 : index
    %get3A_8 = vector.load %arg2[%get3A_6, %get3A_7] : memref<128x16xf32, #tpu.memory_space<vmem>>, vector<128x16xf32>
    %dot_general3A = arith.constant dense<0.000000e+00> : vector<2048x16xf32>
    %dot_general3A_9 = tpu.matmul %convert_element_type3A_5, %get3A_8, %dot_general3A {dimension_numbers = #tpu.dot_dimension_numbers<[1], [0], [0], [1], [0, 0, 1, 1], [], []>, transpose_lhs_hint = false} : vector<2048x128xf32>, vector<128x16xf32>, vector<2048x16xf32> -> vector<2048x16xf32>
    %get3A_10 = arith.constant 0 : index
    %get3A_11 = arith.constant 0 : index
    %get3A_12 = vector.load %arg3[%get3A_10, %get3A_11] : memref<16x16xf32, #tpu.memory_space<vmem>>, vector<16x16xf32>
    %dot_general3A_13 = arith.constant dense<0.000000e+00> : vector<2048x16xf32>
    %dot_general3A_14 = tpu.matmul %dot_general3A_9, %get3A_12, %dot_general3A_13 {dimension_numbers = #tpu.dot_dimension_numbers<[1], [0], [0], [1], [0, 0, 1, 1], [], []>, transpose_lhs_hint = false} : vector<2048x16xf32>, vector<16x16xf32>, vector<2048x16xf32> -> vector<2048x16xf32>
    %swap3A = arith.constant 0 : index
    %swap3A_15 = arith.constant 0 : index
    %swap3A_16 = vector.load %arg4[%swap3A, %swap3A_15] : memref<2048x16xf32, #tpu.memory_space<vmem>>, vector<2048x16xf32>
    tpu.vector_store %arg4[%swap3A, %swap3A_15], %dot_general3A_9 {strides = array<i32>} : memref<2048x16xf32, #tpu.memory_space<vmem>>, vector<2048x16xf32>,
    %convert_element_type3A_17 = arith.truncf %dot_general3A_14 : vector<2048x16xf32> to vector<2048x16xbf16>
    %bitcast_convert_type3A = tpu.bitcast %convert_element_type3A_17 : vector<2048x16xbf16> -> vector<2048x16xi16>
    %convert_element_type3A_18 = arith.extui %bitcast_convert_type3A : vector<2048x16xi16> to vector<2048x16xi32>
    %slice3A = vector.extract_strided_slice %convert_element_type3A_18 {offsets = [0, 0], sizes = [2048, 1], strides = [1, 1]} : vector<2048x16xi32> to vector<2048x1xi32>
    %squeeze3A = vector.shape_cast %slice3A : vector<2048x1xi32> to vector<2048xi32>
    %slice3A_19 = vector.extract_strided_slice %convert_element_type3A_18 {offsets = [0, 1], sizes = [2048, 1], strides = [1, 1]} : vector<2048x16xi32> to vector<2048x1xi32>
    %squeeze3A_20 = vector.shape_cast %slice3A_19 : vector<2048x1xi32> to vector<2048xi32>
    %shift_left3A = arith.constant 16 : i32
    %shift_left3A_21 = vector.broadcast %shift_left3A : i32 to vector<2048xi32>
    %shift_left3A_22 = arith.shli %squeeze3A_20, %shift_left3A_21 : vector<2048xi32>
    %or3A = arith.ori %squeeze3A, %shift_left3A_22 : vector<2048xi32>
    %bitcast_convert_type3A_23 = tpu.bitcast %or3A : vector<2048xi32> -> vector<2048xf32>
    %swap3A_24 = arith.constant 0 : index
    %swap3A_25 = arith.constant 0 : index
    %swap3A_26 = arith.constant 0 : index
    %swap3A_27 = arith.constant 0 : index
    %swap3A_28 = vector.load %arg5[%swap3A_24, %swap3A_25, %swap3A_26, %swap3A_27] : memref<5x1x1x2048xf32, #tpu.memory_space<vmem>>, vector<1x1x1x2048xf32>
    %swap3A_29 = vector.shape_cast %swap3A_28 : vector<1x1x1x2048xf32> to vector<2048xf32>
    %swap3A_30 = vector.shape_cast %bitcast_convert_type3A_23 : vector<2048xf32> to vector<1x1x1x2048xf32>
    tpu.vector_store %arg5[%swap3A_24, %swap3A_25, %swap3A_26, %swap3A_27], %swap3A_30 {strides = array<i32>} : memref<5x1x1x2048xf32, #tpu.memory_space<vmem>>, vector<1x1x1x2048xf32>,
    %slice3A_31 = vector.extract_strided_slice %convert_element_type3A_18 {offsets = [0, 2], sizes = [2048, 1], strides = [1, 1]} : vector<2048x16xi32> to vector<2048x1xi32>
    %squeeze3A_32 = vector.shape_cast %slice3A_31 : vector<2048x1xi32> to vector<2048xi32>
    %slice3A_33 = vector.extract_strided_slice %convert_element_type3A_18 {offsets = [0, 3], sizes = [2048, 1], strides = [1, 1]} : vector<2048x16xi32> to vector<2048x1xi32>
    %squeeze3A_34 = vector.shape_cast %slice3A_33 : vector<2048x1xi32> to vector<2048xi32>
    %shift_left3A_35 = arith.constant 16 : i32
    %shift_left3A_36 = vector.broadcast %shift_left3A_35 : i32 to vector<2048xi32>
    %shift_left3A_37 = arith.shli %squeeze3A_34, %shift_left3A_36 : vector<2048xi32>
    %or3A_38 = arith.ori %squeeze3A_32, %shift_left3A_37 : vector<2048xi32>
    %bitcast_convert_type3A_39 = tpu.bitcast %or3A_38 : vector<2048xi32> -> vector<2048xf32>
    %swap3A_40 = arith.constant 1 : index
    %swap3A_41 = arith.constant 0 : index
    %swap3A_42 = arith.constant 0 : index
    %swap3A_43 = arith.constant 0 : index
    %swap3A_44 = vector.load %arg5[%swap3A_40, %swap3A_41, %swap3A_42, %swap3A_43] : memref<5x1x1x2048xf32, #tpu.memory_space<vmem>>, vector<1x1x1x2048xf32>
    %swap3A_45 = vector.shape_cast %swap3A_44 : vector<1x1x1x2048xf32> to vector<2048xf32>
    %swap3A_46 = vector.shape_cast %bitcast_convert_type3A_39 : vector<2048xf32> to vector<1x1x1x2048xf32>
    tpu.vector_store %arg5[%swap3A_40, %swap3A_41, %swap3A_42, %swap3A_43], %swap3A_46 {strides = array<i32>} : memref<5x1x1x2048xf32, #tpu.memory_space<vmem>>, vector<1x1x1x2048xf32>,
    %slice3A_47 = vector.extract_strided_slice %convert_element_type3A_18 {offsets = [0, 4], sizes = [2048, 1], strides = [1, 1]} : vector<2048x16xi32> to vector<2048x1xi32>
    %squeeze3A_48 = vector.shape_cast %slice3A_47 : vector<2048x1xi32> to vector<2048xi32>
    %slice3A_49 = vector.extract_strided_slice %convert_element_type3A_18 {offsets = [0, 5], sizes = [2048, 1], strides = [1, 1]} : vector<2048x16xi32> to vector<2048x1xi32>
    %squeeze3A_50 = vector.shape_cast %slice3A_49 : vector<2048x1xi32> to vector<2048xi32>
    %shift_left3A_51 = arith.constant 16 : i32
    %shift_left3A_52 = vector.broadcast %shift_left3A_51 : i32 to vector<2048xi32>
    %shift_left3A_53 = arith.shli %squeeze3A_50, %shift_left3A_52 : vector<2048xi32>
    %or3A_54 = arith.ori %squeeze3A_48, %shift_left3A_53 : vector<2048xi32>
    %bitcast_convert_type3A_55 = tpu.bitcast %or3A_54 : vector<2048xi32> -> vector<2048xf32>
    %swap3A_56 = arith.constant 2 : index
    %swap3A_57 = arith.constant 0 : index
    %swap3A_58 = arith.constant 0 : index
    %swap3A_59 = arith.constant 0 : index
    %swap3A_60 = vector.load %arg5[%swap3A_56, %swap3A_57, %swap3A_58, %swap3A_59] : memref<5x1x1x2048xf32, #tpu.memory_space<vmem>>, vector<1x1x1x2048xf32>
    %swap3A_61 = vector.shape_cast %swap3A_60 : vector<1x1x1x2048xf32> to vector<2048xf32>
    %swap3A_62 = vector.shape_cast %bitcast_convert_type3A_55 : vector<2048xf32> to vector<1x1x1x2048xf32>
    tpu.vector_store %arg5[%swap3A_56, %swap3A_57, %swap3A_58, %swap3A_59], %swap3A_62 {strides = array<i32>} : memref<5x1x1x2048xf32, #tpu.memory_space<vmem>>, vector<1x1x1x2048xf32>,
    %slice3A_63 = vector.extract_strided_slice %convert_element_type3A_18 {offsets = [0, 6], sizes = [2048, 1], strides = [1, 1]} : vector<2048x16xi32> to vector<2048x1xi32>
    %squeeze3A_64 = vector.shape_cast %slice3A_63 : vector<2048x1xi32> to vector<2048xi32>
    %slice3A_65 = vector.extract_strided_slice %convert_element_type3A_18 {offsets = [0, 7], sizes = [2048, 1], strides = [1, 1]} : vector<2048x16xi32> to vector<2048x1xi32>
    %squeeze3A_66 = vector.shape_cast %slice3A_65 : vector<2048x1xi32> to vector<2048xi32>
    %shift_left3A_67 = arith.constant 16 : i32
    %shift_left3A_68 = vector.broadcast %shift_left3A_67 : i32 to vector<2048xi32>
    %shift_left3A_69 = arith.shli %squeeze3A_66, %shift_left3A_68 : vector<2048xi32>
    %or3A_70 = arith.ori %squeeze3A_64, %shift_left3A_69 : vector<2048xi32>
    %bitcast_convert_type3A_71 = tpu.bitcast %or3A_70 : vector<2048xi32> -> vector<2048xf32>
    %swap3A_72 = arith.constant 3 : index
    %swap3A_73 = arith.constant 0 : index
    %swap3A_74 = arith.constant 0 : index
    %swap3A_75 = arith.constant 0 : index
    %swap3A_76 = vector.load %arg5[%swap3A_72, %swap3A_73, %swap3A_74, %swap3A_75] : memref<5x1x1x2048xf32, #tpu.memory_space<vmem>>, vector<1x1x1x2048xf32>
    %swap3A_77 = vector.shape_cast %swap3A_76 : vector<1x1x1x2048xf32> to vector<2048xf32>
    %swap3A_78 = vector.shape_cast %bitcast_convert_type3A_71 : vector<2048xf32> to vector<1x1x1x2048xf32>
    tpu.vector_store %arg5[%swap3A_72, %swap3A_73, %swap3A_74, %swap3A_75], %swap3A_78 {strides = array<i32>} : memref<5x1x1x2048xf32, #tpu.memory_space<vmem>>, vector<1x1x1x2048xf32>,
    %slice3A_79 = vector.extract_strided_slice %convert_element_type3A_18 {offsets = [0, 8], sizes = [2048, 1], strides = [1, 1]} : vector<2048x16xi32> to vector<2048x1xi32>
    %squeeze3A_80 = vector.shape_cast %slice3A_79 : vector<2048x1xi32> to vector<2048xi32>
    %slice3A_81 = vector.extract_strided_slice %convert_element_type3A_18 {offsets = [0, 9], sizes = [2048, 1], strides = [1, 1]} : vector<2048x16xi32> to vector<2048x1xi32>
    %squeeze3A_82 = vector.shape_cast %slice3A_81 : vector<2048x1xi32> to vector<2048xi32>
    %shift_left3A_83 = arith.constant 16 : i32
    %shift_left3A_84 = vector.broadcast %shift_left3A_83 : i32 to vector<2048xi32>
    %shift_left3A_85 = arith.shli %squeeze3A_82, %shift_left3A_84 : vector<2048xi32>
    %or3A_86 = arith.ori %squeeze3A_80, %shift_left3A_85 : vector<2048xi32>
    %bitcast_convert_type3A_87 = tpu.bitcast %or3A_86 : vector<2048xi32> -> vector<2048xf32>
    %swap3A_88 = arith.constant 4 : index
    %swap3A_89 = arith.constant 0 : index
    %swap3A_90 = arith.constant 0 : index
    %swap3A_91 = arith.constant 0 : index
    %swap3A_92 = vector.load %arg5[%swap3A_88, %swap3A_89, %swap3A_90, %swap3A_91] : memref<5x1x1x2048xf32, #tpu.memory_space<vmem>>, vector<1x1x1x2048xf32>
    %swap3A_93 = vector.shape_cast %swap3A_92 : vector<1x1x1x2048xf32> to vector<2048xf32>
    %swap3A_94 = vector.shape_cast %bitcast_convert_type3A_87 : vector<2048xf32> to vector<1x1x1x2048xf32>
    tpu.vector_store %arg5[%swap3A_88, %swap3A_89, %swap3A_90, %swap3A_91], %swap3A_94 {strides = array<i32>} : memref<5x1x1x2048xf32, #tpu.memory_space<vmem>>, vector<1x1x1x2048xf32>,
    return
  }
  func.func @transform_0(%arg0: i32) -> (i32, i32, i32) {
    %c0_i32 = arith.constant 0 : i32
    %c0_i32_0 = arith.constant 0 : i32
    %c0_i32_1 = arith.constant 0 : i32
    return %arg0, %c0_i32, %c0_i32_0 : i32, i32, i32
  }
  func.func @transform_1(%arg0: i32) -> (i32, i32) {
    %c0_i32 = arith.constant 0 : i32
    %c0_i32_0 = arith.constant 0 : i32
    %c0_i32_1 = arith.constant 0 : i32
    return %c0_i32, %c0_i32_0 : i32, i32
  }
  func.func @transform_2(%arg0: i32) -> (i32, i32) {
    %c0_i32 = arith.constant 0 : i32
    %c0_i32_0 = arith.constant 0 : i32
    %c0_i32_1 = arith.constant 0 : i32
    return %c0_i32, %c0_i32_0 : i32, i32
  }
  func.func @transform_3(%arg0: i32) -> (i32, i32) {
    %c0_i32 = arith.constant 0 : i32
    %c0_i32_0 = arith.constant 0 : i32
    return %arg0, %c0_i32 : i32, i32
  }
  func.func @transform_4(%arg0: i32) -> (i32, i32, i32, i32) {
    %c0_i32 = arith.constant 0 : i32
    %c0_i32_0 = arith.constant 0 : i32
    %c0_i32_1 = arith.constant 0 : i32
    %c0_i32_2 = arith.constant 0 : i32
    return %c0_i32, %arg0, %c0_i32_0, %c0_i32_1 : i32, i32, i32, i32
  }
}

module attributes {stable_mosaic.version = 14 : i64} {
  func.func @_node_body(%arg0: i32, %arg1: memref<16x16xf32, #tpu.memory_space<vmem>>, %arg2: memref<16x16xf32, #tpu.memory_space<vmem>>, %arg3: memref<16xf32, #tpu.memory_space<vmem>>, %arg4: memref<16x16xf32, #tpu.memory_space<vmem>>, %arg5: memref<16xf32, #tpu.memory_space<vmem>>, %arg6: memref<20x1x1x2048xf32, #tpu.memory_space<vmem>>, %arg7: memref<2048x16xf32, #tpu.memory_space<vmem>>, %arg8: memref<2048x16xf32, #tpu.memory_space<vmem>>, %arg9: memref<5x1x1x2048xf32, #tpu.memory_space<vmem>>) attributes {dimension_semantics = [#tpu.dimension_semantics<arbitrary>], iteration_bounds = array<i64: 49>, scalar_prefetch = 0 : i64, scratch_operands = 0 : i64, tpu.core_type = #tpu.core_type<tc>, window_params = [{pipeline_mode = #tpu.pipeline_mode<synchronous>, transform_indices = @transform_0, window_bounds = array<i64: 16, 16>}, {pipeline_mode = #tpu.pipeline_mode<synchronous>, transform_indices = @transform_1, window_bounds = array<i64: 16, 16>}, {pipeline_mode = #tpu.pipeline_mode<synchronous>, transform_indices = @transform_2, window_bounds = array<i64: 16>}, {pipeline_mode = #tpu.pipeline_mode<synchronous>, transform_indices = @transform_3, window_bounds = array<i64: 16, 16>}, {pipeline_mode = #tpu.pipeline_mode<synchronous>, transform_indices = @transform_4, window_bounds = array<i64: 16>}, {transform_indices = @transform_5, window_bounds = array<i64: 20, 1, 1, 2048>}, {transform_indices = @transform_6, window_bounds = array<i64: 2048, 16>}, {transform_indices = @transform_7, window_bounds = array<i64: 2048, 16>}, {transform_indices = @transform_8, window_bounds = array<i64: 5, 1, 1, 2048>}]} {
    %get3A = arith.constant 0 : index
    %get3A_0 = arith.constant 0 : index
    %get3A_1 = arith.constant 0 : index
    %get3A_2 = arith.constant 0 : index
    %get3A_3 = vector.load %arg6[%get3A, %get3A_0, %get3A_1, %get3A_2] : memref<20x1x1x2048xf32, #tpu.memory_space<vmem>>, vector<1x1x1x2048xf32>
    %get3A_4 = vector.shape_cast %get3A_3 : vector<1x1x1x2048xf32> to vector<2048xf32>
    %get3A_5 = arith.constant 10 : index
    %get3A_6 = arith.constant 0 : index
    %get3A_7 = arith.constant 0 : index
    %get3A_8 = arith.constant 0 : index
    %get3A_9 = vector.load %arg6[%get3A_5, %get3A_6, %get3A_7, %get3A_8] : memref<20x1x1x2048xf32, #tpu.memory_space<vmem>>, vector<1x1x1x2048xf32>
    %get3A_10 = vector.shape_cast %get3A_9 : vector<1x1x1x2048xf32> to vector<2048xf32>
    %add3A = arith.addf %get3A_4, %get3A_10 : vector<2048xf32>
    %get3A_11 = arith.constant 1 : index
    %get3A_12 = arith.constant 0 : index
    %get3A_13 = arith.constant 0 : index
    %get3A_14 = arith.constant 0 : index
    %get3A_15 = vector.load %arg6[%get3A_11, %get3A_12, %get3A_13, %get3A_14] : memref<20x1x1x2048xf32, #tpu.memory_space<vmem>>, vector<1x1x1x2048xf32>
    %get3A_16 = vector.shape_cast %get3A_15 : vector<1x1x1x2048xf32> to vector<2048xf32>
    %get3A_17 = arith.constant 11 : index
    %get3A_18 = arith.constant 0 : index
    %get3A_19 = arith.constant 0 : index
    %get3A_20 = arith.constant 0 : index
    %get3A_21 = vector.load %arg6[%get3A_17, %get3A_18, %get3A_19, %get3A_20] : memref<20x1x1x2048xf32, #tpu.memory_space<vmem>>, vector<1x1x1x2048xf32>
    %get3A_22 = vector.shape_cast %get3A_21 : vector<1x1x1x2048xf32> to vector<2048xf32>
    %add3A_23 = arith.addf %get3A_16, %get3A_22 : vector<2048xf32>
    %get3A_24 = arith.constant 2 : index
    %get3A_25 = arith.constant 0 : index
    %get3A_26 = arith.constant 0 : index
    %get3A_27 = arith.constant 0 : index
    %get3A_28 = vector.load %arg6[%get3A_24, %get3A_25, %get3A_26, %get3A_27] : memref<20x1x1x2048xf32, #tpu.memory_space<vmem>>, vector<1x1x1x2048xf32>
    %get3A_29 = vector.shape_cast %get3A_28 : vector<1x1x1x2048xf32> to vector<2048xf32>
    %get3A_30 = arith.constant 12 : index
    %get3A_31 = arith.constant 0 : index
    %get3A_32 = arith.constant 0 : index
    %get3A_33 = arith.constant 0 : index
    %get3A_34 = vector.load %arg6[%get3A_30, %get3A_31, %get3A_32, %get3A_33] : memref<20x1x1x2048xf32, #tpu.memory_space<vmem>>, vector<1x1x1x2048xf32>
    %get3A_35 = vector.shape_cast %get3A_34 : vector<1x1x1x2048xf32> to vector<2048xf32>
    %add3A_36 = arith.addf %get3A_29, %get3A_35 : vector<2048xf32>
    %get3A_37 = arith.constant 3 : index
    %get3A_38 = arith.constant 0 : index
    %get3A_39 = arith.constant 0 : index
    %get3A_40 = arith.constant 0 : index
    %get3A_41 = vector.load %arg6[%get3A_37, %get3A_38, %get3A_39, %get3A_40] : memref<20x1x1x2048xf32, #tpu.memory_space<vmem>>, vector<1x1x1x2048xf32>
    %get3A_42 = vector.shape_cast %get3A_41 : vector<1x1x1x2048xf32> to vector<2048xf32>
    %get3A_43 = arith.constant 13 : index
    %get3A_44 = arith.constant 0 : index
    %get3A_45 = arith.constant 0 : index
    %get3A_46 = arith.constant 0 : index
    %get3A_47 = vector.load %arg6[%get3A_43, %get3A_44, %get3A_45, %get3A_46] : memref<20x1x1x2048xf32, #tpu.memory_space<vmem>>, vector<1x1x1x2048xf32>
    %get3A_48 = vector.shape_cast %get3A_47 : vector<1x1x1x2048xf32> to vector<2048xf32>
    %add3A_49 = arith.addf %get3A_42, %get3A_48 : vector<2048xf32>
    %get3A_50 = arith.constant 4 : index
    %get3A_51 = arith.constant 0 : index
    %get3A_52 = arith.constant 0 : index
    %get3A_53 = arith.constant 0 : index
    %get3A_54 = vector.load %arg6[%get3A_50, %get3A_51, %get3A_52, %get3A_53] : memref<20x1x1x2048xf32, #tpu.memory_space<vmem>>, vector<1x1x1x2048xf32>
    %get3A_55 = vector.shape_cast %get3A_54 : vector<1x1x1x2048xf32> to vector<2048xf32>
    %get3A_56 = arith.constant 14 : index
    %get3A_57 = arith.constant 0 : index
    %get3A_58 = arith.constant 0 : index
    %get3A_59 = arith.constant 0 : index
    %get3A_60 = vector.load %arg6[%get3A_56, %get3A_57, %get3A_58, %get3A_59] : memref<20x1x1x2048xf32, #tpu.memory_space<vmem>>, vector<1x1x1x2048xf32>
    %get3A_61 = vector.shape_cast %get3A_60 : vector<1x1x1x2048xf32> to vector<2048xf32>
    %add3A_62 = arith.addf %get3A_55, %get3A_61 : vector<2048xf32>
    %get3A_63 = arith.constant 5 : index
    %get3A_64 = arith.constant 0 : index
    %get3A_65 = arith.constant 0 : index
    %get3A_66 = arith.constant 0 : index
    %get3A_67 = vector.load %arg6[%get3A_63, %get3A_64, %get3A_65, %get3A_66] : memref<20x1x1x2048xf32, #tpu.memory_space<vmem>>, vector<1x1x1x2048xf32>
    %get3A_68 = vector.shape_cast %get3A_67 : vector<1x1x1x2048xf32> to vector<2048xf32>
    %get3A_69 = arith.constant 15 : index
    %get3A_70 = arith.constant 0 : index
    %get3A_71 = arith.constant 0 : index
    %get3A_72 = arith.constant 0 : index
    %get3A_73 = vector.load %arg6[%get3A_69, %get3A_70, %get3A_71, %get3A_72] : memref<20x1x1x2048xf32, #tpu.memory_space<vmem>>, vector<1x1x1x2048xf32>
    %get3A_74 = vector.shape_cast %get3A_73 : vector<1x1x1x2048xf32> to vector<2048xf32>
    %add3A_75 = arith.addf %get3A_68, %get3A_74 : vector<2048xf32>
    %get3A_76 = arith.constant 6 : index
    %get3A_77 = arith.constant 0 : index
    %get3A_78 = arith.constant 0 : index
    %get3A_79 = arith.constant 0 : index
    %get3A_80 = vector.load %arg6[%get3A_76, %get3A_77, %get3A_78, %get3A_79] : memref<20x1x1x2048xf32, #tpu.memory_space<vmem>>, vector<1x1x1x2048xf32>
    %get3A_81 = vector.shape_cast %get3A_80 : vector<1x1x1x2048xf32> to vector<2048xf32>
    %get3A_82 = arith.constant 16 : index
    %get3A_83 = arith.constant 0 : index
    %get3A_84 = arith.constant 0 : index
    %get3A_85 = arith.constant 0 : index
    %get3A_86 = vector.load %arg6[%get3A_82, %get3A_83, %get3A_84, %get3A_85] : memref<20x1x1x2048xf32, #tpu.memory_space<vmem>>, vector<1x1x1x2048xf32>
    %get3A_87 = vector.shape_cast %get3A_86 : vector<1x1x1x2048xf32> to vector<2048xf32>
    %add3A_88 = arith.addf %get3A_81, %get3A_87 : vector<2048xf32>
    %get3A_89 = arith.constant 7 : index
    %get3A_90 = arith.constant 0 : index
    %get3A_91 = arith.constant 0 : index
    %get3A_92 = arith.constant 0 : index
    %get3A_93 = vector.load %arg6[%get3A_89, %get3A_90, %get3A_91, %get3A_92] : memref<20x1x1x2048xf32, #tpu.memory_space<vmem>>, vector<1x1x1x2048xf32>
    %get3A_94 = vector.shape_cast %get3A_93 : vector<1x1x1x2048xf32> to vector<2048xf32>
    %get3A_95 = arith.constant 17 : index
    %get3A_96 = arith.constant 0 : index
    %get3A_97 = arith.constant 0 : index
    %get3A_98 = arith.constant 0 : index
    %get3A_99 = vector.load %arg6[%get3A_95, %get3A_96, %get3A_97, %get3A_98] : memref<20x1x1x2048xf32, #tpu.memory_space<vmem>>, vector<1x1x1x2048xf32>
    %get3A_100 = vector.shape_cast %get3A_99 : vector<1x1x1x2048xf32> to vector<2048xf32>
    %add3A_101 = arith.addf %get3A_94, %get3A_100 : vector<2048xf32>
    %get3A_102 = arith.constant 8 : index
    %get3A_103 = arith.constant 0 : index
    %get3A_104 = arith.constant 0 : index
    %get3A_105 = arith.constant 0 : index
    %get3A_106 = vector.load %arg6[%get3A_102, %get3A_103, %get3A_104, %get3A_105] : memref<20x1x1x2048xf32, #tpu.memory_space<vmem>>, vector<1x1x1x2048xf32>
    %get3A_107 = vector.shape_cast %get3A_106 : vector<1x1x1x2048xf32> to vector<2048xf32>
    %get3A_108 = arith.constant 18 : index
    %get3A_109 = arith.constant 0 : index
    %get3A_110 = arith.constant 0 : index
    %get3A_111 = arith.constant 0 : index
    %get3A_112 = vector.load %arg6[%get3A_108, %get3A_109, %get3A_110, %get3A_111] : memref<20x1x1x2048xf32, #tpu.memory_space<vmem>>, vector<1x1x1x2048xf32>
    %get3A_113 = vector.shape_cast %get3A_112 : vector<1x1x1x2048xf32> to vector<2048xf32>
    %add3A_114 = arith.addf %get3A_107, %get3A_113 : vector<2048xf32>
    %get3A_115 = arith.constant 9 : index
    %get3A_116 = arith.constant 0 : index
    %get3A_117 = arith.constant 0 : index
    %get3A_118 = arith.constant 0 : index
    %get3A_119 = vector.load %arg6[%get3A_115, %get3A_116, %get3A_117, %get3A_118] : memref<20x1x1x2048xf32, #tpu.memory_space<vmem>>, vector<1x1x1x2048xf32>
    %get3A_120 = vector.shape_cast %get3A_119 : vector<1x1x1x2048xf32> to vector<2048xf32>
    %get3A_121 = arith.constant 19 : index
    %get3A_122 = arith.constant 0 : index
    %get3A_123 = arith.constant 0 : index
    %get3A_124 = arith.constant 0 : index
    %get3A_125 = vector.load %arg6[%get3A_121, %get3A_122, %get3A_123, %get3A_124] : memref<20x1x1x2048xf32, #tpu.memory_space<vmem>>, vector<1x1x1x2048xf32>
    %get3A_126 = vector.shape_cast %get3A_125 : vector<1x1x1x2048xf32> to vector<2048xf32>
    %add3A_127 = arith.addf %get3A_120, %get3A_126 : vector<2048xf32>
    %stack3A = vector.shape_cast %add3A : vector<2048xf32> to vector<2048x1xf32>
    %stack3A_128 = vector.shape_cast %add3A_23 : vector<2048xf32> to vector<2048x1xf32>
    %stack3A_129 = vector.shape_cast %add3A_36 : vector<2048xf32> to vector<2048x1xf32>
    %stack3A_130 = vector.shape_cast %add3A_49 : vector<2048xf32> to vector<2048x1xf32>
    %stack3A_131 = vector.shape_cast %add3A_62 : vector<2048xf32> to vector<2048x1xf32>
    %stack3A_132 = vector.shape_cast %add3A_75 : vector<2048xf32> to vector<2048x1xf32>
    %stack3A_133 = vector.shape_cast %add3A_88 : vector<2048xf32> to vector<2048x1xf32>
    %stack3A_134 = vector.shape_cast %add3A_101 : vector<2048xf32> to vector<2048x1xf32>
    %stack3A_135 = vector.shape_cast %add3A_114 : vector<2048xf32> to vector<2048x1xf32>
    %stack3A_136 = vector.shape_cast %add3A_127 : vector<2048xf32> to vector<2048x1xf32>
    %stack3A_137 = tpu.concatenate %stack3A, %stack3A_128, %stack3A_129, %stack3A_130, %stack3A_131, %stack3A_132, %stack3A_133, %stack3A_134, %stack3A_135, %stack3A_136 in 1 : vector<2048x1xf32>, vector<2048x1xf32>, vector<2048x1xf32>, vector<2048x1xf32>, vector<2048x1xf32>, vector<2048x1xf32>, vector<2048x1xf32>, vector<2048x1xf32>, vector<2048x1xf32>, vector<2048x1xf32> -> vector<2048x10xf32>
    %broadcast_in_dim3A = arith.constant 0.000000e+00 : f32
    %broadcast_in_dim3A_138 = vector.broadcast %broadcast_in_dim3A : f32 to vector<2048x6xf32>
    %concatenate3A = tpu.concatenate %stack3A_137, %broadcast_in_dim3A_138 in 1 : vector<2048x10xf32>, vector<2048x6xf32> -> vector<2048x16xf32>
    %get3A_139 = arith.constant 0 : index
    %get3A_140 = arith.constant 0 : index
    %get3A_141 = vector.load %arg2[%get3A_139, %get3A_140] : memref<16x16xf32, #tpu.memory_space<vmem>>, vector<16x16xf32>
    %dot_general3A = arith.constant dense<0.000000e+00> : vector<2048x16xf32>
    %dot_general3A_142 = tpu.matmul %concatenate3A, %get3A_141, %dot_general3A {dimension_numbers = #tpu.dot_dimension_numbers<[1], [0], [0], [1], [0, 0, 1, 1], [], []>, transpose_lhs_hint = false} : vector<2048x16xf32>, vector<16x16xf32>, vector<2048x16xf32> -> vector<2048x16xf32>
    %get3A_143 = arith.constant 0 : index
    %get3A_144 = vector.load %arg3[%get3A_143] : memref<16xf32, #tpu.memory_space<vmem>>, vector<16xf32>
    %broadcast_in_dim3A_145 = vector.shape_cast %get3A_144 : vector<16xf32> to vector<1x16xf32>
    %add3A_146 = vector.broadcast %broadcast_in_dim3A_145 : vector<1x16xf32> to vector<2048x16xf32>
    %add3A_147 = arith.addf %dot_general3A_142, %add3A_146 : vector<2048x16xf32>
    %custom_jvp_call3A = arith.constant 0.000000e+00 : f32
    %max3A = vector.broadcast %custom_jvp_call3A : f32 to vector<2048x16xf32>
    %max3A_148 = arith.maximumf %add3A_147, %max3A : vector<2048x16xf32>
    %sub3A = vector.broadcast %custom_jvp_call3A : f32 to vector<2048x16xf32>
    %sub3A_149 = arith.subf %add3A_147, %sub3A : vector<2048x16xf32>
    %ne3A = arith.cmpf one, %sub3A_149, %sub3A_149 : vector<2048x16xf32>
    %add3A_150 = vector.broadcast %custom_jvp_call3A : f32 to vector<2048x16xf32>
    %add3A_151 = arith.addf %add3A_147, %add3A_150 : vector<2048x16xf32>
    %abs3A = math.absf %sub3A_149 : vector<2048x16xf32>
    %neg3A = arith.constant 0.000000e+00 : f32
    %neg3A_152 = vector.broadcast %neg3A : f32 to vector<2048x16xf32>
    %neg3A_153 = arith.subf %neg3A_152, %abs3A : vector<2048x16xf32>
    %exp3A = math.exp %neg3A_153 : vector<2048x16xf32>
    %log1p3A = math.log1p %exp3A : vector<2048x16xf32>
    %add3A_154 = arith.addf %max3A_148, %log1p3A : vector<2048x16xf32>
    %select_n3A = arith.select %ne3A, %add3A_151, %add3A_154 : vector<2048x16xi1>, vector<2048x16xf32>
    %log3A = arith.constant 2.000000e+00 : f32
    %log3A_155 = math.log %log3A : f32
    %sub3A_156 = vector.broadcast %log3A_155 : f32 to vector<2048x16xf32>
    %sub3A_157 = arith.subf %select_n3A, %sub3A_156 : vector<2048x16xf32>
    %get3A_158 = arith.constant 0 : index
    %get3A_159 = arith.constant 0 : index
    %get3A_160 = vector.load %arg4[%get3A_158, %get3A_159] : memref<16x16xf32, #tpu.memory_space<vmem>>, vector<16x16xf32>
    %dot_general3A_161 = arith.constant dense<0.000000e+00> : vector<2048x16xf32>
    %dot_general3A_162 = tpu.matmul %sub3A_157, %get3A_160, %dot_general3A_161 {dimension_numbers = #tpu.dot_dimension_numbers<[1], [0], [0], [1], [0, 0, 1, 1], [], []>, transpose_lhs_hint = false} : vector<2048x16xf32>, vector<16x16xf32>, vector<2048x16xf32> -> vector<2048x16xf32>
    %get3A_163 = arith.constant 0 : index
    %get3A_164 = vector.load %arg5[%get3A_163] : memref<16xf32, #tpu.memory_space<vmem>>, vector<16xf32>
    %broadcast_in_dim3A_165 = vector.shape_cast %get3A_164 : vector<16xf32> to vector<1x16xf32>
    %add3A_166 = vector.broadcast %broadcast_in_dim3A_165 : vector<1x16xf32> to vector<2048x16xf32>
    %add3A_167 = arith.addf %dot_general3A_162, %add3A_166 : vector<2048x16xf32>
    %get3A_168 = arith.constant 0 : index
    %get3A_169 = arith.constant 0 : index
    %get3A_170 = vector.load %arg7[%get3A_168, %get3A_169] : memref<2048x16xf32, #tpu.memory_space<vmem>>, vector<2048x16xf32>
    %add3A_171 = arith.addf %get3A_170, %add3A_167 : vector<2048x16xf32>
    %swap3A = arith.constant 0 : index
    %swap3A_172 = arith.constant 0 : index
    %swap3A_173 = vector.load %arg8[%swap3A, %swap3A_172] : memref<2048x16xf32, #tpu.memory_space<vmem>>, vector<2048x16xf32>
    tpu.vector_store %arg8[%swap3A, %swap3A_172], %add3A_171 {strides = array<i32>} : memref<2048x16xf32, #tpu.memory_space<vmem>>, vector<2048x16xf32>,
    %get3A_174 = arith.constant 0 : index
    %get3A_175 = arith.constant 0 : index
    %get3A_176 = vector.load %arg1[%get3A_174, %get3A_175] : memref<16x16xf32, #tpu.memory_space<vmem>>, vector<16x16xf32>
    %dot_general3A_177 = arith.constant dense<0.000000e+00> : vector<2048x16xf32>
    %dot_general3A_178 = tpu.matmul %add3A_171, %get3A_176, %dot_general3A_177 {dimension_numbers = #tpu.dot_dimension_numbers<[1], [0], [0], [1], [0, 0, 1, 1], [], []>, transpose_lhs_hint = false} : vector<2048x16xf32>, vector<16x16xf32>, vector<2048x16xf32> -> vector<2048x16xf32>
    %convert_element_type3A = arith.truncf %dot_general3A_178 : vector<2048x16xf32> to vector<2048x16xbf16>
    %bitcast_convert_type3A = tpu.bitcast %convert_element_type3A : vector<2048x16xbf16> -> vector<2048x16xi16>
    %convert_element_type3A_179 = arith.extui %bitcast_convert_type3A : vector<2048x16xi16> to vector<2048x16xi32>
    %slice3A = vector.extract_strided_slice %convert_element_type3A_179 {offsets = [0, 0], sizes = [2048, 1], strides = [1, 1]} : vector<2048x16xi32> to vector<2048x1xi32>
    %squeeze3A = vector.shape_cast %slice3A : vector<2048x1xi32> to vector<2048xi32>
    %slice3A_180 = vector.extract_strided_slice %convert_element_type3A_179 {offsets = [0, 1], sizes = [2048, 1], strides = [1, 1]} : vector<2048x16xi32> to vector<2048x1xi32>
    %squeeze3A_181 = vector.shape_cast %slice3A_180 : vector<2048x1xi32> to vector<2048xi32>
    %shift_left3A = arith.constant 16 : i32
    %shift_left3A_182 = vector.broadcast %shift_left3A : i32 to vector<2048xi32>
    %shift_left3A_183 = arith.shli %squeeze3A_181, %shift_left3A_182 : vector<2048xi32>
    %or3A = arith.ori %squeeze3A, %shift_left3A_183 : vector<2048xi32>
    %bitcast_convert_type3A_184 = tpu.bitcast %or3A : vector<2048xi32> -> vector<2048xf32>
    %swap3A_185 = arith.constant 0 : index
    %swap3A_186 = arith.constant 0 : index
    %swap3A_187 = arith.constant 0 : index
    %swap3A_188 = arith.constant 0 : index
    %swap3A_189 = vector.load %arg9[%swap3A_185, %swap3A_186, %swap3A_187, %swap3A_188] : memref<5x1x1x2048xf32, #tpu.memory_space<vmem>>, vector<1x1x1x2048xf32>
    %swap3A_190 = vector.shape_cast %swap3A_189 : vector<1x1x1x2048xf32> to vector<2048xf32>
    %swap3A_191 = vector.shape_cast %bitcast_convert_type3A_184 : vector<2048xf32> to vector<1x1x1x2048xf32>
    tpu.vector_store %arg9[%swap3A_185, %swap3A_186, %swap3A_187, %swap3A_188], %swap3A_191 {strides = array<i32>} : memref<5x1x1x2048xf32, #tpu.memory_space<vmem>>, vector<1x1x1x2048xf32>,
    %slice3A_192 = vector.extract_strided_slice %convert_element_type3A_179 {offsets = [0, 2], sizes = [2048, 1], strides = [1, 1]} : vector<2048x16xi32> to vector<2048x1xi32>
    %squeeze3A_193 = vector.shape_cast %slice3A_192 : vector<2048x1xi32> to vector<2048xi32>
    %slice3A_194 = vector.extract_strided_slice %convert_element_type3A_179 {offsets = [0, 3], sizes = [2048, 1], strides = [1, 1]} : vector<2048x16xi32> to vector<2048x1xi32>
    %squeeze3A_195 = vector.shape_cast %slice3A_194 : vector<2048x1xi32> to vector<2048xi32>
    %shift_left3A_196 = arith.constant 16 : i32
    %shift_left3A_197 = vector.broadcast %shift_left3A_196 : i32 to vector<2048xi32>
    %shift_left3A_198 = arith.shli %squeeze3A_195, %shift_left3A_197 : vector<2048xi32>
    %or3A_199 = arith.ori %squeeze3A_193, %shift_left3A_198 : vector<2048xi32>
    %bitcast_convert_type3A_200 = tpu.bitcast %or3A_199 : vector<2048xi32> -> vector<2048xf32>
    %swap3A_201 = arith.constant 1 : index
    %swap3A_202 = arith.constant 0 : index
    %swap3A_203 = arith.constant 0 : index
    %swap3A_204 = arith.constant 0 : index
    %swap3A_205 = vector.load %arg9[%swap3A_201, %swap3A_202, %swap3A_203, %swap3A_204] : memref<5x1x1x2048xf32, #tpu.memory_space<vmem>>, vector<1x1x1x2048xf32>
    %swap3A_206 = vector.shape_cast %swap3A_205 : vector<1x1x1x2048xf32> to vector<2048xf32>
    %swap3A_207 = vector.shape_cast %bitcast_convert_type3A_200 : vector<2048xf32> to vector<1x1x1x2048xf32>
    tpu.vector_store %arg9[%swap3A_201, %swap3A_202, %swap3A_203, %swap3A_204], %swap3A_207 {strides = array<i32>} : memref<5x1x1x2048xf32, #tpu.memory_space<vmem>>, vector<1x1x1x2048xf32>,
    %slice3A_208 = vector.extract_strided_slice %convert_element_type3A_179 {offsets = [0, 4], sizes = [2048, 1], strides = [1, 1]} : vector<2048x16xi32> to vector<2048x1xi32>
    %squeeze3A_209 = vector.shape_cast %slice3A_208 : vector<2048x1xi32> to vector<2048xi32>
    %slice3A_210 = vector.extract_strided_slice %convert_element_type3A_179 {offsets = [0, 5], sizes = [2048, 1], strides = [1, 1]} : vector<2048x16xi32> to vector<2048x1xi32>
    %squeeze3A_211 = vector.shape_cast %slice3A_210 : vector<2048x1xi32> to vector<2048xi32>
    %shift_left3A_212 = arith.constant 16 : i32
    %shift_left3A_213 = vector.broadcast %shift_left3A_212 : i32 to vector<2048xi32>
    %shift_left3A_214 = arith.shli %squeeze3A_211, %shift_left3A_213 : vector<2048xi32>
    %or3A_215 = arith.ori %squeeze3A_209, %shift_left3A_214 : vector<2048xi32>
    %bitcast_convert_type3A_216 = tpu.bitcast %or3A_215 : vector<2048xi32> -> vector<2048xf32>
    %swap3A_217 = arith.constant 2 : index
    %swap3A_218 = arith.constant 0 : index
    %swap3A_219 = arith.constant 0 : index
    %swap3A_220 = arith.constant 0 : index
    %swap3A_221 = vector.load %arg9[%swap3A_217, %swap3A_218, %swap3A_219, %swap3A_220] : memref<5x1x1x2048xf32, #tpu.memory_space<vmem>>, vector<1x1x1x2048xf32>
    %swap3A_222 = vector.shape_cast %swap3A_221 : vector<1x1x1x2048xf32> to vector<2048xf32>
    %swap3A_223 = vector.shape_cast %bitcast_convert_type3A_216 : vector<2048xf32> to vector<1x1x1x2048xf32>
    tpu.vector_store %arg9[%swap3A_217, %swap3A_218, %swap3A_219, %swap3A_220], %swap3A_223 {strides = array<i32>} : memref<5x1x1x2048xf32, #tpu.memory_space<vmem>>, vector<1x1x1x2048xf32>,
    %slice3A_224 = vector.extract_strided_slice %convert_element_type3A_179 {offsets = [0, 6], sizes = [2048, 1], strides = [1, 1]} : vector<2048x16xi32> to vector<2048x1xi32>
    %squeeze3A_225 = vector.shape_cast %slice3A_224 : vector<2048x1xi32> to vector<2048xi32>
    %slice3A_226 = vector.extract_strided_slice %convert_element_type3A_179 {offsets = [0, 7], sizes = [2048, 1], strides = [1, 1]} : vector<2048x16xi32> to vector<2048x1xi32>
    %squeeze3A_227 = vector.shape_cast %slice3A_226 : vector<2048x1xi32> to vector<2048xi32>
    %shift_left3A_228 = arith.constant 16 : i32
    %shift_left3A_229 = vector.broadcast %shift_left3A_228 : i32 to vector<2048xi32>
    %shift_left3A_230 = arith.shli %squeeze3A_227, %shift_left3A_229 : vector<2048xi32>
    %or3A_231 = arith.ori %squeeze3A_225, %shift_left3A_230 : vector<2048xi32>
    %bitcast_convert_type3A_232 = tpu.bitcast %or3A_231 : vector<2048xi32> -> vector<2048xf32>
    %swap3A_233 = arith.constant 3 : index
    %swap3A_234 = arith.constant 0 : index
    %swap3A_235 = arith.constant 0 : index
    %swap3A_236 = arith.constant 0 : index
    %swap3A_237 = vector.load %arg9[%swap3A_233, %swap3A_234, %swap3A_235, %swap3A_236] : memref<5x1x1x2048xf32, #tpu.memory_space<vmem>>, vector<1x1x1x2048xf32>
    %swap3A_238 = vector.shape_cast %swap3A_237 : vector<1x1x1x2048xf32> to vector<2048xf32>
    %swap3A_239 = vector.shape_cast %bitcast_convert_type3A_232 : vector<2048xf32> to vector<1x1x1x2048xf32>
    tpu.vector_store %arg9[%swap3A_233, %swap3A_234, %swap3A_235, %swap3A_236], %swap3A_239 {strides = array<i32>} : memref<5x1x1x2048xf32, #tpu.memory_space<vmem>>, vector<1x1x1x2048xf32>,
    %slice3A_240 = vector.extract_strided_slice %convert_element_type3A_179 {offsets = [0, 8], sizes = [2048, 1], strides = [1, 1]} : vector<2048x16xi32> to vector<2048x1xi32>
    %squeeze3A_241 = vector.shape_cast %slice3A_240 : vector<2048x1xi32> to vector<2048xi32>
    %slice3A_242 = vector.extract_strided_slice %convert_element_type3A_179 {offsets = [0, 9], sizes = [2048, 1], strides = [1, 1]} : vector<2048x16xi32> to vector<2048x1xi32>
    %squeeze3A_243 = vector.shape_cast %slice3A_242 : vector<2048x1xi32> to vector<2048xi32>
    %shift_left3A_244 = arith.constant 16 : i32
    %shift_left3A_245 = vector.broadcast %shift_left3A_244 : i32 to vector<2048xi32>
    %shift_left3A_246 = arith.shli %squeeze3A_243, %shift_left3A_245 : vector<2048xi32>
    %or3A_247 = arith.ori %squeeze3A_241, %shift_left3A_246 : vector<2048xi32>
    %bitcast_convert_type3A_248 = tpu.bitcast %or3A_247 : vector<2048xi32> -> vector<2048xf32>
    %swap3A_249 = arith.constant 4 : index
    %swap3A_250 = arith.constant 0 : index
    %swap3A_251 = arith.constant 0 : index
    %swap3A_252 = arith.constant 0 : index
    %swap3A_253 = vector.load %arg9[%swap3A_249, %swap3A_250, %swap3A_251, %swap3A_252] : memref<5x1x1x2048xf32, #tpu.memory_space<vmem>>, vector<1x1x1x2048xf32>
    %swap3A_254 = vector.shape_cast %swap3A_253 : vector<1x1x1x2048xf32> to vector<2048xf32>
    %swap3A_255 = vector.shape_cast %bitcast_convert_type3A_248 : vector<2048xf32> to vector<1x1x1x2048xf32>
    tpu.vector_store %arg9[%swap3A_249, %swap3A_250, %swap3A_251, %swap3A_252], %swap3A_255 {strides = array<i32>} : memref<5x1x1x2048xf32, #tpu.memory_space<vmem>>, vector<1x1x1x2048xf32>,
    return
  }
  func.func @transform_0(%arg0: i32) -> (i32, i32) {
    %c0_i32 = arith.constant 0 : i32
    %c0_i32_0 = arith.constant 0 : i32
    %c0_i32_1 = arith.constant 0 : i32
    return %c0_i32, %c0_i32_0 : i32, i32
  }
  func.func @transform_1(%arg0: i32) -> (i32, i32) {
    %c0_i32 = arith.constant 0 : i32
    %c0_i32_0 = arith.constant 0 : i32
    %c0_i32_1 = arith.constant 0 : i32
    return %c0_i32, %c0_i32_0 : i32, i32
  }
  func.func @transform_2(%arg0: i32) -> i32 {
    %c0_i32 = arith.constant 0 : i32
    %c0_i32_0 = arith.constant 0 : i32
    return %c0_i32 : i32
  }
  func.func @transform_3(%arg0: i32) -> (i32, i32) {
    %c0_i32 = arith.constant 0 : i32
    %c0_i32_0 = arith.constant 0 : i32
    %c0_i32_1 = arith.constant 0 : i32
    return %c0_i32, %c0_i32_0 : i32, i32
  }
  func.func @transform_4(%arg0: i32) -> i32 {
    %c0_i32 = arith.constant 0 : i32
    %c0_i32_0 = arith.constant 0 : i32
    return %c0_i32 : i32
  }
  func.func @transform_5(%arg0: i32) -> (i32, i32, i32, i32) {
    %c0_i32 = arith.constant 0 : i32
    %c0_i32_0 = arith.constant 0 : i32
    %c0_i32_1 = arith.constant 0 : i32
    %c0_i32_2 = arith.constant 0 : i32
    return %c0_i32, %arg0, %c0_i32_0, %c0_i32_1 : i32, i32, i32, i32
  }
  func.func @transform_6(%arg0: i32) -> (i32, i32) {
    %c0_i32 = arith.constant 0 : i32
    %c0_i32_0 = arith.constant 0 : i32
    return %arg0, %c0_i32 : i32, i32
  }
  func.func @transform_7(%arg0: i32) -> (i32, i32) {
    %c0_i32 = arith.constant 0 : i32
    %c0_i32_0 = arith.constant 0 : i32
    return %arg0, %c0_i32 : i32, i32
  }
  func.func @transform_8(%arg0: i32) -> (i32, i32, i32, i32) {
    %c0_i32 = arith.constant 0 : i32
    %c0_i32_0 = arith.constant 0 : i32
    %c0_i32_1 = arith.constant 0 : i32
    %c0_i32_2 = arith.constant 0 : i32
    return %c0_i32, %arg0, %c0_i32_0, %c0_i32_1 : i32, i32, i32, i32
  }
}

module attributes {stable_mosaic.version = 14 : i64} {
  func.func @_final_body(%arg0: i32, %arg1: memref<2048x16xf32, #tpu.memory_space<vmem>>, %arg2: memref<10x1x1x2048xf32, #tpu.memory_space<vmem>>) attributes {dimension_semantics = [#tpu.dimension_semantics<arbitrary>], iteration_bounds = array<i64: 49>, scalar_prefetch = 0 : i64, scratch_operands = 0 : i64, tpu.core_type = #tpu.core_type<tc>, window_params = [{transform_indices = @transform_0, window_bounds = array<i64: 2048, 16>}, {transform_indices = @transform_1, window_bounds = array<i64: 10, 1, 1, 2048>}]} {
    %get3A = arith.constant 0 : index
    %get3A_0 = arith.constant 0 : index
    %get3A_1 = vector.load %arg1[%get3A, %get3A_0] : memref<2048x16xf32, #tpu.memory_space<vmem>>, vector<2048x16xf32>
    %mul3A = arith.constant 2048 : i32
    %mul3A_2 = arith.muli %arg0, %mul3A : i32
    %iota3A = tpu.iota {dimensions = array<i32: 0>} : vector<2048x16xi32>
    %add3A = vector.broadcast %mul3A_2 : i32 to vector<2048x16xi32>
    %add3A_3 = arith.addi %add3A, %iota3A : vector<2048x16xi32>
    %lt3A = arith.constant 100000 : i32
    %lt3A_4 = vector.broadcast %lt3A : i32 to vector<2048x16xi32>
    %lt3A_5 = arith.cmpi slt, %add3A_3, %lt3A_4 : vector<2048x16xi32>
    %jit3A = arith.constant 0.000000e+00 : f32
    %broadcast_in_dim3A = vector.broadcast %jit3A : f32 to vector<2048x16xf32>
    %select_n3A = arith.select %lt3A_5, %get3A_1, %broadcast_in_dim3A : vector<2048x16xi1>, vector<2048x16xf32>
    %slice3A = vector.extract_strided_slice %select_n3A {offsets = [0, 0], sizes = [2048, 1], strides = [1, 1]} : vector<2048x16xf32> to vector<2048x1xf32>
    %squeeze3A = vector.shape_cast %slice3A : vector<2048x1xf32> to vector<2048xf32>
    %swap3A = arith.constant 0 : index
    %swap3A_6 = arith.constant 0 : index
    %swap3A_7 = arith.constant 0 : index
    %swap3A_8 = arith.constant 0 : index
    %swap3A_9 = vector.load %arg2[%swap3A, %swap3A_6, %swap3A_7, %swap3A_8] : memref<10x1x1x2048xf32, #tpu.memory_space<vmem>>, vector<1x1x1x2048xf32>
    %swap3A_10 = vector.shape_cast %swap3A_9 : vector<1x1x1x2048xf32> to vector<2048xf32>
    %swap3A_11 = vector.shape_cast %squeeze3A : vector<2048xf32> to vector<1x1x1x2048xf32>
    tpu.vector_store %arg2[%swap3A, %swap3A_6, %swap3A_7, %swap3A_8], %swap3A_11 {strides = array<i32>} : memref<10x1x1x2048xf32, #tpu.memory_space<vmem>>, vector<1x1x1x2048xf32>,
    %slice3A_12 = vector.extract_strided_slice %select_n3A {offsets = [0, 1], sizes = [2048, 1], strides = [1, 1]} : vector<2048x16xf32> to vector<2048x1xf32>
    %squeeze3A_13 = vector.shape_cast %slice3A_12 : vector<2048x1xf32> to vector<2048xf32>
    %swap3A_14 = arith.constant 1 : index
    %swap3A_15 = arith.constant 0 : index
    %swap3A_16 = arith.constant 0 : index
    %swap3A_17 = arith.constant 0 : index
    %swap3A_18 = vector.load %arg2[%swap3A_14, %swap3A_15, %swap3A_16, %swap3A_17] : memref<10x1x1x2048xf32, #tpu.memory_space<vmem>>, vector<1x1x1x2048xf32>
    %swap3A_19 = vector.shape_cast %swap3A_18 : vector<1x1x1x2048xf32> to vector<2048xf32>
    %swap3A_20 = vector.shape_cast %squeeze3A_13 : vector<2048xf32> to vector<1x1x1x2048xf32>
    tpu.vector_store %arg2[%swap3A_14, %swap3A_15, %swap3A_16, %swap3A_17], %swap3A_20 {strides = array<i32>} : memref<10x1x1x2048xf32, #tpu.memory_space<vmem>>, vector<1x1x1x2048xf32>,
    %slice3A_21 = vector.extract_strided_slice %select_n3A {offsets = [0, 2], sizes = [2048, 1], strides = [1, 1]} : vector<2048x16xf32> to vector<2048x1xf32>
    %squeeze3A_22 = vector.shape_cast %slice3A_21 : vector<2048x1xf32> to vector<2048xf32>
    %swap3A_23 = arith.constant 2 : index
    %swap3A_24 = arith.constant 0 : index
    %swap3A_25 = arith.constant 0 : index
    %swap3A_26 = arith.constant 0 : index
    %swap3A_27 = vector.load %arg2[%swap3A_23, %swap3A_24, %swap3A_25, %swap3A_26] : memref<10x1x1x2048xf32, #tpu.memory_space<vmem>>, vector<1x1x1x2048xf32>
    %swap3A_28 = vector.shape_cast %swap3A_27 : vector<1x1x1x2048xf32> to vector<2048xf32>
    %swap3A_29 = vector.shape_cast %squeeze3A_22 : vector<2048xf32> to vector<1x1x1x2048xf32>
    tpu.vector_store %arg2[%swap3A_23, %swap3A_24, %swap3A_25, %swap3A_26], %swap3A_29 {strides = array<i32>} : memref<10x1x1x2048xf32, #tpu.memory_space<vmem>>, vector<1x1x1x2048xf32>,
    %slice3A_30 = vector.extract_strided_slice %select_n3A {offsets = [0, 3], sizes = [2048, 1], strides = [1, 1]} : vector<2048x16xf32> to vector<2048x1xf32>
    %squeeze3A_31 = vector.shape_cast %slice3A_30 : vector<2048x1xf32> to vector<2048xf32>
    %swap3A_32 = arith.constant 3 : index
    %swap3A_33 = arith.constant 0 : index
    %swap3A_34 = arith.constant 0 : index
    %swap3A_35 = arith.constant 0 : index
    %swap3A_36 = vector.load %arg2[%swap3A_32, %swap3A_33, %swap3A_34, %swap3A_35] : memref<10x1x1x2048xf32, #tpu.memory_space<vmem>>, vector<1x1x1x2048xf32>
    %swap3A_37 = vector.shape_cast %swap3A_36 : vector<1x1x1x2048xf32> to vector<2048xf32>
    %swap3A_38 = vector.shape_cast %squeeze3A_31 : vector<2048xf32> to vector<1x1x1x2048xf32>
    tpu.vector_store %arg2[%swap3A_32, %swap3A_33, %swap3A_34, %swap3A_35], %swap3A_38 {strides = array<i32>} : memref<10x1x1x2048xf32, #tpu.memory_space<vmem>>, vector<1x1x1x2048xf32>,
    %slice3A_39 = vector.extract_strided_slice %select_n3A {offsets = [0, 4], sizes = [2048, 1], strides = [1, 1]} : vector<2048x16xf32> to vector<2048x1xf32>
    %squeeze3A_40 = vector.shape_cast %slice3A_39 : vector<2048x1xf32> to vector<2048xf32>
    %swap3A_41 = arith.constant 4 : index
    %swap3A_42 = arith.constant 0 : index
    %swap3A_43 = arith.constant 0 : index
    %swap3A_44 = arith.constant 0 : index
    %swap3A_45 = vector.load %arg2[%swap3A_41, %swap3A_42, %swap3A_43, %swap3A_44] : memref<10x1x1x2048xf32, #tpu.memory_space<vmem>>, vector<1x1x1x2048xf32>
    %swap3A_46 = vector.shape_cast %swap3A_45 : vector<1x1x1x2048xf32> to vector<2048xf32>
    %swap3A_47 = vector.shape_cast %squeeze3A_40 : vector<2048xf32> to vector<1x1x1x2048xf32>
    tpu.vector_store %arg2[%swap3A_41, %swap3A_42, %swap3A_43, %swap3A_44], %swap3A_47 {strides = array<i32>} : memref<10x1x1x2048xf32, #tpu.memory_space<vmem>>, vector<1x1x1x2048xf32>,
    %slice3A_48 = vector.extract_strided_slice %select_n3A {offsets = [0, 5], sizes = [2048, 1], strides = [1, 1]} : vector<2048x16xf32> to vector<2048x1xf32>
    %squeeze3A_49 = vector.shape_cast %slice3A_48 : vector<2048x1xf32> to vector<2048xf32>
    %swap3A_50 = arith.constant 5 : index
    %swap3A_51 = arith.constant 0 : index
    %swap3A_52 = arith.constant 0 : index
    %swap3A_53 = arith.constant 0 : index
    %swap3A_54 = vector.load %arg2[%swap3A_50, %swap3A_51, %swap3A_52, %swap3A_53] : memref<10x1x1x2048xf32, #tpu.memory_space<vmem>>, vector<1x1x1x2048xf32>
    %swap3A_55 = vector.shape_cast %swap3A_54 : vector<1x1x1x2048xf32> to vector<2048xf32>
    %swap3A_56 = vector.shape_cast %squeeze3A_49 : vector<2048xf32> to vector<1x1x1x2048xf32>
    tpu.vector_store %arg2[%swap3A_50, %swap3A_51, %swap3A_52, %swap3A_53], %swap3A_56 {strides = array<i32>} : memref<10x1x1x2048xf32, #tpu.memory_space<vmem>>, vector<1x1x1x2048xf32>,
    %slice3A_57 = vector.extract_strided_slice %select_n3A {offsets = [0, 6], sizes = [2048, 1], strides = [1, 1]} : vector<2048x16xf32> to vector<2048x1xf32>
    %squeeze3A_58 = vector.shape_cast %slice3A_57 : vector<2048x1xf32> to vector<2048xf32>
    %swap3A_59 = arith.constant 6 : index
    %swap3A_60 = arith.constant 0 : index
    %swap3A_61 = arith.constant 0 : index
    %swap3A_62 = arith.constant 0 : index
    %swap3A_63 = vector.load %arg2[%swap3A_59, %swap3A_60, %swap3A_61, %swap3A_62] : memref<10x1x1x2048xf32, #tpu.memory_space<vmem>>, vector<1x1x1x2048xf32>
    %swap3A_64 = vector.shape_cast %swap3A_63 : vector<1x1x1x2048xf32> to vector<2048xf32>
    %swap3A_65 = vector.shape_cast %squeeze3A_58 : vector<2048xf32> to vector<1x1x1x2048xf32>
    tpu.vector_store %arg2[%swap3A_59, %swap3A_60, %swap3A_61, %swap3A_62], %swap3A_65 {strides = array<i32>} : memref<10x1x1x2048xf32, #tpu.memory_space<vmem>>, vector<1x1x1x2048xf32>,
    %slice3A_66 = vector.extract_strided_slice %select_n3A {offsets = [0, 7], sizes = [2048, 1], strides = [1, 1]} : vector<2048x16xf32> to vector<2048x1xf32>
    %squeeze3A_67 = vector.shape_cast %slice3A_66 : vector<2048x1xf32> to vector<2048xf32>
    %swap3A_68 = arith.constant 7 : index
    %swap3A_69 = arith.constant 0 : index
    %swap3A_70 = arith.constant 0 : index
    %swap3A_71 = arith.constant 0 : index
    %swap3A_72 = vector.load %arg2[%swap3A_68, %swap3A_69, %swap3A_70, %swap3A_71] : memref<10x1x1x2048xf32, #tpu.memory_space<vmem>>, vector<1x1x1x2048xf32>
    %swap3A_73 = vector.shape_cast %swap3A_72 : vector<1x1x1x2048xf32> to vector<2048xf32>
    %swap3A_74 = vector.shape_cast %squeeze3A_67 : vector<2048xf32> to vector<1x1x1x2048xf32>
    tpu.vector_store %arg2[%swap3A_68, %swap3A_69, %swap3A_70, %swap3A_71], %swap3A_74 {strides = array<i32>} : memref<10x1x1x2048xf32, #tpu.memory_space<vmem>>, vector<1x1x1x2048xf32>,
    %slice3A_75 = vector.extract_strided_slice %select_n3A {offsets = [0, 8], sizes = [2048, 1], strides = [1, 1]} : vector<2048x16xf32> to vector<2048x1xf32>
    %squeeze3A_76 = vector.shape_cast %slice3A_75 : vector<2048x1xf32> to vector<2048xf32>
    %swap3A_77 = arith.constant 8 : index
    %swap3A_78 = arith.constant 0 : index
    %swap3A_79 = arith.constant 0 : index
    %swap3A_80 = arith.constant 0 : index
    %swap3A_81 = vector.load %arg2[%swap3A_77, %swap3A_78, %swap3A_79, %swap3A_80] : memref<10x1x1x2048xf32, #tpu.memory_space<vmem>>, vector<1x1x1x2048xf32>
    %swap3A_82 = vector.shape_cast %swap3A_81 : vector<1x1x1x2048xf32> to vector<2048xf32>
    %swap3A_83 = vector.shape_cast %squeeze3A_76 : vector<2048xf32> to vector<1x1x1x2048xf32>
    tpu.vector_store %arg2[%swap3A_77, %swap3A_78, %swap3A_79, %swap3A_80], %swap3A_83 {strides = array<i32>} : memref<10x1x1x2048xf32, #tpu.memory_space<vmem>>, vector<1x1x1x2048xf32>,
    %slice3A_84 = vector.extract_strided_slice %select_n3A {offsets = [0, 9], sizes = [2048, 1], strides = [1, 1]} : vector<2048x16xf32> to vector<2048x1xf32>
    %squeeze3A_85 = vector.shape_cast %slice3A_84 : vector<2048x1xf32> to vector<2048xf32>
    %swap3A_86 = arith.constant 9 : index
    %swap3A_87 = arith.constant 0 : index
    %swap3A_88 = arith.constant 0 : index
    %swap3A_89 = arith.constant 0 : index
    %swap3A_90 = vector.load %arg2[%swap3A_86, %swap3A_87, %swap3A_88, %swap3A_89] : memref<10x1x1x2048xf32, #tpu.memory_space<vmem>>, vector<1x1x1x2048xf32>
    %swap3A_91 = vector.shape_cast %swap3A_90 : vector<1x1x1x2048xf32> to vector<2048xf32>
    %swap3A_92 = vector.shape_cast %squeeze3A_85 : vector<2048xf32> to vector<1x1x1x2048xf32>
    tpu.vector_store %arg2[%swap3A_86, %swap3A_87, %swap3A_88, %swap3A_89], %swap3A_92 {strides = array<i32>} : memref<10x1x1x2048xf32, #tpu.memory_space<vmem>>, vector<1x1x1x2048xf32>,
    return
  }
  func.func @transform_0(%arg0: i32) -> (i32, i32) {
    %c0_i32 = arith.constant 0 : i32
    %c0_i32_0 = arith.constant 0 : i32
    return %arg0, %c0_i32 : i32, i32
  }
  func.func @transform_1(%arg0: i32) -> (i32, i32, i32, i32) {
    %c0_i32 = arith.constant 0 : i32
    %c0_i32_0 = arith.constant 0 : i32
    %c0_i32_1 = arith.constant 0 : i32
    %c0_i32_2 = arith.constant 0 : i32
    return %c0_i32, %arg0, %c0_i32_0, %c0_i32_1 : i32, i32, i32, i32
  }
}

module attributes {stable_mosaic.version = 14 : i64} {
  func.func @_head_body(%arg0: memref<22x6144xf32, #tpu.memory_space<vmem>>, %arg1: memref<10x11xf32, #tpu.memory_space<vmem>>, %arg2: memref<11xf32, #tpu.memory_space<vmem>>, %arg3: memref<6144x11xf32, #tpu.memory_space<vmem>>) attributes {dimension_semantics = [], scalar_prefetch = 0 : i64, scratch_operands = 0 : i64, tpu.core_type = #tpu.core_type<tc>} {
    %get3A = arith.constant 0 : index
    %get3A_0 = arith.constant 0 : index
    %get3A_1 = vector.load %arg0[%get3A, %get3A_0] : memref<22x6144xf32, #tpu.memory_space<vmem>>, vector<1x6144xf32>
    %get3A_2 = vector.shape_cast %get3A_1 : vector<1x6144xf32> to vector<6144xf32>
    %get3A_3 = arith.constant 11 : index
    %get3A_4 = arith.constant 0 : index
    %get3A_5 = vector.load %arg0[%get3A_3, %get3A_4] : memref<22x6144xf32, #tpu.memory_space<vmem>>, vector<1x6144xf32>
    %get3A_6 = vector.shape_cast %get3A_5 : vector<1x6144xf32> to vector<6144xf32>
    %add3A = arith.addf %get3A_2, %get3A_6 : vector<6144xf32>
    %get3A_7 = arith.constant 1 : index
    %get3A_8 = arith.constant 0 : index
    %get3A_9 = vector.load %arg0[%get3A_7, %get3A_8] : memref<22x6144xf32, #tpu.memory_space<vmem>>, vector<1x6144xf32>
    %get3A_10 = vector.shape_cast %get3A_9 : vector<1x6144xf32> to vector<6144xf32>
    %get3A_11 = arith.constant 12 : index
    %get3A_12 = arith.constant 0 : index
    %get3A_13 = vector.load %arg0[%get3A_11, %get3A_12] : memref<22x6144xf32, #tpu.memory_space<vmem>>, vector<1x6144xf32>
    %get3A_14 = vector.shape_cast %get3A_13 : vector<1x6144xf32> to vector<6144xf32>
    %add3A_15 = arith.addf %get3A_10, %get3A_14 : vector<6144xf32>
    %get3A_16 = arith.constant 2 : index
    %get3A_17 = arith.constant 0 : index
    %get3A_18 = vector.load %arg0[%get3A_16, %get3A_17] : memref<22x6144xf32, #tpu.memory_space<vmem>>, vector<1x6144xf32>
    %get3A_19 = vector.shape_cast %get3A_18 : vector<1x6144xf32> to vector<6144xf32>
    %get3A_20 = arith.constant 13 : index
    %get3A_21 = arith.constant 0 : index
    %get3A_22 = vector.load %arg0[%get3A_20, %get3A_21] : memref<22x6144xf32, #tpu.memory_space<vmem>>, vector<1x6144xf32>
    %get3A_23 = vector.shape_cast %get3A_22 : vector<1x6144xf32> to vector<6144xf32>
    %add3A_24 = arith.addf %get3A_19, %get3A_23 : vector<6144xf32>
    %get3A_25 = arith.constant 3 : index
    %get3A_26 = arith.constant 0 : index
    %get3A_27 = vector.load %arg0[%get3A_25, %get3A_26] : memref<22x6144xf32, #tpu.memory_space<vmem>>, vector<1x6144xf32>
    %get3A_28 = vector.shape_cast %get3A_27 : vector<1x6144xf32> to vector<6144xf32>
    %get3A_29 = arith.constant 14 : index
    %get3A_30 = arith.constant 0 : index
    %get3A_31 = vector.load %arg0[%get3A_29, %get3A_30] : memref<22x6144xf32, #tpu.memory_space<vmem>>, vector<1x6144xf32>
    %get3A_32 = vector.shape_cast %get3A_31 : vector<1x6144xf32> to vector<6144xf32>
    %add3A_33 = arith.addf %get3A_28, %get3A_32 : vector<6144xf32>
    %get3A_34 = arith.constant 4 : index
    %get3A_35 = arith.constant 0 : index
    %get3A_36 = vector.load %arg0[%get3A_34, %get3A_35] : memref<22x6144xf32, #tpu.memory_space<vmem>>, vector<1x6144xf32>
    %get3A_37 = vector.shape_cast %get3A_36 : vector<1x6144xf32> to vector<6144xf32>
    %get3A_38 = arith.constant 15 : index
    %get3A_39 = arith.constant 0 : index
    %get3A_40 = vector.load %arg0[%get3A_38, %get3A_39] : memref<22x6144xf32, #tpu.memory_space<vmem>>, vector<1x6144xf32>
    %get3A_41 = vector.shape_cast %get3A_40 : vector<1x6144xf32> to vector<6144xf32>
    %add3A_42 = arith.addf %get3A_37, %get3A_41 : vector<6144xf32>
    %get3A_43 = arith.constant 5 : index
    %get3A_44 = arith.constant 0 : index
    %get3A_45 = vector.load %arg0[%get3A_43, %get3A_44] : memref<22x6144xf32, #tpu.memory_space<vmem>>, vector<1x6144xf32>
    %get3A_46 = vector.shape_cast %get3A_45 : vector<1x6144xf32> to vector<6144xf32>
    %get3A_47 = arith.constant 16 : index
    %get3A_48 = arith.constant 0 : index
    %get3A_49 = vector.load %arg0[%get3A_47, %get3A_48] : memref<22x6144xf32, #tpu.memory_space<vmem>>, vector<1x6144xf32>
    %get3A_50 = vector.shape_cast %get3A_49 : vector<1x6144xf32> to vector<6144xf32>
    %add3A_51 = arith.addf %get3A_46, %get3A_50 : vector<6144xf32>
    %get3A_52 = arith.constant 6 : index
    %get3A_53 = arith.constant 0 : index
    %get3A_54 = vector.load %arg0[%get3A_52, %get3A_53] : memref<22x6144xf32, #tpu.memory_space<vmem>>, vector<1x6144xf32>
    %get3A_55 = vector.shape_cast %get3A_54 : vector<1x6144xf32> to vector<6144xf32>
    %get3A_56 = arith.constant 17 : index
    %get3A_57 = arith.constant 0 : index
    %get3A_58 = vector.load %arg0[%get3A_56, %get3A_57] : memref<22x6144xf32, #tpu.memory_space<vmem>>, vector<1x6144xf32>
    %get3A_59 = vector.shape_cast %get3A_58 : vector<1x6144xf32> to vector<6144xf32>
    %add3A_60 = arith.addf %get3A_55, %get3A_59 : vector<6144xf32>
    %get3A_61 = arith.constant 7 : index
    %get3A_62 = arith.constant 0 : index
    %get3A_63 = vector.load %arg0[%get3A_61, %get3A_62] : memref<22x6144xf32, #tpu.memory_space<vmem>>, vector<1x6144xf32>
    %get3A_64 = vector.shape_cast %get3A_63 : vector<1x6144xf32> to vector<6144xf32>
    %get3A_65 = arith.constant 18 : index
    %get3A_66 = arith.constant 0 : index
    %get3A_67 = vector.load %arg0[%get3A_65, %get3A_66] : memref<22x6144xf32, #tpu.memory_space<vmem>>, vector<1x6144xf32>
    %get3A_68 = vector.shape_cast %get3A_67 : vector<1x6144xf32> to vector<6144xf32>
    %add3A_69 = arith.addf %get3A_64, %get3A_68 : vector<6144xf32>
    %get3A_70 = arith.constant 8 : index
    %get3A_71 = arith.constant 0 : index
    %get3A_72 = vector.load %arg0[%get3A_70, %get3A_71] : memref<22x6144xf32, #tpu.memory_space<vmem>>, vector<1x6144xf32>
    %get3A_73 = vector.shape_cast %get3A_72 : vector<1x6144xf32> to vector<6144xf32>
    %get3A_74 = arith.constant 19 : index
    %get3A_75 = arith.constant 0 : index
    %get3A_76 = vector.load %arg0[%get3A_74, %get3A_75] : memref<22x6144xf32, #tpu.memory_space<vmem>>, vector<1x6144xf32>
    %get3A_77 = vector.shape_cast %get3A_76 : vector<1x6144xf32> to vector<6144xf32>
    %add3A_78 = arith.addf %get3A_73, %get3A_77 : vector<6144xf32>
    %get3A_79 = arith.constant 9 : index
    %get3A_80 = arith.constant 0 : index
    %get3A_81 = vector.load %arg0[%get3A_79, %get3A_80] : memref<22x6144xf32, #tpu.memory_space<vmem>>, vector<1x6144xf32>
    %get3A_82 = vector.shape_cast %get3A_81 : vector<1x6144xf32> to vector<6144xf32>
    %get3A_83 = arith.constant 20 : index
    %get3A_84 = arith.constant 0 : index
    %get3A_85 = vector.load %arg0[%get3A_83, %get3A_84] : memref<22x6144xf32, #tpu.memory_space<vmem>>, vector<1x6144xf32>
    %get3A_86 = vector.shape_cast %get3A_85 : vector<1x6144xf32> to vector<6144xf32>
    %add3A_87 = arith.addf %get3A_82, %get3A_86 : vector<6144xf32>
    %get3A_88 = arith.constant 10 : index
    %get3A_89 = arith.constant 0 : index
    %get3A_90 = vector.load %arg0[%get3A_88, %get3A_89] : memref<22x6144xf32, #tpu.memory_space<vmem>>, vector<1x6144xf32>
    %get3A_91 = vector.shape_cast %get3A_90 : vector<1x6144xf32> to vector<6144xf32>
    %get3A_92 = arith.constant 21 : index
    %get3A_93 = arith.constant 0 : index
    %get3A_94 = vector.load %arg0[%get3A_92, %get3A_93] : memref<22x6144xf32, #tpu.memory_space<vmem>>, vector<1x6144xf32>
    %get3A_95 = vector.shape_cast %get3A_94 : vector<1x6144xf32> to vector<6144xf32>
    %add3A_96 = arith.addf %get3A_91, %get3A_95 : vector<6144xf32>
    %max3A = arith.constant 1.000000e+00 : f32
    %max3A_97 = vector.broadcast %max3A : f32 to vector<6144xf32>
    %max3A_98 = arith.maximumf %add3A_96, %max3A_97 : vector<6144xf32>
    %broadcast_in_dim3A = vector.shape_cast %max3A_98 : vector<6144xf32> to vector<6144x1xf32>
    %stack3A = vector.shape_cast %add3A : vector<6144xf32> to vector<6144x1xf32>
    %stack3A_99 = vector.shape_cast %add3A_15 : vector<6144xf32> to vector<6144x1xf32>
    %stack3A_100 = vector.shape_cast %add3A_24 : vector<6144xf32> to vector<6144x1xf32>
    %stack3A_101 = vector.shape_cast %add3A_33 : vector<6144xf32> to vector<6144x1xf32>
    %stack3A_102 = vector.shape_cast %add3A_42 : vector<6144xf32> to vector<6144x1xf32>
    %stack3A_103 = vector.shape_cast %add3A_51 : vector<6144xf32> to vector<6144x1xf32>
    %stack3A_104 = vector.shape_cast %add3A_60 : vector<6144xf32> to vector<6144x1xf32>
    %stack3A_105 = vector.shape_cast %add3A_69 : vector<6144xf32> to vector<6144x1xf32>
    %stack3A_106 = vector.shape_cast %add3A_78 : vector<6144xf32> to vector<6144x1xf32>
    %stack3A_107 = vector.shape_cast %add3A_87 : vector<6144xf32> to vector<6144x1xf32>
    %stack3A_108 = tpu.concatenate %stack3A, %stack3A_99, %stack3A_100, %stack3A_101, %stack3A_102, %stack3A_103, %stack3A_104, %stack3A_105, %stack3A_106, %stack3A_107 in 1 : vector<6144x1xf32>, vector<6144x1xf32>, vector<6144x1xf32>, vector<6144x1xf32>, vector<6144x1xf32>, vector<6144x1xf32>, vector<6144x1xf32>, vector<6144x1xf32>, vector<6144x1xf32>, vector<6144x1xf32> -> vector<6144x10xf32>
    %div3A = vector.broadcast %broadcast_in_dim3A : vector<6144x1xf32> to vector<6144x10xf32>
    %div3A_109 = arith.divf %stack3A_108, %div3A : vector<6144x10xf32>
    %get3A_110 = arith.constant 0 : index
    %get3A_111 = arith.constant 0 : index
    %get3A_112 = vector.load %arg1[%get3A_110, %get3A_111] : memref<10x11xf32, #tpu.memory_space<vmem>>, vector<10x11xf32>
    %dot_general3A = arith.constant dense<0.000000e+00> : vector<6144x11xf32>
    %dot_general3A_113 = tpu.matmul %div3A_109, %get3A_112, %dot_general3A {dimension_numbers = #tpu.dot_dimension_numbers<[1], [0], [0], [1], [0, 0, 1, 1], [], []>, transpose_lhs_hint = false} : vector<6144x10xf32>, vector<10x11xf32>, vector<6144x11xf32> -> vector<6144x11xf32>
    %get3A_114 = arith.constant 0 : index
    %get3A_115 = vector.load %arg2[%get3A_114] : memref<11xf32, #tpu.memory_space<vmem>>, vector<11xf32>
    %broadcast_in_dim3A_116 = vector.shape_cast %get3A_115 : vector<11xf32> to vector<1x11xf32>
    %add3A_117 = vector.broadcast %broadcast_in_dim3A_116 : vector<1x11xf32> to vector<6144x11xf32>
    %add3A_118 = arith.addf %dot_general3A_113, %add3A_117 : vector<6144x11xf32>
    %swap3A = arith.constant 0 : index
    %swap3A_119 = arith.constant 0 : index
    %swap3A_120 = vector.load %arg3[%swap3A, %swap3A_119] : memref<6144x11xf32, #tpu.memory_space<vmem>>, vector<6144x11xf32>
    tpu.vector_store %arg3[%swap3A, %swap3A_119], %add3A_118 {strides = array<i32>} : memref<6144x11xf32, #tpu.memory_space<vmem>>, vector<6144x11xf32>,
    return
  }
}

</mosaic_0001>

<sc_bundles>
// kernel: body.8.cloned.1.call-start
scs
__scs_entry_jumppad:
0x0: {  	(pc) =	sbr.rel $0x88, $3  }
0x1: {  	(tag) =	ssettag $0x0;
	lr =	simm.s32 $0x1  }
0x2: {  	[smem:$0x3F90] =	sst lr;
	_ =	strace $0xD0000000  }
0x3: {  	_ = 	snop  }
0x4: {  	_ = 	snop  }
0x5: {  	_ = 	snop  }
0x6: {  	_ = 	snop  }
0x7: {  	_ = 	snop  }
__scs_overlays_trampoline_lowered:
0x8: {  	[smem:$0x3F9F] =	sst s0  }
0x9: {  	[smem:$0x3FA0] =	sst s1  }
0xa: {  	[smem:$0x3FA1] =	sst s2  }
0xb: {  	[smem:$0x3FA2] =	sst s3  }
0xc: {  	[smem:$0x3FA3] =	sst s4  }
0xd: {  	[smem:$0x3FA4] =	sst s5  }
0xe: {  	[smem:$0x3FA5] =	sst s6  }
0xf: {  	[smem:$0x3FA6] =	sst s7  }
0x10: {  	[smem:$0x3FA7] =	sst s8  }
0x11: {  	[smem:$0x3FA8] =	sst s9;
	s0 =	simm.s32 @!p0 $0x0  }
0x12: {  	s1 =	sld [smem:$0x3F8E];
	s0 =	simm.s32 @p0 $0x1  }
0x13: {  	[smem:$0x3FA9] =	sst s0;
	s0 =	simm.s32 @!p1 $0x0  }
0x14: {  	s2 =	sld [smem:$0x3F8D];
	s0 =	simm.s32 @p1 $0x1  }
0x15: {  	[smem:$0x3FAA] =	sst s0;
	s0 =	simm.s32 @!p2 $0x0  }
0x16: {  	s3 =	sld [smem:$0x3FDB];
	s0 =	simm.s32 @p2 $0x1  }
0x17: {  	s4 =	simm.s32 $0x1BF5;
	[smem:$0x3FAC] =	sst s0  }
0x18: {  	s0 =	sld [smem:$0x3F8F];
	_ =	swait.ge [sflag:s4], $0x0  }
0x19: {  	s7 =	sld [smem:$0x3F90]  }
0x1a: {  	s8 =	sadd.s32 $0xFFFFE003, lr  }
0x1b: {  	s9 =	sadd.s32 $0xFFFFFEF7, lr;
	s5 =	simm.s32 $0xFFFFFFFF;
	p2 =	slt.u32 s8, $0xFFFFF086  }
0x1c: {  	p1 =	slt.u32 s9, $0xF7A;
	s5 =	simm.s32 @!p2 $0x0  }
0x1d: {  	s5 =	simm.s32 @p1 $0x1;
	p0 =	seq.s32 s7, s2  }
0x1e: {  	s7 =	smul.u32 @!p0 $0xF7A, s2;
	p2 =	seq.s32 @!p0 s5, $0x0  }
0x1f: {  	s9 =	smul.u32 $0xF7A, s1;
	s8 =	simm.s32 @!p0 $0x1BF5;
	p2 =	por !p2, p0  }
0x20: {  	[sflag:s8] =	ssyncset.s32 @!p0 $0xFFFFF086;
	s6 =	sadd.s32 @!p0 s3, s7;
	s7 =	simm.s32 @!p0 $0x108  }
0x21: {  	s3 =	sadd.s32 s3, s9;
	s6 =	sadd.s32 @!p0 $0x88, s6;
	s7 =	simm.s32 @p2 $0x1082  }
0x22: {  	[simem:s7], [sflag:s8] =	dma.local @!p0 [hbm:s6], $0xF7A  }
0x23: {  	s9 =	sor.u32 $0xD0000000, s2;
	s6 =	simm.s32 $0x108;
	_ =	swait.ge @!p0 [sflag:s8], $0x0  }
0x24: {  	s3 =	sadd.s32 $0x88, s3;
	s6 =	simm.s32 @!p1 $0x1082;
	[sflag:s4] =	ssyncset.s32 $0xFFFFF086  }
0x25: {  	[simem:s6], [sflag:s4] =	dma.local [hbm:s3], $0xF7A  }
0x26: {  	[smem:$0x3F90] =	sst s1;
	(tag) =	ssettag s2;
	_ =	strace s9  }
0x27: {  	s1 =	sld [smem:$0x3FA0]  }
0x28: {  	s2 =	sld [smem:$0x3FA1]  }
0x29: {  	s4 =	sld [smem:$0x3FA3]  }
0x2a: {  	p0 =	seq.s32 s5, $0x0;
	s5 =	sld [smem:$0x3FA4]  }
0x2b: {  	s6 =	sld [smem:$0x3FA5]  }
0x2c: {  	s7 =	sld [smem:$0x3FA6]  }
0x2d: {  	s3 =	simm.s32 $0x108;
	s8 =	sld [smem:$0x3FA7]  }
0x2e: {  	s3 =	simm.s32 @!p0 $0x1082;
	s9 =	sld [smem:$0x3FA8]  }
0x2f: {  	lr =	sadd.s32 s0, s3;
	s0 =	sld [smem:$0x3F9F]  }
0x30: {  	s3 =	sld [smem:$0x3FA2]  }
0x31: {  	[smem:$0x3FAB] =	sst s10  }
0x32: {  	s10 =	sld [smem:$0x3FA9];
	_ =	sdelay $0x3  }
0x33: {  	p0 =	seq.s32 s10, $0x1;
	s10 =	sld [smem:$0x3FAB];
	_ =	sdelay $0x3  }
0x34: {  	[smem:$0x3FAB] =	sst s10  }
0x35: {  	s10 =	sld [smem:$0x3FAA];
	_ =	sdelay $0x3  }
0x36: {  	p1 =	seq.s32 s10, $0x1;
	s10 =	sld [smem:$0x3FAB];
	_ =	sdelay $0x3  }
0x37: {  	[smem:$0x3FAB] =	sst s10  }
0x38: {  	s10 =	sld [smem:$0x3FAC]  }
0x39: {  	_ = 	snop;
	(pc) =	sbr.ind lr, $3  }
0x3a: {  	_ = 	snop  }
0x3b: {  	_ = 	snop  }
0x3c: {  	p2 =	seq.s32 s10, $0x1;
	s10 =	sld [smem:$0x3FAB]  }
0x3d: {  	_ =	shalt  }
0x3e: {  	_ =	shalt  }
0x3f: {  	_ =	shalt  }
0x40: {  	_ =	shalt  }
0x41: {  	_ =	shalt  }
0x42: {  	_ =	shalt  }
0x43: {  	_ =	shalt  }
0x44: {  	_ =	shalt  }
0x45: {  	_ =	shalt  }
0x46: {  	_ =	shalt  }
0x47: {  	_ =	shalt  }
0x48: {  	_ =	shalt  }
0x49: {  	_ =	shalt  }
0x4a: {  	_ =	shalt  }
0x4b: {  	_ =	shalt  }
0x4c: {  	_ =	shalt  }
0x4d: {  	_ =	shalt  }
0x4e: {  	_ =	shalt  }
0x4f: {  	_ =	shalt  }
0x50: {  	_ =	shalt  }
0x51: {  	_ =	shalt  }
0x52: {  	_ =	shalt  }
0x53: {  	_ =	shalt  }
0x54: {  	_ =	shalt  }
0x55: {  	_ =	shalt  }
0x56: {  	_ =	shalt  }
0x57: {  	_ =	shalt  }
0x58: {  	_ =	shalt  }
0x59: {  	_ =	shalt  }
0x5a: {  	_ =	shalt  }
0x5b: {  	_ =	shalt  }
0x5c: {  	_ =	shalt  }
0x5d: {  	_ =	shalt  }
0x5e: {  	_ =	shalt  }
0x5f: {  	_ =	shalt  }
0x60: {  	_ =	shalt  }
0x61: {  	_ =	shalt  }
0x62: {  	_ =	shalt  }
0x63: {  	_ =	shalt  }
0x64: {  	_ =	shalt  }
0x65: {  	_ =	shalt  }
0x66: {  	_ =	shalt  }
0x67: {  	_ =	shalt  }
0x68: {  	_ =	shalt  }
0x69: {  	_ =	shalt  }
0x6a: {  	_ =	shalt  }
0x6b: {  	_ =	shalt  }
0x6c: {  	_ =	shalt  }
0x6d: {  	_ =	shalt  }
0x6e: {  	_ =	shalt  }
0x6f: {  	_ =	shalt  }
0x70: {  	_ =	shalt  }
0x71: {  	_ =	shalt  }
0x72: {  	_ =	shalt  }
0x73: {  	_ =	shalt  }
0x74: {  	_ =	shalt  }
0x75: {  	_ =	shalt  }
0x76: {  	_ =	shalt  }
0x77: {  	_ =	shalt  }
0x78: {  	_ =	shalt  }
0x79: {  	_ =	shalt  }
0x7a: {  	_ =	shalt  }
0x7b: {  	_ =	shalt  }
0x7c: {  	_ =	shalt  }
0x7d: {  	_ =	shalt  }
0x7e: {  	_ =	shalt  }
0x7f: {  	_ =	shalt  }
0x80: {  	_ =	shalt  }
0x81: {  	_ =	shalt  }
0x82: {  	_ =	shalt  }
0x83: {  	_ =	shalt  }
0x84: {  	_ =	shalt  }
0x85: {  	_ =	shalt  }
0x86: {  	_ =	shalt  }
0x87: {  	_ =	shalt  }
.Lfunc_end0:
.L_simem_size_0:
called_computation_lowered:
.L_overlay_start_0:
0x88: {  	s2 =	sld [smem:$0x3FD9]  }
0x89: {  	s3 =	sld [smem:$0x3FFE];
	_ =	sdelay $0x1  }
0x8a: {  	s1 =	srdreg.scid  }
0x8b: {  	s0 =	sand.u32 $0x1, s1  }
0x8c: {  	s17 =	sshll.u32 s0, $0xA;
	s2 =	sadd.s32 s3, s2  }
0x8d: {  	s2 =	sadd.s32 s2, s17  }
0x8e: {  	[smem:$0x3FB7] =	sst s2  }
0x8f: {  	_ = 	snop  }
0x90: {  	s2 =	sld [smem:$0x3FD0];
	(tm) =	ssettm $0x1  }
0x91: {  	s18 =	sld [smem:$0x3FFB];
	_ =	sdelay $0x3  }
0x92: {  	_ =	strace s18  }
0x93: {  	s3 =	sld [smem:$0x3FFC];
	_ =	sdelay $0x3  }
0x94: {  	_ =	strace s3  }
0x95: {  	s3 =	sld [smem:$0x3FFD];
	_ =	sdelay $0x3  }
0x96: {  	_ =	strace s3  }
0x97: {  	_ =	strace $0x8FFFFFFF  }
0x98: {  	s19 =	sld [smem:$0x3FDB];
	_ =	sdelay $0x1  }
0x99: {  	s4 =	simm.s32 $_scs_section_size  }
0x9a: {  	s5 =	simm.s32 $_size__tile_overlayer_lowered;
	s6 =	simm.s32 $_tile_overlayer_lowered  }
0x9b: {  	s22 =	simm.s32 $0x1BFF;
	s21 =	sshll.u32 s6, $0x1;
	s3 =	sadd.s32 s4, s19  }
0x9c: {  	s7 =	simm.s32 $0x0;
	s20 =	sshll.u32 s5, $0x1;
	s5 =	sadd.s32 s21, s3  }
0x9d: {  	[timem:s7], [sflag:s22] =	dma.local [hbm:s5], s20  }
0x9e: {  	_ =	swait.ge [sflag:s22], s20  }
0x9f: {  	s4 =	ssub.s32 $0x0, s20;
	[sflag:s22] =	ssyncset.done $0x0  }
0xa0: {  	[sflag:s22] =	ssyncadd.s32 s4;
	_ =	sdelay $0x1  }
0xa1: {  	s23 =	simm.s32 $0x1B8B  }
0xa2: {  	_ =	swait.ge [sflag:s23], $0x1  }
0xa3: {  	[sflag:s23] =	ssyncset.done $0x0  }
0xa4: {  	s25 =	simm.s32 $0x1B8E;
	s24 =	sld [smem:$0x3FFE];
	[sflag:s23] =	ssyncadd.s32 $0xFFFFFFFF  }
0xa5: {  	s26 =	simm.s32 $execute0_lowered;
	[smem:$0x3FD2] =	sst s25  }
0xa6: {  	s5 =	sshll.u32 s26, $0x1;
	_ =	strace $0x8000004C;
	[dreg:$0x1] =	wrdreg $0xFFFFFFFF  }
0xa7: {  	s28 =	simm.s32 $_size_execute0_lowered;
	s3 =	sadd.s32 s3, s5;
	[dreg:$0x0] =	wrdreg $0x0  }
0xa8: {  	s5 =	sshll.u32 s28, $0x1;
	[dreg:$0x2] =	wrdreg s3  }
0xa9: {  	[dreg:$0x3] =	wrdreg s5  }
0xaa: {  	[dreg:$0x4] =	wrdreg $0xC0  }
0xab: {  	_ =	task [dreg:s7], $0x5FFFF  }
0xac: {  	[dreg:$0x1] =	wrdreg $0xFFFFFFFF  }
0xad: {  	[dreg:$0x0] =	wrdreg $0x60  }
0xae: {  	[dreg:$0x2] =	wrdreg s24  }
0xaf: {  	[dreg:$0x3] =	wrdreg s2  }
0xb0: {  	[dreg:$0x4] =	wrdreg $0xAC800  }
0xb1: {  	[dreg:$0x5] =	wrdreg $0xC5000  }
0xb2: {  	[dreg:$0x6] =	wrdreg $0xDD800  }
0xb3: {  	[dreg:$0x7] =	wrdreg $0xF6000  }
0xb4: {  	[dreg:$0x8] =	wrdreg $0x10E800  }
0xb5: {  	[dreg:$0x9] =	wrdreg $0x127000  }
0xb6: {  	[dreg:$0xa] =	wrdreg $0x13F800  }
0xb7: {  	[dreg:$0xb] =	wrdreg $0x158000  }
0xb8: {  	[dreg:$0xc] =	wrdreg $0x170800  }
0xb9: {  	[dreg:$0xd] =	wrdreg $0x189000  }
0xba: {  	[dreg:$0xe] =	wrdreg $0x9  }
0xbb: {  	_ =	task.clear_ibuf [dreg:s7], $0xFFFFF;
	_ =	strace $0x9000004C  }
0xbc: {  	s29 =	simm.s32 $0x9;
	_ =	strace $0x8000004E  }
0xbd: {  	_ =	swait.ge [sflag:s29], $0x1  }
0xbe: {  	[sflag:s29] =	ssyncadd.s32 $0xFFFFFFFF  }
0xbf: {  	_ =	strace $0x9000004E  }
0xc0: {  	_ =	sfence  }
0xc1: {  	s30 =	sld [smem:$0x0];
	_ =	sdelay $0x2  }
0xc2: {  	s31 =	sshll.u32 s1, $0xD;
	s1 =	sshrl.u32 s1, $0x2  }
0xc3: {  	s3 =	sand.u32 $0x4000, s31;
	s1 =	sadd.s32 s1, s30  }
0xc4: {  	s0 =	sor.u32 s3, s0;
	s1 =	sshll.u32 s1, $0x11  }
0xc5: {  	s0 =	sor.u32 s1, s0  }
0xc6: {  	s0 =	sadd.s32 $0x8F2B, s0  }
0xc7: {  	[sflag:s0] =	ssyncadd.remote.s32 $0x1  }
0xc8: {  	_ =	sfence.sel $0xFFFF  }
0xc9: {  	[dreg:$0x0] =	wrdreg $0xFFFFFFFF;
	(pc) =	sbr.abs _section_cstart, $3  }
0xca: {  	[dreg:$0x1] =	wrdreg $0xFFFFFFFF  }
0xcb: {  	_ =	task.clear_ibuf [dreg:s7], $0x2FFFF;
	_ =	strace $0x9FFFFFFF  }
0xcc: {  	(tm) =	ssettm $0x7FFFFFFF  }
0xcd: {  	_ =	shalt  }
tec
execute0_lowered:
.L_overlay_start_1:
0x0: {  	(tag) =	ssettag $0x1  }
0x1: {  	s0 =	rddreg [dreg:$0x0]  }
0x2: {  	s6 =	rddreg [dreg:$0x2]  }
0x3: {  	s7 =	rddreg [dreg:$0x3]  }
0x4: {  	s8 =	rddreg [dreg:$0x4]  }
0x5: {  	s9 =	rddreg [dreg:$0x5]  }
0x6: {  	s10 =	rddreg [dreg:$0x6]  }
0x7: {  	s11 =	rddreg [dreg:$0x7]  }
0x8: {  	s12 =	rddreg [dreg:$0x8]  }
0x9: {  	s22 =	rddreg [dreg:$0x9]  }
0xa: {  	s24 =	rddreg [dreg:$0xa]  }
0xb: {  	s25 =	rddreg [dreg:$0xb];
	s13 =	simm.s32 $0x0;
	s1 =	srdreg.scid  }
0xc: {  	s20 =	stileid.u32;
	[smem:$0x7FF] =	sst s13;
	s14 =	sadd.s32 $0xD4200, s0  }
0xd: {  	s1 =	sand.u32 $0x1, s1;
	s2 =	smul.u32 $0x1880, s20;
	s15 =	sadd.s32 $0x70200, s0  }
0xe: {  	s16 =	sadd.s32 $0xC200, s0;
	s17 =	sadd.s32 $0x2C00, s0;
	s18 =	sadd.s32 $0x2C6A00, s0  }
0xf: {  	s19 =	sadd.s32 $0x2C3800, s0;
	s29 =	sshll.u32 s20, $0x1;
	s6 =	sadd.s32 s2, s6  }
0x10: {  	_ =	strace $0x8000004D;
	s7 =	sadd.s32 s2, s7;
	[dreg:$0xe] =	wrdreg s6  }
0x11: {  	s20 =	sadd.s32 $0x9000, s0;
	s8 =	sadd.s32 s2, s8;
	[dreg:$0xf] =	wrdreg s7  }
0x12: {  	s21 =	sadd.s32 $0x5E00, s0;
	s9 =	sadd.s32 s2, s9;
	[dreg:$0x10] =	wrdreg s8  }
0x13: {  	s3 =	smul.u32 $0xF5000, s1;
	s10 =	sadd.s32 s2, s10;
	[dreg:$0x11] =	wrdreg s9  }
0x14: {  	s4 =	ssub.s32 $0x2, s1;
	s26 =	sadd.s32 s2, s11;
	[dreg:$0x12] =	wrdreg s10  }
0x15: {  	s1 =	sor.u32 s1, s29;
	s29 =	sadd.s32 s2, s12;
	[dreg:$0x13] =	wrdreg s26  }
0x16: {  	s5 =	sshrl.u32 s4, $0x1;
	s12 =	sadd.s32 s2, s25;
	[dreg:$0x14] =	wrdreg s29  }
0x17: {  	s3 =	sadd.s32 s2, s3;
	s6 =	sadd.s32 s2, s22;
	[dreg:$0x1d] =	wrdreg s12  }
0x18: {  	s4 =	ssub.s32 s4, s5;
	s9 =	sadd.s32 s2, s24;
	[dreg:$0x17] =	wrdreg s6  }
0x19: {  	s3 =	sshrl.u32 s3, $0x3;
	[dreg:$0x1a] =	wrdreg s9;
	s29 =	smax.u32 s4, $0x1  }
0x1a: {  	s3 =	sadd.s32 s3, s0;
	s0 =	sadd.s32 $0x2C9C00, s0;
	[smem:$0x7FD] =	sst s29  }
0x1b: {  	s23 =	smul.u32 $0x19000, s1;
	[dreg:$0xd] =	wrdreg s0;
	s1 =	sadd.s32 $0x2CA000, s3  }
0x1c: {  	s28 =	simm.s32 $0x8480;
	s5 =	sadd.s32 $0x2CD100, s3;
	[dreg:$0x15] =	wrdreg s1  }
0x1d: {  	s30 =	simm.s32 $0x400;
	s7 =	sadd.s32 $0x2D0200, s3;
	[dreg:$0x16] =	wrdreg s5  }
0x1e: {  	s31 =	simm.s32 $0x9480;
	s8 =	sadd.s32 $0x2D3300, s3;
	[dreg:$0x18] =	wrdreg s7  }
0x1f: {  	s12 =	simm.s32 $0x9C80;
	s10 =	sadd.s32 $0x2D6400, s3;
	[dreg:$0x19] =	wrdreg s8  }
0x20: {  	s2 =	simm.s32 $0xA880;
	s11 =	sadd.s32 $0x2D9500, s3;
	[dreg:$0x1b] =	wrdreg s10  }
0x21: {  	s4 =	simm.s32 $0x4;
	s22 =	sadd.s32 $0x2DC600, s3;
	[dreg:$0x1c] =	wrdreg s11  }
0x22: {  	s6 =	simm.s32 $0x5;
	s24 =	sadd.s32 $0x2DF700, s3;
	[dreg:$0x1e] =	wrdreg s22  }
0x23: {  	s9 =	simm.s32 $0x0;
	s25 =	sadd.s32 $0x2E2800, s3;
	[dreg:$0x1f] =	wrdreg s24  }
0x24: {  	s26 =	sadd.s32 $0x2E5900, s3;
	s0 =	simm.s32 $0x9880;
	[smem:$0x7FB] =	sst s25  }
0x25: {  	s3 =	simm.s32 $0x3;
	[smem:$0x7FC] =	sst s26;
	s25 =	simm.s32 $0x7  }
0x26: {  	s26 =	simm.s32 $0x8080;
	s5 =	simm.s32 $0x1;
	s24 =	simm.s32 $0xA080  }
0x27: {  	s22 =	simm.s32 $0x2;
	s1 =	simm.s32 $0xA480;
	s7 =	simm.s32 $0x6  }
.LBB2_1:
0x28: {  	[smem:$0x7EF] =	sst s9  }
0x29: {  	s8 =	rddreg [dreg:$0x1];
	s29 =	stileid.u32  }
0x2a: {  	[tilespmem:s13], [sflag:$0x7] =	stream.linear.gather [hbm4b:s8+s13], $0x8080, $0x38;
	[tilespmem:$0x1A180] =	vst v63  }
0x2b: {  	s8 =	sshll.u32 s29, $0x6;
	_ =	swait.ge [sflag:s25], $0x8080  }
0x2c: {  	s10 =	sor.u32 $0x1C07, s8;
	s9 =	rddreg [dreg:$0xe]  }
0x2d: {  	[sflag:s25] =	ssyncset.done $0x0;
	s8 =	rddreg [dreg:$0xd];
	s11 =	sshrl.u32 s9, $0x3  }
0x2e: {  	[sflag:s25] =	ssyncadd.s32 $0xFFFF7F80;
	[smem:$0x7F0] =	sst s11  }
0x2f: {  	[spmem:s11], [sflag:s10] =	dma.local [hbm:s8], $0x310  }
0x30: {  	_ =	swait.ge [sflag:s25], $0x310  }
0x31: {  	s29 =	rddreg [dreg:$0xf]  }
0x32: {  	[sflag:s25] =	ssyncset.done $0x0;
	s9 =	sshrl.u32 s29, $0x3  }
0x33: {  	[sflag:s25] =	ssyncadd.s32 $0xFFFFFCF0;
	[smem:$0x7F1] =	sst s9  }
0x34: {  	[spmem:s9], [sflag:s10] =	dma.local [hbm:s8], $0x310  }
0x35: {  	_ =	swait.ge [sflag:s25], $0x310  }
0x36: {  	s11 =	rddreg [dreg:$0x10]  }
0x37: {  	[sflag:s25] =	ssyncset.done $0x0;
	s9 =	sshrl.u32 s11, $0x3  }
0x38: {  	[sflag:s25] =	ssyncadd.s32 $0xFFFFFCF0;
	[smem:$0x7F2] =	sst s9  }
0x39: {  	[spmem:s9], [sflag:s10] =	dma.local [hbm:s8], $0x310  }
0x3a: {  	_ =	swait.ge [sflag:s25], $0x310  }
0x3b: {  	s29 =	rddreg [dreg:$0x11]  }
0x3c: {  	[sflag:s25] =	ssyncset.done $0x0;
	s9 =	sshrl.u32 s29, $0x3  }
0x3d: {  	[sflag:s25] =	ssyncadd.s32 $0xFFFFFCF0;
	[smem:$0x7F3] =	sst s9  }
0x3e: {  	[spmem:s9], [sflag:s10] =	dma.local [hbm:s8], $0x310  }
0x3f: {  	_ =	swait.ge [sflag:s25], $0x310  }
0x40: {  	s11 =	rddreg [dreg:$0x12]  }
0x41: {  	[sflag:s25] =	ssyncset.done $0x0;
	s9 =	sshrl.u32 s11, $0x3  }
0x42: {  	[sflag:s25] =	ssyncadd.s32 $0xFFFFFCF0;
	[smem:$0x7F4] =	sst s9  }
0x43: {  	[spmem:s9], [sflag:s10] =	dma.local [hbm:s8], $0x310  }
0x44: {  	_ =	swait.ge [sflag:s25], $0x310  }
0x45: {  	s29 =	rddreg [dreg:$0x13]  }
0x46: {  	[sflag:s25] =	ssyncset.done $0x0;
	s9 =	sshrl.u32 s29, $0x3  }
0x47: {  	[sflag:s25] =	ssyncadd.s32 $0xFFFFFCF0;
	[smem:$0x7F5] =	sst s9  }
0x48: {  	[spmem:s9], [sflag:s10] =	dma.local [hbm:s8], $0x310  }
0x49: {  	_ =	swait.ge [sflag:s25], $0x310  }
0x4a: {  	s11 =	rddreg [dreg:$0x14]  }
0x4b: {  	[sflag:s25] =	ssyncset.done $0x0;
	s9 =	sshrl.u32 s11, $0x3  }
0x4c: {  	[sflag:s25] =	ssyncadd.s32 $0xFFFFFCF0;
	[smem:$0x7F6] =	sst s9  }
0x4d: {  	[spmem:s9], [sflag:s10] =	dma.local [hbm:s8], $0x310  }
0x4e: {  	_ =	swait.ge [sflag:s25], $0x310  }
0x4f: {  	s29 =	rddreg [dreg:$0x17]  }
0x50: {  	[sflag:s25] =	ssyncset.done $0x0;
	s9 =	sshrl.u32 s29, $0x3  }
0x51: {  	[sflag:s25] =	ssyncadd.s32 $0xFFFFFCF0;
	[smem:$0x7F7] =	sst s9  }
0x52: {  	[spmem:s9], [sflag:s10] =	dma.local [hbm:s8], $0x310  }
0x53: {  	_ =	swait.ge [sflag:s25], $0x310  }
0x54: {  	s11 =	rddreg [dreg:$0x1a]  }
0x55: {  	[sflag:s25] =	ssyncset.done $0x0;
	s9 =	sshrl.u32 s11, $0x3  }
0x56: {  	[sflag:s25] =	ssyncadd.s32 $0xFFFFFCF0;
	[smem:$0x7F8] =	sst s9  }
0x57: {  	[spmem:s9], [sflag:s10] =	dma.local [hbm:s8], $0x310  }
0x58: {  	_ =	swait.ge [sflag:s25], $0x310  }
0x59: {  	s29 =	rddreg [dreg:$0x1d]  }
0x5a: {  	[sflag:s25] =	ssyncset.done $0x0;
	[smem:$0x7F9] =	sst s10;
	s9 =	sshrl.u32 s29, $0x3  }
0x5b: {  	[sflag:s25] =	ssyncadd.s32 $0xFFFFFCF0;
	[smem:$0x7FA] =	sst s9  }
0x5c: {  	[spmem:s9], [sflag:s10] =	dma.local [hbm:s8], $0x310  }
0x5d: {  	_ =	swait.ge [sflag:s25], $0x310  }
0x5e: {  	[sflag:s25] =	ssyncset.done $0x0  }
0x5f: {  	[sflag:s25] =	ssyncadd.s32 $0xFFFFFCF0  }
0x60: {  	s9 =	simm.s32 $0x0;
	[bflag:$0x0] =	sbarrier.arrive $0xFFFF  }
.LBB2_2:
0x61: {  	s10 =	sshll.u32 s9, $0xA  }
0x62: {  	s10 =	sadd.s32 s23, s10  }
0x63: {  	s10 =	sshrl.u32 s10, $0x3  }
0x64: {  	s29 =	simm.s32 $0x0;
	s11 =	sadd.s32 s15, s10  }
0x65: {  	[tilespmem:s26], [sflag:$0x7] =	stream.linear.gather [hbm4b:s11+s29], $0x400, $0x38;
	[tilespmem:$0x1A180] =	vst v63  }
0x66: {  	_ =	swait.ge [sflag:s25], $0x400  }
0x67: {  	[sflag:s25] =	ssyncset.done $0x0  }
0x68: {  	s8 =	sadd.s32 s16, s10;
	[sflag:s25] =	ssyncadd.s32 $0xFFFFFC00  }
0x69: {  	[tilespmem:s28], [sflag:$0x7] =	stream.linear.gather [hbm4b:s8+s29], $0x400, $0x38;
	[tilespmem:$0x1A180] =	vst v63  }
0x6a: {  	_ =	swait.ge [sflag:s25], $0x400  }
0x6b: {  	[sflag:s25] =	ssyncset.done $0x0  }
0x6c: {  	s10 =	sadd.s32 s14, s10;
	s8 =	simm.s32 $0x8880;
	[sflag:s25] =	ssyncadd.s32 $0xFFFFFC00  }
0x6d: {  	[tilespmem:s8], [sflag:$0x7] =	stream.linear.gather [hbm4b:s10+s29], $0x400, $0x38;
	[tilespmem:$0x1A180] =	vst v63  }
0x6e: {  	_ =	swait.ge [sflag:s25], $0x400  }
0x6f: {  	[sflag:s25] =	ssyncset.done $0x0  }
0x70: {  	s10 =	simm.s32 $0x0;
	[sflag:s25] =	ssyncadd.s32 $0xFFFFFC00  }
0x71: {  	v0 =	vld [tilespmem:s10+$0x8880];
	_ =	sdelay $0x4  }
0x72: {  	v1 =	vtrunc.f32 v0  }
0x73: {  	v1 =	vcvt.f32.s32 v1;
	_ =	sdelay $0x1  }
0x74: {  	s11 =	simm.s32 $0x10;
	vm0 =	vlt.s32 v1, $0x7FF  }
0x75: {  	v3 =	vnsel vm0, $0x7FF, v1;
	v1 =	vld [tilespmem:s11+$0x8880];
	_ =	sdelay $0x3  }
0x76: {  	s29 =	simm.s32 $0x80;
	v2 =	vcvt.s32.f32 v3;
	v3 =	vshll.u32 v3, $0x4  }
.LBB2_3:
0x77: {  	s8 =	sshra.s32 s29, $0x2;
	p0 =	sne.s32 s29, $0xFC0;
	s29 =	sadd.s32 $0x40, s29;
	v4 =	vtrunc.f32 v1;
	[tilespmem:s10+$0x8C80] =	vst v3  }
.Ltmp0:
0x78: {  	v3 =	vcvt.f32.s32 v4;
	v2 =	vsub.f32 v0, v2;
	v0 =	vmov v1;
	v1 =	vld [tilespmem:s8+$0x8880];
	(pc) =	sbr.rel @p0 .LBB2_3-.Ltmp0, $4  }
0x79: {  	_ = 	snop  }
0x7a: {  	vm0 =	vlt.s32 v3, $0x7FF;
	[tilespmem:s10+$0x9080] =	vst v2;
	s10 =	smov.u32 s11;
	s11 =	smov.u32 s8  }
0x7b: {  	v3 =	vnsel vm0, $0x7FF, v3  }
0x7c: {  	v2 =	vcvt.s32.f32 v3;
	v3 =	vshll.u32 v3, $0x4  }
0x7d: {  	v4 =	vtrunc.f32 v1  }
0x7e: {  	v4 =	vcvt.f32.s32 v4;
	_ =	sdelay $0x1  }
0x7f: {  	vm0 =	vlt.s32 v4, $0x7FF  }
0x80: {  	v4 =	vnsel vm0, $0x7FF, v4  }
0x81: {  	v0 =	vsub.f32 v0, v2;
	v2 =	vcvt.s32.f32 v4  }
0x82: {  	[tilespmem:s10+$0x8C80] =	vst v3  }
0x83: {  	[tilespmem:s10+$0x9080] =	vst v0;
	v0 =	vshll.u32 v4, $0x4;
	v1 =	vsub.f32 v1, v2  }
0x84: {  	[tilespmem:s11+$0x8C80] =	vst v0  }
0x85: {  	[tilespmem:s11+$0x9080] =	vst v1  }
0x86: {  	[tilespmem:s31], [sflag:$0x1] =	stream.indirect.gather [hbm4b:s17+s30], $0x1, s26, s30, $0xb8;
	[tilespmem:$0x1A180] =	vst v63  }
0x87: {  	_ =	swait.ge [sflag:s5], $0x400  }
0x88: {  	[sflag:s5] =	ssyncset.done $0x0  }
0x89: {  	s10 =	simm.s32 $0x0;
	[sflag:s5] =	ssyncadd.s32 $0xFFFFFC00  }
0x8a: {  	[tilespmem:s0], [sflag:$0x2] =	stream.indirect.gather [hbm4b:s18+s30], $0x1, s26, s30, $0xb8;
	[tilespmem:$0x1A180] =	vst v63  }
0x8b: {  	v0 =	vld [tilespmem:s10+$0x8C80];
	_ =	sdelay $0x4  }
0x8c: {  	v1 =	vadd.s32 $0x11, v0  }
0x8d: {  	v2 =	vadd.s32 $0x10, v0  }
0x8e: {  	v3 =	vadd.s32 $0x1, v0;
	_ =	sdelay $0x1  }
0x8f: {  	v8 =	vld.idx.msk [tilespmem:v0+s13+$0x0], $0xffff  }
0x90: {  	v1 =	vld.idx.msk [tilespmem:v1+s13+$0x0], $0xffff  }
0x91: {  	v5 =	vld.idx.msk [tilespmem:v2+s13+$0x0], $0xffff  }
0x92: {  	v4 =	vld.idx.msk [tilespmem:v3+s13+$0x0], $0xffff;
	_ =	sdelay $0x1  }
0x93: {  	v3 =	vld [tilespmem:s10+$0x9080];
	_ =	sdelay $0x2  }
0x94: {  	s11 =	simm.s32 $0x10;
	v0 =	vld [tilespmem:s10+$0x9480];
	v5 =	vsub.f32 v5, v8;
	v6 =	vsub.f32 v1, v4  }
0x95: {  	v2 =	vld [tilespmem:s11+$0x8C80]  }
0x96: {  	v9 =	vmul.f32 v5, v3;
	v7 =	vmul.f32 v6, v3;
	v3 =	vld [tilespmem:s11+$0x9480];
	_ =	sdelay $0x2  }
0x97: {  	v1 =	vshll.u32 v0, $0x10  }
0x98: {  	s29 =	simm.s32 $0x80;
	v6 =	vadd.s32 $0x10, v2;
	v5 =	vadd.s32 $0x1, v2;
	v8 =	vadd.f32 v9, v8  }
.LBB2_5:
0x99: {  	p0 =	sne.s32 s29, $0xFC0;
	v9 =	vshll.u32 v3, $0x10;
	v10 =	vadd.s32 $0x11, v2;
	v4 =	vadd.f32 v7, v4;
	s8 =	smov.u32 s29;
	s29 =	sadd.s32 $0x40, s29  }
0x9a: {  	v7 =	vand.u32 $0xFFFF0000, v0;
	v0 =	vmovc v3;
	v8 =	vmul.f32 v1, v8;
	v1 =	vmov v9  }
0x9b: {  	v3 =	vmul.f32 v7, v4  }
0x9c: {  	[tilespmem:s10+$0x9C80] =	vst v8  }
0x9d: {  	[tilespmem:s10+$0xA080] =	vst v3;
	s10 =	smov.u32 s11  }
0x9e: {  	v8 =	vld.idx.msk [tilespmem:v2+s13+$0x0], $0xffff  }
0x9f: {  	v7 =	vld.idx.msk [tilespmem:v10+s13+$0x0], $0xffff  }
0xa0: {  	v6 =	vld.idx.msk [tilespmem:v6+s13+$0x0], $0xffff  }
0xa1: {  	v4 =	vld.idx.msk [tilespmem:v5+s13+$0x0], $0xffff;
	_ =	sdelay $0x1  }
0xa2: {  	v5 =	vld [tilespmem:s10+$0x9080]  }
0xa3: {  	s11 =	sshra.s32 s8, $0x2  }
0xa4: {  	v2 =	vld [tilespmem:s11+$0x8C80]  }
.Ltmp1:
0xa5: {  	v6 =	vsub.f32 v6, v8;
	v3 =	vld [tilespmem:s11+$0x9480];
	(pc) =	sbr.rel @p0 .LBB2_5-.Ltmp1, $4  }
0xa6: {  	v7 =	vsub.f32 v7, v4  }
0xa7: {  	v9 =	vmul.f32 v6, v5  }
0xa8: {  	v7 =	vmul.f32 v7, v5  }
0xa9: {  	v6 =	vadd.s32 $0x10, v2;
	v5 =	vadd.s32 $0x1, v2;
	v8 =	vadd.f32 v9, v8  }
0xaa: {  	v4 =	vadd.f32 v7, v4  }
0xab: {  	v7 =	vadd.s32 $0x11, v2;
	v0 =	vand.u32 $0xFFFF0000, v0;
	v1 =	vmul.f32 v1, v8  }
0xac: {  	v0 =	vmul.f32 v0, v4  }
0xad: {  	[tilespmem:s10+$0x9C80] =	vst v1  }
0xae: {  	[tilespmem:s10+$0xA080] =	vst v0  }
0xaf: {  	v0 =	vld.idx.msk [tilespmem:v2+s13+$0x0], $0xffff  }
0xb0: {  	v1 =	vld.idx.msk [tilespmem:v7+s13+$0x0], $0xffff  }
0xb1: {  	v2 =	vld.idx.msk [tilespmem:v6+s13+$0x0], $0xffff  }
0xb2: {  	v4 =	vld.idx.msk [tilespmem:v5+s13+$0x0], $0xffff  }
0xb3: {  	v5 =	vld [tilespmem:s11+$0x9080];
	_ =	sdelay $0x2  }
0xb4: {  	v2 =	vsub.f32 v2, v0  }
0xb5: {  	v1 =	vsub.f32 v1, v4  }
0xb6: {  	v2 =	vmul.f32 v2, v5  }
0xb7: {  	v1 =	vmul.f32 v1, v5  }
0xb8: {  	v0 =	vadd.f32 v2, v0  }
0xb9: {  	v2 =	vshll.u32 v3, $0x10;
	v1 =	vadd.f32 v1, v4  }
0xba: {  	v3 =	vand.u32 $0xFFFF0000, v3;
	v0 =	vmul.f32 v2, v0  }
0xbb: {  	v1 =	vmul.f32 v3, v1  }
0xbc: {  	[tilespmem:s11+$0x9C80] =	vst v0  }
0xbd: {  	s8 =	rddreg [dreg:$0x2];
	[tilespmem:s11+$0xA080] =	vst v1  }
0xbe: {  	[spmem:s8] =	stream.indirect.scatter.add.f32 [tilespmem:s12], [sflag:$0x3], $0x1, s28, s30, $0xb8;
	[tilespmem:$0x1A180] =	vst v63  }
0xbf: {  	s11 =	rddreg [dreg:$0x3]  }
0xc0: {  	[spmem:s11] =	stream.indirect.scatter.add.f32 [tilespmem:s24], [sflag:$0x4], $0x1, s28, s30, $0xb8;
	[tilespmem:$0x1A180] =	vst v63  }
0xc1: {  	_ =	swait.ge [sflag:s22], $0x400  }
0xc2: {  	[sflag:s22] =	ssyncset.done $0x0  }
0xc3: {  	s10 =	simm.s32 $0x0;
	[sflag:s22] =	ssyncadd.s32 $0xFFFFFC00  }
0xc4: {  	[tilespmem:s31], [sflag:$0x1] =	stream.indirect.gather [hbm4b:s19+s30], $0x1, s26, s30, $0xb8;
	[tilespmem:$0x1A180] =	vst v63  }
0xc5: {  	v0 =	vld [tilespmem:s10+$0x8C80];
	_ =	sdelay $0x4  }
0xc6: {  	v1 =	vadd.s32 $0x2, v0  }
0xc7: {  	v2 =	vadd.s32 $0x3, v0  }
0xc8: {  	v3 =	vadd.s32 $0x12, v0;
	v0 =	vadd.s32 $0x13, v0;
	_ =	sdelay $0x2  }
0xc9: {  	v6 =	vld.idx.msk [tilespmem:v1+s13+$0x0], $0xffff  }
0xca: {  	v7 =	vld.idx.msk [tilespmem:v2+s13+$0x0], $0xffff  }
0xcb: {  	v0 =	vld.idx.msk [tilespmem:v0+s13+$0x0], $0xffff  }
0xcc: {  	v2 =	vld.idx.msk [tilespmem:v3+s13+$0x0], $0xffff  }
0xcd: {  	v3 =	vld [tilespmem:s10+$0x9080];
	_ =	sdelay $0x2  }
0xce: {  	s11 =	simm.s32 $0x10;
	v4 =	vld [tilespmem:s10+$0x9880];
	v0 =	vsub.f32 v0, v7  }
0xcf: {  	v1 =	vld [tilespmem:s11+$0x8C80];
	v2 =	vsub.f32 v2, v6  }
0xd0: {  	v8 =	vmul.f32 v0, v3;
	v0 =	vld [tilespmem:s11+$0x9880]  }
0xd1: {  	v2 =	vmul.f32 v2, v3;
	_ =	sdelay $0x1  }
0xd2: {  	v5 =	vshll.u32 v4, $0x10;
	v4 =	vand.u32 $0xFFFF0000, v4;
	v6 =	vadd.f32 v2, v6  }
0xd3: {  	s29 =	simm.s32 $0x80;
	v3 =	vadd.s32 $0x2, v1;
	v2 =	vadd.s32 $0x12, v1;
	v7 =	vadd.f32 v8, v7  }
.LBB2_7:
0xd4: {  	p0 =	sne.s32 s29, $0xFC0;
	v8 =	vadd.s32 $0x3, v1;
	v1 =	vadd.s32 $0x13, v1;
	v5 =	vmul.f32 v5, v6;
	v6 =	vmovc v0;
	s8 =	smov.u32 s29;
	s29 =	sadd.s32 $0x40, s29  }
0xd5: {  	v0 =	vmul.f32 v4, v7  }
0xd6: {  	[tilespmem:s10+$0xA480] =	vst v5  }
0xd7: {  	[tilespmem:s10+$0xA880] =	vst v0;
	s10 =	smov.u32 s11  }
0xd8: {  	v3 =	vld.idx.msk [tilespmem:v3+s13+$0x0], $0xffff  }
0xd9: {  	v7 =	vld.idx.msk [tilespmem:v8+s13+$0x0], $0xffff  }
0xda: {  	v0 =	vld.idx.msk [tilespmem:v2+s13+$0x0], $0xffff  }
0xdb: {  	v2 =	vld.idx.msk [tilespmem:v1+s13+$0x0], $0xffff;
	_ =	sdelay $0x1  }
0xdc: {  	v4 =	vld [tilespmem:s10+$0x9080];
	_ =	sdelay $0x1  }
0xdd: {  	s11 =	sshra.s32 s8, $0x2  }
0xde: {  	v5 =	vsub.f32 v0, v3;
	v1 =	vld [tilespmem:s11+$0x8C80]  }
.Ltmp2:
0xdf: {  	v2 =	vsub.f32 v2, v7;
	v0 =	vld [tilespmem:s11+$0x9880];
	(pc) =	sbr.rel @p0 .LBB2_7-.Ltmp2, $4  }
0xe0: {  	v8 =	vmul.f32 v5, v4  }
0xe1: {  	v9 =	vmul.f32 v2, v4  }
0xe2: {  	v5 =	vshll.u32 v6, $0x10;
	v4 =	vand.u32 $0xFFFF0000, v6;
	v6 =	vadd.f32 v8, v3  }
0xe3: {  	v7 =	vadd.f32 v9, v7;
	v3 =	vadd.s32 $0x2, v1;
	v2 =	vadd.s32 $0x12, v1  }
0xe4: {  	v5 =	vmul.f32 v5, v6  }
0xe5: {  	v8 =	vadd.s32 $0x3, v1;
	v4 =	vmul.f32 v4, v7  }
0xe6: {  	v1 =	vadd.s32 $0x13, v1;
	[tilespmem:s10+$0xA480] =	vst v5  }
0xe7: {  	[tilespmem:s10+$0xA880] =	vst v4  }
0xe8: {  	v3 =	vld.idx.msk [tilespmem:v3+s13+$0x0], $0xffff  }
0xe9: {  	v2 =	vld.idx.msk [tilespmem:v2+s13+$0x0], $0xffff  }
0xea: {  	v4 =	vld.idx.msk [tilespmem:v8+s13+$0x0], $0xffff  }
0xeb: {  	v1 =	vld.idx.msk [tilespmem:v1+s13+$0x0], $0xffff  }
0xec: {  	v5 =	vld [tilespmem:s11+$0x9080];
	_ =	sdelay $0x2  }
0xed: {  	v2 =	vsub.f32 v2, v3  }
0xee: {  	v1 =	vsub.f32 v1, v4  }
0xef: {  	v2 =	vmul.f32 v2, v5  }
0xf0: {  	v1 =	vmul.f32 v1, v5  }
0xf1: {  	v2 =	vadd.f32 v2, v3  }
0xf2: {  	v3 =	vshll.u32 v0, $0x10;
	v1 =	vadd.f32 v1, v4  }
0xf3: {  	v0 =	vand.u32 $0xFFFF0000, v0;
	v2 =	vmul.f32 v3, v2  }
0xf4: {  	v0 =	vmul.f32 v0, v1  }
0xf5: {  	[tilespmem:s11+$0xA480] =	vst v2  }
0xf6: {  	s8 =	rddreg [dreg:$0x4];
	[tilespmem:s11+$0xA880] =	vst v0  }
0xf7: {  	[spmem:s8] =	stream.indirect.scatter.add.f32 [tilespmem:s1], [sflag:$0x5], $0x1, s28, s30, $0xb8;
	[tilespmem:$0x1A180] =	vst v63  }
0xf8: {  	s11 =	rddreg [dreg:$0x5]  }
0xf9: {  	[spmem:s11] =	stream.indirect.scatter.add.f32 [tilespmem:s2], [sflag:$0x6], $0x1, s28, s30, $0xb8;
	[tilespmem:$0x1A180] =	vst v63  }
0xfa: {  	_ =	swait.ge [sflag:s5], $0x400  }
0xfb: {  	[sflag:s5] =	ssyncset.done $0x0  }
0xfc: {  	[sflag:s5] =	ssyncadd.s32 $0xFFFFFC00  }
0xfd: {  	[tilespmem:s0], [sflag:$0x2] =	stream.indirect.gather [hbm4b:s20+s30], $0x1, s26, s30, $0xb8;
	[tilespmem:$0x1A180] =	vst v63  }
0xfe: {  	_ =	swait.ge [sflag:s3], $0x400  }
0xff: {  	[sflag:s3] =	ssyncset.done $0x0  }
0x100: {  	[sflag:s3] =	ssyncadd.s32 $0xFFFFFC00  }
0x101: {  	_ =	swait.ge [sflag:s4], $0x400  }
0x102: {  	[sflag:s4] =	ssyncset.done $0x0  }
0x103: {  	s10 =	simm.s32 $0x0;
	[sflag:s4] =	ssyncadd.s32 $0xFFFFFC00  }
0x104: {  	v0 =	vld [tilespmem:s10+$0x8C80];
	_ =	sdelay $0x4  }
0x105: {  	v1 =	vadd.s32 $0x4, v0  }
0x106: {  	v2 =	vadd.s32 $0x5, v0  }
0x107: {  	v3 =	vadd.s32 $0x14, v0;
	v0 =	vadd.s32 $0x15, v0;
	_ =	sdelay $0x2  }
0x108: {  	v6 =	vld.idx.msk [tilespmem:v1+s13+$0x0], $0xffff  }
0x109: {  	v7 =	vld.idx.msk [tilespmem:v2+s13+$0x0], $0xffff  }
0x10a: {  	v0 =	vld.idx.msk [tilespmem:v0+s13+$0x0], $0xffff  }
0x10b: {  	v2 =	vld.idx.msk [tilespmem:v3+s13+$0x0], $0xffff  }
0x10c: {  	v3 =	vld [tilespmem:s10+$0x9080];
	_ =	sdelay $0x2  }
0x10d: {  	s11 =	simm.s32 $0x10;
	v4 =	vld [tilespmem:s10+$0x9480];
	v0 =	vsub.f32 v0, v7  }
0x10e: {  	v1 =	vld [tilespmem:s11+$0x8C80];
	v2 =	vsub.f32 v2, v6  }
0x10f: {  	v8 =	vmul.f32 v0, v3;
	v0 =	vld [tilespmem:s11+$0x9480]  }
0x110: {  	v2 =	vmul.f32 v2, v3;
	_ =	sdelay $0x1  }
0x111: {  	v5 =	vshll.u32 v4, $0x10;
	v4 =	vand.u32 $0xFFFF0000, v4;
	v6 =	vadd.f32 v2, v6  }
0x112: {  	s29 =	simm.s32 $0x80;
	v3 =	vadd.s32 $0x4, v1;
	v2 =	vadd.s32 $0x14, v1;
	v7 =	vadd.f32 v8, v7  }
.LBB2_9:
0x113: {  	p0 =	sne.s32 s29, $0xFC0;
	v8 =	vadd.s32 $0x5, v1;
	v1 =	vadd.s32 $0x15, v1;
	v5 =	vmul.f32 v5, v6;
	v6 =	vmovc v0;
	s8 =	smov.u32 s29;
	s29 =	sadd.s32 $0x40, s29  }
0x114: {  	v0 =	vmul.f32 v4, v7  }
0x115: {  	[tilespmem:s10+$0x9C80] =	vst v5  }
0x116: {  	[tilespmem:s10+$0xA080] =	vst v0;
	s10 =	smov.u32 s11  }
0x117: {  	v3 =	vld.idx.msk [tilespmem:v3+s13+$0x0], $0xffff  }
0x118: {  	v7 =	vld.idx.msk [tilespmem:v8+s13+$0x0], $0xffff  }
0x119: {  	v0 =	vld.idx.msk [tilespmem:v2+s13+$0x0], $0xffff  }
0x11a: {  	v2 =	vld.idx.msk [tilespmem:v1+s13+$0x0], $0xffff;
	_ =	sdelay $0x1  }
0x11b: {  	v4 =	vld [tilespmem:s10+$0x9080];
	_ =	sdelay $0x1  }
0x11c: {  	s11 =	sshra.s32 s8, $0x2  }
0x11d: {  	v5 =	vsub.f32 v0, v3;
	v1 =	vld [tilespmem:s11+$0x8C80]  }
.Ltmp3:
0x11e: {  	v2 =	vsub.f32 v2, v7;
	v0 =	vld [tilespmem:s11+$0x9480];
	(pc) =	sbr.rel @p0 .LBB2_9-.Ltmp3, $4  }
0x11f: {  	v8 =	vmul.f32 v5, v4  }
0x120: {  	v9 =	vmul.f32 v2, v4  }
0x121: {  	v5 =	vshll.u32 v6, $0x10;
	v4 =	vand.u32 $0xFFFF0000, v6;
	v6 =	vadd.f32 v8, v3  }
0x122: {  	v7 =	vadd.f32 v9, v7;
	v3 =	vadd.s32 $0x4, v1;
	v2 =	vadd.s32 $0x14, v1  }
0x123: {  	v5 =	vmul.f32 v5, v6  }
0x124: {  	v8 =	vadd.s32 $0x5, v1;
	v4 =	vmul.f32 v4, v7  }
0x125: {  	v1 =	vadd.s32 $0x15, v1;
	[tilespmem:s10+$0x9C80] =	vst v5  }
0x126: {  	[tilespmem:s10+$0xA080] =	vst v4  }
0x127: {  	v3 =	vld.idx.msk [tilespmem:v3+s13+$0x0], $0xffff  }
0x128: {  	v2 =	vld.idx.msk [tilespmem:v2+s13+$0x0], $0xffff  }
0x129: {  	v4 =	vld.idx.msk [tilespmem:v8+s13+$0x0], $0xffff  }
0x12a: {  	v1 =	vld.idx.msk [tilespmem:v1+s13+$0x0], $0xffff  }
0x12b: {  	v5 =	vld [tilespmem:s11+$0x9080];
	_ =	sdelay $0x2  }
0x12c: {  	v2 =	vsub.f32 v2, v3  }
0x12d: {  	v1 =	vsub.f32 v1, v4  }
0x12e: {  	v2 =	vmul.f32 v2, v5  }
0x12f: {  	v1 =	vmul.f32 v1, v5  }
0x130: {  	v2 =	vadd.f32 v2, v3  }
0x131: {  	v3 =	vshll.u32 v0, $0x10;
	v1 =	vadd.f32 v1, v4  }
0x132: {  	v0 =	vand.u32 $0xFFFF0000, v0;
	v2 =	vmul.f32 v3, v2  }
0x133: {  	v0 =	vmul.f32 v0, v1  }
0x134: {  	[tilespmem:s11+$0x9C80] =	vst v2  }
0x135: {  	s8 =	rddreg [dreg:$0x6];
	[tilespmem:s11+$0xA080] =	vst v0  }
0x136: {  	[spmem:s8] =	stream.indirect.scatter.add.f32 [tilespmem:s12], [sflag:$0x3], $0x1, s28, s30, $0xb8;
	[tilespmem:$0x1A180] =	vst v63  }
0x137: {  	s11 =	rddreg [dreg:$0x7]  }
0x138: {  	[spmem:s11] =	stream.indirect.scatter.add.f32 [tilespmem:s24], [sflag:$0x4], $0x1, s28, s30, $0xb8;
	[tilespmem:$0x1A180] =	vst v63  }
0x139: {  	_ =	swait.ge [sflag:s22], $0x400  }
0x13a: {  	[sflag:s22] =	ssyncset.done $0x0  }
0x13b: {  	[sflag:s22] =	ssyncadd.s32 $0xFFFFFC00  }
0x13c: {  	[tilespmem:s31], [sflag:$0x1] =	stream.indirect.gather [hbm4b:s21+s30], $0x1, s26, s30, $0xb8;
	[tilespmem:$0x1A180] =	vst v63  }
0x13d: {  	_ =	swait.ge [sflag:s6], $0x400  }
0x13e: {  	[sflag:s6] =	ssyncset.done $0x0  }
0x13f: {  	[sflag:s6] =	ssyncadd.s32 $0xFFFFFC00  }
0x140: {  	_ =	swait.ge [sflag:s7], $0x400  }
0x141: {  	[sflag:s7] =	ssyncset.done $0x0  }
0x142: {  	s10 =	simm.s32 $0x0;
	[sflag:s7] =	ssyncadd.s32 $0xFFFFFC00  }
0x143: {  	v0 =	vld [tilespmem:s10+$0x8C80];
	_ =	sdelay $0x4  }
0x144: {  	v1 =	vadd.s32 $0x6, v0  }
0x145: {  	v2 =	vadd.s32 $0x7, v0  }
0x146: {  	v3 =	vadd.s32 $0x16, v0;
	v0 =	vadd.s32 $0x17, v0;
	_ =	sdelay $0x2  }
0x147: {  	v6 =	vld.idx.msk [tilespmem:v1+s13+$0x0], $0xffff  }
0x148: {  	v7 =	vld.idx.msk [tilespmem:v2+s13+$0x0], $0xffff  }
0x149: {  	v0 =	vld.idx.msk [tilespmem:v0+s13+$0x0], $0xffff  }
0x14a: {  	v2 =	vld.idx.msk [tilespmem:v3+s13+$0x0], $0xffff  }
0x14b: {  	v3 =	vld [tilespmem:s10+$0x9080];
	_ =	sdelay $0x2  }
0x14c: {  	s11 =	simm.s32 $0x10;
	v4 =	vld [tilespmem:s10+$0x9880];
	v0 =	vsub.f32 v0, v7  }
0x14d: {  	v1 =	vld [tilespmem:s11+$0x8C80];
	v2 =	vsub.f32 v2, v6  }
0x14e: {  	v8 =	vmul.f32 v0, v3;
	v0 =	vld [tilespmem:s11+$0x9880]  }
0x14f: {  	v2 =	vmul.f32 v2, v3;
	_ =	sdelay $0x1  }
0x150: {  	v5 =	vshll.u32 v4, $0x10;
	v4 =	vand.u32 $0xFFFF0000, v4;
	v6 =	vadd.f32 v2, v6  }
0x151: {  	s29 =	simm.s32 $0x80;
	v3 =	vadd.s32 $0x6, v1;
	v2 =	vadd.s32 $0x16, v1;
	v7 =	vadd.f32 v8, v7  }
.LBB2_11:
0x152: {  	p0 =	sne.s32 s29, $0xFC0;
	v8 =	vadd.s32 $0x7, v1;
	v1 =	vadd.s32 $0x17, v1;
	v5 =	vmul.f32 v5, v6;
	v6 =	vmovc v0;
	s8 =	smov.u32 s29;
	s29 =	sadd.s32 $0x40, s29  }
0x153: {  	v0 =	vmul.f32 v4, v7  }
0x154: {  	[tilespmem:s10+$0xA480] =	vst v5  }
0x155: {  	[tilespmem:s10+$0xA880] =	vst v0;
	s10 =	smov.u32 s11  }
0x156: {  	v3 =	vld.idx.msk [tilespmem:v3+s13+$0x0], $0xffff  }
0x157: {  	v7 =	vld.idx.msk [tilespmem:v8+s13+$0x0], $0xffff  }
0x158: {  	v0 =	vld.idx.msk [tilespmem:v2+s13+$0x0], $0xffff  }
0x159: {  	v2 =	vld.idx.msk [tilespmem:v1+s13+$0x0], $0xffff;
	_ =	sdelay $0x1  }
0x15a: {  	v4 =	vld [tilespmem:s10+$0x9080];
	_ =	sdelay $0x1  }
0x15b: {  	s11 =	sshra.s32 s8, $0x2  }
0x15c: {  	v5 =	vsub.f32 v0, v3;
	v1 =	vld [tilespmem:s11+$0x8C80]  }
.Ltmp4:
0x15d: {  	v2 =	vsub.f32 v2, v7;
	v0 =	vld [tilespmem:s11+$0x9880];
	(pc) =	sbr.rel @p0 .LBB2_11-.Ltmp4, $4  }
0x15e: {  	v8 =	vmul.f32 v5, v4  }
0x15f: {  	v9 =	vmul.f32 v2, v4  }
0x160: {  	v5 =	vshll.u32 v6, $0x10;
	v4 =	vand.u32 $0xFFFF0000, v6;
	v6 =	vadd.f32 v8, v3  }
0x161: {  	v7 =	vadd.f32 v9, v7;
	v3 =	vadd.s32 $0x6, v1;
	v2 =	vadd.s32 $0x16, v1  }
0x162: {  	v5 =	vmul.f32 v5, v6  }
0x163: {  	v8 =	vadd.s32 $0x7, v1;
	v4 =	vmul.f32 v4, v7  }
0x164: {  	v1 =	vadd.s32 $0x17, v1;
	[tilespmem:s10+$0xA480] =	vst v5  }
0x165: {  	[tilespmem:s10+$0xA880] =	vst v4  }
0x166: {  	v3 =	vld.idx.msk [tilespmem:v3+s13+$0x0], $0xffff  }
0x167: {  	v2 =	vld.idx.msk [tilespmem:v2+s13+$0x0], $0xffff  }
0x168: {  	v4 =	vld.idx.msk [tilespmem:v8+s13+$0x0], $0xffff  }
0x169: {  	v1 =	vld.idx.msk [tilespmem:v1+s13+$0x0], $0xffff  }
0x16a: {  	v5 =	vld [tilespmem:s11+$0x9080];
	_ =	sdelay $0x2  }
0x16b: {  	v2 =	vsub.f32 v2, v3  }
0x16c: {  	v1 =	vsub.f32 v1, v4  }
0x16d: {  	v2 =	vmul.f32 v2, v5  }
0x16e: {  	v1 =	vmul.f32 v1, v5  }
0x16f: {  	v2 =	vadd.f32 v2, v3  }
0x170: {  	v3 =	vshll.u32 v0, $0x10;
	v1 =	vadd.f32 v1, v4  }
0x171: {  	v0 =	vand.u32 $0xFFFF0000, v0;
	v2 =	vmul.f32 v3, v2  }
0x172: {  	v0 =	vmul.f32 v0, v1  }
0x173: {  	[tilespmem:s11+$0xA480] =	vst v2  }
0x174: {  	s8 =	rddreg [dreg:$0x8];
	[tilespmem:s11+$0xA880] =	vst v0  }
0x175: {  	[spmem:s8] =	stream.indirect.scatter.add.f32 [tilespmem:s1], [sflag:$0x5], $0x1, s28, s30, $0xb8;
	[tilespmem:$0x1A180] =	vst v63  }
0x176: {  	s11 =	rddreg [dreg:$0x9]  }
0x177: {  	[spmem:s11] =	stream.indirect.scatter.add.f32 [tilespmem:s2], [sflag:$0x6], $0x1, s28, s30, $0xb8;
	[tilespmem:$0x1A180] =	vst v63  }
0x178: {  	_ =	swait.ge [sflag:s5], $0x400  }
0x179: {  	[sflag:s5] =	ssyncset.done $0x0  }
0x17a: {  	[sflag:s5] =	ssyncadd.s32 $0xFFFFFC00  }
0x17b: {  	_ =	swait.ge [sflag:s3], $0x400  }
0x17c: {  	[sflag:s3] =	ssyncset.done $0x0  }
0x17d: {  	[sflag:s3] =	ssyncadd.s32 $0xFFFFFC00  }
0x17e: {  	_ =	swait.ge [sflag:s4], $0x400  }
0x17f: {  	[sflag:s4] =	ssyncset.done $0x0  }
0x180: {  	s10 =	simm.s32 $0x0;
	[sflag:s4] =	ssyncadd.s32 $0xFFFFFC00  }
0x181: {  	v0 =	vld [tilespmem:s10+$0x8C80];
	_ =	sdelay $0x4  }
0x182: {  	v1 =	vadd.s32 $0x8, v0  }
0x183: {  	v2 =	vadd.s32 $0x9, v0  }
0x184: {  	v3 =	vadd.s32 $0x18, v0;
	v0 =	vadd.s32 $0x19, v0;
	_ =	sdelay $0x2  }
0x185: {  	v6 =	vld.idx.msk [tilespmem:v1+s13+$0x0], $0xffff  }
0x186: {  	v7 =	vld.idx.msk [tilespmem:v2+s13+$0x0], $0xffff  }
0x187: {  	v0 =	vld.idx.msk [tilespmem:v0+s13+$0x0], $0xffff  }
0x188: {  	v2 =	vld.idx.msk [tilespmem:v3+s13+$0x0], $0xffff  }
0x189: {  	v3 =	vld [tilespmem:s10+$0x9080];
	_ =	sdelay $0x2  }
0x18a: {  	s11 =	simm.s32 $0x10;
	v4 =	vld [tilespmem:s10+$0x9480];
	v0 =	vsub.f32 v0, v7  }
0x18b: {  	v1 =	vld [tilespmem:s11+$0x8C80];
	v2 =	vsub.f32 v2, v6  }
0x18c: {  	v8 =	vmul.f32 v0, v3;
	v0 =	vld [tilespmem:s11+$0x9480]  }
0x18d: {  	v2 =	vmul.f32 v2, v3;
	_ =	sdelay $0x1  }
0x18e: {  	v5 =	vshll.u32 v4, $0x10;
	v4 =	vand.u32 $0xFFFF0000, v4;
	v6 =	vadd.f32 v2, v6  }
0x18f: {  	s29 =	simm.s32 $0x80;
	v3 =	vadd.s32 $0x8, v1;
	v2 =	vadd.s32 $0x18, v1;
	v7 =	vadd.f32 v8, v7  }
.LBB2_13:
0x190: {  	p0 =	sne.s32 s29, $0xFC0;
	v8 =	vadd.s32 $0x9, v1;
	v1 =	vadd.s32 $0x19, v1;
	v5 =	vmul.f32 v5, v6;
	v6 =	vmovc v0;
	s8 =	smov.u32 s29;
	s29 =	sadd.s32 $0x40, s29  }
0x191: {  	v0 =	vmul.f32 v4, v7  }
0x192: {  	[tilespmem:s10+$0x9C80] =	vst v5  }
0x193: {  	[tilespmem:s10+$0xA080] =	vst v0;
	s10 =	smov.u32 s11  }
0x194: {  	v3 =	vld.idx.msk [tilespmem:v3+s13+$0x0], $0xffff  }
0x195: {  	v7 =	vld.idx.msk [tilespmem:v8+s13+$0x0], $0xffff  }
0x196: {  	v0 =	vld.idx.msk [tilespmem:v2+s13+$0x0], $0xffff  }
0x197: {  	v2 =	vld.idx.msk [tilespmem:v1+s13+$0x0], $0xffff;
	_ =	sdelay $0x1  }
0x198: {  	v4 =	vld [tilespmem:s10+$0x9080];
	_ =	sdelay $0x1  }
0x199: {  	s11 =	sshra.s32 s8, $0x2  }
0x19a: {  	v5 =	vsub.f32 v0, v3;
	v1 =	vld [tilespmem:s11+$0x8C80]  }
.Ltmp5:
0x19b: {  	v2 =	vsub.f32 v2, v7;
	v0 =	vld [tilespmem:s11+$0x9480];
	(pc) =	sbr.rel @p0 .LBB2_13-.Ltmp5, $4  }
0x19c: {  	v8 =	vmul.f32 v5, v4  }
0x19d: {  	v9 =	vmul.f32 v2, v4  }
0x19e: {  	v5 =	vshll.u32 v6, $0x10;
	v4 =	vand.u32 $0xFFFF0000, v6;
	v6 =	vadd.f32 v8, v3  }
0x19f: {  	v7 =	vadd.f32 v9, v7;
	v3 =	vadd.s32 $0x8, v1;
	v2 =	vadd.s32 $0x18, v1  }
0x1a0: {  	v5 =	vmul.f32 v5, v6  }
0x1a1: {  	v8 =	vadd.s32 $0x9, v1;
	v4 =	vmul.f32 v4, v7  }
0x1a2: {  	v61 =	vadd.s32 $0x19, v1;
	[tilespmem:s10+$0x9C80] =	vst v5  }
0x1a3: {  	[tilespmem:s10+$0xA080] =	vst v4  }
0x1a4: {  	v3 =	vld.idx.msk [tilespmem:v3+s13+$0x0], $0xffff  }
0x1a5: {  	v2 =	vld.idx.msk [tilespmem:v2+s13+$0x0], $0xffff  }
0x1a6: {  	v4 =	vld.idx.msk [tilespmem:v8+s13+$0x0], $0xffff  }
0x1a7: {  	v1 =	vld.idx.msk [tilespmem:v61+s13+$0x0], $0xffff  }
0x1a8: {  	v5 =	vld [tilespmem:s11+$0x9080];
	_ =	sdelay $0x2  }
0x1a9: {  	v2 =	vsub.f32 v2, v3  }
0x1aa: {  	v1 =	vsub.f32 v1, v4  }
0x1ab: {  	v2 =	vmul.f32 v2, v5  }
0x1ac: {  	v1 =	vmul.f32 v1, v5  }
0x1ad: {  	v2 =	vadd.f32 v2, v3  }
0x1ae: {  	v62 =	vshll.u32 v0, $0x10;
	v1 =	vadd.f32 v1, v4  }
0x1af: {  	v63 =	vand.u32 $0xFFFF0000, v0;
	v2 =	vmul.f32 v62, v2  }
0x1b0: {  	v0 =	vmul.f32 v63, v1  }
0x1b1: {  	[tilespmem:s11+$0x9C80] =	vst v2  }
0x1b2: {  	s8 =	rddreg [dreg:$0xa];
	[tilespmem:s11+$0xA080] =	vst v0  }
0x1b3: {  	[spmem:s8] =	stream.indirect.scatter.add.f32 [tilespmem:s12], [sflag:$0x3], $0x1, s28, s30, $0xb8;
	[tilespmem:$0x1A180] =	vst v63  }
0x1b4: {  	s29 =	rddreg [dreg:$0xb]  }
0x1b5: {  	[spmem:s29] =	stream.indirect.scatter.add.f32 [tilespmem:s24], [sflag:$0x4], $0x1, s28, s30, $0xb8;
	[tilespmem:$0x1A180] =	vst v63  }
0x1b6: {  	_ =	swait.ge [sflag:s3], $0x400  }
0x1b7: {  	[sflag:s3] =	ssyncset.done $0x0  }
0x1b8: {  	[sflag:s3] =	ssyncadd.s32 $0xFFFFFC00  }
0x1b9: {  	_ =	swait.ge [sflag:s4], $0x400  }
0x1ba: {  	[sflag:s4] =	ssyncset.done $0x0  }
0x1bb: {  	s9 =	sadd.s32 $0x1, s9;
	[sflag:s4] =	ssyncadd.s32 $0xFFFFFC00  }
0x1bc: {  	p0 =	sne.s32 s9, $0x64;
	_ =	swait.ge [sflag:s6], $0x400  }
.Ltmp6:
0x1bd: {  	[sflag:s6] =	ssyncset.done $0x0;
	(pc) =	sbr.rel @p0 .LBB2_2-.Ltmp6, $4  }
0x1be: {  	[sflag:s6] =	ssyncadd.s32 $0xFFFFFC00  }
0x1bf: {  	_ =	swait.ge [sflag:s7], $0x400  }
0x1c0: {  	[sflag:s7] =	ssyncset.done $0x0  }
0x1c1: {  	[sflag:s7] =	ssyncadd.s32 $0xFFFFFC00  }
0x1c2: {  	[bflag:$0x0] =	sbarrier.arrive $0xFFFF  }
0x1c3: {  	s9 =	sld [smem:$0x7F9]  }
0x1c4: {  	s10 =	sld [smem:$0x7F0];
	_ =	sdelay $0x1  }
0x1c5: {  	s8 =	rddreg [dreg:$0x15]  }
0x1c6: {  	[hbm:s8], [sflag:s9] =	dma.local [spmem:s10], $0x310  }
0x1c7: {  	_ =	swait.ge [sflag:s25], $0x310  }
0x1c8: {  	s29 =	sld [smem:$0x7F1]  }
0x1c9: {  	[sflag:s25] =	ssyncset.done $0x0  }
0x1ca: {  	s11 =	rddreg [dreg:$0x16];
	[sflag:s25] =	ssyncadd.s32 $0xFFFFFCF0  }
0x1cb: {  	[hbm:s11], [sflag:s9] =	dma.local [spmem:s29], $0x310  }
0x1cc: {  	_ =	swait.ge [sflag:s25], $0x310  }
0x1cd: {  	s29 =	sld [smem:$0x7F2]  }
0x1ce: {  	[sflag:s25] =	ssyncset.done $0x0  }
0x1cf: {  	s11 =	rddreg [dreg:$0x18];
	[sflag:s25] =	ssyncadd.s32 $0xFFFFFCF0  }
0x1d0: {  	[hbm:s11], [sflag:s9] =	dma.local [spmem:s29], $0x310  }
0x1d1: {  	_ =	swait.ge [sflag:s25], $0x310  }
0x1d2: {  	s29 =	sld [smem:$0x7F3]  }
0x1d3: {  	[sflag:s25] =	ssyncset.done $0x0  }
0x1d4: {  	s11 =	rddreg [dreg:$0x19];
	[sflag:s25] =	ssyncadd.s32 $0xFFFFFCF0  }
0x1d5: {  	[hbm:s11], [sflag:s9] =	dma.local [spmem:s29], $0x310  }
0x1d6: {  	_ =	swait.ge [sflag:s25], $0x310  }
0x1d7: {  	s29 =	sld [smem:$0x7F4]  }
0x1d8: {  	[sflag:s25] =	ssyncset.done $0x0  }
0x1d9: {  	s11 =	rddreg [dreg:$0x1b];
	[sflag:s25] =	ssyncadd.s32 $0xFFFFFCF0  }
0x1da: {  	[hbm:s11], [sflag:s9] =	dma.local [spmem:s29], $0x310  }
0x1db: {  	_ =	swait.ge [sflag:s25], $0x310  }
0x1dc: {  	s29 =	sld [smem:$0x7F5]  }
0x1dd: {  	[sflag:s25] =	ssyncset.done $0x0  }
0x1de: {  	s11 =	rddreg [dreg:$0x1c];
	[sflag:s25] =	ssyncadd.s32 $0xFFFFFCF0  }
0x1df: {  	[hbm:s11], [sflag:s9] =	dma.local [spmem:s29], $0x310  }
0x1e0: {  	_ =	swait.ge [sflag:s25], $0x310  }
0x1e1: {  	s29 =	sld [smem:$0x7F6]  }
0x1e2: {  	[sflag:s25] =	ssyncset.done $0x0  }
0x1e3: {  	s11 =	rddreg [dreg:$0x1e];
	[sflag:s25] =	ssyncadd.s32 $0xFFFFFCF0  }
0x1e4: {  	[hbm:s11], [sflag:s9] =	dma.local [spmem:s29], $0x310  }
0x1e5: {  	_ =	swait.ge [sflag:s25], $0x310  }
0x1e6: {  	s29 =	sld [smem:$0x7F7]  }
0x1e7: {  	[sflag:s25] =	ssyncset.done $0x0  }
0x1e8: {  	s11 =	rddreg [dreg:$0x1f];
	[sflag:s25] =	ssyncadd.s32 $0xFFFFFCF0  }
0x1e9: {  	[hbm:s11], [sflag:s9] =	dma.local [spmem:s29], $0x310  }
0x1ea: {  	_ =	swait.ge [sflag:s25], $0x310  }
0x1eb: {  	s11 =	sld [smem:$0x7FB]  }
0x1ec: {  	s29 =	sld [smem:$0x7F8]  }
0x1ed: {  	[sflag:s25] =	ssyncset.done $0x0  }
0x1ee: {  	[sflag:s25] =	ssyncadd.s32 $0xFFFFFCF0  }
0x1ef: {  	[hbm:s11], [sflag:s9] =	dma.local [spmem:s29], $0x310  }
0x1f0: {  	_ =	swait.ge [sflag:s25], $0x310  }
0x1f1: {  	s11 =	sld [smem:$0x7FC]  }
0x1f2: {  	s29 =	sld [smem:$0x7FA]  }
0x1f3: {  	[sflag:s25] =	ssyncset.done $0x0  }
0x1f4: {  	[sflag:s25] =	ssyncadd.s32 $0xFFFFFCF0  }
0x1f5: {  	[hbm:s11], [sflag:s9] =	dma.local [spmem:s29], $0x310  }
0x1f6: {  	_ =	swait.ge [sflag:s25], $0x310  }
0x1f7: {  	s11 =	sld [smem:$0x7EF]  }
0x1f8: {  	s29 =	sld [smem:$0x7FD];
	_ =	sdelay $0x1  }
0x1f9: {  	s9 =	sadd.s32 $0x1, s11  }
0x1fa: {  	p0 =	sne.s32 s9, s29  }
.Ltmp7:
0x1fb: {  	_ = 	snop;
	(pc) =	sbr.rel @p0 .LBB2_1-.Ltmp7, $3  }
0x1fc: {  	_ =	sdelay $0x1  }
0x1fd: {  	[sflag:s25] =	ssyncset.done $0x0  }
0x1fe: {  	[sflag:s25] =	ssyncadd.s32 $0xFFFFFCF0  }
0x1ff: {  	_ =	sfence.sel $0x180000  }
0x200: {  	[bflag:$0x0] =	sbarrier.arrive $0xFFFF  }
0x201: {  	_ =	strace $0x9000004D  }
0x202: {  	s0 =	stileid.u32;
	[bflag:$0x2] =	sbarrier.arrive $0xFFFF  }
0x203: {  	p0 =	sne.s32 s0, $0x0;
	s0 =	rddreg [dreg:$0xc]  }
0x204: {  	s0 =	sadd.s32 @!p0 $0x100000, s0  }
0x205: {  	[sflag:s0] =	ssyncadd.tile.s32 @!p0 $0x1;
	_ =	shalt  }
.Lfunc_end2:
_tile_overlayer_lowered:
.L_overlay_start_2:
0x206: {  	(tag) =	ssettag $0x2  }
0x207: {  	s0 =	rddreg [dreg:$0x0];
	s2 =	stileid.u32  }
0x208: {  	s1 =	rddreg [dreg:$0x1];
	p0 =	sne.s32 s2, $0x0  }
0x209: {  	s3 =	rddreg [dreg:$0x2];
	[bflag:$0x3] =	sbarrier.arrive $0xFFFF;
	s2 =	simm.s32 @!p0 $0x1C07  }
0x20a: {  	[timem:s3], [sflag:s2] =	dma.local @!p0 [hbm:s0], s1  }
0x20b: {  	s0 =	simm.s32 @!p0 $0x7  }
0x20c: {  	_ =	swait.ge @!p0 [sflag:s0], s1  }
0x20d: {  	s1 =	ssub.s32 @!p0 $0x0, s1;
	[sflag:s0] =	ssyncset.done @!p0 $0x0  }
0x20e: {  	[sflag:s0] =	ssyncadd.s32 @!p0 s1  }
0x20f: {  	[bflag:$0x3] =	sbarrier.arrive $0xFFFF  }
0x210: {  	_ =	shalt  }

// kernel: kernel.11.cloned.1.call-start
scs
__scs_entry_jumppad:
0x0: {  	(pc) =	sbr.rel $0x88, $3  }
0x1: {  	(tag) =	ssettag $0x0;
	lr =	simm.s32 $0x1  }
0x2: {  	[smem:$0x3F90] =	sst lr;
	_ =	strace $0xD0000000  }
0x3: {  	_ = 	snop  }
0x4: {  	_ = 	snop  }
0x5: {  	_ = 	snop  }
0x6: {  	_ = 	snop  }
0x7: {  	_ = 	snop  }
__scs_overlays_trampoline_lowered:
0x8: {  	[smem:$0x3F9F] =	sst s0  }
0x9: {  	[smem:$0x3FA0] =	sst s1  }
0xa: {  	[smem:$0x3FA1] =	sst s2  }
0xb: {  	[smem:$0x3FA2] =	sst s3  }
0xc: {  	[smem:$0x3FA3] =	sst s4  }
0xd: {  	[smem:$0x3FA4] =	sst s5  }
0xe: {  	[smem:$0x3FA5] =	sst s6  }
0xf: {  	[smem:$0x3FA6] =	sst s7  }
0x10: {  	[smem:$0x3FA7] =	sst s8  }
0x11: {  	[smem:$0x3FA8] =	sst s9;
	s0 =	simm.s32 @!p0 $0x0  }
0x12: {  	s1 =	sld [smem:$0x3F8E];
	s0 =	simm.s32 @p0 $0x1  }
0x13: {  	[smem:$0x3FA9] =	sst s0;
	s0 =	simm.s32 @!p1 $0x0  }
0x14: {  	s2 =	sld [smem:$0x3F8D];
	s0 =	simm.s32 @p1 $0x1  }
0x15: {  	[smem:$0x3FAA] =	sst s0;
	s0 =	simm.s32 @!p2 $0x0  }
0x16: {  	s3 =	sld [smem:$0x3FDB];
	s0 =	simm.s32 @p2 $0x1  }
0x17: {  	s4 =	simm.s32 $0x1BF5;
	[smem:$0x3FAC] =	sst s0  }
0x18: {  	s0 =	sld [smem:$0x3F8F];
	_ =	swait.ge [sflag:s4], $0x0  }
0x19: {  	s7 =	sld [smem:$0x3F90]  }
0x1a: {  	s8 =	sadd.s32 $0xFFFFE003, lr  }
0x1b: {  	s9 =	sadd.s32 $0xFFFFFEF7, lr;
	s5 =	simm.s32 $0xFFFFFFFF;
	p2 =	slt.u32 s8, $0xFFFFF086  }
0x1c: {  	p1 =	slt.u32 s9, $0xF7A;
	s5 =	simm.s32 @!p2 $0x0  }
0x1d: {  	s5 =	simm.s32 @p1 $0x1;
	p0 =	seq.s32 s7, s2  }
0x1e: {  	s7 =	smul.u32 @!p0 $0xF7A, s2;
	p2 =	seq.s32 @!p0 s5, $0x0  }
0x1f: {  	s9 =	smul.u32 $0xF7A, s1;
	s8 =	simm.s32 @!p0 $0x1BF5;
	p2 =	por !p2, p0  }
0x20: {  	[sflag:s8] =	ssyncset.s32 @!p0 $0xFFFFF086;
	s6 =	sadd.s32 @!p0 s3, s7;
	s7 =	simm.s32 @!p0 $0x108  }
0x21: {  	s3 =	sadd.s32 s3, s9;
	s6 =	sadd.s32 @!p0 $0x88, s6;
	s7 =	simm.s32 @p2 $0x1082  }
0x22: {  	[simem:s7], [sflag:s8] =	dma.local @!p0 [hbm:s6], $0xF7A  }
0x23: {  	s9 =	sor.u32 $0xD0000000, s2;
	s6 =	simm.s32 $0x108;
	_ =	swait.ge @!p0 [sflag:s8], $0x0  }
0x24: {  	s3 =	sadd.s32 $0x88, s3;
	s6 =	simm.s32 @!p1 $0x1082;
	[sflag:s4] =	ssyncset.s32 $0xFFFFF086  }
0x25: {  	[simem:s6], [sflag:s4] =	dma.local [hbm:s3], $0xF7A  }
0x26: {  	[smem:$0x3F90] =	sst s1;
	(tag) =	ssettag s2;
	_ =	strace s9  }
0x27: {  	s1 =	sld [smem:$0x3FA0]  }
0x28: {  	s2 =	sld [smem:$0x3FA1]  }
0x29: {  	s4 =	sld [smem:$0x3FA3]  }
0x2a: {  	p0 =	seq.s32 s5, $0x0;
	s5 =	sld [smem:$0x3FA4]  }
0x2b: {  	s6 =	sld [smem:$0x3FA5]  }
0x2c: {  	s7 =	sld [smem:$0x3FA6]  }
0x2d: {  	s3 =	simm.s32 $0x108;
	s8 =	sld [smem:$0x3FA7]  }
0x2e: {  	s3 =	simm.s32 @!p0 $0x1082;
	s9 =	sld [smem:$0x3FA8]  }
0x2f: {  	lr =	sadd.s32 s0, s3;
	s0 =	sld [smem:$0x3F9F]  }
0x30: {  	s3 =	sld [smem:$0x3FA2]  }
0x31: {  	[smem:$0x3FAB] =	sst s10  }
0x32: {  	s10 =	sld [smem:$0x3FA9];
	_ =	sdelay $0x3  }
0x33: {  	p0 =	seq.s32 s10, $0x1;
	s10 =	sld [smem:$0x3FAB];
	_ =	sdelay $0x3  }
0x34: {  	[smem:$0x3FAB] =	sst s10  }
0x35: {  	s10 =	sld [smem:$0x3FAA];
	_ =	sdelay $0x3  }
0x36: {  	p1 =	seq.s32 s10, $0x1;
	s10 =	sld [smem:$0x3FAB];
	_ =	sdelay $0x3  }
0x37: {  	[smem:$0x3FAB] =	sst s10  }
0x38: {  	s10 =	sld [smem:$0x3FAC]  }
0x39: {  	_ = 	snop;
	(pc) =	sbr.ind lr, $3  }
0x3a: {  	_ = 	snop  }
0x3b: {  	_ = 	snop  }
0x3c: {  	p2 =	seq.s32 s10, $0x1;
	s10 =	sld [smem:$0x3FAB]  }
0x3d: {  	_ =	shalt  }
0x3e: {  	_ =	shalt  }
0x3f: {  	_ =	shalt  }
0x40: {  	_ =	shalt  }
0x41: {  	_ =	shalt  }
0x42: {  	_ =	shalt  }
0x43: {  	_ =	shalt  }
0x44: {  	_ =	shalt  }
0x45: {  	_ =	shalt  }
0x46: {  	_ =	shalt  }
0x47: {  	_ =	shalt  }
0x48: {  	_ =	shalt  }
0x49: {  	_ =	shalt  }
0x4a: {  	_ =	shalt  }
0x4b: {  	_ =	shalt  }
0x4c: {  	_ =	shalt  }
0x4d: {  	_ =	shalt  }
0x4e: {  	_ =	shalt  }
0x4f: {  	_ =	shalt  }
0x50: {  	_ =	shalt  }
0x51: {  	_ =	shalt  }
0x52: {  	_ =	shalt  }
0x53: {  	_ =	shalt  }
0x54: {  	_ =	shalt  }
0x55: {  	_ =	shalt  }
0x56: {  	_ =	shalt  }
0x57: {  	_ =	shalt  }
0x58: {  	_ =	shalt  }
0x59: {  	_ =	shalt  }
0x5a: {  	_ =	shalt  }
0x5b: {  	_ =	shalt  }
0x5c: {  	_ =	shalt  }
0x5d: {  	_ =	shalt  }
0x5e: {  	_ =	shalt  }
0x5f: {  	_ =	shalt  }
0x60: {  	_ =	shalt  }
0x61: {  	_ =	shalt  }
0x62: {  	_ =	shalt  }
0x63: {  	_ =	shalt  }
0x64: {  	_ =	shalt  }
0x65: {  	_ =	shalt  }
0x66: {  	_ =	shalt  }
0x67: {  	_ =	shalt  }
0x68: {  	_ =	shalt  }
0x69: {  	_ =	shalt  }
0x6a: {  	_ =	shalt  }
0x6b: {  	_ =	shalt  }
0x6c: {  	_ =	shalt  }
0x6d: {  	_ =	shalt  }
0x6e: {  	_ =	shalt  }
0x6f: {  	_ =	shalt  }
0x70: {  	_ =	shalt  }
0x71: {  	_ =	shalt  }
0x72: {  	_ =	shalt  }
0x73: {  	_ =	shalt  }
0x74: {  	_ =	shalt  }
0x75: {  	_ =	shalt  }
0x76: {  	_ =	shalt  }
0x77: {  	_ =	shalt  }
0x78: {  	_ =	shalt  }
0x79: {  	_ =	shalt  }
0x7a: {  	_ =	shalt  }
0x7b: {  	_ =	shalt  }
0x7c: {  	_ =	shalt  }
0x7d: {  	_ =	shalt  }
0x7e: {  	_ =	shalt  }
0x7f: {  	_ =	shalt  }
0x80: {  	_ =	shalt  }
0x81: {  	_ =	shalt  }
0x82: {  	_ =	shalt  }
0x83: {  	_ =	shalt  }
0x84: {  	_ =	shalt  }
0x85: {  	_ =	shalt  }
0x86: {  	_ =	shalt  }
0x87: {  	_ =	shalt  }
.Lfunc_end0:
.L_simem_size_0:
called_computation.2_lowered:
.L_overlay_start_0:
0x88: {  	s2 =	sld [smem:$0x3FD9]  }
0x89: {  	s3 =	sld [smem:$0x3FFE];
	_ =	sdelay $0x1  }
0x8a: {  	s1 =	srdreg.scid  }
0x8b: {  	s0 =	sand.u32 $0x1, s1  }
0x8c: {  	s17 =	sshll.u32 s0, $0xA;
	s2 =	sadd.s32 s3, s2  }
0x8d: {  	s2 =	sadd.s32 s2, s17  }
0x8e: {  	[smem:$0x3FB7] =	sst s2  }
0x8f: {  	_ = 	snop  }
0x90: {  	s2 =	sld [smem:$0x3FD0];
	(tm) =	ssettm $0x1  }
0x91: {  	s18 =	sld [smem:$0x3FFB];
	_ =	sdelay $0x3  }
0x92: {  	_ =	strace s18  }
0x93: {  	s3 =	sld [smem:$0x3FFC];
	_ =	sdelay $0x3  }
0x94: {  	_ =	strace s3  }
0x95: {  	s3 =	sld [smem:$0x3FFD];
	_ =	sdelay $0x3  }
0x96: {  	_ =	strace s3  }
0x97: {  	_ =	strace $0x8FFFFFFF  }
0x98: {  	s19 =	sld [smem:$0x3FDB];
	_ =	sdelay $0x1  }
0x99: {  	s4 =	simm.s32 $_scs_section_size  }
0x9a: {  	s5 =	simm.s32 $_size__tile_overlayer_lowered;
	s6 =	simm.s32 $_tile_overlayer_lowered  }
0x9b: {  	s22 =	simm.s32 $0x1BFF;
	s21 =	sshll.u32 s6, $0x1;
	s3 =	sadd.s32 s4, s19  }
0x9c: {  	s7 =	simm.s32 $0x0;
	s20 =	sshll.u32 s5, $0x1;
	s5 =	sadd.s32 s21, s3  }
0x9d: {  	[timem:s7], [sflag:s22] =	dma.local [hbm:s5], s20  }
0x9e: {  	_ =	swait.ge [sflag:s22], s20  }
0x9f: {  	s4 =	ssub.s32 $0x0, s20;
	[sflag:s22] =	ssyncset.done $0x0  }
0xa0: {  	[sflag:s22] =	ssyncadd.s32 s4;
	_ =	sdelay $0x1  }
0xa1: {  	s23 =	simm.s32 $0x1B8B  }
0xa2: {  	_ =	swait.ge [sflag:s23], $0x1  }
0xa3: {  	[sflag:s23] =	ssyncset.done $0x0  }
0xa4: {  	s25 =	simm.s32 $0x1B8E;
	s24 =	sld [smem:$0x3FFE];
	[sflag:s23] =	ssyncadd.s32 $0xFFFFFFFF  }
0xa5: {  	s26 =	simm.s32 $execute0_lowered;
	[smem:$0x3FD2] =	sst s25  }
0xa6: {  	s5 =	sshll.u32 s26, $0x1;
	_ =	strace $0x80000049;
	[dreg:$0x1] =	wrdreg $0xFFFFFFFF  }
0xa7: {  	s28 =	simm.s32 $_size_execute0_lowered;
	s3 =	sadd.s32 s3, s5;
	[dreg:$0x0] =	wrdreg $0x0  }
0xa8: {  	s5 =	sshll.u32 s28, $0x1;
	[dreg:$0x2] =	wrdreg s3  }
0xa9: {  	[dreg:$0x3] =	wrdreg s5  }
0xaa: {  	[dreg:$0x4] =	wrdreg $0xC0  }
0xab: {  	_ =	task [dreg:s7], $0x5FFFF  }
0xac: {  	[dreg:$0x1] =	wrdreg $0xFFFFFFFF  }
0xad: {  	[dreg:$0x0] =	wrdreg $0x60  }
0xae: {  	[dreg:$0x2] =	wrdreg s24  }
0xaf: {  	[dreg:$0x3] =	wrdreg s2  }
0xb0: {  	[dreg:$0x4] =	wrdreg $0xC000  }
0xb1: {  	[dreg:$0x5] =	wrdreg $0xD800  }
0xb2: {  	[dreg:$0x6] =	wrdreg $0xF000  }
0xb3: {  	[dreg:$0x7] =	wrdreg $0x10800  }
0xb4: {  	[dreg:$0x8] =	wrdreg $0x12000  }
0xb5: {  	[dreg:$0x9] =	wrdreg $0x13800  }
0xb6: {  	[dreg:$0xa] =	wrdreg $0x15000  }
0xb7: {  	[dreg:$0xb] =	wrdreg $0x16800  }
0xb8: {  	[dreg:$0xc] =	wrdreg $0x18000  }
0xb9: {  	[dreg:$0xd] =	wrdreg $0x19800  }
0xba: {  	[dreg:$0xe] =	wrdreg $0x1B000  }
0xbb: {  	[dreg:$0xf] =	wrdreg $0x9  }
0xbc: {  	_ =	task.clear_ibuf [dreg:s7], $0x10FFFF;
	_ =	strace $0x90000049  }
0xbd: {  	s29 =	simm.s32 $0x9;
	_ =	strace $0x8000004B  }
0xbe: {  	_ =	swait.ge [sflag:s29], $0x1  }
0xbf: {  	[sflag:s29] =	ssyncadd.s32 $0xFFFFFFFF  }
0xc0: {  	_ =	strace $0x9000004B  }
0xc1: {  	_ =	sfence  }
0xc2: {  	s30 =	sld [smem:$0x0];
	_ =	sdelay $0x2  }
0xc3: {  	s31 =	sshll.u32 s1, $0xD;
	s1 =	sshrl.u32 s1, $0x2  }
0xc4: {  	s3 =	sand.u32 $0x4000, s31;
	s1 =	sadd.s32 s1, s30  }
0xc5: {  	s0 =	sor.u32 s3, s0;
	s1 =	sshll.u32 s1, $0x11  }
0xc6: {  	s0 =	sor.u32 s1, s0  }
0xc7: {  	s0 =	sadd.s32 $0x8F2B, s0  }
0xc8: {  	[sflag:s0] =	ssyncadd.remote.s32 $0x1  }
0xc9: {  	_ =	sfence.sel $0xFFFF  }
0xca: {  	[dreg:$0x0] =	wrdreg $0xFFFFFFFF;
	(pc) =	sbr.abs _section_cstart, $3  }
0xcb: {  	[dreg:$0x1] =	wrdreg $0xFFFFFFFF  }
0xcc: {  	_ =	task.clear_ibuf [dreg:s7], $0x2FFFF;
	_ =	strace $0x9FFFFFFF  }
0xcd: {  	(tm) =	ssettm $0x7FFFFFFF  }
tec
execute0_lowered:
.L_overlay_start_1:
0x0: {  	(tag) =	ssettag $0x1  }
0x1: {  	s0 =	rddreg [dreg:$0x0]  }
0x2: {  	s1 =	rddreg [dreg:$0x2]  }
0x3: {  	s2 =	rddreg [dreg:$0x3]  }
0x4: {  	s3 =	rddreg [dreg:$0x4]  }
0x5: {  	s4 =	rddreg [dreg:$0x5]  }
0x6: {  	s5 =	rddreg [dreg:$0x6]  }
0x7: {  	s7 =	rddreg [dreg:$0x7]  }
0x8: {  	s8 =	rddreg [dreg:$0x8]  }
0x9: {  	s9 =	rddreg [dreg:$0x9]  }
0xa: {  	s10 =	rddreg [dreg:$0xa]  }
0xb: {  	s12 =	rddreg [dreg:$0xb]  }
0xc: {  	s13 =	rddreg [dreg:$0xc]  }
0xd: {  	s6 =	srdreg.scid;
	s20 =	stileid.u32;
	s14 =	simm.s32 $0x0  }
0xe: {  	s6 =	sand.u32 $0x1, s6;
	s11 =	smul.u32 $0x180, s20;
	[smem:$0x7FF] =	sst s14  }
0xf: {  	s15 =	sadd.s32 $0x2C00, s0;
	s17 =	sadd.s32 $0x138600, s0;
	s24 =	sshll.u32 s20, $0x6  }
0x10: {  	_ =	strace $0x8000004A;
	[dreg:$0xe] =	wrdreg s17;
	s21 =	sadd.s32 s11, s1  }
0x11: {  	s16 =	smul.u32 $0x10800, s6;
	s25 =	sadd.s32 s11, s2;
	[dreg:$0xf] =	wrdreg s21  }
0x12: {  	s18 =	ssub.s32 $0x2, s6;
	s26 =	sadd.s32 s11, s3;
	[dreg:$0x10] =	wrdreg s25  }
0x13: {  	s23 =	sshrl.u32 s18, $0x1;
	[dreg:$0x11] =	wrdreg s26;
	s21 =	sadd.s32 s11, s4  }
0x14: {  	s17 =	ssub.s32 s18, s23;
	s23 =	sadd.s32 s11, s7;
	[dreg:$0x12] =	wrdreg s21  }
0x15: {  	s18 =	sor.u32 $0x1C01, s24;
	s24 =	sadd.s32 s11, s8;
	[dreg:$0x14] =	wrdreg s23  }
0x16: {  	s16 =	sadd.s32 s11, s16;
	s25 =	sadd.s32 s11, s9;
	[dreg:$0x15] =	wrdreg s24  }
0x17: {  	s26 =	sadd.s32 s11, s10;
	s22 =	sshrl.u32 s16, $0x3;
	[dreg:$0x16] =	wrdreg s25  }
0x18: {  	s16 =	sadd.s32 $0x21600, s0;
	[dreg:$0x17] =	wrdreg s26;
	s21 =	sadd.s32 s11, s12  }
0x19: {  	s0 =	sadd.s32 s22, s0;
	s22 =	sadd.s32 s11, s5;
	[dreg:$0x18] =	wrdreg s21  }
0x1a: {  	s11 =	sadd.s32 s11, s13;
	[dreg:$0x13] =	wrdreg s22  }
0x1b: {  	[dreg:$0x19] =	wrdreg s11;
	s22 =	sadd.s32 $0x21800, s0  }
0x1c: {  	s19 =	sshll.u32 s20, $0x1;
	s23 =	sadd.s32 $0x21B00, s0;
	[dreg:$0x1a] =	wrdreg s22  }
0x1d: {  	s20 =	sshll.u32 s20, $0xB;
	s24 =	sadd.s32 $0x21E00, s0;
	[dreg:$0x1b] =	wrdreg s23  }
0x1e: {  	s19 =	sor.u32 s19, s6;
	s25 =	sadd.s32 $0x22100, s0;
	[dreg:$0x1c] =	wrdreg s24  }
0x1f: {  	s6 =	sshll.u32 s6, $0xA;
	s26 =	sadd.s32 $0x22400, s0;
	[dreg:$0x1d] =	wrdreg s25  }
0x20: {  	s6 =	sor.u32 s6, s20;
	s20 =	sadd.s32 $0x22700, s0;
	[dreg:$0x1e] =	wrdreg s26  }
0x21: {  	s21 =	sadd.s32 $0x22A00, s0;
	[dreg:$0x1f] =	wrdreg s20  }
0x22: {  	[smem:$0x7F7] =	sst s21;
	s22 =	sadd.s32 $0x22D00, s0  }
0x23: {  	s28 =	simm.s32 $0x1;
	s23 =	sadd.s32 $0x23000, s0;
	[smem:$0x7F8] =	sst s22  }
0x24: {  	s29 =	simm.s32 $0x800;
	s24 =	sadd.s32 $0x23300, s0;
	[smem:$0x7F9] =	sst s23  }
0x25: {  	s11 =	ssub.s32 $0x61, s19;
	s0 =	sadd.s32 $0x23600, s0;
	[smem:$0x7FA] =	sst s24  }
0x26: {  	s25 =	smax.u32 s17, $0x1;
	s26 =	sshrl.u32 s11, $0x5;
	[smem:$0x7FB] =	sst s0  }
0x27: {  	s30 =	simm.s32 $0x400;
	[smem:$0x7FC] =	sst s25;
	s0 =	sxor.u32 $0xFFFFFFFF, s26  }
0x28: {  	s31 =	simm.s32 $0x0;
	s11 =	sadd.s32 $0x7A800, s6;
	[smem:$0x7FD] =	sst s0  }
.LBB2_1:
0x29: {  	s0 =	rddreg [dreg:$0xf]  }
0x2a: {  	s0 =	sshrl.u32 s0, $0x3  }
0x2b: {  	[smem:$0x7F3] =	sst s0  }
0x2c: {  	[spmem:s0], [sflag:s18] =	dma.local [hbm:s16], $0x30  }
0x2d: {  	_ =	swait.ge [sflag:s28], $0x30  }
0x2e: {  	s6 =	rddreg [dreg:$0x10]  }
0x2f: {  	[sflag:s28] =	ssyncset.done $0x0;
	s0 =	sshrl.u32 s6, $0x3  }
0x30: {  	[sflag:s28] =	ssyncadd.s32 $0xFFFFFFD0;
	[smem:$0x7F4] =	sst s0  }
0x31: {  	[spmem:s0], [sflag:s18] =	dma.local [hbm:s16], $0x30  }
0x32: {  	_ =	swait.ge [sflag:s28], $0x30  }
0x33: {  	s17 =	rddreg [dreg:$0x11]  }
0x34: {  	[sflag:s28] =	ssyncset.done $0x0;
	s0 =	sshrl.u32 s17, $0x3  }
0x35: {  	[sflag:s28] =	ssyncadd.s32 $0xFFFFFFD0;
	[smem:$0x7F5] =	sst s0  }
0x36: {  	[spmem:s0], [sflag:s18] =	dma.local [hbm:s16], $0x30  }
0x37: {  	_ =	swait.ge [sflag:s28], $0x30  }
0x38: {  	s19 =	rddreg [dreg:$0x12]  }
0x39: {  	[sflag:s28] =	ssyncset.done $0x0;
	s0 =	sshrl.u32 s19, $0x3  }
0x3a: {  	[sflag:s28] =	ssyncadd.s32 $0xFFFFFFD0;
	[smem:$0x7F6] =	sst s0  }
0x3b: {  	[spmem:s0], [sflag:s18] =	dma.local [hbm:s16], $0x30  }
0x3c: {  	_ =	swait.ge [sflag:s28], $0x30  }
0x3d: {  	[sflag:s28] =	ssyncset.done $0x0;
	s20 =	rddreg [dreg:$0x13]  }
0x3e: {  	[sflag:s28] =	ssyncadd.s32 $0xFFFFFFD0;
	s19 =	sshrl.u32 s20, $0x3  }
0x3f: {  	[spmem:s19], [sflag:s18] =	dma.local [hbm:s16], $0x30  }
0x40: {  	_ =	swait.ge [sflag:s28], $0x30  }
0x41: {  	[sflag:s28] =	ssyncset.done $0x0;
	s21 =	rddreg [dreg:$0x14]  }
0x42: {  	[sflag:s28] =	ssyncadd.s32 $0xFFFFFFD0;
	s20 =	sshrl.u32 s21, $0x3  }
0x43: {  	[spmem:s20], [sflag:s18] =	dma.local [hbm:s16], $0x30  }
0x44: {  	_ =	swait.ge [sflag:s28], $0x30  }
0x45: {  	[sflag:s28] =	ssyncset.done $0x0;
	s22 =	rddreg [dreg:$0x15]  }
0x46: {  	[sflag:s28] =	ssyncadd.s32 $0xFFFFFFD0;
	s21 =	sshrl.u32 s22, $0x3  }
0x47: {  	[spmem:s21], [sflag:s18] =	dma.local [hbm:s16], $0x30  }
0x48: {  	_ =	swait.ge [sflag:s28], $0x30  }
0x49: {  	[sflag:s28] =	ssyncset.done $0x0;
	s23 =	rddreg [dreg:$0x16]  }
0x4a: {  	[sflag:s28] =	ssyncadd.s32 $0xFFFFFFD0;
	s22 =	sshrl.u32 s23, $0x3  }
0x4b: {  	[spmem:s22], [sflag:s18] =	dma.local [hbm:s16], $0x30  }
0x4c: {  	_ =	swait.ge [sflag:s28], $0x30  }
0x4d: {  	[sflag:s28] =	ssyncset.done $0x0;
	s24 =	rddreg [dreg:$0x17]  }
0x4e: {  	[sflag:s28] =	ssyncadd.s32 $0xFFFFFFD0;
	s23 =	sshrl.u32 s24, $0x3  }
0x4f: {  	[spmem:s23], [sflag:s18] =	dma.local [hbm:s16], $0x30  }
0x50: {  	_ =	swait.ge [sflag:s28], $0x30  }
0x51: {  	[sflag:s28] =	ssyncset.done $0x0;
	s25 =	rddreg [dreg:$0x18]  }
0x52: {  	[sflag:s28] =	ssyncadd.s32 $0xFFFFFFD0;
	s24 =	sshrl.u32 s25, $0x3  }
0x53: {  	[spmem:s24], [sflag:s18] =	dma.local [hbm:s16], $0x30  }
0x54: {  	_ =	swait.ge [sflag:s28], $0x30  }
0x55: {  	[sflag:s28] =	ssyncset.done $0x0;
	s26 =	rddreg [dreg:$0x19]  }
0x56: {  	[sflag:s28] =	ssyncadd.s32 $0xFFFFFFD0;
	s25 =	sshrl.u32 s26, $0x3  }
0x57: {  	[spmem:s25], [sflag:s18] =	dma.local [hbm:s16], $0x30  }
0x58: {  	_ =	swait.ge [sflag:s28], $0x30  }
0x59: {  	[sflag:s28] =	ssyncset.done $0x0  }
0x5a: {  	[sflag:s28] =	ssyncadd.s32 $0xFFFFFFD0  }
0x5b: {  	s6 =	rddreg [dreg:$0x1]  }
0x5c: {  	[tilespmem:s29], [sflag:$0x1] =	stream.linear.gather [hbm4b:s6+s14], $0x400, $0x38;
	[tilespmem:$0x1C80] =	vst v63  }
0x5d: {  	_ =	swait.ge [sflag:s28], $0x400  }
0x5e: {  	[sflag:s28] =	ssyncset.done $0x0  }
0x5f: {  	[sflag:s28] =	ssyncadd.s32 $0xFFFFFC00  }
0x60: {  	s26 =	sadd.s32 $0xFFF85800, s11;
	[bflag:$0x0] =	sbarrier.arrive $0xFFFF  }
0x61: {  	s26 =	sshrl.u32 s26, $0x3;
	s6 =	rddreg [dreg:$0xe]  }
0x62: {  	s6 =	sadd.s32 s6, s26  }
0x63: {  	[tilespmem:s14], [sflag:$0x1] =	stream.linear.gather [hbm4b:s6+s14], $0x400, $0x38;
	[tilespmem:$0x1C80] =	vst v63  }
0x64: {  	_ =	swait.ge [sflag:s28], $0x400  }
0x65: {  	[sflag:s28] =	ssyncset.done $0x0  }
0x66: {  	s17 =	sadd.s32 s15, s26;
	[sflag:s28] =	ssyncadd.s32 $0xFFFFFC00  }
0x67: {  	[tilespmem:s30], [sflag:$0x1] =	stream.linear.gather [hbm4b:s17+s14], $0x400, $0x38;
	[tilespmem:$0x1C80] =	vst v63  }
0x68: {  	_ =	swait.ge [sflag:s28], $0x400  }
0x69: {  	[sflag:s28] =	ssyncset.done $0x0  }
0x6a: {  	[sflag:s28] =	ssyncadd.s32 $0xFFFFFC00  }
0x6b: {  	[spmem:s1] =	stream.indirect.scatter.add.f32 [tilespmem:s30], [sflag:$0x1], $0x1, s14, s30, $0xb8;
	[tilespmem:$0x1C80] =	vst v63  }
0x6c: {  	s26 =	sadd.s32 $0xFFF9E000, s11;
	_ =	swait.ge [sflag:s28], $0x400  }
0x6d: {  	s6 =	sshrl.u32 s26, $0x3;
	[sflag:s28] =	ssyncset.done $0x0  }
0x6e: {  	s6 =	sadd.s32 s15, s6;
	[sflag:s28] =	ssyncadd.s32 $0xFFFFFC00  }
0x6f: {  	[tilespmem:s30], [sflag:$0x1] =	stream.linear.gather [hbm4b:s6+s14], $0x400, $0x38;
	[tilespmem:$0x1C80] =	vst v63  }
0x70: {  	_ =	swait.ge [sflag:s28], $0x400  }
0x71: {  	[sflag:s28] =	ssyncset.done $0x0  }
0x72: {  	[sflag:s28] =	ssyncadd.s32 $0xFFFFFC00  }
0x73: {  	[spmem:s2] =	stream.indirect.scatter.add.f32 [tilespmem:s30], [sflag:$0x1], $0x1, s14, s30, $0xb8;
	[tilespmem:$0x1C80] =	vst v63  }
0x74: {  	s0 =	sadd.s32 $0xFFFB6800, s11;
	_ =	swait.ge [sflag:s28], $0x400  }
0x75: {  	s6 =	sshrl.u32 s0, $0x3;
	[sflag:s28] =	ssyncset.done $0x0  }
0x76: {  	s6 =	sadd.s32 s15, s6;
	[sflag:s28] =	ssyncadd.s32 $0xFFFFFC00  }
0x77: {  	[tilespmem:s30], [sflag:$0x1] =	stream.linear.gather [hbm4b:s6+s14], $0x400, $0x38;
	[tilespmem:$0x1C80] =	vst v63  }
0x78: {  	_ =	swait.ge [sflag:s28], $0x400  }
0x79: {  	[sflag:s28] =	ssyncset.done $0x0  }
0x7a: {  	[sflag:s28] =	ssyncadd.s32 $0xFFFFFC00  }
0x7b: {  	[spmem:s3] =	stream.indirect.scatter.add.f32 [tilespmem:s30], [sflag:$0x1], $0x1, s14, s30, $0xb8;
	[tilespmem:$0x1C80] =	vst v63  }
0x7c: {  	s17 =	sadd.s32 $0xFFFCF000, s11;
	_ =	swait.ge [sflag:s28], $0x400  }
0x7d: {  	s6 =	sshrl.u32 s17, $0x3;
	[sflag:s28] =	ssyncset.done $0x0  }
0x7e: {  	s6 =	sadd.s32 s15, s6;
	[sflag:s28] =	ssyncadd.s32 $0xFFFFFC00  }
0x7f: {  	[tilespmem:s30], [sflag:$0x1] =	stream.linear.gather [hbm4b:s6+s14], $0x400, $0x38;
	[tilespmem:$0x1C80] =	vst v63  }
0x80: {  	_ =	swait.ge [sflag:s28], $0x400  }
0x81: {  	[sflag:s28] =	ssyncset.done $0x0  }
0x82: {  	[sflag:s28] =	ssyncadd.s32 $0xFFFFFC00  }
0x83: {  	[spmem:s4] =	stream.indirect.scatter.add.f32 [tilespmem:s30], [sflag:$0x1], $0x1, s14, s30, $0xb8;
	[tilespmem:$0x1C80] =	vst v63  }
0x84: {  	s26 =	sadd.s32 $0xFFFE7800, s11;
	_ =	swait.ge [sflag:s28], $0x400  }
0x85: {  	s6 =	sshrl.u32 s26, $0x3;
	[sflag:s28] =	ssyncset.done $0x0  }
0x86: {  	s6 =	sadd.s32 s15, s6;
	[sflag:s28] =	ssyncadd.s32 $0xFFFFFC00  }
0x87: {  	[tilespmem:s30], [sflag:$0x1] =	stream.linear.gather [hbm4b:s6+s14], $0x400, $0x38;
	[tilespmem:$0x1C80] =	vst v63  }
0x88: {  	_ =	swait.ge [sflag:s28], $0x400  }
0x89: {  	[sflag:s28] =	ssyncset.done $0x0  }
0x8a: {  	[sflag:s28] =	ssyncadd.s32 $0xFFFFFC00  }
0x8b: {  	[spmem:s5] =	stream.indirect.scatter.add.f32 [tilespmem:s30], [sflag:$0x1], $0x1, s14, s30, $0xb8;
	[tilespmem:$0x1C80] =	vst v63  }
0x8c: {  	_ =	swait.ge [sflag:s28], $0x400  }
0x8d: {  	s0 =	sshrl.u32 s11, $0x3;
	[sflag:s28] =	ssyncset.done $0x0  }
0x8e: {  	s6 =	sadd.s32 s15, s0;
	[sflag:s28] =	ssyncadd.s32 $0xFFFFFC00  }
0x8f: {  	[tilespmem:s30], [sflag:$0x1] =	stream.linear.gather [hbm4b:s6+s14], $0x400, $0x38;
	[tilespmem:$0x1C80] =	vst v63  }
0x90: {  	_ =	swait.ge [sflag:s28], $0x400  }
0x91: {  	[sflag:s28] =	ssyncset.done $0x0  }
0x92: {  	[sflag:s28] =	ssyncadd.s32 $0xFFFFFC00  }
0x93: {  	[spmem:s7] =	stream.indirect.scatter.add.f32 [tilespmem:s30], [sflag:$0x1], $0x1, s14, s30, $0xb8;
	[tilespmem:$0x1C80] =	vst v63  }
0x94: {  	s17 =	sadd.s32 $0x18800, s11;
	_ =	swait.ge [sflag:s28], $0x400  }
0x95: {  	s6 =	sshrl.u32 s17, $0x3;
	[sflag:s28] =	ssyncset.done $0x0  }
0x96: {  	s6 =	sadd.s32 s15, s6;
	[sflag:s28] =	ssyncadd.s32 $0xFFFFFC00  }
0x97: {  	[tilespmem:s30], [sflag:$0x1] =	stream.linear.gather [hbm4b:s6+s14], $0x400, $0x38;
	[tilespmem:$0x1C80] =	vst v63  }
0x98: {  	_ =	swait.ge [sflag:s28], $0x400  }
0x99: {  	[sflag:s28] =	ssyncset.done $0x0  }
0x9a: {  	[sflag:s28] =	ssyncadd.s32 $0xFFFFFC00  }
0x9b: {  	[spmem:s8] =	stream.indirect.scatter.add.f32 [tilespmem:s30], [sflag:$0x1], $0x1, s14, s30, $0xb8;
	[tilespmem:$0x1C80] =	vst v63  }
0x9c: {  	s26 =	sadd.s32 $0x31000, s11;
	_ =	swait.ge [sflag:s28], $0x400  }
0x9d: {  	s6 =	sshrl.u32 s26, $0x3;
	[sflag:s28] =	ssyncset.done $0x0  }
0x9e: {  	s6 =	sadd.s32 s15, s6;
	[sflag:s28] =	ssyncadd.s32 $0xFFFFFC00  }
0x9f: {  	[tilespmem:s30], [sflag:$0x1] =	stream.linear.gather [hbm4b:s6+s14], $0x400, $0x38;
	[tilespmem:$0x1C80] =	vst v63  }
0xa0: {  	_ =	swait.ge [sflag:s28], $0x400  }
0xa1: {  	[sflag:s28] =	ssyncset.done $0x0  }
0xa2: {  	[sflag:s28] =	ssyncadd.s32 $0xFFFFFC00  }
0xa3: {  	[spmem:s9] =	stream.indirect.scatter.add.f32 [tilespmem:s30], [sflag:$0x1], $0x1, s14, s30, $0xb8;
	[tilespmem:$0x1C80] =	vst v63  }
0xa4: {  	s0 =	sadd.s32 $0x49800, s11;
	_ =	swait.ge [sflag:s28], $0x400  }
0xa5: {  	s6 =	sshrl.u32 s0, $0x3;
	[sflag:s28] =	ssyncset.done $0x0  }
0xa6: {  	s6 =	sadd.s32 s15, s6;
	[sflag:s28] =	ssyncadd.s32 $0xFFFFFC00  }
0xa7: {  	[tilespmem:s30], [sflag:$0x1] =	stream.linear.gather [hbm4b:s6+s14], $0x400, $0x38;
	[tilespmem:$0x1C80] =	vst v63  }
0xa8: {  	_ =	swait.ge [sflag:s28], $0x400  }
0xa9: {  	[sflag:s28] =	ssyncset.done $0x0  }
0xaa: {  	[sflag:s28] =	ssyncadd.s32 $0xFFFFFC00  }
0xab: {  	[spmem:s10] =	stream.indirect.scatter.add.f32 [tilespmem:s30], [sflag:$0x1], $0x1, s14, s30, $0xb8;
	[tilespmem:$0x1C80] =	vst v63  }
0xac: {  	s17 =	sadd.s32 $0x62000, s11;
	_ =	swait.ge [sflag:s28], $0x400  }
0xad: {  	s6 =	sshrl.u32 s17, $0x3;
	[sflag:s28] =	ssyncset.done $0x0  }
0xae: {  	s6 =	sadd.s32 s15, s6;
	[sflag:s28] =	ssyncadd.s32 $0xFFFFFC00  }
0xaf: {  	[tilespmem:s30], [sflag:$0x1] =	stream.linear.gather [hbm4b:s6+s14], $0x400, $0x38;
	[tilespmem:$0x1C80] =	vst v63  }
0xb0: {  	_ =	swait.ge [sflag:s28], $0x400  }
0xb1: {  	[sflag:s28] =	ssyncset.done $0x0  }
0xb2: {  	[sflag:s28] =	ssyncadd.s32 $0xFFFFFC00  }
0xb3: {  	[spmem:s12] =	stream.indirect.scatter.add.f32 [tilespmem:s30], [sflag:$0x1], $0x1, s14, s30, $0xb8;
	[tilespmem:$0x1C80] =	vst v63  }
0xb4: {  	_ =	swait.ge [sflag:s28], $0x400  }
0xb5: {  	s26 =	sld [smem:$0x7FD];
	_ =	sdelay $0x2  }
0xb6: {  	s6 =	sadd.s32 $0x1, s26  }
0xb7: {  	p0 =	seq.s32 s6, $0x0  }
.Ltmp0:
0xb8: {  	_ = 	snop;
	(pc) =	sbr.rel @p0 .LBB2_3-.Ltmp0, $4  }
0xb9: {  	[sflag:s28] =	ssyncset.done $0x0  }
0xba: {  	[sflag:s28] =	ssyncadd.s32 $0xFFFFFC00  }
0xbb: {  	[spmem:s13] =	stream.indirect.scatter.add.f32 [tilespmem:s29], [sflag:$0x1], $0x1, s14, s30, $0xb8;
	[tilespmem:$0x1C80] =	vst v63  }
0xbc: {  	_ =	swait.ge [sflag:s28], $0x400;
	s26 =	smov.u32 s11  }
.LBB2_2:
0xbd: {  	s26 =	sadd.s32 $0x8000, s26  }
0xbe: {  	s17 =	sadd.s32 $0xFFF85800, s26  }
0xbf: {  	s0 =	rddreg [dreg:$0xe];
	[sflag:s28] =	ssyncset.done $0x0;
	s17 =	sshrl.u32 s17, $0x3  }
0xc0: {  	[sflag:s28] =	ssyncadd.s32 $0xFFFFFC00;
	s0 =	sadd.s32 s0, s17  }
0xc1: {  	[tilespmem:s14], [sflag:$0x1] =	stream.linear.gather [hbm4b:s0+s14], $0x400, $0x38;
	[tilespmem:$0x1C80] =	vst v63  }
0xc2: {  	_ =	swait.ge [sflag:s28], $0x400  }
0xc3: {  	[sflag:s28] =	ssyncset.done $0x0  }
0xc4: {  	s17 =	sadd.s32 s15, s17;
	[sflag:s28] =	ssyncadd.s32 $0xFFFFFC00  }
0xc5: {  	[tilespmem:s30], [sflag:$0x1] =	stream.linear.gather [hbm4b:s17+s14], $0x400, $0x38;
	[tilespmem:$0x1C80] =	vst v63  }
0xc6: {  	_ =	swait.ge [sflag:s28], $0x400  }
0xc7: {  	[sflag:s28] =	ssyncset.done $0x0  }
0xc8: {  	[sflag:s28] =	ssyncadd.s32 $0xFFFFFC00  }
0xc9: {  	[spmem:s1] =	stream.indirect.scatter.add.f32 [tilespmem:s30], [sflag:$0x1], $0x1, s14, s30, $0xb8;
	[tilespmem:$0x1C80] =	vst v63  }
0xca: {  	s17 =	sadd.s32 $0xFFF9E000, s26;
	_ =	swait.ge [sflag:s28], $0x400  }
0xcb: {  	s0 =	sshrl.u32 s17, $0x3;
	[sflag:s28] =	ssyncset.done $0x0  }
0xcc: {  	s0 =	sadd.s32 s15, s0;
	[sflag:s28] =	ssyncadd.s32 $0xFFFFFC00  }
0xcd: {  	[tilespmem:s30], [sflag:$0x1] =	stream.linear.gather [hbm4b:s0+s14], $0x400, $0x38;
	[tilespmem:$0x1C80] =	vst v63  }
0xce: {  	_ =	swait.ge [sflag:s28], $0x400  }
0xcf: {  	[sflag:s28] =	ssyncset.done $0x0  }
0xd0: {  	[sflag:s28] =	ssyncadd.s32 $0xFFFFFC00  }
0xd1: {  	[spmem:s2] =	stream.indirect.scatter.add.f32 [tilespmem:s30], [sflag:$0x1], $0x1, s14, s30, $0xb8;
	[tilespmem:$0x1C80] =	vst v63  }
0xd2: {  	s17 =	sadd.s32 $0xFFFB6800, s26;
	_ =	swait.ge [sflag:s28], $0x400  }
0xd3: {  	s0 =	sshrl.u32 s17, $0x3;
	[sflag:s28] =	ssyncset.done $0x0  }
0xd4: {  	s0 =	sadd.s32 s15, s0;
	[sflag:s28] =	ssyncadd.s32 $0xFFFFFC00  }
0xd5: {  	[tilespmem:s30], [sflag:$0x1] =	stream.linear.gather [hbm4b:s0+s14], $0x400, $0x38;
	[tilespmem:$0x1C80] =	vst v63  }
0xd6: {  	_ =	swait.ge [sflag:s28], $0x400  }
0xd7: {  	[sflag:s28] =	ssyncset.done $0x0  }
0xd8: {  	[sflag:s28] =	ssyncadd.s32 $0xFFFFFC00  }
0xd9: {  	[spmem:s3] =	stream.indirect.scatter.add.f32 [tilespmem:s30], [sflag:$0x1], $0x1, s14, s30, $0xb8;
	[tilespmem:$0x1C80] =	vst v63  }
0xda: {  	s17 =	sadd.s32 $0xFFFCF000, s26;
	_ =	swait.ge [sflag:s28], $0x400  }
0xdb: {  	s0 =	sshrl.u32 s17, $0x3;
	[sflag:s28] =	ssyncset.done $0x0  }
0xdc: {  	s0 =	sadd.s32 s15, s0;
	[sflag:s28] =	ssyncadd.s32 $0xFFFFFC00  }
0xdd: {  	[tilespmem:s30], [sflag:$0x1] =	stream.linear.gather [hbm4b:s0+s14], $0x400, $0x38;
	[tilespmem:$0x1C80] =	vst v63  }
0xde: {  	_ =	swait.ge [sflag:s28], $0x400  }
0xdf: {  	[sflag:s28] =	ssyncset.done $0x0  }
0xe0: {  	[sflag:s28] =	ssyncadd.s32 $0xFFFFFC00  }
0xe1: {  	[spmem:s4] =	stream.indirect.scatter.add.f32 [tilespmem:s30], [sflag:$0x1], $0x1, s14, s30, $0xb8;
	[tilespmem:$0x1C80] =	vst v63  }
0xe2: {  	s17 =	sadd.s32 $0xFFFE7800, s26;
	_ =	swait.ge [sflag:s28], $0x400  }
0xe3: {  	s0 =	sshrl.u32 s17, $0x3;
	[sflag:s28] =	ssyncset.done $0x0  }
0xe4: {  	s0 =	sadd.s32 s15, s0;
	[sflag:s28] =	ssyncadd.s32 $0xFFFFFC00  }
0xe5: {  	[tilespmem:s30], [sflag:$0x1] =	stream.linear.gather [hbm4b:s0+s14], $0x400, $0x38;
	[tilespmem:$0x1C80] =	vst v63  }
0xe6: {  	_ =	swait.ge [sflag:s28], $0x400  }
0xe7: {  	[sflag:s28] =	ssyncset.done $0x0  }
0xe8: {  	[sflag:s28] =	ssyncadd.s32 $0xFFFFFC00  }
0xe9: {  	[spmem:s5] =	stream.indirect.scatter.add.f32 [tilespmem:s30], [sflag:$0x1], $0x1, s14, s30, $0xb8;
	[tilespmem:$0x1C80] =	vst v63  }
0xea: {  	_ =	swait.ge [sflag:s28], $0x400  }
0xeb: {  	s17 =	sshrl.u32 s26, $0x3;
	[sflag:s28] =	ssyncset.done $0x0  }
0xec: {  	s0 =	sadd.s32 s15, s17;
	[sflag:s28] =	ssyncadd.s32 $0xFFFFFC00  }
0xed: {  	[tilespmem:s30], [sflag:$0x1] =	stream.linear.gather [hbm4b:s0+s14], $0x400, $0x38;
	[tilespmem:$0x1C80] =	vst v63  }
0xee: {  	_ =	swait.ge [sflag:s28], $0x400  }
0xef: {  	[sflag:s28] =	ssyncset.done $0x0  }
0xf0: {  	[sflag:s28] =	ssyncadd.s32 $0xFFFFFC00  }
0xf1: {  	[spmem:s7] =	stream.indirect.scatter.add.f32 [tilespmem:s30], [sflag:$0x1], $0x1, s14, s30, $0xb8;
	[tilespmem:$0x1C80] =	vst v63  }
0xf2: {  	s17 =	sadd.s32 $0x18800, s26;
	_ =	swait.ge [sflag:s28], $0x400  }
0xf3: {  	s0 =	sshrl.u32 s17, $0x3;
	[sflag:s28] =	ssyncset.done $0x0  }
0xf4: {  	s0 =	sadd.s32 s15, s0;
	[sflag:s28] =	ssyncadd.s32 $0xFFFFFC00  }
0xf5: {  	[tilespmem:s30], [sflag:$0x1] =	stream.linear.gather [hbm4b:s0+s14], $0x400, $0x38;
	[tilespmem:$0x1C80] =	vst v63  }
0xf6: {  	_ =	swait.ge [sflag:s28], $0x400  }
0xf7: {  	[sflag:s28] =	ssyncset.done $0x0  }
0xf8: {  	[sflag:s28] =	ssyncadd.s32 $0xFFFFFC00  }
0xf9: {  	[spmem:s8] =	stream.indirect.scatter.add.f32 [tilespmem:s30], [sflag:$0x1], $0x1, s14, s30, $0xb8;
	[tilespmem:$0x1C80] =	vst v63  }
0xfa: {  	s17 =	sadd.s32 $0x31000, s26;
	_ =	swait.ge [sflag:s28], $0x400  }
0xfb: {  	s0 =	sshrl.u32 s17, $0x3;
	[sflag:s28] =	ssyncset.done $0x0  }
0xfc: {  	s0 =	sadd.s32 s15, s0;
	[sflag:s28] =	ssyncadd.s32 $0xFFFFFC00  }
0xfd: {  	[tilespmem:s30], [sflag:$0x1] =	stream.linear.gather [hbm4b:s0+s14], $0x400, $0x38;
	[tilespmem:$0x1C80] =	vst v63  }
0xfe: {  	_ =	swait.ge [sflag:s28], $0x400  }
0xff: {  	[sflag:s28] =	ssyncset.done $0x0  }
0x100: {  	[sflag:s28] =	ssyncadd.s32 $0xFFFFFC00  }
0x101: {  	[spmem:s9] =	stream.indirect.scatter.add.f32 [tilespmem:s30], [sflag:$0x1], $0x1, s14, s30, $0xb8;
	[tilespmem:$0x1C80] =	vst v63  }
0x102: {  	s17 =	sadd.s32 $0x49800, s26;
	_ =	swait.ge [sflag:s28], $0x400  }
0x103: {  	s0 =	sshrl.u32 s17, $0x3;
	[sflag:s28] =	ssyncset.done $0x0  }
0x104: {  	s0 =	sadd.s32 s15, s0;
	[sflag:s28] =	ssyncadd.s32 $0xFFFFFC00  }
0x105: {  	[tilespmem:s30], [sflag:$0x1] =	stream.linear.gather [hbm4b:s0+s14], $0x400, $0x38;
	[tilespmem:$0x1C80] =	vst v63  }
0x106: {  	_ =	swait.ge [sflag:s28], $0x400  }
0x107: {  	[sflag:s28] =	ssyncset.done $0x0  }
0x108: {  	[sflag:s28] =	ssyncadd.s32 $0xFFFFFC00  }
0x109: {  	[spmem:s10] =	stream.indirect.scatter.add.f32 [tilespmem:s30], [sflag:$0x1], $0x1, s14, s30, $0xb8;
	[tilespmem:$0x1C80] =	vst v63  }
0x10a: {  	s17 =	sadd.s32 $0x62000, s26;
	_ =	swait.ge [sflag:s28], $0x400  }
0x10b: {  	s0 =	sshrl.u32 s17, $0x3;
	[sflag:s28] =	ssyncset.done $0x0  }
0x10c: {  	s0 =	sadd.s32 s15, s0;
	[sflag:s28] =	ssyncadd.s32 $0xFFFFFC00  }
0x10d: {  	[tilespmem:s30], [sflag:$0x1] =	stream.linear.gather [hbm4b:s0+s14], $0x400, $0x38;
	[tilespmem:$0x1C80] =	vst v63  }
0x10e: {  	_ =	swait.ge [sflag:s28], $0x400  }
0x10f: {  	s6 =	sadd.s32 $0x1, s6;
	[sflag:s28] =	ssyncset.done $0x0  }
0x110: {  	p0 =	seq.s32 s6, $0x0;
	[sflag:s28] =	ssyncadd.s32 $0xFFFFFC00  }
0x111: {  	[spmem:s12] =	stream.indirect.scatter.add.f32 [tilespmem:s30], [sflag:$0x1], $0x1, s14, s30, $0xb8;
	[tilespmem:$0x1C80] =	vst v63  }
.Ltmp1:
0x112: {  	_ =	swait.ge [sflag:s28], $0x400;
	(pc) =	sbr.rel @!p0 .LBB2_2-.Ltmp1, $4  }
0x113: {  	[sflag:s28] =	ssyncset.done $0x0  }
0x114: {  	[sflag:s28] =	ssyncadd.s32 $0xFFFFFC00  }
0x115: {  	[spmem:s13] =	stream.indirect.scatter.add.f32 [tilespmem:s29], [sflag:$0x1], $0x1, s14, s30, $0xb8;
	[tilespmem:$0x1C80] =	vst v63  }
0x116: {  	_ =	swait.ge [sflag:s28], $0x400  }
.LBB2_3:
0x117: {  	[sflag:s28] =	ssyncset.done $0x0  }
0x118: {  	[sflag:s28] =	ssyncadd.s32 $0xFFFFFC00  }
0x119: {  	[bflag:$0x0] =	sbarrier.arrive $0xFFFF  }
0x11a: {  	s6 =	sld [smem:$0x7F3];
	_ =	sdelay $0x1  }
0x11b: {  	s0 =	rddreg [dreg:$0x1a]  }
0x11c: {  	[hbm:s0], [sflag:s18] =	dma.local [spmem:s6], $0x30  }
0x11d: {  	_ =	swait.ge [sflag:s28], $0x30  }
0x11e: {  	s26 =	sld [smem:$0x7F4]  }
0x11f: {  	[sflag:s28] =	ssyncset.done $0x0  }
0x120: {  	s17 =	rddreg [dreg:$0x1b];
	[sflag:s28] =	ssyncadd.s32 $0xFFFFFFD0  }
0x121: {  	[hbm:s17], [sflag:s18] =	dma.local [spmem:s26], $0x30  }
0x122: {  	_ =	swait.ge [sflag:s28], $0x30  }
0x123: {  	s26 =	sld [smem:$0x7F5]  }
0x124: {  	[sflag:s28] =	ssyncset.done $0x0  }
0x125: {  	s17 =	rddreg [dreg:$0x1c];
	[sflag:s28] =	ssyncadd.s32 $0xFFFFFFD0  }
0x126: {  	[hbm:s17], [sflag:s18] =	dma.local [spmem:s26], $0x30  }
0x127: {  	_ =	swait.ge [sflag:s28], $0x30  }
0x128: {  	s26 =	sld [smem:$0x7F6]  }
0x129: {  	[sflag:s28] =	ssyncset.done $0x0  }
0x12a: {  	s17 =	rddreg [dreg:$0x1d];
	[sflag:s28] =	ssyncadd.s32 $0xFFFFFFD0  }
0x12b: {  	[hbm:s17], [sflag:s18] =	dma.local [spmem:s26], $0x30  }
0x12c: {  	_ =	swait.ge [sflag:s28], $0x30  }
0x12d: {  	[sflag:s28] =	ssyncset.done $0x0  }
0x12e: {  	s17 =	rddreg [dreg:$0x1e];
	[sflag:s28] =	ssyncadd.s32 $0xFFFFFFD0  }
0x12f: {  	[hbm:s17], [sflag:s18] =	dma.local [spmem:s19], $0x30  }
0x130: {  	_ =	swait.ge [sflag:s28], $0x30  }
0x131: {  	[sflag:s28] =	ssyncset.done $0x0  }
0x132: {  	s19 =	rddreg [dreg:$0x1f];
	[sflag:s28] =	ssyncadd.s32 $0xFFFFFFD0  }
0x133: {  	[hbm:s19], [sflag:s18] =	dma.local [spmem:s20], $0x30  }
0x134: {  	_ =	swait.ge [sflag:s28], $0x30  }
0x135: {  	s20 =	sld [smem:$0x7F7]  }
0x136: {  	[sflag:s28] =	ssyncset.done $0x0  }
0x137: {  	[sflag:s28] =	ssyncadd.s32 $0xFFFFFFD0  }
0x138: {  	[hbm:s20], [sflag:s18] =	dma.local [spmem:s21], $0x30  }
0x139: {  	_ =	swait.ge [sflag:s28], $0x30  }
0x13a: {  	s21 =	sld [smem:$0x7F8]  }
0x13b: {  	[sflag:s28] =	ssyncset.done $0x0  }
0x13c: {  	[sflag:s28] =	ssyncadd.s32 $0xFFFFFFD0  }
0x13d: {  	[hbm:s21], [sflag:s18] =	dma.local [spmem:s22], $0x30  }
0x13e: {  	_ =	swait.ge [sflag:s28], $0x30  }
0x13f: {  	s22 =	sld [smem:$0x7F9]  }
0x140: {  	[sflag:s28] =	ssyncset.done $0x0  }
0x141: {  	[sflag:s28] =	ssyncadd.s32 $0xFFFFFFD0  }
0x142: {  	[hbm:s22], [sflag:s18] =	dma.local [spmem:s23], $0x30  }
0x143: {  	_ =	swait.ge [sflag:s28], $0x30  }
0x144: {  	s23 =	sld [smem:$0x7FA]  }
0x145: {  	[sflag:s28] =	ssyncset.done $0x0  }
0x146: {  	[sflag:s28] =	ssyncadd.s32 $0xFFFFFFD0  }
0x147: {  	[hbm:s23], [sflag:s18] =	dma.local [spmem:s24], $0x30  }
0x148: {  	_ =	swait.ge [sflag:s28], $0x30  }
0x149: {  	s24 =	sld [smem:$0x7FB]  }
0x14a: {  	[sflag:s28] =	ssyncset.done $0x0  }
0x14b: {  	[sflag:s28] =	ssyncadd.s32 $0xFFFFFFD0  }
0x14c: {  	[hbm:s24], [sflag:s18] =	dma.local [spmem:s25], $0x30  }
0x14d: {  	_ =	swait.ge [sflag:s28], $0x30  }
0x14e: {  	s26 =	sld [smem:$0x7FC];
	_ =	sdelay $0x1  }
0x14f: {  	s31 =	sadd.s32 $0x1, s31  }
0x150: {  	p0 =	sne.s32 s31, s26  }
.Ltmp2:
0x151: {  	_ = 	snop;
	(pc) =	sbr.rel @p0 .LBB2_1-.Ltmp2, $3  }
0x152: {  	_ =	sdelay $0x1  }
0x153: {  	[sflag:s28] =	ssyncset.done $0x0  }
0x154: {  	[sflag:s28] =	ssyncadd.s32 $0xFFFFFFD0  }
0x155: {  	_ =	sfence.sel $0x180000  }
0x156: {  	[bflag:$0x0] =	sbarrier.arrive $0xFFFF  }
0x157: {  	_ =	strace $0x9000004A  }
0x158: {  	s0 =	stileid.u32;
	[bflag:$0x2] =	sbarrier.arrive $0xFFFF  }
0x159: {  	p0 =	sne.s32 s0, $0x0;
	s0 =	rddreg [dreg:$0xd]  }
0x15a: {  	s0 =	sadd.s32 @!p0 $0x100000, s0  }
0x15b: {  	[sflag:s0] =	ssyncadd.tile.s32 @!p0 $0x1;
	_ =	shalt  }
.Lfunc_end2:
_tile_overlayer_lowered:
.L_overlay_start_2:
0x15c: {  	(tag) =	ssettag $0x2  }
0x15d: {  	s0 =	rddreg [dreg:$0x0];
	s2 =	stileid.u32  }
0x15e: {  	s1 =	rddreg [dreg:$0x1];
	p0 =	sne.s32 s2, $0x0  }
0x15f: {  	s3 =	rddreg [dreg:$0x2];
	[bflag:$0x3] =	sbarrier.arrive $0xFFFF;
	s2 =	simm.s32 @!p0 $0x1C01  }
0x160: {  	[timem:s3], [sflag:s2] =	dma.local @!p0 [hbm:s0], s1  }
0x161: {  	s0 =	simm.s32 @!p0 $0x1  }
0x162: {  	_ =	swait.ge @!p0 [sflag:s0], s1  }
0x163: {  	s1 =	ssub.s32 @!p0 $0x0, s1;
	[sflag:s0] =	ssyncset.done @!p0 $0x0  }
0x164: {  	[sflag:s0] =	ssyncadd.s32 @!p0 s1  }
0x165: {  	[bflag:$0x3] =	sbarrier.arrive $0xFFFF  }
0x166: {  	_ =	shalt  }

// kernel: kernel.8.cloned.1.call-start
scs
__scs_entry_jumppad:
0x0: {  	(pc) =	sbr.rel $0x88, $3  }
0x1: {  	(tag) =	ssettag $0x0;
	lr =	simm.s32 $0x1  }
0x2: {  	[smem:$0x3F90] =	sst lr;
	_ =	strace $0xD0000000  }
0x3: {  	_ = 	snop  }
0x4: {  	_ = 	snop  }
0x5: {  	_ = 	snop  }
0x6: {  	_ = 	snop  }
0x7: {  	_ = 	snop  }
__scs_overlays_trampoline_lowered:
0x8: {  	[smem:$0x3F9F] =	sst s0  }
0x9: {  	[smem:$0x3FA0] =	sst s1  }
0xa: {  	[smem:$0x3FA1] =	sst s2  }
0xb: {  	[smem:$0x3FA2] =	sst s3  }
0xc: {  	[smem:$0x3FA3] =	sst s4  }
0xd: {  	[smem:$0x3FA4] =	sst s5  }
0xe: {  	[smem:$0x3FA5] =	sst s6  }
0xf: {  	[smem:$0x3FA6] =	sst s7  }
0x10: {  	[smem:$0x3FA7] =	sst s8  }
0x11: {  	[smem:$0x3FA8] =	sst s9;
	s0 =	simm.s32 @!p0 $0x0  }
0x12: {  	s1 =	sld [smem:$0x3F8E];
	s0 =	simm.s32 @p0 $0x1  }
0x13: {  	[smem:$0x3FA9] =	sst s0;
	s0 =	simm.s32 @!p1 $0x0  }
0x14: {  	s2 =	sld [smem:$0x3F8D];
	s0 =	simm.s32 @p1 $0x1  }
0x15: {  	[smem:$0x3FAA] =	sst s0;
	s0 =	simm.s32 @!p2 $0x0  }
0x16: {  	s3 =	sld [smem:$0x3FDB];
	s0 =	simm.s32 @p2 $0x1  }
0x17: {  	s4 =	simm.s32 $0x1BF5;
	[smem:$0x3FAC] =	sst s0  }
0x18: {  	s0 =	sld [smem:$0x3F8F];
	_ =	swait.ge [sflag:s4], $0x0  }
0x19: {  	s7 =	sld [smem:$0x3F90]  }
0x1a: {  	s8 =	sadd.s32 $0xFFFFE003, lr  }
0x1b: {  	s9 =	sadd.s32 $0xFFFFFEF7, lr;
	s5 =	simm.s32 $0xFFFFFFFF;
	p2 =	slt.u32 s8, $0xFFFFF086  }
0x1c: {  	p1 =	slt.u32 s9, $0xF7A;
	s5 =	simm.s32 @!p2 $0x0  }
0x1d: {  	s5 =	simm.s32 @p1 $0x1;
	p0 =	seq.s32 s7, s2  }
0x1e: {  	s7 =	smul.u32 @!p0 $0xF7A, s2;
	p2 =	seq.s32 @!p0 s5, $0x0  }
0x1f: {  	s9 =	smul.u32 $0xF7A, s1;
	s8 =	simm.s32 @!p0 $0x1BF5;
	p2 =	por !p2, p0  }
0x20: {  	[sflag:s8] =	ssyncset.s32 @!p0 $0xFFFFF086;
	s6 =	sadd.s32 @!p0 s3, s7;
	s7 =	simm.s32 @!p0 $0x108  }
0x21: {  	s3 =	sadd.s32 s3, s9;
	s6 =	sadd.s32 @!p0 $0x88, s6;
	s7 =	simm.s32 @p2 $0x1082  }
0x22: {  	[simem:s7], [sflag:s8] =	dma.local @!p0 [hbm:s6], $0xF7A  }
0x23: {  	s9 =	sor.u32 $0xD0000000, s2;
	s6 =	simm.s32 $0x108;
	_ =	swait.ge @!p0 [sflag:s8], $0x0  }
0x24: {  	s3 =	sadd.s32 $0x88, s3;
	s6 =	simm.s32 @!p1 $0x1082;
	[sflag:s4] =	ssyncset.s32 $0xFFFFF086  }
0x25: {  	[simem:s6], [sflag:s4] =	dma.local [hbm:s3], $0xF7A  }
0x26: {  	[smem:$0x3F90] =	sst s1;
	(tag) =	ssettag s2;
	_ =	strace s9  }
0x27: {  	s1 =	sld [smem:$0x3FA0]  }
0x28: {  	s2 =	sld [smem:$0x3FA1]  }
0x29: {  	s4 =	sld [smem:$0x3FA3]  }
0x2a: {  	p0 =	seq.s32 s5, $0x0;
	s5 =	sld [smem:$0x3FA4]  }
0x2b: {  	s6 =	sld [smem:$0x3FA5]  }
0x2c: {  	s7 =	sld [smem:$0x3FA6]  }
0x2d: {  	s3 =	simm.s32 $0x108;
	s8 =	sld [smem:$0x3FA7]  }
0x2e: {  	s3 =	simm.s32 @!p0 $0x1082;
	s9 =	sld [smem:$0x3FA8]  }
0x2f: {  	lr =	sadd.s32 s0, s3;
	s0 =	sld [smem:$0x3F9F]  }
0x30: {  	s3 =	sld [smem:$0x3FA2]  }
0x31: {  	[smem:$0x3FAB] =	sst s10  }
0x32: {  	s10 =	sld [smem:$0x3FA9];
	_ =	sdelay $0x3  }
0x33: {  	p0 =	seq.s32 s10, $0x1;
	s10 =	sld [smem:$0x3FAB];
	_ =	sdelay $0x3  }
0x34: {  	[smem:$0x3FAB] =	sst s10  }
0x35: {  	s10 =	sld [smem:$0x3FAA];
	_ =	sdelay $0x3  }
0x36: {  	p1 =	seq.s32 s10, $0x1;
	s10 =	sld [smem:$0x3FAB];
	_ =	sdelay $0x3  }
0x37: {  	[smem:$0x3FAB] =	sst s10  }
0x38: {  	s10 =	sld [smem:$0x3FAC]  }
0x39: {  	_ = 	snop;
	(pc) =	sbr.ind lr, $3  }
0x3a: {  	_ = 	snop  }
0x3b: {  	_ = 	snop  }
0x3c: {  	p2 =	seq.s32 s10, $0x1;
	s10 =	sld [smem:$0x3FAB]  }
0x3d: {  	_ =	shalt  }
0x3e: {  	_ =	shalt  }
0x3f: {  	_ =	shalt  }
0x40: {  	_ =	shalt  }
0x41: {  	_ =	shalt  }
0x42: {  	_ =	shalt  }
0x43: {  	_ =	shalt  }
0x44: {  	_ =	shalt  }
0x45: {  	_ =	shalt  }
0x46: {  	_ =	shalt  }
0x47: {  	_ =	shalt  }
0x48: {  	_ =	shalt  }
0x49: {  	_ =	shalt  }
0x4a: {  	_ =	shalt  }
0x4b: {  	_ =	shalt  }
0x4c: {  	_ =	shalt  }
0x4d: {  	_ =	shalt  }
0x4e: {  	_ =	shalt  }
0x4f: {  	_ =	shalt  }
0x50: {  	_ =	shalt  }
0x51: {  	_ =	shalt  }
0x52: {  	_ =	shalt  }
0x53: {  	_ =	shalt  }
0x54: {  	_ =	shalt  }
0x55: {  	_ =	shalt  }
0x56: {  	_ =	shalt  }
0x57: {  	_ =	shalt  }
0x58: {  	_ =	shalt  }
0x59: {  	_ =	shalt  }
0x5a: {  	_ =	shalt  }
0x5b: {  	_ =	shalt  }
0x5c: {  	_ =	shalt  }
0x5d: {  	_ =	shalt  }
0x5e: {  	_ =	shalt  }
0x5f: {  	_ =	shalt  }
0x60: {  	_ =	shalt  }
0x61: {  	_ =	shalt  }
0x62: {  	_ =	shalt  }
0x63: {  	_ =	shalt  }
0x64: {  	_ =	shalt  }
0x65: {  	_ =	shalt  }
0x66: {  	_ =	shalt  }
0x67: {  	_ =	shalt  }
0x68: {  	_ =	shalt  }
0x69: {  	_ =	shalt  }
0x6a: {  	_ =	shalt  }
0x6b: {  	_ =	shalt  }
0x6c: {  	_ =	shalt  }
0x6d: {  	_ =	shalt  }
0x6e: {  	_ =	shalt  }
0x6f: {  	_ =	shalt  }
0x70: {  	_ =	shalt  }
0x71: {  	_ =	shalt  }
0x72: {  	_ =	shalt  }
0x73: {  	_ =	shalt  }
0x74: {  	_ =	shalt  }
0x75: {  	_ =	shalt  }
0x76: {  	_ =	shalt  }
0x77: {  	_ =	shalt  }
0x78: {  	_ =	shalt  }
0x79: {  	_ =	shalt  }
0x7a: {  	_ =	shalt  }
0x7b: {  	_ =	shalt  }
0x7c: {  	_ =	shalt  }
0x7d: {  	_ =	shalt  }
0x7e: {  	_ =	shalt  }
0x7f: {  	_ =	shalt  }
0x80: {  	_ =	shalt  }
0x81: {  	_ =	shalt  }
0x82: {  	_ =	shalt  }
0x83: {  	_ =	shalt  }
0x84: {  	_ =	shalt  }
0x85: {  	_ =	shalt  }
0x86: {  	_ =	shalt  }
0x87: {  	_ =	shalt  }
.Lfunc_end0:
.L_simem_size_0:
called_computation.1_lowered:
.L_overlay_start_0:
0x88: {  	s2 =	sld [smem:$0x3FD9]  }
0x89: {  	s3 =	sld [smem:$0x3FFE];
	_ =	sdelay $0x1  }
0x8a: {  	s1 =	srdreg.scid  }
0x8b: {  	s0 =	sand.u32 $0x1, s1  }
0x8c: {  	s16 =	sshll.u32 s0, $0xA;
	s2 =	sadd.s32 s3, s2  }
0x8d: {  	s2 =	sadd.s32 s2, s16  }
0x8e: {  	[smem:$0x3FB7] =	sst s2  }
0x8f: {  	_ = 	snop  }
0x90: {  	(tm) =	ssettm $0x1  }
0x91: {  	s17 =	sld [smem:$0x3FFB];
	_ =	sdelay $0x3  }
0x92: {  	_ =	strace s17  }
0x93: {  	s2 =	sld [smem:$0x3FFC];
	_ =	sdelay $0x3  }
0x94: {  	_ =	strace s2  }
0x95: {  	s2 =	sld [smem:$0x3FFD];
	_ =	sdelay $0x3  }
0x96: {  	_ =	strace s2  }
0x97: {  	_ =	strace $0x8FFFFFFF  }
0x98: {  	s18 =	sld [smem:$0x3FDB];
	_ =	sdelay $0x1  }
0x99: {  	s19 =	simm.s32 $_scs_section_size  }
0x9a: {  	s4 =	simm.s32 $_size__tile_overlayer_lowered;
	s5 =	simm.s32 $_tile_overlayer_lowered  }
0x9b: {  	s22 =	simm.s32 $0x1BFF;
	s21 =	sshll.u32 s5, $0x1;
	s2 =	sadd.s32 s19, s18  }
0x9c: {  	s6 =	simm.s32 $0x0;
	s20 =	sshll.u32 s4, $0x1;
	s4 =	sadd.s32 s21, s2  }
0x9d: {  	[timem:s6], [sflag:s22] =	dma.local [hbm:s4], s20  }
0x9e: {  	_ =	swait.ge [sflag:s22], s20  }
0x9f: {  	s3 =	ssub.s32 $0x0, s20;
	[sflag:s22] =	ssyncset.done $0x0  }
0xa0: {  	[sflag:s22] =	ssyncadd.s32 s3;
	_ =	sdelay $0x1  }
0xa1: {  	s23 =	simm.s32 $0x1B8B  }
0xa2: {  	_ =	swait.ge [sflag:s23], $0x1  }
0xa3: {  	[sflag:s23] =	ssyncset.done $0x0  }
0xa4: {  	s25 =	simm.s32 $0x1B8E;
	s24 =	sld [smem:$0x3FFE];
	[sflag:s23] =	ssyncadd.s32 $0xFFFFFFFF  }
0xa5: {  	s26 =	simm.s32 $execute0_lowered;
	[smem:$0x3FD2] =	sst s25  }
0xa6: {  	s4 =	sshll.u32 s26, $0x1;
	_ =	strace $0x80000046;
	[dreg:$0x1] =	wrdreg $0xFFFFFFFF  }
0xa7: {  	s28 =	simm.s32 $_size_execute0_lowered;
	s2 =	sadd.s32 s2, s4;
	[dreg:$0x0] =	wrdreg $0x0  }
0xa8: {  	s4 =	sshll.u32 s28, $0x1;
	[dreg:$0x2] =	wrdreg s2  }
0xa9: {  	[dreg:$0x3] =	wrdreg s4  }
0xaa: {  	[dreg:$0x4] =	wrdreg $0xC0  }
0xab: {  	_ =	task [dreg:s6], $0x5FFFF  }
0xac: {  	[dreg:$0x1] =	wrdreg $0xFFFFFFFF  }
0xad: {  	[dreg:$0x0] =	wrdreg $0x60  }
0xae: {  	[dreg:$0x2] =	wrdreg s24  }
0xaf: {  	[dreg:$0x3] =	wrdreg $0x9  }
0xb0: {  	_ =	task.clear_ibuf [dreg:s6], $0x4FFFF;
	_ =	strace $0x90000046  }
0xb1: {  	s29 =	simm.s32 $0x9;
	_ =	strace $0x80000048  }
0xb2: {  	_ =	swait.ge [sflag:s29], $0x1  }
0xb3: {  	[sflag:s29] =	ssyncadd.s32 $0xFFFFFFFF  }
0xb4: {  	_ =	strace $0x90000048  }
0xb5: {  	_ =	sfence  }
0xb6: {  	s30 =	sld [smem:$0x0];
	_ =	sdelay $0x2  }
0xb7: {  	s31 =	sshll.u32 s1, $0xD;
	s1 =	sshrl.u32 s1, $0x2  }
0xb8: {  	s3 =	sand.u32 $0x4000, s31;
	s1 =	sadd.s32 s1, s30  }
0xb9: {  	s0 =	sor.u32 s3, s0;
	s1 =	sshll.u32 s1, $0x11  }
0xba: {  	s0 =	sor.u32 s1, s0  }
0xbb: {  	s0 =	sadd.s32 $0x8F2B, s0  }
0xbc: {  	[sflag:s0] =	ssyncadd.remote.s32 $0x1  }
0xbd: {  	_ =	sfence.sel $0xFFFF  }
0xbe: {  	[dreg:$0x0] =	wrdreg $0xFFFFFFFF;
	(pc) =	sbr.abs _section_cstart, $3  }
0xbf: {  	[dreg:$0x1] =	wrdreg $0xFFFFFFFF  }
0xc0: {  	_ =	task.clear_ibuf [dreg:s6], $0x2FFFF;
	_ =	strace $0x9FFFFFFF  }
0xc1: {  	(tm) =	ssettm $0x7FFFFFFF  }
tec
execute0_lowered:
.L_overlay_start_1:
0x0: {  	(tag) =	ssettag $0x1  }
0x1: {  	s0 =	rddreg [dreg:$0x0];
	s2 =	simm.s32 $0x0  }
0x2: {  	s1 =	srdreg.scid;
	s8 =	stileid.u32;
	s16 =	simm.s32 $0x3  }
0x3: {  	s17 =	simm.s32 $0x800;
	s18 =	simm.s32 $0x400;
	s24 =	simm.s32 $0x2400  }
0x4: {  	s25 =	simm.s32 $0x1;
	[smem:$0x7FF] =	sst s2;
	s1 =	sand.u32 $0x1, s1  }
0x5: {  	s4 =	sshll.u32 s8, $0x1;
	s3 =	sadd.s32 $0x2C00, s0;
	s5 =	sadd.s32 $0x9000, s0  }
0x6: {  	s7 =	sadd.s32 $0xC200, s0;
	s11 =	smul.u32 $0x32000, s8;
	s8 =	sadd.s32 $0x70200, s0  }
0x7: {  	s6 =	sor.u32 s1, s4;
	s10 =	ssub.s32 $0x2, s1;
	s1 =	smul.u32 $0x19000, s1  }
0x8: {  	s9 =	sadd.s32 $0xD4200, s0;
	_ =	strace $0x80000047;
	s12 =	sshrl.u32 s10, $0x1  }
0x9: {  	s6 =	smul.u32 $0x19000, s6;
	s28 =	ssub.s32 s10, s12;
	s1 =	sadd.s32 s1, s11  }
0xa: {  	s4 =	sadd.s32 $0x5E00, s0;
	s0 =	smax.u32 s28, $0x1;
	[dreg:$0x4] =	wrdreg s1  }
0xb: {  	s29 =	sshrl.u32 s6, $0x3;
	s31 =	sor.u32 $0x400, s1;
	[dreg:$0x5] =	wrdreg s0  }
0xc: {  	s26 =	simm.s32 $0xC00;
	s30 =	sadd.s32 s7, s29;
	[dreg:$0x6] =	wrdreg s31  }
0xd: {  	s11 =	simm.s32 $0x2;
	s10 =	sadd.s32 s8, s29;
	[dreg:$0x2] =	wrdreg s30  }
0xe: {  	s13 =	sor.u32 $0x800, s6;
	s1 =	simm.s32 $0x0;
	[dreg:$0x3] =	wrdreg s10  }
.LBB2_1:
0xf: {  	[dreg:$0x7] =	wrdreg s1  }
0x10: {  	s0 =	rddreg [dreg:$0x2]  }
0x11: {  	[tilespmem:s2], [sflag:$0x3] =	stream.linear.gather [hbm4b:s0+s2], $0x400, $0x38;
	[tilespmem:$0x4800] =	vst v63  }
0x12: {  	_ =	swait.ge [sflag:s16], $0x400  }
0x13: {  	[sflag:s16] =	ssyncset.done $0x0  }
0x14: {  	s21 =	rddreg [dreg:$0x3];
	[sflag:s16] =	ssyncadd.s32 $0xFFFFFC00  }
0x15: {  	[tilespmem:s17], [sflag:$0x3] =	stream.linear.gather [hbm4b:s21+s2], $0x400, $0x38;
	[tilespmem:$0x4800] =	vst v63  }
0x16: {  	_ =	swait.ge [sflag:s16], $0x400  }
0x17: {  	[sflag:s16] =	ssyncset.done $0x0  }
0x18: {  	s22 =	simm.s32 $0x1000;
	[sflag:s16] =	ssyncadd.s32 $0xFFFFFC00  }
0x19: {  	[tilespmem:s22], [sflag:$0x1] =	stream.indirect.gather [hbm4b:s3+s18], $0x1, s2, s18, $0xb8;
	[tilespmem:$0x4800] =	vst v63  }
0x1a: {  	s23 =	simm.s32 $0x1400  }
0x1b: {  	[tilespmem:s23], [sflag:$0x1] =	stream.indirect.gather [hbm4b:s4+s18], $0x1, s2, s18, $0xb8;
	[tilespmem:$0x4800] =	vst v63  }
0x1c: {  	s29 =	simm.s32 $0x1800  }
0x1d: {  	[tilespmem:s29], [sflag:$0x1] =	stream.indirect.gather [hbm4b:s5+s18], $0x1, s2, s18, $0xb8;
	[tilespmem:$0x4800] =	vst v63  }
0x1e: {  	s30 =	simm.s32 $0x1C00  }
0x1f: {  	[tilespmem:s30], [sflag:$0x1] =	stream.indirect.gather [hbm4b:s3+s18], $0x1, s17, s18, $0xb8;
	[tilespmem:$0x4800] =	vst v63  }
0x20: {  	s31 =	simm.s32 $0x2000;
	s12 =	rddreg [dreg:$0x6]  }
0x21: {  	[tilespmem:s31], [sflag:$0x1] =	stream.indirect.gather [hbm4b:s4+s18], $0x1, s17, s18, $0xb8;
	[tilespmem:$0x4800] =	vst v63  }
0x22: {  	s28 =	simm.s32 $0x0;
	s15 =	rddreg [dreg:$0x4]  }
0x23: {  	[tilespmem:s24], [sflag:$0x1] =	stream.indirect.gather [hbm4b:s5+s18], $0x1, s17, s18, $0xb8;
	[tilespmem:$0x4800] =	vst v63  }
.LBB2_2:
0x24: {  	_ =	swait.ge [sflag:s25], $0x400  }
0x25: {  	[sflag:s25] =	ssyncset.done $0x0  }
0x26: {  	[sflag:s25] =	ssyncadd.s32 $0xFFFFFC00  }
0x27: {  	_ =	swait.ge [sflag:s25], $0x400  }
0x28: {  	[sflag:s25] =	ssyncset.done $0x0  }
0x29: {  	[sflag:s25] =	ssyncadd.s32 $0xFFFFFC00  }
0x2a: {  	_ =	swait.ge [sflag:s25], $0x400  }
0x2b: {  	[sflag:s25] =	ssyncset.done $0x0  }
0x2c: {  	[sflag:s25] =	ssyncadd.s32 $0xFFFFFC00  }
0x2d: {  	_ =	swait.ge [sflag:s25], $0x400  }
0x2e: {  	[sflag:s25] =	ssyncset.done $0x0  }
0x2f: {  	[sflag:s25] =	ssyncadd.s32 $0xFFFFFC00  }
0x30: {  	_ =	swait.ge [sflag:s25], $0x400  }
0x31: {  	s0 =	sshll.u32 s28, $0xB;
	[sflag:s25] =	ssyncset.done $0x0  }
0x32: {  	s30 =	sadd.s32 s6, s0;
	[sflag:s25] =	ssyncadd.s32 $0xFFFFFC00  }
0x33: {  	s0 =	sadd.s32 $0x400, s30;
	_ =	swait.ge [sflag:s25], $0x400  }
0x34: {  	s29 =	sshrl.u32 s0, $0x3;
	[sflag:s25] =	ssyncset.done $0x0  }
0x35: {  	s1 =	simm.s32 $0x0;
	s0 =	sadd.s32 s7, s29;
	[sflag:s25] =	ssyncadd.s32 $0xFFFFFC00  }
0x36: {  	[tilespmem:s18], [sflag:$0x3] =	stream.linear.gather [hbm4b:s0+s1], $0x400, $0x38;
	[tilespmem:$0x4800] =	vst v63  }
0x37: {  	_ =	swait.ge [sflag:s16], $0x400  }
0x38: {  	[sflag:s16] =	ssyncset.done $0x0  }
0x39: {  	s10 =	sadd.s32 s8, s29;
	[sflag:s16] =	ssyncadd.s32 $0xFFFFFC00  }
0x3a: {  	[tilespmem:s26], [sflag:$0x3] =	stream.linear.gather [hbm4b:s10+s1], $0x400, $0x38;
	[tilespmem:$0x4800] =	vst v63  }
0x3b: {  	_ =	swait.ge [sflag:s16], $0x400  }
0x3c: {  	[sflag:s16] =	ssyncset.done $0x0  }
0x3d: {  	s14 =	simm.s32 $0x2800;
	[sflag:s16] =	ssyncadd.s32 $0xFFFFFC00  }
0x3e: {  	[tilespmem:s14], [sflag:$0x2] =	stream.indirect.gather [hbm4b:s3+s18], $0x1, s18, s18, $0xb8;
	[tilespmem:$0x4800] =	vst v63  }
0x3f: {  	s19 =	simm.s32 $0x2C00  }
0x40: {  	[tilespmem:s19], [sflag:$0x2] =	stream.indirect.gather [hbm4b:s4+s18], $0x1, s18, s18, $0xb8;
	[tilespmem:$0x4800] =	vst v63  }
0x41: {  	s20 =	simm.s32 $0x3000  }
0x42: {  	[tilespmem:s20], [sflag:$0x2] =	stream.indirect.gather [hbm4b:s5+s18], $0x1, s18, s18, $0xb8;
	[tilespmem:$0x4800] =	vst v63  }
0x43: {  	s21 =	simm.s32 $0x3400  }
0x44: {  	[tilespmem:s21], [sflag:$0x2] =	stream.indirect.gather [hbm4b:s3+s18], $0x1, s26, s18, $0xb8;
	[tilespmem:$0x4800] =	vst v63  }
0x45: {  	s22 =	simm.s32 $0x3800  }
0x46: {  	[tilespmem:s22], [sflag:$0x2] =	stream.indirect.gather [hbm4b:s4+s18], $0x1, s26, s18, $0xb8;
	[tilespmem:$0x4800] =	vst v63  }
0x47: {  	s23 =	simm.s32 $0x3C00;
	s21 =	simm.s32 $0x0  }
0x48: {  	[tilespmem:s23], [sflag:$0x2] =	stream.indirect.gather [hbm4b:s5+s18], $0x1, s26, s18, $0xb8;
	[tilespmem:$0x4800] =	vst v63  }
0x49: {  	v0 =	vld [tilespmem:s21+$0x1C00]  }
0x4a: {  	v1 =	vld [tilespmem:s21+$0x1000]  }
0x4b: {  	v2 =	vld [tilespmem:s21+$0x2000]  }
0x4c: {  	v3 =	vld [tilespmem:s21+$0x1400]  }
0x4d: {  	v4 =	vld [tilespmem:s21+$0x2400]  }
0x4e: {  	v5 =	vld [tilespmem:s21+$0x1800];
	_ =	sdelay $0x2  }
0x4f: {  	s31 =	simm.s32 $0x10;
	v0 =	vsub.f32 v0, v1;
	v1 =	vsub.f32 v2, v3  }
0x50: {  	v3 =	vld [tilespmem:s31+$0x1C00]  }
0x51: {  	v2 =	vsub.f32 v4, v5;
	v4 =	vld [tilespmem:s31+$0x1000];
	v0 =	vmul.f32 v0, v0;
	v1 =	vmul.f32 v1, v1  }
0x52: {  	v5 =	vld [tilespmem:s31+$0x2000]  }
0x53: {  	v2 =	vmul.f32 v2, v2;
	v0 =	vadd.f32 v1, v0;
	v1 =	vld [tilespmem:s31+$0x1400]  }
0x54: {  	v6 =	vld [tilespmem:s31+$0x2400]  }
0x55: {  	v0 =	vadd.f32 v2, v0;
	v2 =	vld [tilespmem:s31+$0x1800];
	_ =	sdelay $0x1  }
0x56: {  	v7 =	vadd.f32 $9.999999960e-13, v0;
	v0 =	vsub.f32 v3, v4  }
0x57: {  	s0 =	simm.s32 $0x20;
	v1 =	vsub.f32 v5, v1  }
0x58: {  	v8 =	vld [tilespmem:s0+$0x2000];
	v3 =	vshra.s32 v7, $0x1;
	v0 =	vmul.f32 v0, v0  }
0x59: {  	v4 =	vld [tilespmem:s0+$0x1C00];
	v3 =	vadd.s32 $0x1FBD1DF5, v3;
	v2 =	vsub.f32 v6, v2;
	v1 =	vmul.f32 v1, v1  }
0x5a: {  	v6 =	vld [tilespmem:s0+$0x1000];
	(erf) = vrcp.f32 v3  }
0x5b: {  	v9 =	vld [tilespmem:s0+$0x1400];
	v2 =	vmul.f32 v2, v2;
	v0 =	vadd.f32 v1, v0  }
0x5c: {  	v1 =	vld [tilespmem:s0+$0x2400]  }
0x5d: {  	v0 =	vadd.f32 v2, v0;
	v2 =	vld [tilespmem:s0+$0x1800];
	_ =	sdelay $0x1  }
0x5e: {  	v5 =	vadd.f32 $9.999999960e-13, v0;
	v0 =	vsub.f32 v4, v6  }
0x5f: {  	v4 =	vsub.f32 v8, v9  }
0x60: {  	v6 =	vshra.s32 v5, $0x1;
	v0 =	vmul.f32 v0, v0  }
0x61: {  	s1 =	simm.s32 $0x30;
	v4 =	vmul.f32 v4, v4;
	v6 =	vadd.s32 $0x1FBD1DF5, v6;
	v1 =	vsub.f32 v1, v2  }
0x62: {  	v9 =	vld [tilespmem:s1+$0x1000];
	v8 =	vpop (erf);
	(erf) = vrcp.f32 v6  }
0x63: {  	v0 =	vadd.f32 v4, v0;
	v4 =	vld [tilespmem:s1+$0x1400];
	v2 =	vmul.f32 v8, v7;
	v1 =	vmul.f32 v1, v1  }
0x64: {  	v8 =	vld [tilespmem:s1+$0x1C00]  }
0x65: {  	v2 =	vadd.f32 v3, v2;
	v3 =	vld [tilespmem:s1+$0x2000];
	v0 =	vadd.f32 v1, v0  }
0x66: {  	v10 =	vld [tilespmem:s1+$0x1800]  }
0x67: {  	v1 =	vld [tilespmem:s1+$0x2400];
	v2 =	vmul.f32 $5.000000000e-01, v2;
	v0 =	vadd.f32 $9.999999960e-13, v0;
	_ =	sdelay $0x1  }
0x68: {  	s10 =	simm.s32 $0x40;
	v8 =	vsub.f32 v8, v9;
	(erf) = vrcp.f32 v2;
	v12 =	vshra.s32 v0, $0x1  }
0x69: {  	v11 =	vld [tilespmem:s10+$0x2400];
	v3 =	vsub.f32 v3, v4  }
0x6a: {  	v13 =	vld [tilespmem:s10+$0x1000];
	v9 =	vadd.s32 $0x1FBD1DF5, v12;
	v8 =	vmul.f32 v8, v8  }
0x6b: {  	v14 =	vld [tilespmem:s10+$0x1400];
	v1 =	vsub.f32 v1, v10;
	(erf) = vrcp.f32 v9;
	v12 =	vpop (erf);
	v3 =	vmul.f32 v3, v3  }
0x6c: {  	v4 =	vld [tilespmem:s10+$0x1C00];
	v12 =	vmul.f32 v12, v5  }
0x6d: {  	v10 =	vld [tilespmem:s10+$0x2000];
	v1 =	vmul.f32 v1, v1;
	v3 =	vadd.f32 v3, v8  }
0x6e: {  	v6 =	vadd.f32 v6, v12;
	v12 =	vld [tilespmem:s10+$0x1800]  }
0x6f: {  	v1 =	vadd.f32 v1, v3  }
0x70: {  	v6 =	vmul.f32 $5.000000000e-01, v6  }
0x71: {  	v4 =	vsub.f32 v4, v13;
	v3 =	vpop (erf);
	v1 =	vadd.f32 $9.999999960e-13, v1  }
0x72: {  	v8 =	vsub.f32 v10, v14;
	(erf) = vrcp.f32 v6;
	v3 =	vmul.f32 v3, v7  }
0x73: {  	v4 =	vmul.f32 v4, v4;
	v11 =	vsub.f32 v11, v12;
	v12 =	vshra.s32 v1, $0x1  }
0x74: {  	s14 =	simm.s32 $0x50;
	v8 =	vmul.f32 v8, v8;
	v13 =	vpop (erf);
	v2 =	vadd.f32 v3, v2;
	v12 =	vadd.s32 $0x1FBD1DF5, v12  }
0x75: {  	v16 =	vld [tilespmem:s14+$0x2000];
	v13 =	vmul.f32 v13, v0;
	(erf) = vrcp.f32 v12  }
0x76: {  	v4 =	vadd.f32 v8, v4;
	v15 =	vmul.f32 $5.000000000e-01, v2;
	v2 =	vmul.f32 v11, v11;
	v11 =	vld [tilespmem:s14+$0x1400]  }
0x77: {  	v14 =	vld [tilespmem:s14+$0x1000];
	v8 =	vadd.f32 v9, v13  }
0x78: {  	v3 =	vld [tilespmem:s14+$0x1C00];
	(erf) = vrcp.f32 v15;
	v2 =	vadd.f32 v2, v4  }
0x79: {  	v10 =	vld [tilespmem:s14+$0x2400];
	v13 =	vmul.f32 $5.000000000e-01, v8  }
0x7a: {  	v9 =	vld [tilespmem:s14+$0x1800];
	v2 =	vadd.f32 $9.999999960e-13, v2  }
0x7b: {  	v4 =	vpop (erf);
	(erf) = vrcp.f32 v13;
	v8 =	vsub.f32 v16, v11  }
0x7c: {  	s19 =	simm.s32 $0x60;
	v4 =	vmul.f32 v4, v5;
	v11 =	vshra.s32 v2, $0x1  }
0x7d: {  	v17 =	vld [tilespmem:s19+$0x2000];
	v3 =	vsub.f32 v3, v14;
	v8 =	vmul.f32 v8, v8  }
0x7e: {  	v14 =	vld [tilespmem:s19+$0x1000];
	v16 =	vadd.s32 $0x1FBD1DF5, v11;
	v4 =	vadd.f32 v4, v6  }
0x7f: {  	v9 =	vsub.f32 v10, v9;
	v10 =	vld [tilespmem:s19+$0x1C00];
	v6 =	vmul.f32 v3, v3;
	(erf) = vrcp.f32 v16;
	v11 =	vpop (erf)  }
0x80: {  	v3 =	vmul.f32 $5.000000000e-01, v4;
	v4 =	vmul.f32 v11, v1;
	v11 =	vld [tilespmem:s19+$0x1400]  }
0x81: {  	v9 =	vmul.f32 v9, v9;
	v6 =	vadd.f32 v8, v6;
	v8 =	vpop (erf)  }
0x82: {  	v18 =	vld [tilespmem:s19+$0x2400];
	v7 =	vmul.f32 v8, v7;
	v4 =	vadd.f32 v12, v4  }
0x83: {  	(erf) = vrcp.f32 v3;
	v6 =	vadd.f32 v9, v6;
	v12 =	vld [tilespmem:s19+$0x1800]  }
0x84: {  	v14 =	vsub.f32 v10, v14;
	v9 =	vadd.f32 v7, v15;
	v7 =	vmul.f32 $5.000000000e-01, v4;
	v10 =	vpop (erf)  }
0x85: {  	v4 =	vadd.f32 $9.999999960e-13, v6;
	v6 =	vsub.f32 v17, v11;
	v15 =	vmul.f32 v10, v0  }
0x86: {  	s20 =	simm.s32 $0x70;
	v17 =	vmul.f32 $5.000000000e-01, v9;
	(erf) = vrcp.f32 v7  }
0x87: {  	v8 =	vld [tilespmem:s20+$0x2400];
	v19 =	vmul.f32 v14, v14;
	v9 =	vshra.s32 v4, $0x1;
	v14 =	vadd.f32 v15, v13  }
0x88: {  	v10 =	vld [tilespmem:s20+$0x1C00];
	v15 =	vmul.f32 $4.096000060e+02, v17;
	v17 =	vsub.f32 v18, v12;
	v18 =	vmul.f32 v6, v6  }
0x89: {  	v11 =	vld [tilespmem:s20+$0x1000];
	v9 =	vadd.s32 $0x1FBD1DF5, v9;
	v6 =	vpop (erf)  }
0x8a: {  	v13 =	vld [tilespmem:s20+$0x1400];
	(erf) = vrcp.f32 v9;
	v20 =	vmul.f32 v6, v2  }
0x8b: {  	p0 =	slt.u32 s15, $0x30D400;
	v12 =	vld [tilespmem:s20+$0x2000];
	v6 =	vmul.f32 $5.000000000e-01, v14;
	v21 =	vmin.f32 v15, $2.048000000e+03;
	v15 =	vmul.f32 v17, v17  }
0x8c: {  	v14 =	vld [tilespmem:s20+$0x1800];
	v17 =	vadd.f32 v18, v19;
	v19 =	vpsel !p0, $0x45000000, v21;
	v18 =	vpop (erf);
	v16 =	vadd.f32 v16, v20  }
0x8d: {  	s22 =	simm.s32 $0x200;
	(erf) = vrcp.f32 v6;
	[tilespmem:s21+$0x4000] =	vst v19;
	s21 =	smov.u32 s15;
	v5 =	vmul.f32 v18, v5  }
.LBB2_3:
0x8e: {  	p0 =	sne.s32 s22, $0xFC0;
	v15 =	vadd.f32 v15, v17;
	v16 =	vmul.f32 $5.000000000e-01, v16;
	v18 =	vmovc v4;
	v19 =	vmov v9;
	s23 =	smov.u32 s1;
	s1 =	smov.u32 s10  }
0x8f: {  	v9 =	vsub.f32 v10, v11;
	s10 =	smov.u32 s14;
	s14 =	smov.u32 s19;
	s19 =	smov.u32 s20;
	v10 =	vpop (erf);
	v5 =	vadd.f32 v5, v3;
	v3 =	vmov v6  }
0x90: {  	s20 =	sshra.s32 s22, $0x2;
	v21 =	vsub.f32 v12, v13;
	v4 =	vadd.f32 $9.999999960e-13, v15;
	(erf) = vrcp.f32 v16  }
0x91: {  	v12 =	vmul.f32 v10, v1;
	v14 =	vsub.f32 v8, v14;
	v8 =	vld [tilespmem:s20+$0x2400];
	v5 =	vmul.f32 $5.000000000e-01, v5  }
0x92: {  	v17 =	vmul.f32 v9, v9;
	v10 =	vld [tilespmem:s20+$0x1C00];
	v20 =	vmul.f32 v21, v21;
	v13 =	vshra.s32 v4, $0x1  }
.Ltmp0:
0x93: {  	v21 =	vadd.f32 v12, v7;
	v11 =	vld [tilespmem:s20+$0x1000];
	v9 =	vadd.s32 $0x1FBD1DF5, v13;
	v6 =	vpop (erf);
	v5 =	vmul.f32 $4.096000060e+02, v5;
	(pc) =	sbr.rel @p0 .LBB2_3-.Ltmp0, $4  }
0x94: {  	s21 =	sadd.s32 $0x10, s21;
	v7 =	vmov v16;
	v12 =	vld [tilespmem:s20+$0x2000];
	(erf) = vrcp.f32 v9;
	v22 =	vmul.f32 v6, v18  }
0x95: {  	p1 =	slt.u32 s21, $0x30D400;
	v15 =	vmul.f32 v14, v14;
	v6 =	vmul.f32 $5.000000000e-01, v21;
	v13 =	vld [tilespmem:s20+$0x1400];
	v5 =	vmin.f32 v5, $2.048000000e+03  }
0x96: {  	v17 =	vadd.f32 v20, v17;
	v14 =	vld [tilespmem:s20+$0x1800];
	v16 =	vadd.f32 v19, v22;
	v19 =	vpop (erf);
	v20 =	vpsel !p1, $0x45000000, v5  }
0x97: {  	s22 =	sadd.s32 $0x40, s22;
	(erf) = vrcp.f32 v6;
	v5 =	vmul.f32 v19, v0;
	[tilespmem:s31+$0x4000] =	vst v20;
	v0 =	vmovc v1;
	v1 =	vmovc v2;
	v2 =	vmov v18;
	s31 =	smov.u32 s0;
	s0 =	smov.u32 s23  }
0x98: {  	_ =	sdelay $0x1  }
0x99: {  	v10 =	vsub.f32 v10, v11;
	v11 =	vsub.f32 v12, v13;
	_ =	sdelay $0x1  }
0x9a: {  	v10 =	vmul.f32 v10, v10;
	v13 =	vpop (erf);
	v8 =	vsub.f32 v8, v14;
	v11 =	vmul.f32 v11, v11  }
0x9b: {  	v12 =	vadd.f32 v15, v17;
	v13 =	vmul.f32 v13, v1  }
0x9c: {  	v14 =	vpop (erf);
	v8 =	vmul.f32 v8, v8;
	v10 =	vadd.f32 v11, v10  }
0x9d: {  	v12 =	vadd.f32 $9.999999960e-13, v12;
	v7 =	vadd.f32 v13, v7;
	v14 =	vmul.f32 v14, v4  }
0x9e: {  	v11 =	vmul.f32 $5.000000000e-01, v16;
	v8 =	vadd.f32 v8, v10  }
0x9f: {  	v7 =	vmul.f32 $5.000000000e-01, v7;
	v10 =	vshra.s32 v12, $0x1;
	v9 =	vadd.f32 v9, v14  }
0xa0: {  	(erf) = vrcp.f32 v11;
	v10 =	vadd.s32 $0x1FBD1DF5, v10;
	v8 =	vadd.f32 $9.999999960e-13, v8  }
0xa1: {  	(erf) = vrcp.f32 v10;
	v9 =	vmul.f32 $5.000000000e-01, v9  }
0xa2: {  	(erf) = vrcp.f32 v7;
	v13 =	vshra.s32 v8, $0x1  }
0xa3: {  	(erf) = vrcp.f32 v9;
	v13 =	vadd.s32 $0x1FBD1DF5, v13  }
0xa4: {  	(erf) = vrcp.f32 v13;
	_ =	sdelay $0x3  }
0xa5: {  	v14 =	vpop (erf)  }
0xa6: {  	v15 =	vpop (erf)  }
0xa7: {  	v16 =	vpop (erf)  }
0xa8: {  	v15 =	vmul.f32 v15, v2;
	v17 =	vpop (erf)  }
0xa9: {  	v16 =	vmul.f32 v16, v12;
	v18 =	vpop (erf)  }
0xaa: {  	v11 =	vadd.f32 v15, v11;
	v15 =	vmul.f32 v18, v4;
	v18 =	vpop (erf)  }
0xab: {  	v10 =	vadd.f32 v10, v16;
	v16 =	vmul.f32 v18, v8  }
0xac: {  	v11 =	vmul.f32 $5.000000000e-01, v11;
	v9 =	vadd.f32 v15, v9  }
0xad: {  	v10 =	vmul.f32 $5.000000000e-01, v10;
	v13 =	vadd.f32 v13, v16  }
0xae: {  	(erf) = vrcp.f32 v11;
	v9 =	vmul.f32 $5.000000000e-01, v9  }
0xaf: {  	(erf) = vrcp.f32 v10;
	v13 =	vmul.f32 $5.000000000e-01, v13  }
0xb0: {  	(erf) = vrcp.f32 v9  }
0xb1: {  	(erf) = vrcp.f32 v13;
	_ =	sdelay $0x5  }
0xb2: {  	v15 =	vpop (erf)  }
0xb3: {  	v16 =	vpop (erf)  }
0xb4: {  	v18 =	vpop (erf)  }
0xb5: {  	v16 =	vmul.f32 v16, v12;
	v19 =	vpop (erf)  }
0xb6: {  	v19 =	vmul.f32 v19, v8  }
0xb7: {  	v10 =	vadd.f32 v16, v10  }
0xb8: {  	v13 =	vadd.f32 v19, v13  }
0xb9: {  	v10 =	vmul.f32 $5.000000000e-01, v10  }
0xba: {  	v13 =	vmul.f32 $5.000000000e-01, v13  }
0xbb: {  	(erf) = vrcp.f32 v10  }
0xbc: {  	(erf) = vrcp.f32 v13  }
0xbd: {  	v3 =	vadd.f32 v5, v3;
	_ =	sdelay $0x1  }
0xbe: {  	v3 =	vmul.f32 $5.000000000e-01, v3;
	v0 =	vmul.f32 v14, v0;
	_ =	sdelay $0x1  }
0xbf: {  	v3 =	vmul.f32 $4.096000060e+02, v3;
	v0 =	vadd.f32 v0, v6  }
0xc0: {  	s21 =	sadd.s32 $0x10, s21;
	v1 =	vmul.f32 v17, v1  }
0xc1: {  	p0 =	slt.u32 s21, $0x30D400;
	v3 =	vmin.f32 v3, $2.048000000e+03;
	v0 =	vmul.f32 $5.000000000e-01, v0;
	v2 =	vmul.f32 v15, v2  }
0xc2: {  	v3 =	vpsel !p0, $0x45000000, v3;
	v1 =	vadd.f32 v1, v7;
	v4 =	vmul.f32 v18, v4;
	v5 =	vpop (erf)  }
0xc3: {  	v0 =	vmul.f32 $4.096000060e+02, v0;
	v2 =	vadd.f32 v2, v11;
	v5 =	vmul.f32 v5, v12;
	v6 =	vpop (erf)  }
0xc4: {  	v1 =	vmul.f32 $5.000000000e-01, v1;
	v4 =	vadd.f32 v4, v9;
	v6 =	vmul.f32 v6, v8  }
0xc5: {  	s21 =	sadd.s32 $0x10, s21;
	v0 =	vmin.f32 v0, $2.048000000e+03;
	v2 =	vmul.f32 $5.000000000e-01, v2;
	v5 =	vadd.f32 v5, v10  }
0xc6: {  	p6 =	slt.u32 s21, $0x30D400;
	v1 =	vmul.f32 $4.096000060e+02, v1;
	v4 =	vmul.f32 $5.000000000e-01, v4;
	v6 =	vadd.f32 v6, v13  }
0xc7: {  	s21 =	sadd.s32 $0x10, s21;
	v0 =	vpsel !p6, $0x45000000, v0;
	v2 =	vmul.f32 $4.096000060e+02, v2;
	v5 =	vmul.f32 $5.000000000e-01, v5  }
0xc8: {  	p1 =	slt.u32 s21, $0x30D400;
	s21 =	sadd.s32 $0x10, s21;
	[tilespmem:s31+$0x4000] =	vst v3;
	v1 =	vmin.f32 v1, $2.048000000e+03;
	v3 =	vmul.f32 $4.096000060e+02, v4;
	v4 =	vmul.f32 $5.000000000e-01, v6  }
0xc9: {  	p2 =	slt.u32 s21, $0x30D400;
	s21 =	sadd.s32 $0x10, s21;
	[tilespmem:s0+$0x4000] =	vst v0;
	v0 =	vpsel !p1, $0x45000000, v1;
	v1 =	vmin.f32 v2, $2.048000000e+03;
	v2 =	vmul.f32 $4.096000060e+02, v5  }
0xca: {  	p3 =	slt.u32 s21, $0x30D400;
	s0 =	sadd.s32 $0x10, s21;
	[tilespmem:s1+$0x4000] =	vst v0;
	v0 =	vpsel !p2, $0x45000000, v1;
	v1 =	vmin.f32 v3, $2.048000000e+03;
	v3 =	vmul.f32 $4.096000060e+02, v4  }
0xcb: {  	p4 =	slt.u32 s0, $0x30D400;
	s0 =	sadd.s32 $0x10, s0;
	[tilespmem:s10+$0x4000] =	vst v0;
	v0 =	vpsel !p3, $0x45000000, v1;
	v1 =	vmin.f32 v2, $2.048000000e+03  }
0xcc: {  	p5 =	slt.u32 s0, $0x30D400;
	[tilespmem:s14+$0x4000] =	vst v0;
	v0 =	vpsel !p4, $0x45000000, v1;
	v1 =	vmin.f32 v3, $2.048000000e+03  }
0xcd: {  	s22 =	sshrl.u32 s30, $0x3;
	[tilespmem:s19+$0x4000] =	vst v0;
	v0 =	vpsel !p5, $0x45000000, v1  }
0xce: {  	s23 =	simm.s32 $0x0;
	s31 =	simm.s32 $0x4000;
	s0 =	sadd.s32 s9, s22;
	[tilespmem:s20+$0x4000] =	vst v0  }
0xcf: {  	[hbm4b:s0+s23] =	stream.linear.scatter [tilespmem:s31], [sflag:$0x3], $0x400, $0x38;
	[tilespmem:$0x4800] =	vst v63  }
0xd0: {  	_ =	swait.ge [sflag:s16], $0x400  }
0xd1: {  	[sflag:s16] =	ssyncset.done $0x0  }
0xd2: {  	[sflag:s16] =	ssyncadd.s32 $0xFFFFFC00  }
0xd3: {  	_ =	swait.ge [sflag:s11], $0x400  }
0xd4: {  	[sflag:s11] =	ssyncset.done $0x0  }
0xd5: {  	[sflag:s11] =	ssyncadd.s32 $0xFFFFFC00  }
0xd6: {  	_ =	swait.ge [sflag:s11], $0x400  }
0xd7: {  	[sflag:s11] =	ssyncset.done $0x0  }
0xd8: {  	[sflag:s11] =	ssyncadd.s32 $0xFFFFFC00  }
0xd9: {  	_ =	swait.ge [sflag:s11], $0x400  }
0xda: {  	[sflag:s11] =	ssyncset.done $0x0  }
0xdb: {  	[sflag:s11] =	ssyncadd.s32 $0xFFFFFC00  }
0xdc: {  	_ =	swait.ge [sflag:s11], $0x400  }
0xdd: {  	[sflag:s11] =	ssyncset.done $0x0  }
0xde: {  	[sflag:s11] =	ssyncadd.s32 $0xFFFFFC00  }
0xdf: {  	s10 =	sshll.u32 s28, $0x1;
	_ =	swait.ge [sflag:s11], $0x400  }
0xe0: {  	s0 =	smin.u32 s10, $0x61;
	[sflag:s11] =	ssyncset.done $0x0  }
0xe1: {  	s0 =	sshll.u32 s0, $0xA;
	[sflag:s11] =	ssyncadd.s32 $0xFFFFFC00  }
0xe2: {  	s0 =	sadd.s32 s0, s13;
	_ =	swait.ge [sflag:s11], $0x400  }
0xe3: {  	s0 =	sshrl.u32 s0, $0x3;
	[sflag:s11] =	ssyncset.done $0x0  }
0xe4: {  	s14 =	sadd.s32 s7, s0;
	[sflag:s11] =	ssyncadd.s32 $0xFFFFFC00  }
0xe5: {  	[tilespmem:s23], [sflag:$0x3] =	stream.linear.gather [hbm4b:s14+s23], $0x400, $0x38;
	[tilespmem:$0x4800] =	vst v63  }
0xe6: {  	_ =	swait.ge [sflag:s16], $0x400  }
0xe7: {  	[sflag:s16] =	ssyncset.done $0x0  }
0xe8: {  	s0 =	sadd.s32 s8, s0;
	[sflag:s16] =	ssyncadd.s32 $0xFFFFFC00  }
0xe9: {  	[tilespmem:s17], [sflag:$0x3] =	stream.linear.gather [hbm4b:s0+s23], $0x400, $0x38;
	[tilespmem:$0x4800] =	vst v63  }
0xea: {  	_ =	swait.ge [sflag:s16], $0x400  }
0xeb: {  	[sflag:s16] =	ssyncset.done $0x0  }
0xec: {  	s19 =	simm.s32 $0x1000;
	[sflag:s16] =	ssyncadd.s32 $0xFFFFFC00  }
0xed: {  	[tilespmem:s19], [sflag:$0x1] =	stream.indirect.gather [hbm4b:s3+s18], $0x1, s23, s18, $0xb8;
	[tilespmem:$0x4800] =	vst v63  }
0xee: {  	s20 =	simm.s32 $0x1400  }
0xef: {  	[tilespmem:s20], [sflag:$0x1] =	stream.indirect.gather [hbm4b:s4+s18], $0x1, s23, s18, $0xb8;
	[tilespmem:$0x4800] =	vst v63  }
0xf0: {  	s21 =	simm.s32 $0x1800  }
0xf1: {  	[tilespmem:s21], [sflag:$0x1] =	stream.indirect.gather [hbm4b:s5+s18], $0x1, s23, s18, $0xb8;
	[tilespmem:$0x4800] =	vst v63  }
0xf2: {  	s22 =	simm.s32 $0x1C00  }
0xf3: {  	[tilespmem:s22], [sflag:$0x1] =	stream.indirect.gather [hbm4b:s3+s18], $0x1, s17, s18, $0xb8;
	[tilespmem:$0x4800] =	vst v63  }
0xf4: {  	s23 =	simm.s32 $0x2000  }
0xf5: {  	[tilespmem:s23], [sflag:$0x1] =	stream.indirect.gather [hbm4b:s4+s18], $0x1, s17, s18, $0xb8;
	[tilespmem:$0x4800] =	vst v63  }
0xf6: {  	s31 =	simm.s32 $0x0  }
0xf7: {  	[tilespmem:s24], [sflag:$0x1] =	stream.indirect.gather [hbm4b:s5+s18], $0x1, s17, s18, $0xb8;
	[tilespmem:$0x4800] =	vst v63  }
0xf8: {  	v0 =	vld [tilespmem:s31+$0x3400]  }
0xf9: {  	v1 =	vld [tilespmem:s31+$0x2800]  }
0xfa: {  	v2 =	vld [tilespmem:s31+$0x3800]  }
0xfb: {  	v3 =	vld [tilespmem:s31+$0x2C00]  }
0xfc: {  	v4 =	vld [tilespmem:s31+$0x3C00]  }
0xfd: {  	v5 =	vld [tilespmem:s31+$0x3000];
	_ =	sdelay $0x2  }
0xfe: {  	s30 =	simm.s32 $0x10;
	v0 =	vsub.f32 v0, v1;
	v1 =	vsub.f32 v2, v3  }
0xff: {  	v3 =	vld [tilespmem:s30+$0x3400]  }
0x100: {  	v2 =	vsub.f32 v4, v5;
	v4 =	vld [tilespmem:s30+$0x2800];
	v0 =	vmul.f32 v0, v0;
	v1 =	vmul.f32 v1, v1  }
0x101: {  	v5 =	vld [tilespmem:s30+$0x3800]  }
0x102: {  	v2 =	vmul.f32 v2, v2;
	v0 =	vadd.f32 v1, v0;
	v1 =	vld [tilespmem:s30+$0x2C00]  }
0x103: {  	v6 =	vld [tilespmem:s30+$0x3C00]  }
0x104: {  	v0 =	vadd.f32 v2, v0;
	v2 =	vld [tilespmem:s30+$0x3000];
	_ =	sdelay $0x1  }
0x105: {  	v7 =	vadd.f32 $9.999999960e-13, v0;
	v0 =	vsub.f32 v3, v4  }
0x106: {  	s0 =	simm.s32 $0x20;
	v1 =	vsub.f32 v5, v1  }
0x107: {  	v8 =	vld [tilespmem:s0+$0x3800];
	v3 =	vshra.s32 v7, $0x1;
	v0 =	vmul.f32 v0, v0  }
0x108: {  	v4 =	vld [tilespmem:s0+$0x3400];
	v3 =	vadd.s32 $0x1FBD1DF5, v3;
	v2 =	vsub.f32 v6, v2;
	v1 =	vmul.f32 v1, v1  }
0x109: {  	v6 =	vld [tilespmem:s0+$0x2800];
	(erf) = vrcp.f32 v3  }
0x10a: {  	v9 =	vld [tilespmem:s0+$0x2C00];
	v2 =	vmul.f32 v2, v2;
	v0 =	vadd.f32 v1, v0  }
0x10b: {  	v1 =	vld [tilespmem:s0+$0x3C00]  }
0x10c: {  	v0 =	vadd.f32 v2, v0;
	v2 =	vld [tilespmem:s0+$0x3000];
	_ =	sdelay $0x1  }
0x10d: {  	v5 =	vadd.f32 $9.999999960e-13, v0;
	v0 =	vsub.f32 v4, v6  }
0x10e: {  	v4 =	vsub.f32 v8, v9  }
0x10f: {  	v6 =	vshra.s32 v5, $0x1;
	v0 =	vmul.f32 v0, v0  }
0x110: {  	s1 =	simm.s32 $0x30;
	v4 =	vmul.f32 v4, v4;
	v6 =	vadd.s32 $0x1FBD1DF5, v6;
	v1 =	vsub.f32 v1, v2  }
0x111: {  	v9 =	vld [tilespmem:s1+$0x2800];
	v8 =	vpop (erf);
	(erf) = vrcp.f32 v6  }
0x112: {  	v0 =	vadd.f32 v4, v0;
	v4 =	vld [tilespmem:s1+$0x2C00];
	v2 =	vmul.f32 v8, v7;
	v1 =	vmul.f32 v1, v1  }
0x113: {  	v8 =	vld [tilespmem:s1+$0x3400]  }
0x114: {  	v2 =	vadd.f32 v3, v2;
	v3 =	vld [tilespmem:s1+$0x3800];
	v0 =	vadd.f32 v1, v0  }
0x115: {  	v10 =	vld [tilespmem:s1+$0x3000]  }
0x116: {  	v1 =	vld [tilespmem:s1+$0x3C00];
	v2 =	vmul.f32 $5.000000000e-01, v2;
	v0 =	vadd.f32 $9.999999960e-13, v0;
	_ =	sdelay $0x1  }
0x117: {  	s10 =	simm.s32 $0x40;
	v8 =	vsub.f32 v8, v9;
	(erf) = vrcp.f32 v2;
	v12 =	vshra.s32 v0, $0x1  }
0x118: {  	v11 =	vld [tilespmem:s10+$0x3C00];
	v3 =	vsub.f32 v3, v4  }
0x119: {  	v13 =	vld [tilespmem:s10+$0x2800];
	v9 =	vadd.s32 $0x1FBD1DF5, v12;
	v8 =	vmul.f32 v8, v8  }
0x11a: {  	v14 =	vld [tilespmem:s10+$0x2C00];
	v1 =	vsub.f32 v1, v10;
	(erf) = vrcp.f32 v9;
	v12 =	vpop (erf);
	v3 =	vmul.f32 v3, v3  }
0x11b: {  	v4 =	vld [tilespmem:s10+$0x3400];
	v12 =	vmul.f32 v12, v5  }
0x11c: {  	v10 =	vld [tilespmem:s10+$0x3800];
	v1 =	vmul.f32 v1, v1;
	v3 =	vadd.f32 v3, v8  }
0x11d: {  	v6 =	vadd.f32 v6, v12;
	v12 =	vld [tilespmem:s10+$0x3000]  }
0x11e: {  	v1 =	vadd.f32 v1, v3  }
0x11f: {  	v6 =	vmul.f32 $5.000000000e-01, v6  }
0x120: {  	v4 =	vsub.f32 v4, v13;
	v3 =	vpop (erf);
	v1 =	vadd.f32 $9.999999960e-13, v1  }
0x121: {  	v8 =	vsub.f32 v10, v14;
	(erf) = vrcp.f32 v6;
	v3 =	vmul.f32 v3, v7  }
0x122: {  	v4 =	vmul.f32 v4, v4;
	v11 =	vsub.f32 v11, v12;
	v12 =	vshra.s32 v1, $0x1  }
0x123: {  	s14 =	simm.s32 $0x50;
	v8 =	vmul.f32 v8, v8;
	v13 =	vpop (erf);
	v2 =	vadd.f32 v3, v2;
	v12 =	vadd.s32 $0x1FBD1DF5, v12  }
0x124: {  	v16 =	vld [tilespmem:s14+$0x3800];
	v13 =	vmul.f32 v13, v0;
	(erf) = vrcp.f32 v12  }
0x125: {  	v4 =	vadd.f32 v8, v4;
	v15 =	vmul.f32 $5.000000000e-01, v2;
	v2 =	vmul.f32 v11, v11;
	v11 =	vld [tilespmem:s14+$0x2C00]  }
0x126: {  	v14 =	vld [tilespmem:s14+$0x2800];
	v8 =	vadd.f32 v9, v13  }
0x127: {  	v3 =	vld [tilespmem:s14+$0x3400];
	(erf) = vrcp.f32 v15;
	v2 =	vadd.f32 v2, v4  }
0x128: {  	v10 =	vld [tilespmem:s14+$0x3C00];
	v13 =	vmul.f32 $5.000000000e-01, v8  }
0x129: {  	v9 =	vld [tilespmem:s14+$0x3000];
	v2 =	vadd.f32 $9.999999960e-13, v2  }
0x12a: {  	v4 =	vpop (erf);
	(erf) = vrcp.f32 v13;
	v8 =	vsub.f32 v16, v11  }
0x12b: {  	s19 =	simm.s32 $0x60;
	v4 =	vmul.f32 v4, v5;
	v11 =	vshra.s32 v2, $0x1  }
0x12c: {  	v17 =	vld [tilespmem:s19+$0x3800];
	v3 =	vsub.f32 v3, v14;
	v8 =	vmul.f32 v8, v8  }
0x12d: {  	v14 =	vld [tilespmem:s19+$0x2800];
	v16 =	vadd.s32 $0x1FBD1DF5, v11;
	v4 =	vadd.f32 v4, v6  }
0x12e: {  	v9 =	vsub.f32 v10, v9;
	v10 =	vld [tilespmem:s19+$0x3400];
	v6 =	vmul.f32 v3, v3;
	(erf) = vrcp.f32 v16;
	v11 =	vpop (erf)  }
0x12f: {  	v3 =	vmul.f32 $5.000000000e-01, v4;
	v4 =	vmul.f32 v11, v1;
	v11 =	vld [tilespmem:s19+$0x2C00]  }
0x130: {  	v9 =	vmul.f32 v9, v9;
	v6 =	vadd.f32 v8, v6;
	v8 =	vpop (erf)  }
0x131: {  	v18 =	vld [tilespmem:s19+$0x3C00];
	v7 =	vmul.f32 v8, v7;
	v4 =	vadd.f32 v12, v4  }
0x132: {  	(erf) = vrcp.f32 v3;
	v6 =	vadd.f32 v9, v6;
	v12 =	vld [tilespmem:s19+$0x3000]  }
0x133: {  	v14 =	vsub.f32 v10, v14;
	v9 =	vadd.f32 v7, v15;
	v7 =	vmul.f32 $5.000000000e-01, v4;
	v10 =	vpop (erf)  }
0x134: {  	v4 =	vadd.f32 $9.999999960e-13, v6;
	v6 =	vsub.f32 v17, v11;
	v15 =	vmul.f32 v10, v0  }
0x135: {  	s20 =	simm.s32 $0x70;
	v17 =	vmul.f32 $5.000000000e-01, v9;
	(erf) = vrcp.f32 v7  }
0x136: {  	v8 =	vld [tilespmem:s20+$0x3C00];
	v19 =	vmul.f32 v14, v14;
	v9 =	vshra.s32 v4, $0x1;
	v14 =	vadd.f32 v15, v13  }
0x137: {  	v10 =	vld [tilespmem:s20+$0x3400];
	v15 =	vmul.f32 $4.096000060e+02, v17;
	v17 =	vsub.f32 v18, v12;
	v18 =	vmul.f32 v6, v6  }
0x138: {  	v11 =	vld [tilespmem:s20+$0x2800];
	v9 =	vadd.s32 $0x1FBD1DF5, v9;
	v6 =	vpop (erf)  }
0x139: {  	v13 =	vld [tilespmem:s20+$0x2C00];
	(erf) = vrcp.f32 v9;
	v20 =	vmul.f32 v6, v2  }
0x13a: {  	p6 =	slt.u32 s12, $0x30D400;
	v12 =	vld [tilespmem:s20+$0x3800];
	v6 =	vmul.f32 $5.000000000e-01, v14;
	v21 =	vmin.f32 v15, $2.048000000e+03;
	v15 =	vmul.f32 v17, v17  }
0x13b: {  	v14 =	vld [tilespmem:s20+$0x3000];
	v17 =	vadd.f32 v18, v19;
	v19 =	vpsel !p6, $0x45000000, v21;
	v18 =	vpop (erf);
	v16 =	vadd.f32 v16, v20  }
0x13c: {  	s21 =	smov.u32 s12;
	s22 =	simm.s32 $0x200;
	(erf) = vrcp.f32 v6;
	[tilespmem:s31+$0x4400] =	vst v19;
	v5 =	vmul.f32 v18, v5  }
.LBB2_5:
0x13d: {  	p0 =	sne.s32 s22, $0xFC0;
	v15 =	vadd.f32 v15, v17;
	v16 =	vmul.f32 $5.000000000e-01, v16;
	v18 =	vmovc v4;
	v19 =	vmov v9;
	s23 =	smov.u32 s1;
	s1 =	smov.u32 s10  }
0x13e: {  	v9 =	vsub.f32 v10, v11;
	s10 =	smov.u32 s14;
	s14 =	smov.u32 s19;
	s19 =	smov.u32 s20;
	v10 =	vpop (erf);
	v5 =	vadd.f32 v5, v3;
	v3 =	vmov v6  }
0x13f: {  	s20 =	sshra.s32 s22, $0x2;
	v21 =	vsub.f32 v12, v13;
	v4 =	vadd.f32 $9.999999960e-13, v15;
	(erf) = vrcp.f32 v16  }
0x140: {  	v12 =	vmul.f32 v10, v1;
	v14 =	vsub.f32 v8, v14;
	v8 =	vld [tilespmem:s20+$0x3C00];
	v5 =	vmul.f32 $5.000000000e-01, v5  }
0x141: {  	v17 =	vmul.f32 v9, v9;
	v10 =	vld [tilespmem:s20+$0x3400];
	v20 =	vmul.f32 v21, v21;
	v13 =	vshra.s32 v4, $0x1  }
.Ltmp1:
0x142: {  	v21 =	vadd.f32 v12, v7;
	v11 =	vld [tilespmem:s20+$0x2800];
	v9 =	vadd.s32 $0x1FBD1DF5, v13;
	v6 =	vpop (erf);
	v5 =	vmul.f32 $4.096000060e+02, v5;
	(pc) =	sbr.rel @p0 .LBB2_5-.Ltmp1, $4  }
0x143: {  	s21 =	sadd.s32 $0x10, s21;
	v7 =	vmov v16;
	v12 =	vld [tilespmem:s20+$0x3800];
	(erf) = vrcp.f32 v9;
	v22 =	vmul.f32 v6, v18  }
0x144: {  	p1 =	slt.u32 s21, $0x30D400;
	v15 =	vmul.f32 v14, v14;
	v6 =	vmul.f32 $5.000000000e-01, v21;
	v13 =	vld [tilespmem:s20+$0x2C00];
	v5 =	vmin.f32 v5, $2.048000000e+03  }
0x145: {  	v17 =	vadd.f32 v20, v17;
	v14 =	vld [tilespmem:s20+$0x3000];
	v16 =	vadd.f32 v19, v22;
	v19 =	vpop (erf);
	v20 =	vpsel !p1, $0x45000000, v5  }
0x146: {  	s22 =	sadd.s32 $0x40, s22;
	(erf) = vrcp.f32 v6;
	v5 =	vmul.f32 v19, v0;
	[tilespmem:s30+$0x4400] =	vst v20;
	v0 =	vmovc v1;
	v1 =	vmovc v2;
	v2 =	vmov v18;
	s30 =	smov.u32 s0;
	s0 =	smov.u32 s23  }
0x147: {  	_ =	sdelay $0x1  }
0x148: {  	v10 =	vsub.f32 v10, v11;
	v29 =	vsub.f32 v12, v13;
	_ =	sdelay $0x1  }
0x149: {  	v10 =	vmul.f32 v10, v10;
	v8 =	vsub.f32 v8, v14;
	v11 =	vmul.f32 v29, v29  }
0x14a: {  	v30 =	vadd.f32 v15, v17;
	v31 =	vpop (erf)  }
0x14b: {  	v13 =	vmul.f32 v31, v1;
	v32 =	vpop (erf);
	v8 =	vmul.f32 v8, v8;
	v10 =	vadd.f32 v11, v10  }
0x14c: {  	v33 =	vmul.f32 $5.000000000e-01, v16;
	v12 =	vadd.f32 $9.999999960e-13, v30;
	v14 =	vmul.f32 v32, v4  }
0x14d: {  	v7 =	vadd.f32 v13, v7;
	v8 =	vadd.f32 v8, v10  }
0x14e: {  	(erf) = vrcp.f32 v33;
	v34 =	vshra.s32 v12, $0x1;
	v9 =	vadd.f32 v9, v14  }
0x14f: {  	v7 =	vmul.f32 $5.000000000e-01, v7;
	v10 =	vadd.s32 $0x1FBD1DF5, v34;
	v8 =	vadd.f32 $9.999999960e-13, v8  }
0x150: {  	(erf) = vrcp.f32 v10;
	v9 =	vmul.f32 $5.000000000e-01, v9  }
0x151: {  	(erf) = vrcp.f32 v7;
	v35 =	vshra.s32 v8, $0x1  }
0x152: {  	(erf) = vrcp.f32 v9;
	v13 =	vadd.s32 $0x1FBD1DF5, v35  }
0x153: {  	(erf) = vrcp.f32 v13;
	_ =	sdelay $0x3  }
0x154: {  	v36 =	vpop (erf)  }
0x155: {  	v37 =	vpop (erf)  }
0x156: {  	v38 =	vpop (erf)  }
0x157: {  	v15 =	vmul.f32 v37, v2;
	v39 =	vpop (erf)  }
0x158: {  	v16 =	vmul.f32 v38, v12;
	v18 =	vpop (erf)  }
0x159: {  	v11 =	vadd.f32 v15, v33;
	v40 =	vmul.f32 v18, v4;
	v41 =	vpop (erf)  }
0x15a: {  	v10 =	vadd.f32 v10, v16;
	v42 =	vmul.f32 v41, v8  }
0x15b: {  	v11 =	vmul.f32 $5.000000000e-01, v11;
	v9 =	vadd.f32 v40, v9  }
0x15c: {  	v10 =	vmul.f32 $5.000000000e-01, v10;
	v13 =	vadd.f32 v13, v42  }
0x15d: {  	(erf) = vrcp.f32 v11;
	v9 =	vmul.f32 $5.000000000e-01, v9  }
0x15e: {  	(erf) = vrcp.f32 v10;
	v13 =	vmul.f32 $5.000000000e-01, v13  }
0x15f: {  	(erf) = vrcp.f32 v9  }
0x160: {  	(erf) = vrcp.f32 v13;
	_ =	sdelay $0x5  }
0x161: {  	v43 =	vpop (erf)  }
0x162: {  	v44 =	vpop (erf)  }
0x163: {  	v45 =	vpop (erf)  }
0x164: {  	v16 =	vmul.f32 v44, v12;
	v19 =	vpop (erf)  }
0x165: {  	v19 =	vmul.f32 v19, v8  }
0x166: {  	v10 =	vadd.f32 v16, v10  }
0x167: {  	v13 =	vadd.f32 v19, v13  }
0x168: {  	v10 =	vmul.f32 $5.000000000e-01, v10  }
0x169: {  	v13 =	vmul.f32 $5.000000000e-01, v13  }
0x16a: {  	(erf) = vrcp.f32 v10  }
0x16b: {  	(erf) = vrcp.f32 v13  }
0x16c: {  	v3 =	vadd.f32 v5, v3;
	_ =	sdelay $0x1  }
0x16d: {  	v3 =	vmul.f32 $5.000000000e-01, v3;
	v0 =	vmul.f32 v36, v0;
	_ =	sdelay $0x1  }
0x16e: {  	v3 =	vmul.f32 $4.096000060e+02, v3;
	v0 =	vadd.f32 v0, v6  }
0x16f: {  	s21 =	sadd.s32 $0x10, s21;
	v46 =	vmul.f32 v39, v1  }
0x170: {  	p0 =	slt.u32 s21, $0x30D400;
	v3 =	vmin.f32 v3, $2.048000000e+03;
	v0 =	vmul.f32 $5.000000000e-01, v0;
	v47 =	vmul.f32 v43, v2  }
0x171: {  	v3 =	vpsel !p0, $0x45000000, v3;
	v1 =	vadd.f32 v46, v7;
	v48 =	vmul.f32 v45, v4;
	v49 =	vpop (erf)  }
0x172: {  	v0 =	vmul.f32 $4.096000060e+02, v0;
	v2 =	vadd.f32 v47, v11;
	v5 =	vmul.f32 v49, v12;
	v50 =	vpop (erf)  }
0x173: {  	v1 =	vmul.f32 $5.000000000e-01, v1;
	v4 =	vadd.f32 v48, v9;
	v6 =	vmul.f32 v50, v8  }
0x174: {  	s21 =	sadd.s32 $0x10, s21;
	v0 =	vmin.f32 v0, $2.048000000e+03;
	v2 =	vmul.f32 $5.000000000e-01, v2;
	v5 =	vadd.f32 v5, v10  }
0x175: {  	p1 =	slt.u32 s21, $0x30D400;
	v1 =	vmul.f32 $4.096000060e+02, v1;
	v4 =	vmul.f32 $5.000000000e-01, v4;
	v6 =	vadd.f32 v6, v13  }
0x176: {  	s21 =	sadd.s32 $0x10, s21;
	v0 =	vpsel !p1, $0x45000000, v0;
	v2 =	vmul.f32 $4.096000060e+02, v2;
	v5 =	vmul.f32 $5.000000000e-01, v5  }
0x177: {  	p2 =	slt.u32 s21, $0x30D400;
	s21 =	sadd.s32 $0x10, s21;
	[tilespmem:s30+$0x4400] =	vst v3;
	v1 =	vmin.f32 v1, $2.048000000e+03;
	v51 =	vmul.f32 $4.096000060e+02, v4;
	v52 =	vmul.f32 $5.000000000e-01, v6  }
0x178: {  	p3 =	slt.u32 s21, $0x30D400;
	s23 =	sadd.s32 $0x10, s21;
	[tilespmem:s0+$0x4400] =	vst v0;
	v53 =	vpsel !p2, $0x45000000, v1;
	v54 =	vmin.f32 v2, $2.048000000e+03;
	v55 =	vmul.f32 $4.096000060e+02, v5  }
0x179: {  	p4 =	slt.u32 s23, $0x30D400;
	s0 =	sadd.s32 $0x10, s23;
	[tilespmem:s1+$0x4400] =	vst v53;
	v56 =	vpsel !p3, $0x45000000, v54;
	v57 =	vmin.f32 v51, $2.048000000e+03;
	v58 =	vmul.f32 $4.096000060e+02, v52  }
0x17a: {  	p5 =	slt.u32 s0, $0x30D400;
	s0 =	sadd.s32 $0x10, s0;
	[tilespmem:s10+$0x4400] =	vst v56;
	v59 =	vpsel !p4, $0x45000000, v57;
	v60 =	vmin.f32 v55, $2.048000000e+03  }
0x17b: {  	s28 =	sadd.s32 $0x1, s28;
	p6 =	slt.u32 s0, $0x30D400;
	[tilespmem:s14+$0x4400] =	vst v59;
	v61 =	vpsel !p5, $0x45000000, v60;
	v62 =	vmin.f32 v58, $2.048000000e+03  }
0x17c: {  	p0 =	sne.s32 s28, $0x32;
	[tilespmem:s19+$0x4400] =	vst v61;
	v63 =	vpsel !p6, $0x45000000, v62  }
.Ltmp2:
0x17d: {  	s31 =	simm.s32 $0x4400;
	s30 =	sadd.s32 s9, s29;
	[tilespmem:s20+$0x4400] =	vst v63;
	(pc) =	sbr.rel @p0 .LBB2_2-.Ltmp2, $4  }
0x17e: {  	[hbm4b:s30+s2] =	stream.linear.scatter [tilespmem:s31], [sflag:$0x3], $0x400, $0x38;
	[tilespmem:$0x4800] =	vst v63  }
0x17f: {  	_ =	swait.ge [sflag:s16], $0x400  }
0x180: {  	[sflag:s16] =	ssyncset.done $0x0  }
0x181: {  	s15 =	sadd.s32 $0x800, s15;
	s12 =	sadd.s32 $0x800, s12;
	[sflag:s16] =	ssyncadd.s32 $0xFFFFFC00  }
0x182: {  	_ =	swait.ge [sflag:s25], $0x400  }
0x183: {  	[sflag:s25] =	ssyncset.done $0x0  }
0x184: {  	[sflag:s25] =	ssyncadd.s32 $0xFFFFFC00  }
0x185: {  	_ =	swait.ge [sflag:s25], $0x400  }
0x186: {  	[sflag:s25] =	ssyncset.done $0x0  }
0x187: {  	[sflag:s25] =	ssyncadd.s32 $0xFFFFFC00  }
0x188: {  	_ =	swait.ge [sflag:s25], $0x400  }
0x189: {  	[sflag:s25] =	ssyncset.done $0x0  }
0x18a: {  	[sflag:s25] =	ssyncadd.s32 $0xFFFFFC00  }
0x18b: {  	_ =	swait.ge [sflag:s25], $0x400  }
0x18c: {  	[sflag:s25] =	ssyncset.done $0x0  }
0x18d: {  	[sflag:s25] =	ssyncadd.s32 $0xFFFFFC00  }
0x18e: {  	_ =	swait.ge [sflag:s25], $0x400  }
0x18f: {  	[sflag:s25] =	ssyncset.done $0x0  }
0x190: {  	[sflag:s25] =	ssyncadd.s32 $0xFFFFFC00  }
0x191: {  	_ =	swait.ge [sflag:s25], $0x400  }
0x192: {  	s1 =	rddreg [dreg:$0x7]  }
0x193: {  	s0 =	rddreg [dreg:$0x5];
	s1 =	sadd.s32 $0x1, s1  }
0x194: {  	p0 =	sne.s32 s1, s0  }
.Ltmp3:
0x195: {  	_ = 	snop;
	(pc) =	sbr.rel @p0 .LBB2_1-.Ltmp3, $3  }
0x196: {  	_ =	sdelay $0x1  }
0x197: {  	[sflag:s25] =	ssyncset.done $0x0  }
0x198: {  	[sflag:s25] =	ssyncadd.s32 $0xFFFFFC00  }
0x199: {  	_ =	sfence.sel $0x180000  }
0x19a: {  	[bflag:$0x0] =	sbarrier.arrive $0xFFFF  }
0x19b: {  	_ =	strace $0x90000047  }
0x19c: {  	s0 =	stileid.u32;
	[bflag:$0x2] =	sbarrier.arrive $0xFFFF  }
0x19d: {  	p0 =	sne.s32 s0, $0x0;
	s0 =	rddreg [dreg:$0x1]  }
0x19e: {  	s0 =	sadd.s32 @!p0 $0x100000, s0  }
0x19f: {  	[sflag:s0] =	ssyncadd.tile.s32 @!p0 $0x1;
	_ =	shalt  }
.Lfunc_end2:
_tile_overlayer_lowered:
.L_overlay_start_2:
0x1a0: {  	(tag) =	ssettag $0x2  }
0x1a1: {  	s0 =	rddreg [dreg:$0x0];
	s2 =	stileid.u32  }
0x1a2: {  	s1 =	rddreg [dreg:$0x1];
	p0 =	sne.s32 s2, $0x0  }
0x1a3: {  	s3 =	rddreg [dreg:$0x2];
	[bflag:$0x3] =	sbarrier.arrive $0xFFFF;
	s2 =	simm.s32 @!p0 $0x1C03  }
0x1a4: {  	[timem:s3], [sflag:s2] =	dma.local @!p0 [hbm:s0], s1  }
0x1a5: {  	s0 =	simm.s32 @!p0 $0x3  }
0x1a6: {  	_ =	swait.ge @!p0 [sflag:s0], s1  }
0x1a7: {  	s1 =	ssub.s32 @!p0 $0x0, s1;
	[sflag:s0] =	ssyncset.done @!p0 $0x0  }
0x1a8: {  	[sflag:s0] =	ssyncadd.s32 @!p0 s1  }
0x1a9: {  	[bflag:$0x3] =	sbarrier.arrive $0xFFFF  }
0x1aa: {  	_ =	shalt  }

</sc_bundles>
